<compile_context>
chip_gen: v7x
topology: tpu7x:2x2x1
jax: 0.10.2.dev20260603
libtpu: 0.0.44.dev20260713+nightly
codegen_flags: <defaults>
</compile_context>

<pallas_src>
import functools

import jax
import jax.numpy as jnp
from jax import lax
from jax.experimental import pallas as pl
from jax.experimental.pallas import tpu as pltpu
from jax.experimental.pallas import tpu_sc as plsc

N_NODES = 10000
D = 128
N_EDGES = 320000

NC = 2
NS = 16
NW = NC * NS
CH = 80
NCHUNK = 128
EPT = NCHUNK * CH
E_PAD = NW * EPT
ACC_PAD = 10240
EPT_REAL = N_EDGES // NW
T_PAD = 10016
RPT = ACC_PAD // NS
DEG_PAD = 10240
DEG_PT = DEG_PAD // NS
NBUF = 4
PCH = NCHUNK // 4

_MESH = plsc.VectorSubcoreMesh(core_axis_name="c", subcore_axis_name="s")

ROW_BLK = 2048
GRID = pl.cdiv(N_NODES, ROW_BLK)



@functools.partial(
    pl.kernel,
    out_type=jax.ShapeDtypeStruct((NC * DEG_PAD,), jnp.float32),
    mesh=_MESH,
    scratch_types=[
        pltpu.VMEM((NCHUNK, CH), jnp.int32),
        pltpu.VMEM((CH,), jnp.float32),
        pltpu.VMEM((DEG_PT,), jnp.float32),
        pltpu.VMEM_SHARED((DEG_PAD,), jnp.float32),
        pltpu.SemaphoreType.DMA,
    ],
)
def _deg_kernel(dst_hbm, out_hbm, idx_v, ones_v, zbuf_v, deg_s, sem):
    cid = lax.axis_index("c")
    sid = lax.axis_index("s")
    wid = cid * NS + sid

    def fill_ones(i, _):
        ones_v[pl.ds(i * 16, 16)] = jnp.ones((16,), jnp.float32)
        return 0

    lax.fori_loop(0, CH // 16, fill_ones, 0)

    def fill_zeros(i, _):
        zbuf_v[pl.ds(i * 16, 16)] = jnp.zeros((16,), jnp.float32)
        return 0

    lax.fori_loop(0, DEG_PT // 16, fill_zeros, 0)
    pltpu.sync_copy(zbuf_v, deg_s.at[pl.ds(sid * DEG_PT, DEG_PT)])
    pltpu.sync_copy(dst_hbm.at[wid], idx_v)
    plsc.subcore_barrier()

    GRP = 8

    def body(g, _):
        for b in range(GRP):
            pltpu.async_copy(ones_v, deg_s.at[idx_v.at[g * GRP + b]], sem,
                             add=True)
        for b in range(GRP):
            pltpu.make_async_copy(ones_v, deg_s.at[idx_v.at[g * GRP + b]],
                                  sem).wait()
        return 0

    lax.fori_loop(0, NCHUNK // GRP, body, 0)
    plsc.subcore_barrier()
    pltpu.sync_copy(
        deg_s.at[pl.ds(sid * DEG_PT, DEG_PT)],
        out_hbm.at[pl.ds(cid * DEG_PAD + sid * DEG_PT, DEG_PT)],
    )


@functools.partial(
    pl.kernel,
    out_type=jax.ShapeDtypeStruct((NC, ACC_PAD, D), jnp.float32),
    mesh=_MESH,
    scratch_types=[
        pltpu.VMEM((PCH, CH), jnp.int32),
        pltpu.VMEM((PCH, CH), jnp.int32),
        [pltpu.VMEM((CH, D), jnp.float32)] * NBUF,
        pltpu.VMEM_SHARED((ACC_PAD, D), jnp.float32),
        [pltpu.SemaphoreType.DMA] * NBUF,
        [pltpu.SemaphoreType.DMA] * NBUF,
    ],
)
def _edge_kernel(t_hbm, src_hbm, dst_hbm, out_hbm,
                 src_v, dst_v, rows, acc_s, gsem, ssem):
    cid = lax.axis_index("c")
    sid = lax.axis_index("s")
    wid = cid * NS + sid

    def fill_zeros(k, _):
        r = k // (D // 16)
        c = (k % (D // 16)) * 16
        rows[0][r, pl.ds(c, 16)] = jnp.zeros((16,), jnp.float32)
        return 0

    lax.fori_loop(0, CH * (D // 16), fill_zeros, 0)
    for z in range(RPT // CH):
        pltpu.async_copy(rows[0], acc_s.at[pl.ds(sid * RPT + z * CH, CH)],
                         gsem[0])
    for z in range(RPT // CH):
        pltpu.make_async_copy(rows[0], acc_s.at[pl.ds(sid * RPT, CH)],
                              gsem[0]).wait()
    plsc.subcore_barrier()

    def gather(c, b):
        pltpu.async_copy(t_hbm.at[src_v.at[c]], rows[b], gsem[b])

    def gather_wait(c, b):
        pltpu.make_async_copy(t_hbm.at[src_v.at[c]], rows[b], gsem[b]).wait()

    def scatter(c, b):
        pltpu.async_copy(rows[b], acc_s.at[dst_v.at[c]], ssem[b], add=True)

    def scatter_wait(c, b):
        pltpu.make_async_copy(rows[b], acc_s.at[dst_v.at[c]], ssem[b]).wait()

    for p in range(NCHUNK // PCH):
        pltpu.sync_copy(src_hbm.at[wid, pl.ds(p * PCH, PCH)], src_v)
        pltpu.sync_copy(dst_hbm.at[wid, pl.ds(p * PCH, PCH)], dst_v)
        for b in range(NBUF):
            gather(b, b)

        def body(h, _):
            c0 = h * NBUF
            for b in range(NBUF):
                gather_wait(c0 + b, b)
                scatter(c0 + b, b)
            for b in range(NBUF):
                scatter_wait(c0 + b, b)
                gather(c0 + NBUF + b, b)
            return 0

        lax.fori_loop(0, PCH // NBUF - 1, body, 0)
        c0 = PCH - NBUF
        for b in range(NBUF):
            gather_wait(c0 + b, b)
            scatter(c0 + b, b)
        for b in range(NBUF):
            scatter_wait(c0 + b, b)
    plsc.subcore_barrier()
    pltpu.sync_copy(
        acc_s.at[pl.ds(sid * RPT, RPT)],
        out_hbm.at[cid, pl.ds(sid * RPT, RPT)],
    )



def _dinv_block(degp_ref, i):
    off = pl.multiple_of(i * ROW_BLK, 128)
    deg = (degp_ref[0, pl.ds(off, ROW_BLK)]
           + degp_ref[1, pl.ds(off, ROW_BLK)] + 1.0)
    return lax.rsqrt(deg)


def _row_mask(i, v):
    r = i * ROW_BLK + lax.broadcasted_iota(jnp.int32, (ROW_BLK, 1), 0)
    return jnp.where(r < N_NODES, v, 0.0)


def _stage_a_body(degp_ref, x_ref, w_ref, out_ref):
    i = pl.program_id(0)
    dinv = _dinv_block(degp_ref, i)
    xw = jnp.dot(x_ref[...], w_ref[...], preferred_element_type=jnp.float32)
    out_ref[...] = _row_mask(i, dinv[:, None] * xw)


def _stage_b_body(degp_ref, acc_ref, t_ref, b_ref, w_ref, out_ref):
    i = pl.program_id(0)
    dinv = _dinv_block(degp_ref, i)
    s = acc_ref[0] + acc_ref[1] + t_ref[...]
    h = jnp.maximum(dinv[:, None] * s + b_ref[...], 0.0)
    out_ref[...] = _row_mask(i, dinv[:, None] * jnp.dot(
        h, w_ref[...], preferred_element_type=jnp.float32))


def _stage_c_body(degp_ref, acc_ref, t_ref, b_ref, out_ref):
    i = pl.program_id(0)
    dinv = _dinv_block(degp_ref, i)
    s = acc_ref[0] + acc_ref[1] + t_ref[...]
    out_ref[...] = dinv[:, None] * s + b_ref[...]


_DEGP_SPEC = pl.BlockSpec((NC, DEG_PAD), lambda i: (0, 0))
_ROW_SPEC = pl.BlockSpec((ROW_BLK, D), lambda i: (i, 0))
_ACC_SPEC = pl.BlockSpec((NC, ROW_BLK, D), lambda i: (0, i, 0))
_MAT_SPEC = pl.BlockSpec((D, D), lambda i: (0, 0))
_BIAS_SPEC = pl.BlockSpec((1, D), lambda i: (0, 0))
_OUT_SHAPE = jax.ShapeDtypeStruct((N_NODES, D), jnp.float32)
_OUT_SHAPE_PAD = jax.ShapeDtypeStruct((T_PAD, D), jnp.float32)

_stage_a = pl.pallas_call(
    _stage_a_body,
    grid=(GRID,),
    in_specs=[_DEGP_SPEC, _ROW_SPEC, _MAT_SPEC],
    out_specs=_ROW_SPEC,
    out_shape=_OUT_SHAPE_PAD,
)

_stage_b = pl.pallas_call(
    _stage_b_body,
    grid=(GRID,),
    in_specs=[_DEGP_SPEC, _ACC_SPEC, _ROW_SPEC, _BIAS_SPEC, _MAT_SPEC],
    out_specs=_ROW_SPEC,
    out_shape=_OUT_SHAPE_PAD,
)

_stage_c = pl.pallas_call(
    _stage_c_body,
    grid=(GRID,),
    in_specs=[_DEGP_SPEC, _ACC_SPEC, _ROW_SPEC, _BIAS_SPEC],
    out_specs=_ROW_SPEC,
    out_shape=_OUT_SHAPE,
)


def kernel(x, edge_index, W1, b1, W2, b2):
    ei = edge_index.astype(jnp.int32)
    npad = EPT - EPT_REAL
    j = jnp.arange(npad, dtype=jnp.int32)
    src = jnp.concatenate(
        [ei[0].reshape(NW, EPT_REAL),
         jnp.broadcast_to(N_NODES + (j % 16), (NW, npad))],
        axis=1).reshape(NW, NCHUNK, CH)
    wids = jnp.arange(NW, dtype=jnp.int32)[:, None]
    dst_edge = jnp.concatenate(
        [ei[1].reshape(NW, EPT_REAL), (wids * npad + j) % ACC_PAD],
        axis=1).reshape(NW, NCHUNK, CH)
    dst_deg = jnp.concatenate(
        [ei[1].reshape(NW, EPT_REAL),
         jnp.broadcast_to(N_NODES + (j % (DEG_PAD - N_NODES)), (NW, npad))],
        axis=1).reshape(NW, NCHUNK, CH)
    degp = _deg_kernel(dst_deg).reshape(NC, DEG_PAD)
    t1 = _stage_a(degp, x, W1)
    acc1 = _edge_kernel(t1, src, dst_edge)
    t2 = _stage_b(degp, acc1, t1, b1.reshape(1, D), W2)
    acc2 = _edge_kernel(t2, src, dst_edge)
    return _stage_c(degp, acc2, t2, b2.reshape(1, D))

# --- scband reference (transcript-rebuilt; emitter-appended) ---
"""Pipeline reference for scband-baseline-gcn-16149077033546 (READ-ONLY COPY).

The authoritative reference and input builder live on the scoring server;
editing this copy changes nothing except your own understanding.
"""

import jax, jax.numpy as jnp
import numpy as np

N_NODES = 10000
D_IN = 128
D_HID = 128
D_OUT = 128
N_EDGES = 320000


def _gcn_conv(x, edge_index, W, b):
    n = x.shape[0]
    # linear transform first (PyG GCNConv applies lin before propagate)
    xw = x @ W
    src = edge_index[0]
    dst = edge_index[1]
    # add self loops
    loop = jnp.arange(n, dtype=src.dtype)
    src = jnp.concatenate([src, loop])
    dst = jnp.concatenate([dst, loop])
    # symmetric normalization: deg computed from dst (in-degree incl. self loops)
    deg = jnp.zeros((n,), dtype=xw.dtype).at[dst].add(1.0)
    dinv = jax.lax.rsqrt(deg)  # deg >= 1 due to self loops
    norm = dinv[src] * dinv[dst]
    msgs = norm[:, None] * jnp.take(xw, src, axis=0)
    out = jnp.zeros((n, W.shape[1]), dtype=xw.dtype).at[dst].add(msgs)
    return out + b


def setup_inputs(seed: int = 0) -> dict:
    key = jax.random.key(seed)
    k1, k2, k3, k4, k5, k6 = jax.random.split(key, 6)
    x = jax.random.normal(k1, (N_NODES, D_IN), dtype=jnp.float32)
    edge_index = jax.random.randint(k2, (2, N_EDGES), 0, N_NODES, dtype=jnp.int64)
    # glorot-ish init for GCN weights
    s1 = 1.0 / np.sqrt(D_IN)
    s2 = 1.0 / np.sqrt(D_HID)
    W1 = jax.random.uniform(k3, (D_IN, D_HID), dtype=jnp.float32, minval=-s1, maxval=s1)
    b1 = jnp.zeros((D_HID,), dtype=jnp.float32)
    W2 = jax.random.uniform(k4, (D_HID, D_OUT), dtype=jnp.float32, minval=-s2, maxval=s2)
    b2 = jnp.zeros((D_OUT,), dtype=jnp.float32)
    return {"x": x, "edge_index": edge_index, "W1": W1, "b1": b1, "W2": W2, "b2": b2}


def reference(x, edge_index, W1, b1, W2, b2):
    h = _gcn_conv(x, edge_index, W1, b1)
    h = jax.nn.relu(h)
    # dropout is identity in eval mode (training=False)
    out = _gcn_conv(h, edge_index, W2, b2)
    return out

if __name__ == "__main__":
    import jax
    _d = setup_inputs()
    print(jax.jit(kernel)(*tuple(_d.values())))

</pallas_src>

<mosaic_0001>
#map = affine_map<(d0, d1) -> (0, 0)>
#map1 = affine_map<(d0, d1) -> (0, 0, 0)>
module attributes {stable_mosaic.version = 14 : i64} {
  func.func @_edge_kernel(%arg0: i32, %arg1: i32, %arg2: memref<10016x128xf32, #tpu.memory_space<hbm>>, %arg3: memref<32x128x80xi32, #tpu.memory_space<hbm>>, %arg4: memref<32x128x80xi32, #tpu.memory_space<hbm>>, %arg5: memref<2x10240x128xf32, #tpu.memory_space<hbm>>, %arg6: memref<32x80xi32, #tpu.memory_space<vmem>>, %arg7: memref<32x80xi32, #tpu.memory_space<vmem>>, %arg8: memref<80x128xf32, #tpu.memory_space<vmem>>, %arg9: memref<80x128xf32, #tpu.memory_space<vmem>>, %arg10: memref<80x128xf32, #tpu.memory_space<vmem>>, %arg11: memref<80x128xf32, #tpu.memory_space<vmem>>, %arg12: memref<10240x128xf32, #tpu.memory_space<vmem_shared>>, %arg13: memref<!tpu.dma_semaphore, #tpu.memory_space<semaphore_mem>>, %arg14: memref<!tpu.dma_semaphore, #tpu.memory_space<semaphore_mem>>, %arg15: memref<!tpu.dma_semaphore, #tpu.memory_space<semaphore_mem>>, %arg16: memref<!tpu.dma_semaphore, #tpu.memory_space<semaphore_mem>>, %arg17: memref<!tpu.dma_semaphore, #tpu.memory_space<semaphore_mem>>, %arg18: memref<!tpu.dma_semaphore, #tpu.memory_space<semaphore_mem>>, %arg19: memref<!tpu.dma_semaphore, #tpu.memory_space<semaphore_mem>>, %arg20: memref<!tpu.dma_semaphore, #tpu.memory_space<semaphore_mem>>) attributes {dimension_semantics = [#tpu.dimension_semantics<core_parallel>, #tpu.dimension_semantics<subcore_parallel>], iteration_bounds = array<i64: 2, 16>, scalar_prefetch = 0 : i64, scratch_operands = 15 : i64, tpu.core_type = #tpu.core_type<sc_vector_subcore>, window_params = [{transform_indices = #map}, {transform_indices = #map1}, {transform_indices = #map1}, {transform_indices = #map1}]} {
    %mul3A = arith.constant 16 : i32
    %mul3A_0 = arith.muli %arg0, %mul3A : i32
    %add3A = arith.addi %mul3A_0, %arg1 : i32
    %scan3A = arith.constant 0 : i32
    %scan3A_1 = arith.constant 0 : i32
    %scan3A_2 = arith.constant 640 : i32
    %scan3A_3 = arith.addi %scan3A_1, %scan3A_2 : i32
    %scan3A_4 = arith.constant 1 : i32
    %scan3A_5 = scf.for %scan3A_598 = %scan3A_1 to %scan3A_3 step %scan3A_4 iter_args(%scan3A_599 = %scan3A) -> (i32)  : i32 {
      %jit3A = arith.constant 8 : i32
      %div3A = arith.divsi %scan3A_598, %jit3A : i32
      %sign3A = arith.constant 0 : i32
      %sign3A_600 = arith.cmpi sgt, %scan3A_598, %sign3A : i32
      %sign3A_601 = arith.extui %sign3A_600 : i1 to i32
      %sign3A_602 = arith.constant 0 : i32
      %sign3A_603 = arith.cmpi slt, %scan3A_598, %sign3A_602 : i32
      %sign3A_604 = arith.extui %sign3A_603 : i1 to i32
      %sign3A_605 = arith.subi %sign3A_601, %sign3A_604 : i32
      %sign3A_606 = arith.constant 0 : i32
      %sign3A_607 = arith.cmpi sgt, %jit3A, %sign3A_606 : i32
      %sign3A_608 = arith.extui %sign3A_607 : i1 to i32
      %sign3A_609 = arith.constant 0 : i32
      %sign3A_610 = arith.cmpi slt, %jit3A, %sign3A_609 : i32
      %sign3A_611 = arith.extui %sign3A_610 : i1 to i32
      %sign3A_612 = arith.subi %sign3A_608, %sign3A_611 : i32
      %ne3A = arith.cmpi ne, %sign3A_605, %sign3A_612 : i32
      %rem3A = arith.remsi %scan3A_598, %jit3A : i32
      %ne3A_613 = arith.constant 0 : i32
      %ne3A_614 = arith.cmpi ne, %rem3A, %ne3A_613 : i32
      %and3A = arith.andi %ne3A, %ne3A_614 : i1
      %sub3A = arith.constant 1 : i32
      %sub3A_615 = arith.subi %div3A, %sub3A : i32
      %select_n3A = arith.select %and3A, %sub3A_615, %div3A : i32
      %jit3A_616 = arith.constant 8 : i32
      %eq3A = arith.constant 0 : i32
      %eq3A_617 = arith.cmpi eq, %jit3A_616, %eq3A : i32
      %jit3A_618 = arith.constant 1 : i32
      %select_n3A_619 = arith.select %eq3A_617, %jit3A_618, %jit3A_616 : i32
      %rem3A_620 = arith.remsi %scan3A_598, %select_n3A_619 : i32
      %ne3A_621 = arith.constant 0 : i32
      %ne3A_622 = arith.cmpi ne, %rem3A_620, %ne3A_621 : i32
      %lt3A = arith.constant 0 : i32
      %lt3A_623 = arith.cmpi slt, %rem3A_620, %lt3A : i32
      %lt3A_624 = arith.constant 0 : i32
      %lt3A_625 = arith.cmpi slt, %select_n3A_619, %lt3A_624 : i32
      %ne3A_626 = arith.xori %lt3A_623, %lt3A_625 : i1
      %and3A_627 = arith.andi %ne3A_626, %ne3A_622 : i1
      %add3A_628 = arith.addi %rem3A_620, %select_n3A_619 : i32
      %select_n3A_629 = arith.select %and3A_627, %add3A_628, %rem3A_620 : i32
      %mul3A_630 = arith.constant 16 : i32
      %mul3A_631 = arith.muli %select_n3A_629, %mul3A_630 : i32
      %broadcast_in_dim3A = arith.constant 0.000000e+00 : f32
      %broadcast_in_dim3A_632 = vector.broadcast %broadcast_in_dim3A : f32 to vector<16xf32>
      %swap3A = arith.index_cast %select_n3A : i32 to index
      %swap3A_633 = arith.index_cast %mul3A_631 : i32 to index
      %swap3A_634 = tpu.vector_load %arg8[%swap3A, %swap3A_633] {strides = array<i32>} : memref<80x128xf32, #tpu.memory_space<vmem>>, vector<1x16xf32>,
      %swap3A_635 = vector.shape_cast %swap3A_634 : vector<1x16xf32> to vector<16xf32>
      %swap3A_636 = vector.shape_cast %broadcast_in_dim3A_632 : vector<16xf32> to vector<1x16xf32>
      tpu.vector_store %arg8[%swap3A, %swap3A_633], %swap3A_636 {strides = array<i32>} : memref<80x128xf32, #tpu.memory_space<vmem>>, vector<1x16xf32>,
      %scan3A_637 = arith.constant 0 : i32
      scf.yield %scan3A_637 : i32
    }
    %scan3A_6 = arith.constant 640 : i32
    %mul3A_7 = arith.constant 640 : i32
    %mul3A_8 = arith.muli %arg1, %mul3A_7 : i32
    %add3A_9 = arith.constant 0 : i32
    %add3A_10 = arith.addi %mul3A_8, %add3A_9 : i32
    %dma_start3A = arith.constant 0 : i32
    %dma_start3A_11 = tpu.memref_slice %arg12[%add3A_10, %dma_start3A] : memref<10240x128xf32, #tpu.memory_space<vmem_shared>> -> memref<80x128xf32, #tpu.memory_space<vmem_shared>>
    %dma_start3A_12 = arith.constant 0 : i32
    %dma_start3A_13 = tpu.memref_slice %arg12[%add3A_10, %dma_start3A_12] : memref<10240x128xf32, #tpu.memory_space<vmem_shared>> -> memref<80x128xf32, #tpu.memory_space<vmem_shared>>
    tpu.enqueue_dma source(%arg8 : memref<80x128xf32, #tpu.memory_space<vmem>>) target(%dma_start3A_13 : memref<80x128xf32, #tpu.memory_space<vmem_shared>>) target_semaphore(%arg13 : memref<!tpu.dma_semaphore, #tpu.memory_space<semaphore_mem>>)
    %mul3A_14 = arith.constant 640 : i32
    %mul3A_15 = arith.muli %arg1, %mul3A_14 : i32
    %add3A_16 = arith.constant 80 : i32
    %add3A_17 = arith.addi %mul3A_15, %add3A_16 : i32
    %dma_start3A_18 = arith.constant 0 : i32
    %dma_start3A_19 = tpu.memref_slice %arg12[%add3A_17, %dma_start3A_18] : memref<10240x128xf32, #tpu.memory_space<vmem_shared>> -> memref<80x128xf32, #tpu.memory_space<vmem_shared>>
    %dma_start3A_20 = arith.constant 0 : i32
    %dma_start3A_21 = tpu.memref_slice %arg12[%add3A_17, %dma_start3A_20] : memref<10240x128xf32, #tpu.memory_space<vmem_shared>> -> memref<80x128xf32, #tpu.memory_space<vmem_shared>>
    tpu.enqueue_dma source(%arg8 : memref<80x128xf32, #tpu.memory_space<vmem>>) target(%dma_start3A_21 : memref<80x128xf32, #tpu.memory_space<vmem_shared>>) target_semaphore(%arg13 : memref<!tpu.dma_semaphore, #tpu.memory_space<semaphore_mem>>)
    %mul3A_22 = arith.constant 640 : i32
    %mul3A_23 = arith.muli %arg1, %mul3A_22 : i32
    %add3A_24 = arith.constant 160 : i32
    %add3A_25 = arith.addi %mul3A_23, %add3A_24 : i32
    %dma_start3A_26 = arith.constant 0 : i32
    %dma_start3A_27 = tpu.memref_slice %arg12[%add3A_25, %dma_start3A_26] : memref<10240x128xf32, #tpu.memory_space<vmem_shared>> -> memref<80x128xf32, #tpu.memory_space<vmem_shared>>
    %dma_start3A_28 = arith.constant 0 : i32
    %dma_start3A_29 = tpu.memref_slice %arg12[%add3A_25, %dma_start3A_28] : memref<10240x128xf32, #tpu.memory_space<vmem_shared>> -> memref<80x128xf32, #tpu.memory_space<vmem_shared>>
    tpu.enqueue_dma source(%arg8 : memref<80x128xf32, #tpu.memory_space<vmem>>) target(%dma_start3A_29 : memref<80x128xf32, #tpu.memory_space<vmem_shared>>) target_semaphore(%arg13 : memref<!tpu.dma_semaphore, #tpu.memory_space<semaphore_mem>>)
    %mul3A_30 = arith.constant 640 : i32
    %mul3A_31 = arith.muli %arg1, %mul3A_30 : i32
    %add3A_32 = arith.constant 240 : i32
    %add3A_33 = arith.addi %mul3A_31, %add3A_32 : i32
    %dma_start3A_34 = arith.constant 0 : i32
    %dma_start3A_35 = tpu.memref_slice %arg12[%add3A_33, %dma_start3A_34] : memref<10240x128xf32, #tpu.memory_space<vmem_shared>> -> memref<80x128xf32, #tpu.memory_space<vmem_shared>>
    %dma_start3A_36 = arith.constant 0 : i32
    %dma_start3A_37 = tpu.memref_slice %arg12[%add3A_33, %dma_start3A_36] : memref<10240x128xf32, #tpu.memory_space<vmem_shared>> -> memref<80x128xf32, #tpu.memory_space<vmem_shared>>
    tpu.enqueue_dma source(%arg8 : memref<80x128xf32, #tpu.memory_space<vmem>>) target(%dma_start3A_37 : memref<80x128xf32, #tpu.memory_space<vmem_shared>>) target_semaphore(%arg13 : memref<!tpu.dma_semaphore, #tpu.memory_space<semaphore_mem>>)
    %mul3A_38 = arith.constant 640 : i32
    %mul3A_39 = arith.muli %arg1, %mul3A_38 : i32
    %add3A_40 = arith.constant 320 : i32
    %add3A_41 = arith.addi %mul3A_39, %add3A_40 : i32
    %dma_start3A_42 = arith.constant 0 : i32
    %dma_start3A_43 = tpu.memref_slice %arg12[%add3A_41, %dma_start3A_42] : memref<10240x128xf32, #tpu.memory_space<vmem_shared>> -> memref<80x128xf32, #tpu.memory_space<vmem_shared>>
    %dma_start3A_44 = arith.constant 0 : i32
    %dma_start3A_45 = tpu.memref_slice %arg12[%add3A_41, %dma_start3A_44] : memref<10240x128xf32, #tpu.memory_space<vmem_shared>> -> memref<80x128xf32, #tpu.memory_space<vmem_shared>>
    tpu.enqueue_dma source(%arg8 : memref<80x128xf32, #tpu.memory_space<vmem>>) target(%dma_start3A_45 : memref<80x128xf32, #tpu.memory_space<vmem_shared>>) target_semaphore(%arg13 : memref<!tpu.dma_semaphore, #tpu.memory_space<semaphore_mem>>)
    %mul3A_46 = arith.constant 640 : i32
    %mul3A_47 = arith.muli %arg1, %mul3A_46 : i32
    %add3A_48 = arith.constant 400 : i32
    %add3A_49 = arith.addi %mul3A_47, %add3A_48 : i32
    %dma_start3A_50 = arith.constant 0 : i32
    %dma_start3A_51 = tpu.memref_slice %arg12[%add3A_49, %dma_start3A_50] : memref<10240x128xf32, #tpu.memory_space<vmem_shared>> -> memref<80x128xf32, #tpu.memory_space<vmem_shared>>
    %dma_start3A_52 = arith.constant 0 : i32
    %dma_start3A_53 = tpu.memref_slice %arg12[%add3A_49, %dma_start3A_52] : memref<10240x128xf32, #tpu.memory_space<vmem_shared>> -> memref<80x128xf32, #tpu.memory_space<vmem_shared>>
    tpu.enqueue_dma source(%arg8 : memref<80x128xf32, #tpu.memory_space<vmem>>) target(%dma_start3A_53 : memref<80x128xf32, #tpu.memory_space<vmem_shared>>) target_semaphore(%arg13 : memref<!tpu.dma_semaphore, #tpu.memory_space<semaphore_mem>>)
    %mul3A_54 = arith.constant 640 : i32
    %mul3A_55 = arith.muli %arg1, %mul3A_54 : i32
    %add3A_56 = arith.constant 480 : i32
    %add3A_57 = arith.addi %mul3A_55, %add3A_56 : i32
    %dma_start3A_58 = arith.constant 0 : i32
    %dma_start3A_59 = tpu.memref_slice %arg12[%add3A_57, %dma_start3A_58] : memref<10240x128xf32, #tpu.memory_space<vmem_shared>> -> memref<80x128xf32, #tpu.memory_space<vmem_shared>>
    %dma_start3A_60 = arith.constant 0 : i32
    %dma_start3A_61 = tpu.memref_slice %arg12[%add3A_57, %dma_start3A_60] : memref<10240x128xf32, #tpu.memory_space<vmem_shared>> -> memref<80x128xf32, #tpu.memory_space<vmem_shared>>
    tpu.enqueue_dma source(%arg8 : memref<80x128xf32, #tpu.memory_space<vmem>>) target(%dma_start3A_61 : memref<80x128xf32, #tpu.memory_space<vmem_shared>>) target_semaphore(%arg13 : memref<!tpu.dma_semaphore, #tpu.memory_space<semaphore_mem>>)
    %mul3A_62 = arith.constant 640 : i32
    %mul3A_63 = arith.muli %arg1, %mul3A_62 : i32
    %add3A_64 = arith.constant 560 : i32
    %add3A_65 = arith.addi %mul3A_63, %add3A_64 : i32
    %dma_start3A_66 = arith.constant 0 : i32
    %dma_start3A_67 = tpu.memref_slice %arg12[%add3A_65, %dma_start3A_66] : memref<10240x128xf32, #tpu.memory_space<vmem_shared>> -> memref<80x128xf32, #tpu.memory_space<vmem_shared>>
    %dma_start3A_68 = arith.constant 0 : i32
    %dma_start3A_69 = tpu.memref_slice %arg12[%add3A_65, %dma_start3A_68] : memref<10240x128xf32, #tpu.memory_space<vmem_shared>> -> memref<80x128xf32, #tpu.memory_space<vmem_shared>>
    tpu.enqueue_dma source(%arg8 : memref<80x128xf32, #tpu.memory_space<vmem>>) target(%dma_start3A_69 : memref<80x128xf32, #tpu.memory_space<vmem_shared>>) target_semaphore(%arg13 : memref<!tpu.dma_semaphore, #tpu.memory_space<semaphore_mem>>)
    %mul3A_70 = arith.constant 640 : i32
    %mul3A_71 = arith.muli %arg1, %mul3A_70 : i32
    %dma_wait3A = arith.constant 0 : i32
    %dma_wait3A_72 = tpu.memref_slice %arg12[%mul3A_71, %dma_wait3A] : memref<10240x128xf32, #tpu.memory_space<vmem_shared>> -> memref<80x128xf32, #tpu.memory_space<vmem_shared>>
    %dma_wait3A_73 = arith.constant 0 : i32
    %dma_wait3A_74 = tpu.memref_slice %arg12[%mul3A_71, %dma_wait3A_73] : memref<10240x128xf32, #tpu.memory_space<vmem_shared>> -> memref<80x128xf32, #tpu.memory_space<vmem_shared>>
    tpu.wait_dma2 semaphore(%arg13 : memref<!tpu.dma_semaphore, #tpu.memory_space<semaphore_mem>>) src(%arg8 : memref<80x128xf32, #tpu.memory_space<vmem>>) dst(%dma_wait3A_74 : memref<80x128xf32, #tpu.memory_space<vmem_shared>>)
    %mul3A_75 = arith.constant 640 : i32
    %mul3A_76 = arith.muli %arg1, %mul3A_75 : i32
    %dma_wait3A_77 = arith.constant 0 : i32
    %dma_wait3A_78 = tpu.memref_slice %arg12[%mul3A_76, %dma_wait3A_77] : memref<10240x128xf32, #tpu.memory_space<vmem_shared>> -> memref<80x128xf32, #tpu.memory_space<vmem_shared>>
    %dma_wait3A_79 = arith.constant 0 : i32
    %dma_wait3A_80 = tpu.memref_slice %arg12[%mul3A_76, %dma_wait3A_79] : memref<10240x128xf32, #tpu.memory_space<vmem_shared>> -> memref<80x128xf32, #tpu.memory_space<vmem_shared>>
    tpu.wait_dma2 semaphore(%arg13 : memref<!tpu.dma_semaphore, #tpu.memory_space<semaphore_mem>>) src(%arg8 : memref<80x128xf32, #tpu.memory_space<vmem>>) dst(%dma_wait3A_80 : memref<80x128xf32, #tpu.memory_space<vmem_shared>>)
    %mul3A_81 = arith.constant 640 : i32
    %mul3A_82 = arith.muli %arg1, %mul3A_81 : i32
    %dma_wait3A_83 = arith.constant 0 : i32
    %dma_wait3A_84 = tpu.memref_slice %arg12[%mul3A_82, %dma_wait3A_83] : memref<10240x128xf32, #tpu.memory_space<vmem_shared>> -> memref<80x128xf32, #tpu.memory_space<vmem_shared>>
    %dma_wait3A_85 = arith.constant 0 : i32
    %dma_wait3A_86 = tpu.memref_slice %arg12[%mul3A_82, %dma_wait3A_85] : memref<10240x128xf32, #tpu.memory_space<vmem_shared>> -> memref<80x128xf32, #tpu.memory_space<vmem_shared>>
    tpu.wait_dma2 semaphore(%arg13 : memref<!tpu.dma_semaphore, #tpu.memory_space<semaphore_mem>>) src(%arg8 : memref<80x128xf32, #tpu.memory_space<vmem>>) dst(%dma_wait3A_86 : memref<80x128xf32, #tpu.memory_space<vmem_shared>>)
    %mul3A_87 = arith.constant 640 : i32
    %mul3A_88 = arith.muli %arg1, %mul3A_87 : i32
    %dma_wait3A_89 = arith.constant 0 : i32
    %dma_wait3A_90 = tpu.memref_slice %arg12[%mul3A_88, %dma_wait3A_89] : memref<10240x128xf32, #tpu.memory_space<vmem_shared>> -> memref<80x128xf32, #tpu.memory_space<vmem_shared>>
    %dma_wait3A_91 = arith.constant 0 : i32
    %dma_wait3A_92 = tpu.memref_slice %arg12[%mul3A_88, %dma_wait3A_91] : memref<10240x128xf32, #tpu.memory_space<vmem_shared>> -> memref<80x128xf32, #tpu.memory_space<vmem_shared>>
    tpu.wait_dma2 semaphore(%arg13 : memref<!tpu.dma_semaphore, #tpu.memory_space<semaphore_mem>>) src(%arg8 : memref<80x128xf32, #tpu.memory_space<vmem>>) dst(%dma_wait3A_92 : memref<80x128xf32, #tpu.memory_space<vmem_shared>>)
    %mul3A_93 = arith.constant 640 : i32
    %mul3A_94 = arith.muli %arg1, %mul3A_93 : i32
    %dma_wait3A_95 = arith.constant 0 : i32
    %dma_wait3A_96 = tpu.memref_slice %arg12[%mul3A_94, %dma_wait3A_95] : memref<10240x128xf32, #tpu.memory_space<vmem_shared>> -> memref<80x128xf32, #tpu.memory_space<vmem_shared>>
    %dma_wait3A_97 = arith.constant 0 : i32
    %dma_wait3A_98 = tpu.memref_slice %arg12[%mul3A_94, %dma_wait3A_97] : memref<10240x128xf32, #tpu.memory_space<vmem_shared>> -> memref<80x128xf32, #tpu.memory_space<vmem_shared>>
    tpu.wait_dma2 semaphore(%arg13 : memref<!tpu.dma_semaphore, #tpu.memory_space<semaphore_mem>>) src(%arg8 : memref<80x128xf32, #tpu.memory_space<vmem>>) dst(%dma_wait3A_98 : memref<80x128xf32, #tpu.memory_space<vmem_shared>>)
    %mul3A_99 = arith.constant 640 : i32
    %mul3A_100 = arith.muli %arg1, %mul3A_99 : i32
    %dma_wait3A_101 = arith.constant 0 : i32
    %dma_wait3A_102 = tpu.memref_slice %arg12[%mul3A_100, %dma_wait3A_101] : memref<10240x128xf32, #tpu.memory_space<vmem_shared>> -> memref<80x128xf32, #tpu.memory_space<vmem_shared>>
    %dma_wait3A_103 = arith.constant 0 : i32
    %dma_wait3A_104 = tpu.memref_slice %arg12[%mul3A_100, %dma_wait3A_103] : memref<10240x128xf32, #tpu.memory_space<vmem_shared>> -> memref<80x128xf32, #tpu.memory_space<vmem_shared>>
    tpu.wait_dma2 semaphore(%arg13 : memref<!tpu.dma_semaphore, #tpu.memory_space<semaphore_mem>>) src(%arg8 : memref<80x128xf32, #tpu.memory_space<vmem>>) dst(%dma_wait3A_104 : memref<80x128xf32, #tpu.memory_space<vmem_shared>>)
    %mul3A_105 = arith.constant 640 : i32
    %mul3A_106 = arith.muli %arg1, %mul3A_105 : i32
    %dma_wait3A_107 = arith.constant 0 : i32
    %dma_wait3A_108 = tpu.memref_slice %arg12[%mul3A_106, %dma_wait3A_107] : memref<10240x128xf32, #tpu.memory_space<vmem_shared>> -> memref<80x128xf32, #tpu.memory_space<vmem_shared>>
    %dma_wait3A_109 = arith.constant 0 : i32
    %dma_wait3A_110 = tpu.memref_slice %arg12[%mul3A_106, %dma_wait3A_109] : memref<10240x128xf32, #tpu.memory_space<vmem_shared>> -> memref<80x128xf32, #tpu.memory_space<vmem_shared>>
    tpu.wait_dma2 semaphore(%arg13 : memref<!tpu.dma_semaphore, #tpu.memory_space<semaphore_mem>>) src(%arg8 : memref<80x128xf32, #tpu.memory_space<vmem>>) dst(%dma_wait3A_110 : memref<80x128xf32, #tpu.memory_space<vmem_shared>>)
    %mul3A_111 = arith.constant 640 : i32
    %mul3A_112 = arith.muli %arg1, %mul3A_111 : i32
    %dma_wait3A_113 = arith.constant 0 : i32
    %dma_wait3A_114 = tpu.memref_slice %arg12[%mul3A_112, %dma_wait3A_113] : memref<10240x128xf32, #tpu.memory_space<vmem_shared>> -> memref<80x128xf32, #tpu.memory_space<vmem_shared>>
    %dma_wait3A_115 = arith.constant 0 : i32
    %dma_wait3A_116 = tpu.memref_slice %arg12[%mul3A_112, %dma_wait3A_115] : memref<10240x128xf32, #tpu.memory_space<vmem_shared>> -> memref<80x128xf32, #tpu.memory_space<vmem_shared>>
    tpu.wait_dma2 semaphore(%arg13 : memref<!tpu.dma_semaphore, #tpu.memory_space<semaphore_mem>>) src(%arg8 : memref<80x128xf32, #tpu.memory_space<vmem>>) dst(%dma_wait3A_116 : memref<80x128xf32, #tpu.memory_space<vmem_shared>>)
    %barrier3A = arith.constant 0 : index
    tpu.barrier barrier_id(%barrier3A)
    "tpu.region"() ({
      %run_scoped3A = tpu.sem_alloc : memref<!tpu.dma_semaphore, #tpu.memory_space<semaphore_mem>>
      %dma_start3A_598 = arith.constant 0 : i32
      %dma_start3A_599 = arith.constant 0 : i32
      %dma_start3A_600 = tpu.memref_slice %arg3[%add3A, %dma_start3A_598, %dma_start3A_599] : memref<32x128x80xi32, #tpu.memory_space<hbm>> -> memref<1x32x80xi32, #tpu.memory_space<hbm>>
      %dma_start3A_601 = tpu.memref_squeeze %dma_start3A_600 : memref<1x32x80xi32, #tpu.memory_space<hbm>> -> memref<32x80xi32, #tpu.memory_space<hbm>>
      %dma_start3A_602 = arith.constant 0 : i32
      %dma_start3A_603 = arith.constant 0 : i32
      %dma_start3A_604 = tpu.memref_slice %arg3[%add3A, %dma_start3A_602, %dma_start3A_603] : memref<32x128x80xi32, #tpu.memory_space<hbm>> -> memref<1x32x80xi32, #tpu.memory_space<hbm>>
      %dma_start3A_605 = tpu.memref_squeeze %dma_start3A_604 : memref<1x32x80xi32, #tpu.memory_space<hbm>> -> memref<32x80xi32, #tpu.memory_space<hbm>>
      tpu.enqueue_dma source(%dma_start3A_605 : memref<32x80xi32, #tpu.memory_space<hbm>>) target(%arg6 : memref<32x80xi32, #tpu.memory_space<vmem>>) target_semaphore(%run_scoped3A : memref<!tpu.dma_semaphore, #tpu.memory_space<semaphore_mem>>)
      %dma_wait3A_606 = arith.constant 0 : i32
      %dma_wait3A_607 = arith.constant 0 : i32
      %dma_wait3A_608 = tpu.memref_slice %arg3[%add3A, %dma_wait3A_606, %dma_wait3A_607] : memref<32x128x80xi32, #tpu.memory_space<hbm>> -> memref<1x32x80xi32, #tpu.memory_space<hbm>>
      %dma_wait3A_609 = tpu.memref_squeeze %dma_wait3A_608 : memref<1x32x80xi32, #tpu.memory_space<hbm>> -> memref<32x80xi32, #tpu.memory_space<hbm>>
      %dma_wait3A_610 = arith.constant 0 : i32
      %dma_wait3A_611 = arith.constant 0 : i32
      %dma_wait3A_612 = tpu.memref_slice %arg3[%add3A, %dma_wait3A_610, %dma_wait3A_611] : memref<32x128x80xi32, #tpu.memory_space<hbm>> -> memref<1x32x80xi32, #tpu.memory_space<hbm>>
      %dma_wait3A_613 = tpu.memref_squeeze %dma_wait3A_612 : memref<1x32x80xi32, #tpu.memory_space<hbm>> -> memref<32x80xi32, #tpu.memory_space<hbm>>
      tpu.wait_dma2 semaphore(%run_scoped3A : memref<!tpu.dma_semaphore, #tpu.memory_space<semaphore_mem>>) src(%dma_wait3A_613 : memref<32x80xi32, #tpu.memory_space<hbm>>) dst(%arg6 : memref<32x80xi32, #tpu.memory_space<vmem>>)
      tpu.yield
    }) : () -> ()
    "tpu.region"() ({
      %run_scoped3A = tpu.sem_alloc : memref<!tpu.dma_semaphore, #tpu.memory_space<semaphore_mem>>
      %dma_start3A_598 = arith.constant 0 : i32
      %dma_start3A_599 = arith.constant 0 : i32
      %dma_start3A_600 = tpu.memref_slice %arg4[%add3A, %dma_start3A_598, %dma_start3A_599] : memref<32x128x80xi32, #tpu.memory_space<hbm>> -> memref<1x32x80xi32, #tpu.memory_space<hbm>>
      %dma_start3A_601 = tpu.memref_squeeze %dma_start3A_600 : memref<1x32x80xi32, #tpu.memory_space<hbm>> -> memref<32x80xi32, #tpu.memory_space<hbm>>
      %dma_start3A_602 = arith.constant 0 : i32
      %dma_start3A_603 = arith.constant 0 : i32
      %dma_start3A_604 = tpu.memref_slice %arg4[%add3A, %dma_start3A_602, %dma_start3A_603] : memref<32x128x80xi32, #tpu.memory_space<hbm>> -> memref<1x32x80xi32, #tpu.memory_space<hbm>>
      %dma_start3A_605 = tpu.memref_squeeze %dma_start3A_604 : memref<1x32x80xi32, #tpu.memory_space<hbm>> -> memref<32x80xi32, #tpu.memory_space<hbm>>
      tpu.enqueue_dma source(%dma_start3A_605 : memref<32x80xi32, #tpu.memory_space<hbm>>) target(%arg7 : memref<32x80xi32, #tpu.memory_space<vmem>>) target_semaphore(%run_scoped3A : memref<!tpu.dma_semaphore, #tpu.memory_space<semaphore_mem>>)
      %dma_wait3A_606 = arith.constant 0 : i32
      %dma_wait3A_607 = arith.constant 0 : i32
      %dma_wait3A_608 = tpu.memref_slice %arg4[%add3A, %dma_wait3A_606, %dma_wait3A_607] : memref<32x128x80xi32, #tpu.memory_space<hbm>> -> memref<1x32x80xi32, #tpu.memory_space<hbm>>
      %dma_wait3A_609 = tpu.memref_squeeze %dma_wait3A_608 : memref<1x32x80xi32, #tpu.memory_space<hbm>> -> memref<32x80xi32, #tpu.memory_space<hbm>>
      %dma_wait3A_610 = arith.constant 0 : i32
      %dma_wait3A_611 = arith.constant 0 : i32
      %dma_wait3A_612 = tpu.memref_slice %arg4[%add3A, %dma_wait3A_610, %dma_wait3A_611] : memref<32x128x80xi32, #tpu.memory_space<hbm>> -> memref<1x32x80xi32, #tpu.memory_space<hbm>>
      %dma_wait3A_613 = tpu.memref_squeeze %dma_wait3A_612 : memref<1x32x80xi32, #tpu.memory_space<hbm>> -> memref<32x80xi32, #tpu.memory_space<hbm>>
      tpu.wait_dma2 semaphore(%run_scoped3A : memref<!tpu.dma_semaphore, #tpu.memory_space<semaphore_mem>>) src(%dma_wait3A_613 : memref<32x80xi32, #tpu.memory_space<hbm>>) dst(%arg7 : memref<32x80xi32, #tpu.memory_space<vmem>>)
      tpu.yield
    }) : () -> ()
    %dma_start3A_117 = arith.constant 0 : i32
    %dma_start3A_118 = arith.constant 0 : i32
    %dma_start3A_119 = tpu.memref_slice %arg6[%dma_start3A_117, %dma_start3A_118] : memref<32x80xi32, #tpu.memory_space<vmem>> -> memref<1x80xi32, #tpu.memory_space<vmem>>
    %dma_start3A_120 = tpu.memref_squeeze %dma_start3A_119 : memref<1x80xi32, #tpu.memory_space<vmem>> -> memref<80xi32, #tpu.memory_space<vmem>>
    %dma_start3A_121 = arith.constant 0 : i32
    %dma_start3A_122 = arith.constant 0 : i32
    %dma_start3A_123 = tpu.memref_slice %arg2[%dma_start3A_121, %dma_start3A_122] : memref<10016x128xf32, #tpu.memory_space<hbm>> -> memref<10016x128xf32, #tpu.memory_space<hbm>>
    tpu.enqueue_indirect_dma source(%dma_start3A_123 : memref<10016x128xf32, #tpu.memory_space<hbm>>) target(%arg8 : memref<80x128xf32, #tpu.memory_space<vmem>>) offsets(%dma_start3A_120 : memref<80xi32, #tpu.memory_space<vmem>>) semaphore(%arg13 : memref<!tpu.dma_semaphore, #tpu.memory_space<semaphore_mem>>)
    %dma_start3A_124 = arith.constant 1 : i32
    %dma_start3A_125 = arith.constant 0 : i32
    %dma_start3A_126 = tpu.memref_slice %arg6[%dma_start3A_124, %dma_start3A_125] : memref<32x80xi32, #tpu.memory_space<vmem>> -> memref<1x80xi32, #tpu.memory_space<vmem>>
    %dma_start3A_127 = tpu.memref_squeeze %dma_start3A_126 : memref<1x80xi32, #tpu.memory_space<vmem>> -> memref<80xi32, #tpu.memory_space<vmem>>
    %dma_start3A_128 = arith.constant 0 : i32
    %dma_start3A_129 = arith.constant 0 : i32
    %dma_start3A_130 = tpu.memref_slice %arg2[%dma_start3A_128, %dma_start3A_129] : memref<10016x128xf32, #tpu.memory_space<hbm>> -> memref<10016x128xf32, #tpu.memory_space<hbm>>
    tpu.enqueue_indirect_dma source(%dma_start3A_130 : memref<10016x128xf32, #tpu.memory_space<hbm>>) target(%arg9 : memref<80x128xf32, #tpu.memory_space<vmem>>) offsets(%dma_start3A_127 : memref<80xi32, #tpu.memory_space<vmem>>) semaphore(%arg14 : memref<!tpu.dma_semaphore, #tpu.memory_space<semaphore_mem>>)
    %dma_start3A_131 = arith.constant 2 : i32
    %dma_start3A_132 = arith.constant 0 : i32
    %dma_start3A_133 = tpu.memref_slice %arg6[%dma_start3A_131, %dma_start3A_132] : memref<32x80xi32, #tpu.memory_space<vmem>> -> memref<1x80xi32, #tpu.memory_space<vmem>>
    %dma_start3A_134 = tpu.memref_squeeze %dma_start3A_133 : memref<1x80xi32, #tpu.memory_space<vmem>> -> memref<80xi32, #tpu.memory_space<vmem>>
    %dma_start3A_135 = arith.constant 0 : i32
    %dma_start3A_136 = arith.constant 0 : i32
    %dma_start3A_137 = tpu.memref_slice %arg2[%dma_start3A_135, %dma_start3A_136] : memref<10016x128xf32, #tpu.memory_space<hbm>> -> memref<10016x128xf32, #tpu.memory_space<hbm>>
    tpu.enqueue_indirect_dma source(%dma_start3A_137 : memref<10016x128xf32, #tpu.memory_space<hbm>>) target(%arg10 : memref<80x128xf32, #tpu.memory_space<vmem>>) offsets(%dma_start3A_134 : memref<80xi32, #tpu.memory_space<vmem>>) semaphore(%arg15 : memref<!tpu.dma_semaphore, #tpu.memory_space<semaphore_mem>>)
    %dma_start3A_138 = arith.constant 3 : i32
    %dma_start3A_139 = arith.constant 0 : i32
    %dma_start3A_140 = tpu.memref_slice %arg6[%dma_start3A_138, %dma_start3A_139] : memref<32x80xi32, #tpu.memory_space<vmem>> -> memref<1x80xi32, #tpu.memory_space<vmem>>
    %dma_start3A_141 = tpu.memref_squeeze %dma_start3A_140 : memref<1x80xi32, #tpu.memory_space<vmem>> -> memref<80xi32, #tpu.memory_space<vmem>>
    %dma_start3A_142 = arith.constant 0 : i32
    %dma_start3A_143 = arith.constant 0 : i32
    %dma_start3A_144 = tpu.memref_slice %arg2[%dma_start3A_142, %dma_start3A_143] : memref<10016x128xf32, #tpu.memory_space<hbm>> -> memref<10016x128xf32, #tpu.memory_space<hbm>>
    tpu.enqueue_indirect_dma source(%dma_start3A_144 : memref<10016x128xf32, #tpu.memory_space<hbm>>) target(%arg11 : memref<80x128xf32, #tpu.memory_space<vmem>>) offsets(%dma_start3A_141 : memref<80xi32, #tpu.memory_space<vmem>>) semaphore(%arg16 : memref<!tpu.dma_semaphore, #tpu.memory_space<semaphore_mem>>)
    %scan3A_145 = arith.constant 0 : i32
    %scan3A_146 = arith.constant 0 : i32
    %scan3A_147 = arith.constant 7 : i32
    %scan3A_148 = arith.addi %scan3A_146, %scan3A_147 : i32
    %scan3A_149 = arith.constant 1 : i32
    %scan3A_150 = scf.for %scan3A_598 = %scan3A_146 to %scan3A_148 step %scan3A_149 iter_args(%scan3A_599 = %scan3A_145) -> (i32)  : i32 {
      %mul3A_600 = arith.constant 4 : i32
      %mul3A_601 = arith.muli %scan3A_598, %mul3A_600 : i32
      %add3A_602 = arith.constant 0 : i32
      %add3A_603 = arith.addi %mul3A_601, %add3A_602 : i32
      %dma_wait3A_604 = arith.constant 0 : i32
      %dma_wait3A_605 = tpu.memref_slice %arg6[%add3A_603, %dma_wait3A_604] : memref<32x80xi32, #tpu.memory_space<vmem>> -> memref<1x80xi32, #tpu.memory_space<vmem>>
      %dma_wait3A_606 = tpu.memref_squeeze %dma_wait3A_605 : memref<1x80xi32, #tpu.memory_space<vmem>> -> memref<80xi32, #tpu.memory_space<vmem>>
      %dma_wait3A_607 = arith.constant 0 : i32
      %dma_wait3A_608 = arith.constant 0 : i32
      %dma_wait3A_609 = tpu.memref_slice %arg2[%dma_wait3A_607, %dma_wait3A_608] : memref<10016x128xf32, #tpu.memory_space<hbm>> -> memref<10016x128xf32, #tpu.memory_space<hbm>>
      tpu.wait_indirect_dma semaphore(%arg13 : memref<!tpu.dma_semaphore, #tpu.memory_space<semaphore_mem>>) src(%dma_wait3A_609 : memref<10016x128xf32, #tpu.memory_space<hbm>>) dst(%arg8 : memref<80x128xf32, #tpu.memory_space<vmem>>)
      %add3A_610 = arith.constant 0 : i32
      %add3A_611 = arith.addi %mul3A_601, %add3A_610 : i32
      %dma_start3A_612 = arith.constant 0 : i32
      %dma_start3A_613 = tpu.memref_slice %arg7[%add3A_611, %dma_start3A_612] : memref<32x80xi32, #tpu.memory_space<vmem>> -> memref<1x80xi32, #tpu.memory_space<vmem>>
      %dma_start3A_614 = tpu.memref_squeeze %dma_start3A_613 : memref<1x80xi32, #tpu.memory_space<vmem>> -> memref<80xi32, #tpu.memory_space<vmem>>
      %dma_start3A_615 = arith.constant 0 : i32
      %dma_start3A_616 = arith.constant 0 : i32
      %dma_start3A_617 = tpu.memref_slice %arg12[%dma_start3A_615, %dma_start3A_616] : memref<10240x128xf32, #tpu.memory_space<vmem_shared>> -> memref<10240x128xf32, #tpu.memory_space<vmem_shared>>
      tpu.enqueue_indirect_dma source(%arg8 : memref<80x128xf32, #tpu.memory_space<vmem>>) target(%dma_start3A_617 : memref<10240x128xf32, #tpu.memory_space<vmem_shared>>) offsets(%dma_start3A_614 : memref<80xi32, #tpu.memory_space<vmem>>) semaphore(%arg17 : memref<!tpu.dma_semaphore, #tpu.memory_space<semaphore_mem>>) {add = true}
      %add3A_618 = arith.constant 1 : i32
      %add3A_619 = arith.addi %mul3A_601, %add3A_618 : i32
      %dma_wait3A_620 = arith.constant 0 : i32
      %dma_wait3A_621 = tpu.memref_slice %arg6[%add3A_619, %dma_wait3A_620] : memref<32x80xi32, #tpu.memory_space<vmem>> -> memref<1x80xi32, #tpu.memory_space<vmem>>
      %dma_wait3A_622 = tpu.memref_squeeze %dma_wait3A_621 : memref<1x80xi32, #tpu.memory_space<vmem>> -> memref<80xi32, #tpu.memory_space<vmem>>
      %dma_wait3A_623 = arith.constant 0 : i32
      %dma_wait3A_624 = arith.constant 0 : i32
      %dma_wait3A_625 = tpu.memref_slice %arg2[%dma_wait3A_623, %dma_wait3A_624] : memref<10016x128xf32, #tpu.memory_space<hbm>> -> memref<10016x128xf32, #tpu.memory_space<hbm>>
      tpu.wait_indirect_dma semaphore(%arg14 : memref<!tpu.dma_semaphore, #tpu.memory_space<semaphore_mem>>) src(%dma_wait3A_625 : memref<10016x128xf32, #tpu.memory_space<hbm>>) dst(%arg9 : memref<80x128xf32, #tpu.memory_space<vmem>>)
      %add3A_626 = arith.constant 1 : i32
      %add3A_627 = arith.addi %mul3A_601, %add3A_626 : i32
      %dma_start3A_628 = arith.constant 0 : i32
      %dma_start3A_629 = tpu.memref_slice %arg7[%add3A_627, %dma_start3A_628] : memref<32x80xi32, #tpu.memory_space<vmem>> -> memref<1x80xi32, #tpu.memory_space<vmem>>
      %dma_start3A_630 = tpu.memref_squeeze %dma_start3A_629 : memref<1x80xi32, #tpu.memory_space<vmem>> -> memref<80xi32, #tpu.memory_space<vmem>>
      %dma_start3A_631 = arith.constant 0 : i32
      %dma_start3A_632 = arith.constant 0 : i32
      %dma_start3A_633 = tpu.memref_slice %arg12[%dma_start3A_631, %dma_start3A_632] : memref<10240x128xf32, #tpu.memory_space<vmem_shared>> -> memref<10240x128xf32, #tpu.memory_space<vmem_shared>>
      tpu.enqueue_indirect_dma source(%arg9 : memref<80x128xf32, #tpu.memory_space<vmem>>) target(%dma_start3A_633 : memref<10240x128xf32, #tpu.memory_space<vmem_shared>>) offsets(%dma_start3A_630 : memref<80xi32, #tpu.memory_space<vmem>>) semaphore(%arg18 : memref<!tpu.dma_semaphore, #tpu.memory_space<semaphore_mem>>) {add = true}
      %add3A_634 = arith.constant 2 : i32
      %add3A_635 = arith.addi %mul3A_601, %add3A_634 : i32
      %dma_wait3A_636 = arith.constant 0 : i32
      %dma_wait3A_637 = tpu.memref_slice %arg6[%add3A_635, %dma_wait3A_636] : memref<32x80xi32, #tpu.memory_space<vmem>> -> memref<1x80xi32, #tpu.memory_space<vmem>>
      %dma_wait3A_638 = tpu.memref_squeeze %dma_wait3A_637 : memref<1x80xi32, #tpu.memory_space<vmem>> -> memref<80xi32, #tpu.memory_space<vmem>>
      %dma_wait3A_639 = arith.constant 0 : i32
      %dma_wait3A_640 = arith.constant 0 : i32
      %dma_wait3A_641 = tpu.memref_slice %arg2[%dma_wait3A_639, %dma_wait3A_640] : memref<10016x128xf32, #tpu.memory_space<hbm>> -> memref<10016x128xf32, #tpu.memory_space<hbm>>
      tpu.wait_indirect_dma semaphore(%arg15 : memref<!tpu.dma_semaphore, #tpu.memory_space<semaphore_mem>>) src(%dma_wait3A_641 : memref<10016x128xf32, #tpu.memory_space<hbm>>) dst(%arg10 : memref<80x128xf32, #tpu.memory_space<vmem>>)
      %add3A_642 = arith.constant 2 : i32
      %add3A_643 = arith.addi %mul3A_601, %add3A_642 : i32
      %dma_start3A_644 = arith.constant 0 : i32
      %dma_start3A_645 = tpu.memref_slice %arg7[%add3A_643, %dma_start3A_644] : memref<32x80xi32, #tpu.memory_space<vmem>> -> memref<1x80xi32, #tpu.memory_space<vmem>>
      %dma_start3A_646 = tpu.memref_squeeze %dma_start3A_645 : memref<1x80xi32, #tpu.memory_space<vmem>> -> memref<80xi32, #tpu.memory_space<vmem>>
      %dma_start3A_647 = arith.constant 0 : i32
      %dma_start3A_648 = arith.constant 0 : i32
      %dma_start3A_649 = tpu.memref_slice %arg12[%dma_start3A_647, %dma_start3A_648] : memref<10240x128xf32, #tpu.memory_space<vmem_shared>> -> memref<10240x128xf32, #tpu.memory_space<vmem_shared>>
      tpu.enqueue_indirect_dma source(%arg10 : memref<80x128xf32, #tpu.memory_space<vmem>>) target(%dma_start3A_649 : memref<10240x128xf32, #tpu.memory_space<vmem_shared>>) offsets(%dma_start3A_646 : memref<80xi32, #tpu.memory_space<vmem>>) semaphore(%arg19 : memref<!tpu.dma_semaphore, #tpu.memory_space<semaphore_mem>>) {add = true}
      %add3A_650 = arith.constant 3 : i32
      %add3A_651 = arith.addi %mul3A_601, %add3A_650 : i32
      %dma_wait3A_652 = arith.constant 0 : i32
      %dma_wait3A_653 = tpu.memref_slice %arg6[%add3A_651, %dma_wait3A_652] : memref<32x80xi32, #tpu.memory_space<vmem>> -> memref<1x80xi32, #tpu.memory_space<vmem>>
      %dma_wait3A_654 = tpu.memref_squeeze %dma_wait3A_653 : memref<1x80xi32, #tpu.memory_space<vmem>> -> memref<80xi32, #tpu.memory_space<vmem>>
      %dma_wait3A_655 = arith.constant 0 : i32
      %dma_wait3A_656 = arith.constant 0 : i32
      %dma_wait3A_657 = tpu.memref_slice %arg2[%dma_wait3A_655, %dma_wait3A_656] : memref<10016x128xf32, #tpu.memory_space<hbm>> -> memref<10016x128xf32, #tpu.memory_space<hbm>>
      tpu.wait_indirect_dma semaphore(%arg16 : memref<!tpu.dma_semaphore, #tpu.memory_space<semaphore_mem>>) src(%dma_wait3A_657 : memref<10016x128xf32, #tpu.memory_space<hbm>>) dst(%arg11 : memref<80x128xf32, #tpu.memory_space<vmem>>)
      %add3A_658 = arith.constant 3 : i32
      %add3A_659 = arith.addi %mul3A_601, %add3A_658 : i32
      %dma_start3A_660 = arith.constant 0 : i32
      %dma_start3A_661 = tpu.memref_slice %arg7[%add3A_659, %dma_start3A_660] : memref<32x80xi32, #tpu.memory_space<vmem>> -> memref<1x80xi32, #tpu.memory_space<vmem>>
      %dma_start3A_662 = tpu.memref_squeeze %dma_start3A_661 : memref<1x80xi32, #tpu.memory_space<vmem>> -> memref<80xi32, #tpu.memory_space<vmem>>
      %dma_start3A_663 = arith.constant 0 : i32
      %dma_start3A_664 = arith.constant 0 : i32
      %dma_start3A_665 = tpu.memref_slice %arg12[%dma_start3A_663, %dma_start3A_664] : memref<10240x128xf32, #tpu.memory_space<vmem_shared>> -> memref<10240x128xf32, #tpu.memory_space<vmem_shared>>
      tpu.enqueue_indirect_dma source(%arg11 : memref<80x128xf32, #tpu.memory_space<vmem>>) target(%dma_start3A_665 : memref<10240x128xf32, #tpu.memory_space<vmem_shared>>) offsets(%dma_start3A_662 : memref<80xi32, #tpu.memory_space<vmem>>) semaphore(%arg20 : memref<!tpu.dma_semaphore, #tpu.memory_space<semaphore_mem>>) {add = true}
      %add3A_666 = arith.constant 0 : i32
      %add3A_667 = arith.addi %mul3A_601, %add3A_666 : i32
      %dma_wait3A_668 = arith.constant 0 : i32
      %dma_wait3A_669 = tpu.memref_slice %arg7[%add3A_667, %dma_wait3A_668] : memref<32x80xi32, #tpu.memory_space<vmem>> -> memref<1x80xi32, #tpu.memory_space<vmem>>
      %dma_wait3A_670 = tpu.memref_squeeze %dma_wait3A_669 : memref<1x80xi32, #tpu.memory_space<vmem>> -> memref<80xi32, #tpu.memory_space<vmem>>
      %dma_wait3A_671 = arith.constant 0 : i32
      %dma_wait3A_672 = arith.constant 0 : i32
      %dma_wait3A_673 = tpu.memref_slice %arg12[%dma_wait3A_671, %dma_wait3A_672] : memref<10240x128xf32, #tpu.memory_space<vmem_shared>> -> memref<10240x128xf32, #tpu.memory_space<vmem_shared>>
      tpu.wait_indirect_dma semaphore(%arg17 : memref<!tpu.dma_semaphore, #tpu.memory_space<semaphore_mem>>) src(%arg8 : memref<80x128xf32, #tpu.memory_space<vmem>>) dst(%dma_wait3A_673 : memref<10240x128xf32, #tpu.memory_space<vmem_shared>>)
      %add3A_674 = arith.constant 4 : i32
      %add3A_675 = arith.addi %mul3A_601, %add3A_674 : i32
      %add3A_676 = arith.constant 0 : i32
      %add3A_677 = arith.addi %add3A_675, %add3A_676 : i32
      %dma_start3A_678 = arith.constant 0 : i32
      %dma_start3A_679 = tpu.memref_slice %arg6[%add3A_677, %dma_start3A_678] : memref<32x80xi32, #tpu.memory_space<vmem>> -> memref<1x80xi32, #tpu.memory_space<vmem>>
      %dma_start3A_680 = tpu.memref_squeeze %dma_start3A_679 : memref<1x80xi32, #tpu.memory_space<vmem>> -> memref<80xi32, #tpu.memory_space<vmem>>
      %dma_start3A_681 = arith.constant 0 : i32
      %dma_start3A_682 = arith.constant 0 : i32
      %dma_start3A_683 = tpu.memref_slice %arg2[%dma_start3A_681, %dma_start3A_682] : memref<10016x128xf32, #tpu.memory_space<hbm>> -> memref<10016x128xf32, #tpu.memory_space<hbm>>
      tpu.enqueue_indirect_dma source(%dma_start3A_683 : memref<10016x128xf32, #tpu.memory_space<hbm>>) target(%arg8 : memref<80x128xf32, #tpu.memory_space<vmem>>) offsets(%dma_start3A_680 : memref<80xi32, #tpu.memory_space<vmem>>) semaphore(%arg13 : memref<!tpu.dma_semaphore, #tpu.memory_space<semaphore_mem>>)
      %add3A_684 = arith.constant 1 : i32
      %add3A_685 = arith.addi %mul3A_601, %add3A_684 : i32
      %dma_wait3A_686 = arith.constant 0 : i32
      %dma_wait3A_687 = tpu.memref_slice %arg7[%add3A_685, %dma_wait3A_686] : memref<32x80xi32, #tpu.memory_space<vmem>> -> memref<1x80xi32, #tpu.memory_space<vmem>>
      %dma_wait3A_688 = tpu.memref_squeeze %dma_wait3A_687 : memref<1x80xi32, #tpu.memory_space<vmem>> -> memref<80xi32, #tpu.memory_space<vmem>>
      %dma_wait3A_689 = arith.constant 0 : i32
      %dma_wait3A_690 = arith.constant 0 : i32
      %dma_wait3A_691 = tpu.memref_slice %arg12[%dma_wait3A_689, %dma_wait3A_690] : memref<10240x128xf32, #tpu.memory_space<vmem_shared>> -> memref<10240x128xf32, #tpu.memory_space<vmem_shared>>
      tpu.wait_indirect_dma semaphore(%arg18 : memref<!tpu.dma_semaphore, #tpu.memory_space<semaphore_mem>>) src(%arg9 : memref<80x128xf32, #tpu.memory_space<vmem>>) dst(%dma_wait3A_691 : memref<10240x128xf32, #tpu.memory_space<vmem_shared>>)
      %add3A_692 = arith.constant 4 : i32
      %add3A_693 = arith.addi %mul3A_601, %add3A_692 : i32
      %add3A_694 = arith.constant 1 : i32
      %add3A_695 = arith.addi %add3A_693, %add3A_694 : i32
      %dma_start3A_696 = arith.constant 0 : i32
      %dma_start3A_697 = tpu.memref_slice %arg6[%add3A_695, %dma_start3A_696] : memref<32x80xi32, #tpu.memory_space<vmem>> -> memref<1x80xi32, #tpu.memory_space<vmem>>
      %dma_start3A_698 = tpu.memref_squeeze %dma_start3A_697 : memref<1x80xi32, #tpu.memory_space<vmem>> -> memref<80xi32, #tpu.memory_space<vmem>>
      %dma_start3A_699 = arith.constant 0 : i32
      %dma_start3A_700 = arith.constant 0 : i32
      %dma_start3A_701 = tpu.memref_slice %arg2[%dma_start3A_699, %dma_start3A_700] : memref<10016x128xf32, #tpu.memory_space<hbm>> -> memref<10016x128xf32, #tpu.memory_space<hbm>>
      tpu.enqueue_indirect_dma source(%dma_start3A_701 : memref<10016x128xf32, #tpu.memory_space<hbm>>) target(%arg9 : memref<80x128xf32, #tpu.memory_space<vmem>>) offsets(%dma_start3A_698 : memref<80xi32, #tpu.memory_space<vmem>>) semaphore(%arg14 : memref<!tpu.dma_semaphore, #tpu.memory_space<semaphore_mem>>)
      %add3A_702 = arith.constant 2 : i32
      %add3A_703 = arith.addi %mul3A_601, %add3A_702 : i32
      %dma_wait3A_704 = arith.constant 0 : i32
      %dma_wait3A_705 = tpu.memref_slice %arg7[%add3A_703, %dma_wait3A_704] : memref<32x80xi32, #tpu.memory_space<vmem>> -> memref<1x80xi32, #tpu.memory_space<vmem>>
      %dma_wait3A_706 = tpu.memref_squeeze %dma_wait3A_705 : memref<1x80xi32, #tpu.memory_space<vmem>> -> memref<80xi32, #tpu.memory_space<vmem>>
      %dma_wait3A_707 = arith.constant 0 : i32
      %dma_wait3A_708 = arith.constant 0 : i32
      %dma_wait3A_709 = tpu.memref_slice %arg12[%dma_wait3A_707, %dma_wait3A_708] : memref<10240x128xf32, #tpu.memory_space<vmem_shared>> -> memref<10240x128xf32, #tpu.memory_space<vmem_shared>>
      tpu.wait_indirect_dma semaphore(%arg19 : memref<!tpu.dma_semaphore, #tpu.memory_space<semaphore_mem>>) src(%arg10 : memref<80x128xf32, #tpu.memory_space<vmem>>) dst(%dma_wait3A_709 : memref<10240x128xf32, #tpu.memory_space<vmem_shared>>)
      %add3A_710 = arith.constant 4 : i32
      %add3A_711 = arith.addi %mul3A_601, %add3A_710 : i32
      %add3A_712 = arith.constant 2 : i32
      %add3A_713 = arith.addi %add3A_711, %add3A_712 : i32
      %dma_start3A_714 = arith.constant 0 : i32
      %dma_start3A_715 = tpu.memref_slice %arg6[%add3A_713, %dma_start3A_714] : memref<32x80xi32, #tpu.memory_space<vmem>> -> memref<1x80xi32, #tpu.memory_space<vmem>>
      %dma_start3A_716 = tpu.memref_squeeze %dma_start3A_715 : memref<1x80xi32, #tpu.memory_space<vmem>> -> memref<80xi32, #tpu.memory_space<vmem>>
      %dma_start3A_717 = arith.constant 0 : i32
      %dma_start3A_718 = arith.constant 0 : i32
      %dma_start3A_719 = tpu.memref_slice %arg2[%dma_start3A_717, %dma_start3A_718] : memref<10016x128xf32, #tpu.memory_space<hbm>> -> memref<10016x128xf32, #tpu.memory_space<hbm>>
      tpu.enqueue_indirect_dma source(%dma_start3A_719 : memref<10016x128xf32, #tpu.memory_space<hbm>>) target(%arg10 : memref<80x128xf32, #tpu.memory_space<vmem>>) offsets(%dma_start3A_716 : memref<80xi32, #tpu.memory_space<vmem>>) semaphore(%arg15 : memref<!tpu.dma_semaphore, #tpu.memory_space<semaphore_mem>>)
      %add3A_720 = arith.constant 3 : i32
      %add3A_721 = arith.addi %mul3A_601, %add3A_720 : i32
      %dma_wait3A_722 = arith.constant 0 : i32
      %dma_wait3A_723 = tpu.memref_slice %arg7[%add3A_721, %dma_wait3A_722] : memref<32x80xi32, #tpu.memory_space<vmem>> -> memref<1x80xi32, #tpu.memory_space<vmem>>
      %dma_wait3A_724 = tpu.memref_squeeze %dma_wait3A_723 : memref<1x80xi32, #tpu.memory_space<vmem>> -> memref<80xi32, #tpu.memory_space<vmem>>
      %dma_wait3A_725 = arith.constant 0 : i32
      %dma_wait3A_726 = arith.constant 0 : i32
      %dma_wait3A_727 = tpu.memref_slice %arg12[%dma_wait3A_725, %dma_wait3A_726] : memref<10240x128xf32, #tpu.memory_space<vmem_shared>> -> memref<10240x128xf32, #tpu.memory_space<vmem_shared>>
      tpu.wait_indirect_dma semaphore(%arg20 : memref<!tpu.dma_semaphore, #tpu.memory_space<semaphore_mem>>) src(%arg11 : memref<80x128xf32, #tpu.memory_space<vmem>>) dst(%dma_wait3A_727 : memref<10240x128xf32, #tpu.memory_space<vmem_shared>>)
      %add3A_728 = arith.constant 4 : i32
      %add3A_729 = arith.addi %mul3A_601, %add3A_728 : i32
      %add3A_730 = arith.constant 3 : i32
      %add3A_731 = arith.addi %add3A_729, %add3A_730 : i32
      %dma_start3A_732 = arith.constant 0 : i32
      %dma_start3A_733 = tpu.memref_slice %arg6[%add3A_731, %dma_start3A_732] : memref<32x80xi32, #tpu.memory_space<vmem>> -> memref<1x80xi32, #tpu.memory_space<vmem>>
      %dma_start3A_734 = tpu.memref_squeeze %dma_start3A_733 : memref<1x80xi32, #tpu.memory_space<vmem>> -> memref<80xi32, #tpu.memory_space<vmem>>
      %dma_start3A_735 = arith.constant 0 : i32
      %dma_start3A_736 = arith.constant 0 : i32
      %dma_start3A_737 = tpu.memref_slice %arg2[%dma_start3A_735, %dma_start3A_736] : memref<10016x128xf32, #tpu.memory_space<hbm>> -> memref<10016x128xf32, #tpu.memory_space<hbm>>
      tpu.enqueue_indirect_dma source(%dma_start3A_737 : memref<10016x128xf32, #tpu.memory_space<hbm>>) target(%arg11 : memref<80x128xf32, #tpu.memory_space<vmem>>) offsets(%dma_start3A_734 : memref<80xi32, #tpu.memory_space<vmem>>) semaphore(%arg16 : memref<!tpu.dma_semaphore, #tpu.memory_space<semaphore_mem>>)
      %scan3A_738 = arith.constant 0 : i32
      scf.yield %scan3A_738 : i32
    }
    %scan3A_151 = arith.constant 7 : i32
    %dma_wait3A_152 = arith.constant 28 : i32
    %dma_wait3A_153 = arith.constant 0 : i32
    %dma_wait3A_154 = tpu.memref_slice %arg6[%dma_wait3A_152, %dma_wait3A_153] : memref<32x80xi32, #tpu.memory_space<vmem>> -> memref<1x80xi32, #tpu.memory_space<vmem>>
    %dma_wait3A_155 = tpu.memref_squeeze %dma_wait3A_154 : memref<1x80xi32, #tpu.memory_space<vmem>> -> memref<80xi32, #tpu.memory_space<vmem>>
    %dma_wait3A_156 = arith.constant 0 : i32
    %dma_wait3A_157 = arith.constant 0 : i32
    %dma_wait3A_158 = tpu.memref_slice %arg2[%dma_wait3A_156, %dma_wait3A_157] : memref<10016x128xf32, #tpu.memory_space<hbm>> -> memref<10016x128xf32, #tpu.memory_space<hbm>>
    tpu.wait_indirect_dma semaphore(%arg13 : memref<!tpu.dma_semaphore, #tpu.memory_space<semaphore_mem>>) src(%dma_wait3A_158 : memref<10016x128xf32, #tpu.memory_space<hbm>>) dst(%arg8 : memref<80x128xf32, #tpu.memory_space<vmem>>)
    %dma_start3A_159 = arith.constant 28 : i32
    %dma_start3A_160 = arith.constant 0 : i32
    %dma_start3A_161 = tpu.memref_slice %arg7[%dma_start3A_159, %dma_start3A_160] : memref<32x80xi32, #tpu.memory_space<vmem>> -> memref<1x80xi32, #tpu.memory_space<vmem>>
    %dma_start3A_162 = tpu.memref_squeeze %dma_start3A_161 : memref<1x80xi32, #tpu.memory_space<vmem>> -> memref<80xi32, #tpu.memory_space<vmem>>
    %dma_start3A_163 = arith.constant 0 : i32
    %dma_start3A_164 = arith.constant 0 : i32
    %dma_start3A_165 = tpu.memref_slice %arg12[%dma_start3A_163, %dma_start3A_164] : memref<10240x128xf32, #tpu.memory_space<vmem_shared>> -> memref<10240x128xf32, #tpu.memory_space<vmem_shared>>
    tpu.enqueue_indirect_dma source(%arg8 : memref<80x128xf32, #tpu.memory_space<vmem>>) target(%dma_start3A_165 : memref<10240x128xf32, #tpu.memory_space<vmem_shared>>) offsets(%dma_start3A_162 : memref<80xi32, #tpu.memory_space<vmem>>) semaphore(%arg17 : memref<!tpu.dma_semaphore, #tpu.memory_space<semaphore_mem>>) {add = true}
    %dma_wait3A_166 = arith.constant 29 : i32
    %dma_wait3A_167 = arith.constant 0 : i32
    %dma_wait3A_168 = tpu.memref_slice %arg6[%dma_wait3A_166, %dma_wait3A_167] : memref<32x80xi32, #tpu.memory_space<vmem>> -> memref<1x80xi32, #tpu.memory_space<vmem>>
    %dma_wait3A_169 = tpu.memref_squeeze %dma_wait3A_168 : memref<1x80xi32, #tpu.memory_space<vmem>> -> memref<80xi32, #tpu.memory_space<vmem>>
    %dma_wait3A_170 = arith.constant 0 : i32
    %dma_wait3A_171 = arith.constant 0 : i32
    %dma_wait3A_172 = tpu.memref_slice %arg2[%dma_wait3A_170, %dma_wait3A_171] : memref<10016x128xf32, #tpu.memory_space<hbm>> -> memref<10016x128xf32, #tpu.memory_space<hbm>>
    tpu.wait_indirect_dma semaphore(%arg14 : memref<!tpu.dma_semaphore, #tpu.memory_space<semaphore_mem>>) src(%dma_wait3A_172 : memref<10016x128xf32, #tpu.memory_space<hbm>>) dst(%arg9 : memref<80x128xf32, #tpu.memory_space<vmem>>)
    %dma_start3A_173 = arith.constant 29 : i32
    %dma_start3A_174 = arith.constant 0 : i32
    %dma_start3A_175 = tpu.memref_slice %arg7[%dma_start3A_173, %dma_start3A_174] : memref<32x80xi32, #tpu.memory_space<vmem>> -> memref<1x80xi32, #tpu.memory_space<vmem>>
    %dma_start3A_176 = tpu.memref_squeeze %dma_start3A_175 : memref<1x80xi32, #tpu.memory_space<vmem>> -> memref<80xi32, #tpu.memory_space<vmem>>
    %dma_start3A_177 = arith.constant 0 : i32
    %dma_start3A_178 = arith.constant 0 : i32
    %dma_start3A_179 = tpu.memref_slice %arg12[%dma_start3A_177, %dma_start3A_178] : memref<10240x128xf32, #tpu.memory_space<vmem_shared>> -> memref<10240x128xf32, #tpu.memory_space<vmem_shared>>
    tpu.enqueue_indirect_dma source(%arg9 : memref<80x128xf32, #tpu.memory_space<vmem>>) target(%dma_start3A_179 : memref<10240x128xf32, #tpu.memory_space<vmem_shared>>) offsets(%dma_start3A_176 : memref<80xi32, #tpu.memory_space<vmem>>) semaphore(%arg18 : memref<!tpu.dma_semaphore, #tpu.memory_space<semaphore_mem>>) {add = true}
    %dma_wait3A_180 = arith.constant 30 : i32
    %dma_wait3A_181 = arith.constant 0 : i32
    %dma_wait3A_182 = tpu.memref_slice %arg6[%dma_wait3A_180, %dma_wait3A_181] : memref<32x80xi32, #tpu.memory_space<vmem>> -> memref<1x80xi32, #tpu.memory_space<vmem>>
    %dma_wait3A_183 = tpu.memref_squeeze %dma_wait3A_182 : memref<1x80xi32, #tpu.memory_space<vmem>> -> memref<80xi32, #tpu.memory_space<vmem>>
    %dma_wait3A_184 = arith.constant 0 : i32
    %dma_wait3A_185 = arith.constant 0 : i32
    %dma_wait3A_186 = tpu.memref_slice %arg2[%dma_wait3A_184, %dma_wait3A_185] : memref<10016x128xf32, #tpu.memory_space<hbm>> -> memref<10016x128xf32, #tpu.memory_space<hbm>>
    tpu.wait_indirect_dma semaphore(%arg15 : memref<!tpu.dma_semaphore, #tpu.memory_space<semaphore_mem>>) src(%dma_wait3A_186 : memref<10016x128xf32, #tpu.memory_space<hbm>>) dst(%arg10 : memref<80x128xf32, #tpu.memory_space<vmem>>)
    %dma_start3A_187 = arith.constant 30 : i32
    %dma_start3A_188 = arith.constant 0 : i32
    %dma_start3A_189 = tpu.memref_slice %arg7[%dma_start3A_187, %dma_start3A_188] : memref<32x80xi32, #tpu.memory_space<vmem>> -> memref<1x80xi32, #tpu.memory_space<vmem>>
    %dma_start3A_190 = tpu.memref_squeeze %dma_start3A_189 : memref<1x80xi32, #tpu.memory_space<vmem>> -> memref<80xi32, #tpu.memory_space<vmem>>
    %dma_start3A_191 = arith.constant 0 : i32
    %dma_start3A_192 = arith.constant 0 : i32
    %dma_start3A_193 = tpu.memref_slice %arg12[%dma_start3A_191, %dma_start3A_192] : memref<10240x128xf32, #tpu.memory_space<vmem_shared>> -> memref<10240x128xf32, #tpu.memory_space<vmem_shared>>
    tpu.enqueue_indirect_dma source(%arg10 : memref<80x128xf32, #tpu.memory_space<vmem>>) target(%dma_start3A_193 : memref<10240x128xf32, #tpu.memory_space<vmem_shared>>) offsets(%dma_start3A_190 : memref<80xi32, #tpu.memory_space<vmem>>) semaphore(%arg19 : memref<!tpu.dma_semaphore, #tpu.memory_space<semaphore_mem>>) {add = true}
    %dma_wait3A_194 = arith.constant 31 : i32
    %dma_wait3A_195 = arith.constant 0 : i32
    %dma_wait3A_196 = tpu.memref_slice %arg6[%dma_wait3A_194, %dma_wait3A_195] : memref<32x80xi32, #tpu.memory_space<vmem>> -> memref<1x80xi32, #tpu.memory_space<vmem>>
    %dma_wait3A_197 = tpu.memref_squeeze %dma_wait3A_196 : memref<1x80xi32, #tpu.memory_space<vmem>> -> memref<80xi32, #tpu.memory_space<vmem>>
    %dma_wait3A_198 = arith.constant 0 : i32
    %dma_wait3A_199 = arith.constant 0 : i32
    %dma_wait3A_200 = tpu.memref_slice %arg2[%dma_wait3A_198, %dma_wait3A_199] : memref<10016x128xf32, #tpu.memory_space<hbm>> -> memref<10016x128xf32, #tpu.memory_space<hbm>>
    tpu.wait_indirect_dma semaphore(%arg16 : memref<!tpu.dma_semaphore, #tpu.memory_space<semaphore_mem>>) src(%dma_wait3A_200 : memref<10016x128xf32, #tpu.memory_space<hbm>>) dst(%arg11 : memref<80x128xf32, #tpu.memory_space<vmem>>)
    %dma_start3A_201 = arith.constant 31 : i32
    %dma_start3A_202 = arith.constant 0 : i32
    %dma_start3A_203 = tpu.memref_slice %arg7[%dma_start3A_201, %dma_start3A_202] : memref<32x80xi32, #tpu.memory_space<vmem>> -> memref<1x80xi32, #tpu.memory_space<vmem>>
    %dma_start3A_204 = tpu.memref_squeeze %dma_start3A_203 : memref<1x80xi32, #tpu.memory_space<vmem>> -> memref<80xi32, #tpu.memory_space<vmem>>
    %dma_start3A_205 = arith.constant 0 : i32
    %dma_start3A_206 = arith.constant 0 : i32
    %dma_start3A_207 = tpu.memref_slice %arg12[%dma_start3A_205, %dma_start3A_206] : memref<10240x128xf32, #tpu.memory_space<vmem_shared>> -> memref<10240x128xf32, #tpu.memory_space<vmem_shared>>
    tpu.enqueue_indirect_dma source(%arg11 : memref<80x128xf32, #tpu.memory_space<vmem>>) target(%dma_start3A_207 : memref<10240x128xf32, #tpu.memory_space<vmem_shared>>) offsets(%dma_start3A_204 : memref<80xi32, #tpu.memory_space<vmem>>) semaphore(%arg20 : memref<!tpu.dma_semaphore, #tpu.memory_space<semaphore_mem>>) {add = true}
    %dma_wait3A_208 = arith.constant 28 : i32
    %dma_wait3A_209 = arith.constant 0 : i32
    %dma_wait3A_210 = tpu.memref_slice %arg7[%dma_wait3A_208, %dma_wait3A_209] : memref<32x80xi32, #tpu.memory_space<vmem>> -> memref<1x80xi32, #tpu.memory_space<vmem>>
    %dma_wait3A_211 = tpu.memref_squeeze %dma_wait3A_210 : memref<1x80xi32, #tpu.memory_space<vmem>> -> memref<80xi32, #tpu.memory_space<vmem>>
    %dma_wait3A_212 = arith.constant 0 : i32
    %dma_wait3A_213 = arith.constant 0 : i32
    %dma_wait3A_214 = tpu.memref_slice %arg12[%dma_wait3A_212, %dma_wait3A_213] : memref<10240x128xf32, #tpu.memory_space<vmem_shared>> -> memref<10240x128xf32, #tpu.memory_space<vmem_shared>>
    tpu.wait_indirect_dma semaphore(%arg17 : memref<!tpu.dma_semaphore, #tpu.memory_space<semaphore_mem>>) src(%arg8 : memref<80x128xf32, #tpu.memory_space<vmem>>) dst(%dma_wait3A_214 : memref<10240x128xf32, #tpu.memory_space<vmem_shared>>)
    %dma_wait3A_215 = arith.constant 29 : i32
    %dma_wait3A_216 = arith.constant 0 : i32
    %dma_wait3A_217 = tpu.memref_slice %arg7[%dma_wait3A_215, %dma_wait3A_216] : memref<32x80xi32, #tpu.memory_space<vmem>> -> memref<1x80xi32, #tpu.memory_space<vmem>>
    %dma_wait3A_218 = tpu.memref_squeeze %dma_wait3A_217 : memref<1x80xi32, #tpu.memory_space<vmem>> -> memref<80xi32, #tpu.memory_space<vmem>>
    %dma_wait3A_219 = arith.constant 0 : i32
    %dma_wait3A_220 = arith.constant 0 : i32
    %dma_wait3A_221 = tpu.memref_slice %arg12[%dma_wait3A_219, %dma_wait3A_220] : memref<10240x128xf32, #tpu.memory_space<vmem_shared>> -> memref<10240x128xf32, #tpu.memory_space<vmem_shared>>
    tpu.wait_indirect_dma semaphore(%arg18 : memref<!tpu.dma_semaphore, #tpu.memory_space<semaphore_mem>>) src(%arg9 : memref<80x128xf32, #tpu.memory_space<vmem>>) dst(%dma_wait3A_221 : memref<10240x128xf32, #tpu.memory_space<vmem_shared>>)
    %dma_wait3A_222 = arith.constant 30 : i32
    %dma_wait3A_223 = arith.constant 0 : i32
    %dma_wait3A_224 = tpu.memref_slice %arg7[%dma_wait3A_222, %dma_wait3A_223] : memref<32x80xi32, #tpu.memory_space<vmem>> -> memref<1x80xi32, #tpu.memory_space<vmem>>
    %dma_wait3A_225 = tpu.memref_squeeze %dma_wait3A_224 : memref<1x80xi32, #tpu.memory_space<vmem>> -> memref<80xi32, #tpu.memory_space<vmem>>
    %dma_wait3A_226 = arith.constant 0 : i32
    %dma_wait3A_227 = arith.constant 0 : i32
    %dma_wait3A_228 = tpu.memref_slice %arg12[%dma_wait3A_226, %dma_wait3A_227] : memref<10240x128xf32, #tpu.memory_space<vmem_shared>> -> memref<10240x128xf32, #tpu.memory_space<vmem_shared>>
    tpu.wait_indirect_dma semaphore(%arg19 : memref<!tpu.dma_semaphore, #tpu.memory_space<semaphore_mem>>) src(%arg10 : memref<80x128xf32, #tpu.memory_space<vmem>>) dst(%dma_wait3A_228 : memref<10240x128xf32, #tpu.memory_space<vmem_shared>>)
    %dma_wait3A_229 = arith.constant 31 : i32
    %dma_wait3A_230 = arith.constant 0 : i32
    %dma_wait3A_231 = tpu.memref_slice %arg7[%dma_wait3A_229, %dma_wait3A_230] : memref<32x80xi32, #tpu.memory_space<vmem>> -> memref<1x80xi32, #tpu.memory_space<vmem>>
    %dma_wait3A_232 = tpu.memref_squeeze %dma_wait3A_231 : memref<1x80xi32, #tpu.memory_space<vmem>> -> memref<80xi32, #tpu.memory_space<vmem>>
    %dma_wait3A_233 = arith.constant 0 : i32
    %dma_wait3A_234 = arith.constant 0 : i32
    %dma_wait3A_235 = tpu.memref_slice %arg12[%dma_wait3A_233, %dma_wait3A_234] : memref<10240x128xf32, #tpu.memory_space<vmem_shared>> -> memref<10240x128xf32, #tpu.memory_space<vmem_shared>>
    tpu.wait_indirect_dma semaphore(%arg20 : memref<!tpu.dma_semaphore, #tpu.memory_space<semaphore_mem>>) src(%arg11 : memref<80x128xf32, #tpu.memory_space<vmem>>) dst(%dma_wait3A_235 : memref<10240x128xf32, #tpu.memory_space<vmem_shared>>)
    "tpu.region"() ({
      %run_scoped3A = tpu.sem_alloc : memref<!tpu.dma_semaphore, #tpu.memory_space<semaphore_mem>>
      %dma_start3A_598 = arith.constant 32 : i32
      %dma_start3A_599 = arith.constant 0 : i32
      %dma_start3A_600 = tpu.memref_slice %arg3[%add3A, %dma_start3A_598, %dma_start3A_599] : memref<32x128x80xi32, #tpu.memory_space<hbm>> -> memref<1x32x80xi32, #tpu.memory_space<hbm>>
      %dma_start3A_601 = tpu.memref_squeeze %dma_start3A_600 : memref<1x32x80xi32, #tpu.memory_space<hbm>> -> memref<32x80xi32, #tpu.memory_space<hbm>>
      %dma_start3A_602 = arith.constant 32 : i32
      %dma_start3A_603 = arith.constant 0 : i32
      %dma_start3A_604 = tpu.memref_slice %arg3[%add3A, %dma_start3A_602, %dma_start3A_603] : memref<32x128x80xi32, #tpu.memory_space<hbm>> -> memref<1x32x80xi32, #tpu.memory_space<hbm>>
      %dma_start3A_605 = tpu.memref_squeeze %dma_start3A_604 : memref<1x32x80xi32, #tpu.memory_space<hbm>> -> memref<32x80xi32, #tpu.memory_space<hbm>>
      tpu.enqueue_dma source(%dma_start3A_605 : memref<32x80xi32, #tpu.memory_space<hbm>>) target(%arg6 : memref<32x80xi32, #tpu.memory_space<vmem>>) target_semaphore(%run_scoped3A : memref<!tpu.dma_semaphore, #tpu.memory_space<semaphore_mem>>)
      %dma_wait3A_606 = arith.constant 32 : i32
      %dma_wait3A_607 = arith.constant 0 : i32
      %dma_wait3A_608 = tpu.memref_slice %arg3[%add3A, %dma_wait3A_606, %dma_wait3A_607] : memref<32x128x80xi32, #tpu.memory_space<hbm>> -> memref<1x32x80xi32, #tpu.memory_space<hbm>>
      %dma_wait3A_609 = tpu.memref_squeeze %dma_wait3A_608 : memref<1x32x80xi32, #tpu.memory_space<hbm>> -> memref<32x80xi32, #tpu.memory_space<hbm>>
      %dma_wait3A_610 = arith.constant 32 : i32
      %dma_wait3A_611 = arith.constant 0 : i32
      %dma_wait3A_612 = tpu.memref_slice %arg3[%add3A, %dma_wait3A_610, %dma_wait3A_611] : memref<32x128x80xi32, #tpu.memory_space<hbm>> -> memref<1x32x80xi32, #tpu.memory_space<hbm>>
      %dma_wait3A_613 = tpu.memref_squeeze %dma_wait3A_612 : memref<1x32x80xi32, #tpu.memory_space<hbm>> -> memref<32x80xi32, #tpu.memory_space<hbm>>
      tpu.wait_dma2 semaphore(%run_scoped3A : memref<!tpu.dma_semaphore, #tpu.memory_space<semaphore_mem>>) src(%dma_wait3A_613 : memref<32x80xi32, #tpu.memory_space<hbm>>) dst(%arg6 : memref<32x80xi32, #tpu.memory_space<vmem>>)
      tpu.yield
    }) : () -> ()
    "tpu.region"() ({
      %run_scoped3A = tpu.sem_alloc : memref<!tpu.dma_semaphore, #tpu.memory_space<semaphore_mem>>
      %dma_start3A_598 = arith.constant 32 : i32
      %dma_start3A_599 = arith.constant 0 : i32
      %dma_start3A_600 = tpu.memref_slice %arg4[%add3A, %dma_start3A_598, %dma_start3A_599] : memref<32x128x80xi32, #tpu.memory_space<hbm>> -> memref<1x32x80xi32, #tpu.memory_space<hbm>>
      %dma_start3A_601 = tpu.memref_squeeze %dma_start3A_600 : memref<1x32x80xi32, #tpu.memory_space<hbm>> -> memref<32x80xi32, #tpu.memory_space<hbm>>
      %dma_start3A_602 = arith.constant 32 : i32
      %dma_start3A_603 = arith.constant 0 : i32
      %dma_start3A_604 = tpu.memref_slice %arg4[%add3A, %dma_start3A_602, %dma_start3A_603] : memref<32x128x80xi32, #tpu.memory_space<hbm>> -> memref<1x32x80xi32, #tpu.memory_space<hbm>>
      %dma_start3A_605 = tpu.memref_squeeze %dma_start3A_604 : memref<1x32x80xi32, #tpu.memory_space<hbm>> -> memref<32x80xi32, #tpu.memory_space<hbm>>
      tpu.enqueue_dma source(%dma_start3A_605 : memref<32x80xi32, #tpu.memory_space<hbm>>) target(%arg7 : memref<32x80xi32, #tpu.memory_space<vmem>>) target_semaphore(%run_scoped3A : memref<!tpu.dma_semaphore, #tpu.memory_space<semaphore_mem>>)
      %dma_wait3A_606 = arith.constant 32 : i32
      %dma_wait3A_607 = arith.constant 0 : i32
      %dma_wait3A_608 = tpu.memref_slice %arg4[%add3A, %dma_wait3A_606, %dma_wait3A_607] : memref<32x128x80xi32, #tpu.memory_space<hbm>> -> memref<1x32x80xi32, #tpu.memory_space<hbm>>
      %dma_wait3A_609 = tpu.memref_squeeze %dma_wait3A_608 : memref<1x32x80xi32, #tpu.memory_space<hbm>> -> memref<32x80xi32, #tpu.memory_space<hbm>>
      %dma_wait3A_610 = arith.constant 32 : i32
      %dma_wait3A_611 = arith.constant 0 : i32
      %dma_wait3A_612 = tpu.memref_slice %arg4[%add3A, %dma_wait3A_610, %dma_wait3A_611] : memref<32x128x80xi32, #tpu.memory_space<hbm>> -> memref<1x32x80xi32, #tpu.memory_space<hbm>>
      %dma_wait3A_613 = tpu.memref_squeeze %dma_wait3A_612 : memref<1x32x80xi32, #tpu.memory_space<hbm>> -> memref<32x80xi32, #tpu.memory_space<hbm>>
      tpu.wait_dma2 semaphore(%run_scoped3A : memref<!tpu.dma_semaphore, #tpu.memory_space<semaphore_mem>>) src(%dma_wait3A_613 : memref<32x80xi32, #tpu.memory_space<hbm>>) dst(%arg7 : memref<32x80xi32, #tpu.memory_space<vmem>>)
      tpu.yield
    }) : () -> ()
    %dma_start3A_236 = arith.constant 0 : i32
    %dma_start3A_237 = arith.constant 0 : i32
    %dma_start3A_238 = tpu.memref_slice %arg6[%dma_start3A_236, %dma_start3A_237] : memref<32x80xi32, #tpu.memory_space<vmem>> -> memref<1x80xi32, #tpu.memory_space<vmem>>
    %dma_start3A_239 = tpu.memref_squeeze %dma_start3A_238 : memref<1x80xi32, #tpu.memory_space<vmem>> -> memref<80xi32, #tpu.memory_space<vmem>>
    %dma_start3A_240 = arith.constant 0 : i32
    %dma_start3A_241 = arith.constant 0 : i32
    %dma_start3A_242 = tpu.memref_slice %arg2[%dma_start3A_240, %dma_start3A_241] : memref<10016x128xf32, #tpu.memory_space<hbm>> -> memref<10016x128xf32, #tpu.memory_space<hbm>>
    tpu.enqueue_indirect_dma source(%dma_start3A_242 : memref<10016x128xf32, #tpu.memory_space<hbm>>) target(%arg8 : memref<80x128xf32, #tpu.memory_space<vmem>>) offsets(%dma_start3A_239 : memref<80xi32, #tpu.memory_space<vmem>>) semaphore(%arg13 : memref<!tpu.dma_semaphore, #tpu.memory_space<semaphore_mem>>)
    %dma_start3A_243 = arith.constant 1 : i32
    %dma_start3A_244 = arith.constant 0 : i32
    %dma_start3A_245 = tpu.memref_slice %arg6[%dma_start3A_243, %dma_start3A_244] : memref<32x80xi32, #tpu.memory_space<vmem>> -> memref<1x80xi32, #tpu.memory_space<vmem>>
    %dma_start3A_246 = tpu.memref_squeeze %dma_start3A_245 : memref<1x80xi32, #tpu.memory_space<vmem>> -> memref<80xi32, #tpu.memory_space<vmem>>
    %dma_start3A_247 = arith.constant 0 : i32
    %dma_start3A_248 = arith.constant 0 : i32
    %dma_start3A_249 = tpu.memref_slice %arg2[%dma_start3A_247, %dma_start3A_248] : memref<10016x128xf32, #tpu.memory_space<hbm>> -> memref<10016x128xf32, #tpu.memory_space<hbm>>
    tpu.enqueue_indirect_dma source(%dma_start3A_249 : memref<10016x128xf32, #tpu.memory_space<hbm>>) target(%arg9 : memref<80x128xf32, #tpu.memory_space<vmem>>) offsets(%dma_start3A_246 : memref<80xi32, #tpu.memory_space<vmem>>) semaphore(%arg14 : memref<!tpu.dma_semaphore, #tpu.memory_space<semaphore_mem>>)
    %dma_start3A_250 = arith.constant 2 : i32
    %dma_start3A_251 = arith.constant 0 : i32
    %dma_start3A_252 = tpu.memref_slice %arg6[%dma_start3A_250, %dma_start3A_251] : memref<32x80xi32, #tpu.memory_space<vmem>> -> memref<1x80xi32, #tpu.memory_space<vmem>>
    %dma_start3A_253 = tpu.memref_squeeze %dma_start3A_252 : memref<1x80xi32, #tpu.memory_space<vmem>> -> memref<80xi32, #tpu.memory_space<vmem>>
    %dma_start3A_254 = arith.constant 0 : i32
    %dma_start3A_255 = arith.constant 0 : i32
    %dma_start3A_256 = tpu.memref_slice %arg2[%dma_start3A_254, %dma_start3A_255] : memref<10016x128xf32, #tpu.memory_space<hbm>> -> memref<10016x128xf32, #tpu.memory_space<hbm>>
    tpu.enqueue_indirect_dma source(%dma_start3A_256 : memref<10016x128xf32, #tpu.memory_space<hbm>>) target(%arg10 : memref<80x128xf32, #tpu.memory_space<vmem>>) offsets(%dma_start3A_253 : memref<80xi32, #tpu.memory_space<vmem>>) semaphore(%arg15 : memref<!tpu.dma_semaphore, #tpu.memory_space<semaphore_mem>>)
    %dma_start3A_257 = arith.constant 3 : i32
    %dma_start3A_258 = arith.constant 0 : i32
    %dma_start3A_259 = tpu.memref_slice %arg6[%dma_start3A_257, %dma_start3A_258] : memref<32x80xi32, #tpu.memory_space<vmem>> -> memref<1x80xi32, #tpu.memory_space<vmem>>
    %dma_start3A_260 = tpu.memref_squeeze %dma_start3A_259 : memref<1x80xi32, #tpu.memory_space<vmem>> -> memref<80xi32, #tpu.memory_space<vmem>>
    %dma_start3A_261 = arith.constant 0 : i32
    %dma_start3A_262 = arith.constant 0 : i32
    %dma_start3A_263 = tpu.memref_slice %arg2[%dma_start3A_261, %dma_start3A_262] : memref<10016x128xf32, #tpu.memory_space<hbm>> -> memref<10016x128xf32, #tpu.memory_space<hbm>>
    tpu.enqueue_indirect_dma source(%dma_start3A_263 : memref<10016x128xf32, #tpu.memory_space<hbm>>) target(%arg11 : memref<80x128xf32, #tpu.memory_space<vmem>>) offsets(%dma_start3A_260 : memref<80xi32, #tpu.memory_space<vmem>>) semaphore(%arg16 : memref<!tpu.dma_semaphore, #tpu.memory_space<semaphore_mem>>)
    %scan3A_264 = arith.constant 0 : i32
    %scan3A_265 = arith.constant 0 : i32
    %scan3A_266 = arith.constant 7 : i32
    %scan3A_267 = arith.addi %scan3A_265, %scan3A_266 : i32
    %scan3A_268 = arith.constant 1 : i32
    %scan3A_269 = scf.for %scan3A_598 = %scan3A_265 to %scan3A_267 step %scan3A_268 iter_args(%scan3A_599 = %scan3A_264) -> (i32)  : i32 {
      %mul3A_600 = arith.constant 4 : i32
      %mul3A_601 = arith.muli %scan3A_598, %mul3A_600 : i32
      %add3A_602 = arith.constant 0 : i32
      %add3A_603 = arith.addi %mul3A_601, %add3A_602 : i32
      %dma_wait3A_604 = arith.constant 0 : i32
      %dma_wait3A_605 = tpu.memref_slice %arg6[%add3A_603, %dma_wait3A_604] : memref<32x80xi32, #tpu.memory_space<vmem>> -> memref<1x80xi32, #tpu.memory_space<vmem>>
      %dma_wait3A_606 = tpu.memref_squeeze %dma_wait3A_605 : memref<1x80xi32, #tpu.memory_space<vmem>> -> memref<80xi32, #tpu.memory_space<vmem>>
      %dma_wait3A_607 = arith.constant 0 : i32
      %dma_wait3A_608 = arith.constant 0 : i32
      %dma_wait3A_609 = tpu.memref_slice %arg2[%dma_wait3A_607, %dma_wait3A_608] : memref<10016x128xf32, #tpu.memory_space<hbm>> -> memref<10016x128xf32, #tpu.memory_space<hbm>>
      tpu.wait_indirect_dma semaphore(%arg13 : memref<!tpu.dma_semaphore, #tpu.memory_space<semaphore_mem>>) src(%dma_wait3A_609 : memref<10016x128xf32, #tpu.memory_space<hbm>>) dst(%arg8 : memref<80x128xf32, #tpu.memory_space<vmem>>)
      %add3A_610 = arith.constant 0 : i32
      %add3A_611 = arith.addi %mul3A_601, %add3A_610 : i32
      %dma_start3A_612 = arith.constant 0 : i32
      %dma_start3A_613 = tpu.memref_slice %arg7[%add3A_611, %dma_start3A_612] : memref<32x80xi32, #tpu.memory_space<vmem>> -> memref<1x80xi32, #tpu.memory_space<vmem>>
      %dma_start3A_614 = tpu.memref_squeeze %dma_start3A_613 : memref<1x80xi32, #tpu.memory_space<vmem>> -> memref<80xi32, #tpu.memory_space<vmem>>
      %dma_start3A_615 = arith.constant 0 : i32
      %dma_start3A_616 = arith.constant 0 : i32
      %dma_start3A_617 = tpu.memref_slice %arg12[%dma_start3A_615, %dma_start3A_616] : memref<10240x128xf32, #tpu.memory_space<vmem_shared>> -> memref<10240x128xf32, #tpu.memory_space<vmem_shared>>
      tpu.enqueue_indirect_dma source(%arg8 : memref<80x128xf32, #tpu.memory_space<vmem>>) target(%dma_start3A_617 : memref<10240x128xf32, #tpu.memory_space<vmem_shared>>) offsets(%dma_start3A_614 : memref<80xi32, #tpu.memory_space<vmem>>) semaphore(%arg17 : memref<!tpu.dma_semaphore, #tpu.memory_space<semaphore_mem>>) {add = true}
      %add3A_618 = arith.constant 1 : i32
      %add3A_619 = arith.addi %mul3A_601, %add3A_618 : i32
      %dma_wait3A_620 = arith.constant 0 : i32
      %dma_wait3A_621 = tpu.memref_slice %arg6[%add3A_619, %dma_wait3A_620] : memref<32x80xi32, #tpu.memory_space<vmem>> -> memref<1x80xi32, #tpu.memory_space<vmem>>
      %dma_wait3A_622 = tpu.memref_squeeze %dma_wait3A_621 : memref<1x80xi32, #tpu.memory_space<vmem>> -> memref<80xi32, #tpu.memory_space<vmem>>
      %dma_wait3A_623 = arith.constant 0 : i32
      %dma_wait3A_624 = arith.constant 0 : i32
      %dma_wait3A_625 = tpu.memref_slice %arg2[%dma_wait3A_623, %dma_wait3A_624] : memref<10016x128xf32, #tpu.memory_space<hbm>> -> memref<10016x128xf32, #tpu.memory_space<hbm>>
      tpu.wait_indirect_dma semaphore(%arg14 : memref<!tpu.dma_semaphore, #tpu.memory_space<semaphore_mem>>) src(%dma_wait3A_625 : memref<10016x128xf32, #tpu.memory_space<hbm>>) dst(%arg9 : memref<80x128xf32, #tpu.memory_space<vmem>>)
      %add3A_626 = arith.constant 1 : i32
      %add3A_627 = arith.addi %mul3A_601, %add3A_626 : i32
      %dma_start3A_628 = arith.constant 0 : i32
      %dma_start3A_629 = tpu.memref_slice %arg7[%add3A_627, %dma_start3A_628] : memref<32x80xi32, #tpu.memory_space<vmem>> -> memref<1x80xi32, #tpu.memory_space<vmem>>
      %dma_start3A_630 = tpu.memref_squeeze %dma_start3A_629 : memref<1x80xi32, #tpu.memory_space<vmem>> -> memref<80xi32, #tpu.memory_space<vmem>>
      %dma_start3A_631 = arith.constant 0 : i32
      %dma_start3A_632 = arith.constant 0 : i32
      %dma_start3A_633 = tpu.memref_slice %arg12[%dma_start3A_631, %dma_start3A_632] : memref<10240x128xf32, #tpu.memory_space<vmem_shared>> -> memref<10240x128xf32, #tpu.memory_space<vmem_shared>>
      tpu.enqueue_indirect_dma source(%arg9 : memref<80x128xf32, #tpu.memory_space<vmem>>) target(%dma_start3A_633 : memref<10240x128xf32, #tpu.memory_space<vmem_shared>>) offsets(%dma_start3A_630 : memref<80xi32, #tpu.memory_space<vmem>>) semaphore(%arg18 : memref<!tpu.dma_semaphore, #tpu.memory_space<semaphore_mem>>) {add = true}
      %add3A_634 = arith.constant 2 : i32
      %add3A_635 = arith.addi %mul3A_601, %add3A_634 : i32
      %dma_wait3A_636 = arith.constant 0 : i32
      %dma_wait3A_637 = tpu.memref_slice %arg6[%add3A_635, %dma_wait3A_636] : memref<32x80xi32, #tpu.memory_space<vmem>> -> memref<1x80xi32, #tpu.memory_space<vmem>>
      %dma_wait3A_638 = tpu.memref_squeeze %dma_wait3A_637 : memref<1x80xi32, #tpu.memory_space<vmem>> -> memref<80xi32, #tpu.memory_space<vmem>>
      %dma_wait3A_639 = arith.constant 0 : i32
      %dma_wait3A_640 = arith.constant 0 : i32
      %dma_wait3A_641 = tpu.memref_slice %arg2[%dma_wait3A_639, %dma_wait3A_640] : memref<10016x128xf32, #tpu.memory_space<hbm>> -> memref<10016x128xf32, #tpu.memory_space<hbm>>
      tpu.wait_indirect_dma semaphore(%arg15 : memref<!tpu.dma_semaphore, #tpu.memory_space<semaphore_mem>>) src(%dma_wait3A_641 : memref<10016x128xf32, #tpu.memory_space<hbm>>) dst(%arg10 : memref<80x128xf32, #tpu.memory_space<vmem>>)
      %add3A_642 = arith.constant 2 : i32
      %add3A_643 = arith.addi %mul3A_601, %add3A_642 : i32
      %dma_start3A_644 = arith.constant 0 : i32
      %dma_start3A_645 = tpu.memref_slice %arg7[%add3A_643, %dma_start3A_644] : memref<32x80xi32, #tpu.memory_space<vmem>> -> memref<1x80xi32, #tpu.memory_space<vmem>>
      %dma_start3A_646 = tpu.memref_squeeze %dma_start3A_645 : memref<1x80xi32, #tpu.memory_space<vmem>> -> memref<80xi32, #tpu.memory_space<vmem>>
      %dma_start3A_647 = arith.constant 0 : i32
      %dma_start3A_648 = arith.constant 0 : i32
      %dma_start3A_649 = tpu.memref_slice %arg12[%dma_start3A_647, %dma_start3A_648] : memref<10240x128xf32, #tpu.memory_space<vmem_shared>> -> memref<10240x128xf32, #tpu.memory_space<vmem_shared>>
      tpu.enqueue_indirect_dma source(%arg10 : memref<80x128xf32, #tpu.memory_space<vmem>>) target(%dma_start3A_649 : memref<10240x128xf32, #tpu.memory_space<vmem_shared>>) offsets(%dma_start3A_646 : memref<80xi32, #tpu.memory_space<vmem>>) semaphore(%arg19 : memref<!tpu.dma_semaphore, #tpu.memory_space<semaphore_mem>>) {add = true}
      %add3A_650 = arith.constant 3 : i32
      %add3A_651 = arith.addi %mul3A_601, %add3A_650 : i32
      %dma_wait3A_652 = arith.constant 0 : i32
      %dma_wait3A_653 = tpu.memref_slice %arg6[%add3A_651, %dma_wait3A_652] : memref<32x80xi32, #tpu.memory_space<vmem>> -> memref<1x80xi32, #tpu.memory_space<vmem>>
      %dma_wait3A_654 = tpu.memref_squeeze %dma_wait3A_653 : memref<1x80xi32, #tpu.memory_space<vmem>> -> memref<80xi32, #tpu.memory_space<vmem>>
      %dma_wait3A_655 = arith.constant 0 : i32
      %dma_wait3A_656 = arith.constant 0 : i32
      %dma_wait3A_657 = tpu.memref_slice %arg2[%dma_wait3A_655, %dma_wait3A_656] : memref<10016x128xf32, #tpu.memory_space<hbm>> -> memref<10016x128xf32, #tpu.memory_space<hbm>>
      tpu.wait_indirect_dma semaphore(%arg16 : memref<!tpu.dma_semaphore, #tpu.memory_space<semaphore_mem>>) src(%dma_wait3A_657 : memref<10016x128xf32, #tpu.memory_space<hbm>>) dst(%arg11 : memref<80x128xf32, #tpu.memory_space<vmem>>)
      %add3A_658 = arith.constant 3 : i32
      %add3A_659 = arith.addi %mul3A_601, %add3A_658 : i32
      %dma_start3A_660 = arith.constant 0 : i32
      %dma_start3A_661 = tpu.memref_slice %arg7[%add3A_659, %dma_start3A_660] : memref<32x80xi32, #tpu.memory_space<vmem>> -> memref<1x80xi32, #tpu.memory_space<vmem>>
      %dma_start3A_662 = tpu.memref_squeeze %dma_start3A_661 : memref<1x80xi32, #tpu.memory_space<vmem>> -> memref<80xi32, #tpu.memory_space<vmem>>
      %dma_start3A_663 = arith.constant 0 : i32
      %dma_start3A_664 = arith.constant 0 : i32
      %dma_start3A_665 = tpu.memref_slice %arg12[%dma_start3A_663, %dma_start3A_664] : memref<10240x128xf32, #tpu.memory_space<vmem_shared>> -> memref<10240x128xf32, #tpu.memory_space<vmem_shared>>
      tpu.enqueue_indirect_dma source(%arg11 : memref<80x128xf32, #tpu.memory_space<vmem>>) target(%dma_start3A_665 : memref<10240x128xf32, #tpu.memory_space<vmem_shared>>) offsets(%dma_start3A_662 : memref<80xi32, #tpu.memory_space<vmem>>) semaphore(%arg20 : memref<!tpu.dma_semaphore, #tpu.memory_space<semaphore_mem>>) {add = true}
      %add3A_666 = arith.constant 0 : i32
      %add3A_667 = arith.addi %mul3A_601, %add3A_666 : i32
      %dma_wait3A_668 = arith.constant 0 : i32
      %dma_wait3A_669 = tpu.memref_slice %arg7[%add3A_667, %dma_wait3A_668] : memref<32x80xi32, #tpu.memory_space<vmem>> -> memref<1x80xi32, #tpu.memory_space<vmem>>
      %dma_wait3A_670 = tpu.memref_squeeze %dma_wait3A_669 : memref<1x80xi32, #tpu.memory_space<vmem>> -> memref<80xi32, #tpu.memory_space<vmem>>
      %dma_wait3A_671 = arith.constant 0 : i32
      %dma_wait3A_672 = arith.constant 0 : i32
      %dma_wait3A_673 = tpu.memref_slice %arg12[%dma_wait3A_671, %dma_wait3A_672] : memref<10240x128xf32, #tpu.memory_space<vmem_shared>> -> memref<10240x128xf32, #tpu.memory_space<vmem_shared>>
      tpu.wait_indirect_dma semaphore(%arg17 : memref<!tpu.dma_semaphore, #tpu.memory_space<semaphore_mem>>) src(%arg8 : memref<80x128xf32, #tpu.memory_space<vmem>>) dst(%dma_wait3A_673 : memref<10240x128xf32, #tpu.memory_space<vmem_shared>>)
      %add3A_674 = arith.constant 4 : i32
      %add3A_675 = arith.addi %mul3A_601, %add3A_674 : i32
      %add3A_676 = arith.constant 0 : i32
      %add3A_677 = arith.addi %add3A_675, %add3A_676 : i32
      %dma_start3A_678 = arith.constant 0 : i32
      %dma_start3A_679 = tpu.memref_slice %arg6[%add3A_677, %dma_start3A_678] : memref<32x80xi32, #tpu.memory_space<vmem>> -> memref<1x80xi32, #tpu.memory_space<vmem>>
      %dma_start3A_680 = tpu.memref_squeeze %dma_start3A_679 : memref<1x80xi32, #tpu.memory_space<vmem>> -> memref<80xi32, #tpu.memory_space<vmem>>
      %dma_start3A_681 = arith.constant 0 : i32
      %dma_start3A_682 = arith.constant 0 : i32
      %dma_start3A_683 = tpu.memref_slice %arg2[%dma_start3A_681, %dma_start3A_682] : memref<10016x128xf32, #tpu.memory_space<hbm>> -> memref<10016x128xf32, #tpu.memory_space<hbm>>
      tpu.enqueue_indirect_dma source(%dma_start3A_683 : memref<10016x128xf32, #tpu.memory_space<hbm>>) target(%arg8 : memref<80x128xf32, #tpu.memory_space<vmem>>) offsets(%dma_start3A_680 : memref<80xi32, #tpu.memory_space<vmem>>) semaphore(%arg13 : memref<!tpu.dma_semaphore, #tpu.memory_space<semaphore_mem>>)
      %add3A_684 = arith.constant 1 : i32
      %add3A_685 = arith.addi %mul3A_601, %add3A_684 : i32
      %dma_wait3A_686 = arith.constant 0 : i32
      %dma_wait3A_687 = tpu.memref_slice %arg7[%add3A_685, %dma_wait3A_686] : memref<32x80xi32, #tpu.memory_space<vmem>> -> memref<1x80xi32, #tpu.memory_space<vmem>>
      %dma_wait3A_688 = tpu.memref_squeeze %dma_wait3A_687 : memref<1x80xi32, #tpu.memory_space<vmem>> -> memref<80xi32, #tpu.memory_space<vmem>>
      %dma_wait3A_689 = arith.constant 0 : i32
      %dma_wait3A_690 = arith.constant 0 : i32
      %dma_wait3A_691 = tpu.memref_slice %arg12[%dma_wait3A_689, %dma_wait3A_690] : memref<10240x128xf32, #tpu.memory_space<vmem_shared>> -> memref<10240x128xf32, #tpu.memory_space<vmem_shared>>
      tpu.wait_indirect_dma semaphore(%arg18 : memref<!tpu.dma_semaphore, #tpu.memory_space<semaphore_mem>>) src(%arg9 : memref<80x128xf32, #tpu.memory_space<vmem>>) dst(%dma_wait3A_691 : memref<10240x128xf32, #tpu.memory_space<vmem_shared>>)
      %add3A_692 = arith.constant 4 : i32
      %add3A_693 = arith.addi %mul3A_601, %add3A_692 : i32
      %add3A_694 = arith.constant 1 : i32
      %add3A_695 = arith.addi %add3A_693, %add3A_694 : i32
      %dma_start3A_696 = arith.constant 0 : i32
      %dma_start3A_697 = tpu.memref_slice %arg6[%add3A_695, %dma_start3A_696] : memref<32x80xi32, #tpu.memory_space<vmem>> -> memref<1x80xi32, #tpu.memory_space<vmem>>
      %dma_start3A_698 = tpu.memref_squeeze %dma_start3A_697 : memref<1x80xi32, #tpu.memory_space<vmem>> -> memref<80xi32, #tpu.memory_space<vmem>>
      %dma_start3A_699 = arith.constant 0 : i32
      %dma_start3A_700 = arith.constant 0 : i32
      %dma_start3A_701 = tpu.memref_slice %arg2[%dma_start3A_699, %dma_start3A_700] : memref<10016x128xf32, #tpu.memory_space<hbm>> -> memref<10016x128xf32, #tpu.memory_space<hbm>>
      tpu.enqueue_indirect_dma source(%dma_start3A_701 : memref<10016x128xf32, #tpu.memory_space<hbm>>) target(%arg9 : memref<80x128xf32, #tpu.memory_space<vmem>>) offsets(%dma_start3A_698 : memref<80xi32, #tpu.memory_space<vmem>>) semaphore(%arg14 : memref<!tpu.dma_semaphore, #tpu.memory_space<semaphore_mem>>)
      %add3A_702 = arith.constant 2 : i32
      %add3A_703 = arith.addi %mul3A_601, %add3A_702 : i32
      %dma_wait3A_704 = arith.constant 0 : i32
      %dma_wait3A_705 = tpu.memref_slice %arg7[%add3A_703, %dma_wait3A_704] : memref<32x80xi32, #tpu.memory_space<vmem>> -> memref<1x80xi32, #tpu.memory_space<vmem>>
      %dma_wait3A_706 = tpu.memref_squeeze %dma_wait3A_705 : memref<1x80xi32, #tpu.memory_space<vmem>> -> memref<80xi32, #tpu.memory_space<vmem>>
      %dma_wait3A_707 = arith.constant 0 : i32
      %dma_wait3A_708 = arith.constant 0 : i32
      %dma_wait3A_709 = tpu.memref_slice %arg12[%dma_wait3A_707, %dma_wait3A_708] : memref<10240x128xf32, #tpu.memory_space<vmem_shared>> -> memref<10240x128xf32, #tpu.memory_space<vmem_shared>>
      tpu.wait_indirect_dma semaphore(%arg19 : memref<!tpu.dma_semaphore, #tpu.memory_space<semaphore_mem>>) src(%arg10 : memref<80x128xf32, #tpu.memory_space<vmem>>) dst(%dma_wait3A_709 : memref<10240x128xf32, #tpu.memory_space<vmem_shared>>)
      %add3A_710 = arith.constant 4 : i32
      %add3A_711 = arith.addi %mul3A_601, %add3A_710 : i32
      %add3A_712 = arith.constant 2 : i32
      %add3A_713 = arith.addi %add3A_711, %add3A_712 : i32
      %dma_start3A_714 = arith.constant 0 : i32
      %dma_start3A_715 = tpu.memref_slice %arg6[%add3A_713, %dma_start3A_714] : memref<32x80xi32, #tpu.memory_space<vmem>> -> memref<1x80xi32, #tpu.memory_space<vmem>>
      %dma_start3A_716 = tpu.memref_squeeze %dma_start3A_715 : memref<1x80xi32, #tpu.memory_space<vmem>> -> memref<80xi32, #tpu.memory_space<vmem>>
      %dma_start3A_717 = arith.constant 0 : i32
      %dma_start3A_718 = arith.constant 0 : i32
      %dma_start3A_719 = tpu.memref_slice %arg2[%dma_start3A_717, %dma_start3A_718] : memref<10016x128xf32, #tpu.memory_space<hbm>> -> memref<10016x128xf32, #tpu.memory_space<hbm>>
      tpu.enqueue_indirect_dma source(%dma_start3A_719 : memref<10016x128xf32, #tpu.memory_space<hbm>>) target(%arg10 : memref<80x128xf32, #tpu.memory_space<vmem>>) offsets(%dma_start3A_716 : memref<80xi32, #tpu.memory_space<vmem>>) semaphore(%arg15 : memref<!tpu.dma_semaphore, #tpu.memory_space<semaphore_mem>>)
      %add3A_720 = arith.constant 3 : i32
      %add3A_721 = arith.addi %mul3A_601, %add3A_720 : i32
      %dma_wait3A_722 = arith.constant 0 : i32
      %dma_wait3A_723 = tpu.memref_slice %arg7[%add3A_721, %dma_wait3A_722] : memref<32x80xi32, #tpu.memory_space<vmem>> -> memref<1x80xi32, #tpu.memory_space<vmem>>
      %dma_wait3A_724 = tpu.memref_squeeze %dma_wait3A_723 : memref<1x80xi32, #tpu.memory_space<vmem>> -> memref<80xi32, #tpu.memory_space<vmem>>
      %dma_wait3A_725 = arith.constant 0 : i32
      %dma_wait3A_726 = arith.constant 0 : i32
      %dma_wait3A_727 = tpu.memref_slice %arg12[%dma_wait3A_725, %dma_wait3A_726] : memref<10240x128xf32, #tpu.memory_space<vmem_shared>> -> memref<10240x128xf32, #tpu.memory_space<vmem_shared>>
      tpu.wait_indirect_dma semaphore(%arg20 : memref<!tpu.dma_semaphore, #tpu.memory_space<semaphore_mem>>) src(%arg11 : memref<80x128xf32, #tpu.memory_space<vmem>>) dst(%dma_wait3A_727 : memref<10240x128xf32, #tpu.memory_space<vmem_shared>>)
      %add3A_728 = arith.constant 4 : i32
      %add3A_729 = arith.addi %mul3A_601, %add3A_728 : i32
      %add3A_730 = arith.constant 3 : i32
      %add3A_731 = arith.addi %add3A_729, %add3A_730 : i32
      %dma_start3A_732 = arith.constant 0 : i32
      %dma_start3A_733 = tpu.memref_slice %arg6[%add3A_731, %dma_start3A_732] : memref<32x80xi32, #tpu.memory_space<vmem>> -> memref<1x80xi32, #tpu.memory_space<vmem>>
      %dma_start3A_734 = tpu.memref_squeeze %dma_start3A_733 : memref<1x80xi32, #tpu.memory_space<vmem>> -> memref<80xi32, #tpu.memory_space<vmem>>
      %dma_start3A_735 = arith.constant 0 : i32
      %dma_start3A_736 = arith.constant 0 : i32
      %dma_start3A_737 = tpu.memref_slice %arg2[%dma_start3A_735, %dma_start3A_736] : memref<10016x128xf32, #tpu.memory_space<hbm>> -> memref<10016x128xf32, #tpu.memory_space<hbm>>
      tpu.enqueue_indirect_dma source(%dma_start3A_737 : memref<10016x128xf32, #tpu.memory_space<hbm>>) target(%arg11 : memref<80x128xf32, #tpu.memory_space<vmem>>) offsets(%dma_start3A_734 : memref<80xi32, #tpu.memory_space<vmem>>) semaphore(%arg16 : memref<!tpu.dma_semaphore, #tpu.memory_space<semaphore_mem>>)
      %scan3A_738 = arith.constant 0 : i32
      scf.yield %scan3A_738 : i32
    }
    %scan3A_270 = arith.constant 7 : i32
    %dma_wait3A_271 = arith.constant 28 : i32
    %dma_wait3A_272 = arith.constant 0 : i32
    %dma_wait3A_273 = tpu.memref_slice %arg6[%dma_wait3A_271, %dma_wait3A_272] : memref<32x80xi32, #tpu.memory_space<vmem>> -> memref<1x80xi32, #tpu.memory_space<vmem>>
    %dma_wait3A_274 = tpu.memref_squeeze %dma_wait3A_273 : memref<1x80xi32, #tpu.memory_space<vmem>> -> memref<80xi32, #tpu.memory_space<vmem>>
    %dma_wait3A_275 = arith.constant 0 : i32
    %dma_wait3A_276 = arith.constant 0 : i32
    %dma_wait3A_277 = tpu.memref_slice %arg2[%dma_wait3A_275, %dma_wait3A_276] : memref<10016x128xf32, #tpu.memory_space<hbm>> -> memref<10016x128xf32, #tpu.memory_space<hbm>>
    tpu.wait_indirect_dma semaphore(%arg13 : memref<!tpu.dma_semaphore, #tpu.memory_space<semaphore_mem>>) src(%dma_wait3A_277 : memref<10016x128xf32, #tpu.memory_space<hbm>>) dst(%arg8 : memref<80x128xf32, #tpu.memory_space<vmem>>)
    %dma_start3A_278 = arith.constant 28 : i32
    %dma_start3A_279 = arith.constant 0 : i32
    %dma_start3A_280 = tpu.memref_slice %arg7[%dma_start3A_278, %dma_start3A_279] : memref<32x80xi32, #tpu.memory_space<vmem>> -> memref<1x80xi32, #tpu.memory_space<vmem>>
    %dma_start3A_281 = tpu.memref_squeeze %dma_start3A_280 : memref<1x80xi32, #tpu.memory_space<vmem>> -> memref<80xi32, #tpu.memory_space<vmem>>
    %dma_start3A_282 = arith.constant 0 : i32
    %dma_start3A_283 = arith.constant 0 : i32
    %dma_start3A_284 = tpu.memref_slice %arg12[%dma_start3A_282, %dma_start3A_283] : memref<10240x128xf32, #tpu.memory_space<vmem_shared>> -> memref<10240x128xf32, #tpu.memory_space<vmem_shared>>
    tpu.enqueue_indirect_dma source(%arg8 : memref<80x128xf32, #tpu.memory_space<vmem>>) target(%dma_start3A_284 : memref<10240x128xf32, #tpu.memory_space<vmem_shared>>) offsets(%dma_start3A_281 : memref<80xi32, #tpu.memory_space<vmem>>) semaphore(%arg17 : memref<!tpu.dma_semaphore, #tpu.memory_space<semaphore_mem>>) {add = true}
    %dma_wait3A_285 = arith.constant 29 : i32
    %dma_wait3A_286 = arith.constant 0 : i32
    %dma_wait3A_287 = tpu.memref_slice %arg6[%dma_wait3A_285, %dma_wait3A_286] : memref<32x80xi32, #tpu.memory_space<vmem>> -> memref<1x80xi32, #tpu.memory_space<vmem>>
    %dma_wait3A_288 = tpu.memref_squeeze %dma_wait3A_287 : memref<1x80xi32, #tpu.memory_space<vmem>> -> memref<80xi32, #tpu.memory_space<vmem>>
    %dma_wait3A_289 = arith.constant 0 : i32
    %dma_wait3A_290 = arith.constant 0 : i32
    %dma_wait3A_291 = tpu.memref_slice %arg2[%dma_wait3A_289, %dma_wait3A_290] : memref<10016x128xf32, #tpu.memory_space<hbm>> -> memref<10016x128xf32, #tpu.memory_space<hbm>>
    tpu.wait_indirect_dma semaphore(%arg14 : memref<!tpu.dma_semaphore, #tpu.memory_space<semaphore_mem>>) src(%dma_wait3A_291 : memref<10016x128xf32, #tpu.memory_space<hbm>>) dst(%arg9 : memref<80x128xf32, #tpu.memory_space<vmem>>)
    %dma_start3A_292 = arith.constant 29 : i32
    %dma_start3A_293 = arith.constant 0 : i32
    %dma_start3A_294 = tpu.memref_slice %arg7[%dma_start3A_292, %dma_start3A_293] : memref<32x80xi32, #tpu.memory_space<vmem>> -> memref<1x80xi32, #tpu.memory_space<vmem>>
    %dma_start3A_295 = tpu.memref_squeeze %dma_start3A_294 : memref<1x80xi32, #tpu.memory_space<vmem>> -> memref<80xi32, #tpu.memory_space<vmem>>
    %dma_start3A_296 = arith.constant 0 : i32
    %dma_start3A_297 = arith.constant 0 : i32
    %dma_start3A_298 = tpu.memref_slice %arg12[%dma_start3A_296, %dma_start3A_297] : memref<10240x128xf32, #tpu.memory_space<vmem_shared>> -> memref<10240x128xf32, #tpu.memory_space<vmem_shared>>
    tpu.enqueue_indirect_dma source(%arg9 : memref<80x128xf32, #tpu.memory_space<vmem>>) target(%dma_start3A_298 : memref<10240x128xf32, #tpu.memory_space<vmem_shared>>) offsets(%dma_start3A_295 : memref<80xi32, #tpu.memory_space<vmem>>) semaphore(%arg18 : memref<!tpu.dma_semaphore, #tpu.memory_space<semaphore_mem>>) {add = true}
    %dma_wait3A_299 = arith.constant 30 : i32
    %dma_wait3A_300 = arith.constant 0 : i32
    %dma_wait3A_301 = tpu.memref_slice %arg6[%dma_wait3A_299, %dma_wait3A_300] : memref<32x80xi32, #tpu.memory_space<vmem>> -> memref<1x80xi32, #tpu.memory_space<vmem>>
    %dma_wait3A_302 = tpu.memref_squeeze %dma_wait3A_301 : memref<1x80xi32, #tpu.memory_space<vmem>> -> memref<80xi32, #tpu.memory_space<vmem>>
    %dma_wait3A_303 = arith.constant 0 : i32
    %dma_wait3A_304 = arith.constant 0 : i32
    %dma_wait3A_305 = tpu.memref_slice %arg2[%dma_wait3A_303, %dma_wait3A_304] : memref<10016x128xf32, #tpu.memory_space<hbm>> -> memref<10016x128xf32, #tpu.memory_space<hbm>>
    tpu.wait_indirect_dma semaphore(%arg15 : memref<!tpu.dma_semaphore, #tpu.memory_space<semaphore_mem>>) src(%dma_wait3A_305 : memref<10016x128xf32, #tpu.memory_space<hbm>>) dst(%arg10 : memref<80x128xf32, #tpu.memory_space<vmem>>)
    %dma_start3A_306 = arith.constant 30 : i32
    %dma_start3A_307 = arith.constant 0 : i32
    %dma_start3A_308 = tpu.memref_slice %arg7[%dma_start3A_306, %dma_start3A_307] : memref<32x80xi32, #tpu.memory_space<vmem>> -> memref<1x80xi32, #tpu.memory_space<vmem>>
    %dma_start3A_309 = tpu.memref_squeeze %dma_start3A_308 : memref<1x80xi32, #tpu.memory_space<vmem>> -> memref<80xi32, #tpu.memory_space<vmem>>
    %dma_start3A_310 = arith.constant 0 : i32
    %dma_start3A_311 = arith.constant 0 : i32
    %dma_start3A_312 = tpu.memref_slice %arg12[%dma_start3A_310, %dma_start3A_311] : memref<10240x128xf32, #tpu.memory_space<vmem_shared>> -> memref<10240x128xf32, #tpu.memory_space<vmem_shared>>
    tpu.enqueue_indirect_dma source(%arg10 : memref<80x128xf32, #tpu.memory_space<vmem>>) target(%dma_start3A_312 : memref<10240x128xf32, #tpu.memory_space<vmem_shared>>) offsets(%dma_start3A_309 : memref<80xi32, #tpu.memory_space<vmem>>) semaphore(%arg19 : memref<!tpu.dma_semaphore, #tpu.memory_space<semaphore_mem>>) {add = true}
    %dma_wait3A_313 = arith.constant 31 : i32
    %dma_wait3A_314 = arith.constant 0 : i32
    %dma_wait3A_315 = tpu.memref_slice %arg6[%dma_wait3A_313, %dma_wait3A_314] : memref<32x80xi32, #tpu.memory_space<vmem>> -> memref<1x80xi32, #tpu.memory_space<vmem>>
    %dma_wait3A_316 = tpu.memref_squeeze %dma_wait3A_315 : memref<1x80xi32, #tpu.memory_space<vmem>> -> memref<80xi32, #tpu.memory_space<vmem>>
    %dma_wait3A_317 = arith.constant 0 : i32
    %dma_wait3A_318 = arith.constant 0 : i32
    %dma_wait3A_319 = tpu.memref_slice %arg2[%dma_wait3A_317, %dma_wait3A_318] : memref<10016x128xf32, #tpu.memory_space<hbm>> -> memref<10016x128xf32, #tpu.memory_space<hbm>>
    tpu.wait_indirect_dma semaphore(%arg16 : memref<!tpu.dma_semaphore, #tpu.memory_space<semaphore_mem>>) src(%dma_wait3A_319 : memref<10016x128xf32, #tpu.memory_space<hbm>>) dst(%arg11 : memref<80x128xf32, #tpu.memory_space<vmem>>)
    %dma_start3A_320 = arith.constant 31 : i32
    %dma_start3A_321 = arith.constant 0 : i32
    %dma_start3A_322 = tpu.memref_slice %arg7[%dma_start3A_320, %dma_start3A_321] : memref<32x80xi32, #tpu.memory_space<vmem>> -> memref<1x80xi32, #tpu.memory_space<vmem>>
    %dma_start3A_323 = tpu.memref_squeeze %dma_start3A_322 : memref<1x80xi32, #tpu.memory_space<vmem>> -> memref<80xi32, #tpu.memory_space<vmem>>
    %dma_start3A_324 = arith.constant 0 : i32
    %dma_start3A_325 = arith.constant 0 : i32
    %dma_start3A_326 = tpu.memref_slice %arg12[%dma_start3A_324, %dma_start3A_325] : memref<10240x128xf32, #tpu.memory_space<vmem_shared>> -> memref<10240x128xf32, #tpu.memory_space<vmem_shared>>
    tpu.enqueue_indirect_dma source(%arg11 : memref<80x128xf32, #tpu.memory_space<vmem>>) target(%dma_start3A_326 : memref<10240x128xf32, #tpu.memory_space<vmem_shared>>) offsets(%dma_start3A_323 : memref<80xi32, #tpu.memory_space<vmem>>) semaphore(%arg20 : memref<!tpu.dma_semaphore, #tpu.memory_space<semaphore_mem>>) {add = true}
    %dma_wait3A_327 = arith.constant 28 : i32
    %dma_wait3A_328 = arith.constant 0 : i32
    %dma_wait3A_329 = tpu.memref_slice %arg7[%dma_wait3A_327, %dma_wait3A_328] : memref<32x80xi32, #tpu.memory_space<vmem>> -> memref<1x80xi32, #tpu.memory_space<vmem>>
    %dma_wait3A_330 = tpu.memref_squeeze %dma_wait3A_329 : memref<1x80xi32, #tpu.memory_space<vmem>> -> memref<80xi32, #tpu.memory_space<vmem>>
    %dma_wait3A_331 = arith.constant 0 : i32
    %dma_wait3A_332 = arith.constant 0 : i32
    %dma_wait3A_333 = tpu.memref_slice %arg12[%dma_wait3A_331, %dma_wait3A_332] : memref<10240x128xf32, #tpu.memory_space<vmem_shared>> -> memref<10240x128xf32, #tpu.memory_space<vmem_shared>>
    tpu.wait_indirect_dma semaphore(%arg17 : memref<!tpu.dma_semaphore, #tpu.memory_space<semaphore_mem>>) src(%arg8 : memref<80x128xf32, #tpu.memory_space<vmem>>) dst(%dma_wait3A_333 : memref<10240x128xf32, #tpu.memory_space<vmem_shared>>)
    %dma_wait3A_334 = arith.constant 29 : i32
    %dma_wait3A_335 = arith.constant 0 : i32
    %dma_wait3A_336 = tpu.memref_slice %arg7[%dma_wait3A_334, %dma_wait3A_335] : memref<32x80xi32, #tpu.memory_space<vmem>> -> memref<1x80xi32, #tpu.memory_space<vmem>>
    %dma_wait3A_337 = tpu.memref_squeeze %dma_wait3A_336 : memref<1x80xi32, #tpu.memory_space<vmem>> -> memref<80xi32, #tpu.memory_space<vmem>>
    %dma_wait3A_338 = arith.constant 0 : i32
    %dma_wait3A_339 = arith.constant 0 : i32
    %dma_wait3A_340 = tpu.memref_slice %arg12[%dma_wait3A_338, %dma_wait3A_339] : memref<10240x128xf32, #tpu.memory_space<vmem_shared>> -> memref<10240x128xf32, #tpu.memory_space<vmem_shared>>
    tpu.wait_indirect_dma semaphore(%arg18 : memref<!tpu.dma_semaphore, #tpu.memory_space<semaphore_mem>>) src(%arg9 : memref<80x128xf32, #tpu.memory_space<vmem>>) dst(%dma_wait3A_340 : memref<10240x128xf32, #tpu.memory_space<vmem_shared>>)
    %dma_wait3A_341 = arith.constant 30 : i32
    %dma_wait3A_342 = arith.constant 0 : i32
    %dma_wait3A_343 = tpu.memref_slice %arg7[%dma_wait3A_341, %dma_wait3A_342] : memref<32x80xi32, #tpu.memory_space<vmem>> -> memref<1x80xi32, #tpu.memory_space<vmem>>
    %dma_wait3A_344 = tpu.memref_squeeze %dma_wait3A_343 : memref<1x80xi32, #tpu.memory_space<vmem>> -> memref<80xi32, #tpu.memory_space<vmem>>
    %dma_wait3A_345 = arith.constant 0 : i32
    %dma_wait3A_346 = arith.constant 0 : i32
    %dma_wait3A_347 = tpu.memref_slice %arg12[%dma_wait3A_345, %dma_wait3A_346] : memref<10240x128xf32, #tpu.memory_space<vmem_shared>> -> memref<10240x128xf32, #tpu.memory_space<vmem_shared>>
    tpu.wait_indirect_dma semaphore(%arg19 : memref<!tpu.dma_semaphore, #tpu.memory_space<semaphore_mem>>) src(%arg10 : memref<80x128xf32, #tpu.memory_space<vmem>>) dst(%dma_wait3A_347 : memref<10240x128xf32, #tpu.memory_space<vmem_shared>>)
    %dma_wait3A_348 = arith.constant 31 : i32
    %dma_wait3A_349 = arith.constant 0 : i32
    %dma_wait3A_350 = tpu.memref_slice %arg7[%dma_wait3A_348, %dma_wait3A_349] : memref<32x80xi32, #tpu.memory_space<vmem>> -> memref<1x80xi32, #tpu.memory_space<vmem>>
    %dma_wait3A_351 = tpu.memref_squeeze %dma_wait3A_350 : memref<1x80xi32, #tpu.memory_space<vmem>> -> memref<80xi32, #tpu.memory_space<vmem>>
    %dma_wait3A_352 = arith.constant 0 : i32
    %dma_wait3A_353 = arith.constant 0 : i32
    %dma_wait3A_354 = tpu.memref_slice %arg12[%dma_wait3A_352, %dma_wait3A_353] : memref<10240x128xf32, #tpu.memory_space<vmem_shared>> -> memref<10240x128xf32, #tpu.memory_space<vmem_shared>>
    tpu.wait_indirect_dma semaphore(%arg20 : memref<!tpu.dma_semaphore, #tpu.memory_space<semaphore_mem>>) src(%arg11 : memref<80x128xf32, #tpu.memory_space<vmem>>) dst(%dma_wait3A_354 : memref<10240x128xf32, #tpu.memory_space<vmem_shared>>)
    "tpu.region"() ({
      %run_scoped3A = tpu.sem_alloc : memref<!tpu.dma_semaphore, #tpu.memory_space<semaphore_mem>>
      %dma_start3A_598 = arith.constant 64 : i32
      %dma_start3A_599 = arith.constant 0 : i32
      %dma_start3A_600 = tpu.memref_slice %arg3[%add3A, %dma_start3A_598, %dma_start3A_599] : memref<32x128x80xi32, #tpu.memory_space<hbm>> -> memref<1x32x80xi32, #tpu.memory_space<hbm>>
      %dma_start3A_601 = tpu.memref_squeeze %dma_start3A_600 : memref<1x32x80xi32, #tpu.memory_space<hbm>> -> memref<32x80xi32, #tpu.memory_space<hbm>>
      %dma_start3A_602 = arith.constant 64 : i32
      %dma_start3A_603 = arith.constant 0 : i32
      %dma_start3A_604 = tpu.memref_slice %arg3[%add3A, %dma_start3A_602, %dma_start3A_603] : memref<32x128x80xi32, #tpu.memory_space<hbm>> -> memref<1x32x80xi32, #tpu.memory_space<hbm>>
      %dma_start3A_605 = tpu.memref_squeeze %dma_start3A_604 : memref<1x32x80xi32, #tpu.memory_space<hbm>> -> memref<32x80xi32, #tpu.memory_space<hbm>>
      tpu.enqueue_dma source(%dma_start3A_605 : memref<32x80xi32, #tpu.memory_space<hbm>>) target(%arg6 : memref<32x80xi32, #tpu.memory_space<vmem>>) target_semaphore(%run_scoped3A : memref<!tpu.dma_semaphore, #tpu.memory_space<semaphore_mem>>)
      %dma_wait3A_606 = arith.constant 64 : i32
      %dma_wait3A_607 = arith.constant 0 : i32
      %dma_wait3A_608 = tpu.memref_slice %arg3[%add3A, %dma_wait3A_606, %dma_wait3A_607] : memref<32x128x80xi32, #tpu.memory_space<hbm>> -> memref<1x32x80xi32, #tpu.memory_space<hbm>>
      %dma_wait3A_609 = tpu.memref_squeeze %dma_wait3A_608 : memref<1x32x80xi32, #tpu.memory_space<hbm>> -> memref<32x80xi32, #tpu.memory_space<hbm>>
      %dma_wait3A_610 = arith.constant 64 : i32
      %dma_wait3A_611 = arith.constant 0 : i32
      %dma_wait3A_612 = tpu.memref_slice %arg3[%add3A, %dma_wait3A_610, %dma_wait3A_611] : memref<32x128x80xi32, #tpu.memory_space<hbm>> -> memref<1x32x80xi32, #tpu.memory_space<hbm>>
      %dma_wait3A_613 = tpu.memref_squeeze %dma_wait3A_612 : memref<1x32x80xi32, #tpu.memory_space<hbm>> -> memref<32x80xi32, #tpu.memory_space<hbm>>
      tpu.wait_dma2 semaphore(%run_scoped3A : memref<!tpu.dma_semaphore, #tpu.memory_space<semaphore_mem>>) src(%dma_wait3A_613 : memref<32x80xi32, #tpu.memory_space<hbm>>) dst(%arg6 : memref<32x80xi32, #tpu.memory_space<vmem>>)
      tpu.yield
    }) : () -> ()
    "tpu.region"() ({
      %run_scoped3A = tpu.sem_alloc : memref<!tpu.dma_semaphore, #tpu.memory_space<semaphore_mem>>
      %dma_start3A_598 = arith.constant 64 : i32
      %dma_start3A_599 = arith.constant 0 : i32
      %dma_start3A_600 = tpu.memref_slice %arg4[%add3A, %dma_start3A_598, %dma_start3A_599] : memref<32x128x80xi32, #tpu.memory_space<hbm>> -> memref<1x32x80xi32, #tpu.memory_space<hbm>>
      %dma_start3A_601 = tpu.memref_squeeze %dma_start3A_600 : memref<1x32x80xi32, #tpu.memory_space<hbm>> -> memref<32x80xi32, #tpu.memory_space<hbm>>
      %dma_start3A_602 = arith.constant 64 : i32
      %dma_start3A_603 = arith.constant 0 : i32
      %dma_start3A_604 = tpu.memref_slice %arg4[%add3A, %dma_start3A_602, %dma_start3A_603] : memref<32x128x80xi32, #tpu.memory_space<hbm>> -> memref<1x32x80xi32, #tpu.memory_space<hbm>>
      %dma_start3A_605 = tpu.memref_squeeze %dma_start3A_604 : memref<1x32x80xi32, #tpu.memory_space<hbm>> -> memref<32x80xi32, #tpu.memory_space<hbm>>
      tpu.enqueue_dma source(%dma_start3A_605 : memref<32x80xi32, #tpu.memory_space<hbm>>) target(%arg7 : memref<32x80xi32, #tpu.memory_space<vmem>>) target_semaphore(%run_scoped3A : memref<!tpu.dma_semaphore, #tpu.memory_space<semaphore_mem>>)
      %dma_wait3A_606 = arith.constant 64 : i32
      %dma_wait3A_607 = arith.constant 0 : i32
      %dma_wait3A_608 = tpu.memref_slice %arg4[%add3A, %dma_wait3A_606, %dma_wait3A_607] : memref<32x128x80xi32, #tpu.memory_space<hbm>> -> memref<1x32x80xi32, #tpu.memory_space<hbm>>
      %dma_wait3A_609 = tpu.memref_squeeze %dma_wait3A_608 : memref<1x32x80xi32, #tpu.memory_space<hbm>> -> memref<32x80xi32, #tpu.memory_space<hbm>>
      %dma_wait3A_610 = arith.constant 64 : i32
      %dma_wait3A_611 = arith.constant 0 : i32
      %dma_wait3A_612 = tpu.memref_slice %arg4[%add3A, %dma_wait3A_610, %dma_wait3A_611] : memref<32x128x80xi32, #tpu.memory_space<hbm>> -> memref<1x32x80xi32, #tpu.memory_space<hbm>>
      %dma_wait3A_613 = tpu.memref_squeeze %dma_wait3A_612 : memref<1x32x80xi32, #tpu.memory_space<hbm>> -> memref<32x80xi32, #tpu.memory_space<hbm>>
      tpu.wait_dma2 semaphore(%run_scoped3A : memref<!tpu.dma_semaphore, #tpu.memory_space<semaphore_mem>>) src(%dma_wait3A_613 : memref<32x80xi32, #tpu.memory_space<hbm>>) dst(%arg7 : memref<32x80xi32, #tpu.memory_space<vmem>>)
      tpu.yield
    }) : () -> ()
    %dma_start3A_355 = arith.constant 0 : i32
    %dma_start3A_356 = arith.constant 0 : i32
    %dma_start3A_357 = tpu.memref_slice %arg6[%dma_start3A_355, %dma_start3A_356] : memref<32x80xi32, #tpu.memory_space<vmem>> -> memref<1x80xi32, #tpu.memory_space<vmem>>
    %dma_start3A_358 = tpu.memref_squeeze %dma_start3A_357 : memref<1x80xi32, #tpu.memory_space<vmem>> -> memref<80xi32, #tpu.memory_space<vmem>>
    %dma_start3A_359 = arith.constant 0 : i32
    %dma_start3A_360 = arith.constant 0 : i32
    %dma_start3A_361 = tpu.memref_slice %arg2[%dma_start3A_359, %dma_start3A_360] : memref<10016x128xf32, #tpu.memory_space<hbm>> -> memref<10016x128xf32, #tpu.memory_space<hbm>>
    tpu.enqueue_indirect_dma source(%dma_start3A_361 : memref<10016x128xf32, #tpu.memory_space<hbm>>) target(%arg8 : memref<80x128xf32, #tpu.memory_space<vmem>>) offsets(%dma_start3A_358 : memref<80xi32, #tpu.memory_space<vmem>>) semaphore(%arg13 : memref<!tpu.dma_semaphore, #tpu.memory_space<semaphore_mem>>)
    %dma_start3A_362 = arith.constant 1 : i32
    %dma_start3A_363 = arith.constant 0 : i32
    %dma_start3A_364 = tpu.memref_slice %arg6[%dma_start3A_362, %dma_start3A_363] : memref<32x80xi32, #tpu.memory_space<vmem>> -> memref<1x80xi32, #tpu.memory_space<vmem>>
    %dma_start3A_365 = tpu.memref_squeeze %dma_start3A_364 : memref<1x80xi32, #tpu.memory_space<vmem>> -> memref<80xi32, #tpu.memory_space<vmem>>
    %dma_start3A_366 = arith.constant 0 : i32
    %dma_start3A_367 = arith.constant 0 : i32
    %dma_start3A_368 = tpu.memref_slice %arg2[%dma_start3A_366, %dma_start3A_367] : memref<10016x128xf32, #tpu.memory_space<hbm>> -> memref<10016x128xf32, #tpu.memory_space<hbm>>
    tpu.enqueue_indirect_dma source(%dma_start3A_368 : memref<10016x128xf32, #tpu.memory_space<hbm>>) target(%arg9 : memref<80x128xf32, #tpu.memory_space<vmem>>) offsets(%dma_start3A_365 : memref<80xi32, #tpu.memory_space<vmem>>) semaphore(%arg14 : memref<!tpu.dma_semaphore, #tpu.memory_space<semaphore_mem>>)
    %dma_start3A_369 = arith.constant 2 : i32
    %dma_start3A_370 = arith.constant 0 : i32
    %dma_start3A_371 = tpu.memref_slice %arg6[%dma_start3A_369, %dma_start3A_370] : memref<32x80xi32, #tpu.memory_space<vmem>> -> memref<1x80xi32, #tpu.memory_space<vmem>>
    %dma_start3A_372 = tpu.memref_squeeze %dma_start3A_371 : memref<1x80xi32, #tpu.memory_space<vmem>> -> memref<80xi32, #tpu.memory_space<vmem>>
    %dma_start3A_373 = arith.constant 0 : i32
    %dma_start3A_374 = arith.constant 0 : i32
    %dma_start3A_375 = tpu.memref_slice %arg2[%dma_start3A_373, %dma_start3A_374] : memref<10016x128xf32, #tpu.memory_space<hbm>> -> memref<10016x128xf32, #tpu.memory_space<hbm>>
    tpu.enqueue_indirect_dma source(%dma_start3A_375 : memref<10016x128xf32, #tpu.memory_space<hbm>>) target(%arg10 : memref<80x128xf32, #tpu.memory_space<vmem>>) offsets(%dma_start3A_372 : memref<80xi32, #tpu.memory_space<vmem>>) semaphore(%arg15 : memref<!tpu.dma_semaphore, #tpu.memory_space<semaphore_mem>>)
    %dma_start3A_376 = arith.constant 3 : i32
    %dma_start3A_377 = arith.constant 0 : i32
    %dma_start3A_378 = tpu.memref_slice %arg6[%dma_start3A_376, %dma_start3A_377] : memref<32x80xi32, #tpu.memory_space<vmem>> -> memref<1x80xi32, #tpu.memory_space<vmem>>
    %dma_start3A_379 = tpu.memref_squeeze %dma_start3A_378 : memref<1x80xi32, #tpu.memory_space<vmem>> -> memref<80xi32, #tpu.memory_space<vmem>>
    %dma_start3A_380 = arith.constant 0 : i32
    %dma_start3A_381 = arith.constant 0 : i32
    %dma_start3A_382 = tpu.memref_slice %arg2[%dma_start3A_380, %dma_start3A_381] : memref<10016x128xf32, #tpu.memory_space<hbm>> -> memref<10016x128xf32, #tpu.memory_space<hbm>>
    tpu.enqueue_indirect_dma source(%dma_start3A_382 : memref<10016x128xf32, #tpu.memory_space<hbm>>) target(%arg11 : memref<80x128xf32, #tpu.memory_space<vmem>>) offsets(%dma_start3A_379 : memref<80xi32, #tpu.memory_space<vmem>>) semaphore(%arg16 : memref<!tpu.dma_semaphore, #tpu.memory_space<semaphore_mem>>)
    %scan3A_383 = arith.constant 0 : i32
    %scan3A_384 = arith.constant 0 : i32
    %scan3A_385 = arith.constant 7 : i32
    %scan3A_386 = arith.addi %scan3A_384, %scan3A_385 : i32
    %scan3A_387 = arith.constant 1 : i32
    %scan3A_388 = scf.for %scan3A_598 = %scan3A_384 to %scan3A_386 step %scan3A_387 iter_args(%scan3A_599 = %scan3A_383) -> (i32)  : i32 {
      %mul3A_600 = arith.constant 4 : i32
      %mul3A_601 = arith.muli %scan3A_598, %mul3A_600 : i32
      %add3A_602 = arith.constant 0 : i32
      %add3A_603 = arith.addi %mul3A_601, %add3A_602 : i32
      %dma_wait3A_604 = arith.constant 0 : i32
      %dma_wait3A_605 = tpu.memref_slice %arg6[%add3A_603, %dma_wait3A_604] : memref<32x80xi32, #tpu.memory_space<vmem>> -> memref<1x80xi32, #tpu.memory_space<vmem>>
      %dma_wait3A_606 = tpu.memref_squeeze %dma_wait3A_605 : memref<1x80xi32, #tpu.memory_space<vmem>> -> memref<80xi32, #tpu.memory_space<vmem>>
      %dma_wait3A_607 = arith.constant 0 : i32
      %dma_wait3A_608 = arith.constant 0 : i32
      %dma_wait3A_609 = tpu.memref_slice %arg2[%dma_wait3A_607, %dma_wait3A_608] : memref<10016x128xf32, #tpu.memory_space<hbm>> -> memref<10016x128xf32, #tpu.memory_space<hbm>>
      tpu.wait_indirect_dma semaphore(%arg13 : memref<!tpu.dma_semaphore, #tpu.memory_space<semaphore_mem>>) src(%dma_wait3A_609 : memref<10016x128xf32, #tpu.memory_space<hbm>>) dst(%arg8 : memref<80x128xf32, #tpu.memory_space<vmem>>)
      %add3A_610 = arith.constant 0 : i32
      %add3A_611 = arith.addi %mul3A_601, %add3A_610 : i32
      %dma_start3A_612 = arith.constant 0 : i32
      %dma_start3A_613 = tpu.memref_slice %arg7[%add3A_611, %dma_start3A_612] : memref<32x80xi32, #tpu.memory_space<vmem>> -> memref<1x80xi32, #tpu.memory_space<vmem>>
      %dma_start3A_614 = tpu.memref_squeeze %dma_start3A_613 : memref<1x80xi32, #tpu.memory_space<vmem>> -> memref<80xi32, #tpu.memory_space<vmem>>
      %dma_start3A_615 = arith.constant 0 : i32
      %dma_start3A_616 = arith.constant 0 : i32
      %dma_start3A_617 = tpu.memref_slice %arg12[%dma_start3A_615, %dma_start3A_616] : memref<10240x128xf32, #tpu.memory_space<vmem_shared>> -> memref<10240x128xf32, #tpu.memory_space<vmem_shared>>
      tpu.enqueue_indirect_dma source(%arg8 : memref<80x128xf32, #tpu.memory_space<vmem>>) target(%dma_start3A_617 : memref<10240x128xf32, #tpu.memory_space<vmem_shared>>) offsets(%dma_start3A_614 : memref<80xi32, #tpu.memory_space<vmem>>) semaphore(%arg17 : memref<!tpu.dma_semaphore, #tpu.memory_space<semaphore_mem>>) {add = true}
      %add3A_618 = arith.constant 1 : i32
      %add3A_619 = arith.addi %mul3A_601, %add3A_618 : i32
      %dma_wait3A_620 = arith.constant 0 : i32
      %dma_wait3A_621 = tpu.memref_slice %arg6[%add3A_619, %dma_wait3A_620] : memref<32x80xi32, #tpu.memory_space<vmem>> -> memref<1x80xi32, #tpu.memory_space<vmem>>
      %dma_wait3A_622 = tpu.memref_squeeze %dma_wait3A_621 : memref<1x80xi32, #tpu.memory_space<vmem>> -> memref<80xi32, #tpu.memory_space<vmem>>
      %dma_wait3A_623 = arith.constant 0 : i32
      %dma_wait3A_624 = arith.constant 0 : i32
      %dma_wait3A_625 = tpu.memref_slice %arg2[%dma_wait3A_623, %dma_wait3A_624] : memref<10016x128xf32, #tpu.memory_space<hbm>> -> memref<10016x128xf32, #tpu.memory_space<hbm>>
      tpu.wait_indirect_dma semaphore(%arg14 : memref<!tpu.dma_semaphore, #tpu.memory_space<semaphore_mem>>) src(%dma_wait3A_625 : memref<10016x128xf32, #tpu.memory_space<hbm>>) dst(%arg9 : memref<80x128xf32, #tpu.memory_space<vmem>>)
      %add3A_626 = arith.constant 1 : i32
      %add3A_627 = arith.addi %mul3A_601, %add3A_626 : i32
      %dma_start3A_628 = arith.constant 0 : i32
      %dma_start3A_629 = tpu.memref_slice %arg7[%add3A_627, %dma_start3A_628] : memref<32x80xi32, #tpu.memory_space<vmem>> -> memref<1x80xi32, #tpu.memory_space<vmem>>
      %dma_start3A_630 = tpu.memref_squeeze %dma_start3A_629 : memref<1x80xi32, #tpu.memory_space<vmem>> -> memref<80xi32, #tpu.memory_space<vmem>>
      %dma_start3A_631 = arith.constant 0 : i32
      %dma_start3A_632 = arith.constant 0 : i32
      %dma_start3A_633 = tpu.memref_slice %arg12[%dma_start3A_631, %dma_start3A_632] : memref<10240x128xf32, #tpu.memory_space<vmem_shared>> -> memref<10240x128xf32, #tpu.memory_space<vmem_shared>>
      tpu.enqueue_indirect_dma source(%arg9 : memref<80x128xf32, #tpu.memory_space<vmem>>) target(%dma_start3A_633 : memref<10240x128xf32, #tpu.memory_space<vmem_shared>>) offsets(%dma_start3A_630 : memref<80xi32, #tpu.memory_space<vmem>>) semaphore(%arg18 : memref<!tpu.dma_semaphore, #tpu.memory_space<semaphore_mem>>) {add = true}
      %add3A_634 = arith.constant 2 : i32
      %add3A_635 = arith.addi %mul3A_601, %add3A_634 : i32
      %dma_wait3A_636 = arith.constant 0 : i32
      %dma_wait3A_637 = tpu.memref_slice %arg6[%add3A_635, %dma_wait3A_636] : memref<32x80xi32, #tpu.memory_space<vmem>> -> memref<1x80xi32, #tpu.memory_space<vmem>>
      %dma_wait3A_638 = tpu.memref_squeeze %dma_wait3A_637 : memref<1x80xi32, #tpu.memory_space<vmem>> -> memref<80xi32, #tpu.memory_space<vmem>>
      %dma_wait3A_639 = arith.constant 0 : i32
      %dma_wait3A_640 = arith.constant 0 : i32
      %dma_wait3A_641 = tpu.memref_slice %arg2[%dma_wait3A_639, %dma_wait3A_640] : memref<10016x128xf32, #tpu.memory_space<hbm>> -> memref<10016x128xf32, #tpu.memory_space<hbm>>
      tpu.wait_indirect_dma semaphore(%arg15 : memref<!tpu.dma_semaphore, #tpu.memory_space<semaphore_mem>>) src(%dma_wait3A_641 : memref<10016x128xf32, #tpu.memory_space<hbm>>) dst(%arg10 : memref<80x128xf32, #tpu.memory_space<vmem>>)
      %add3A_642 = arith.constant 2 : i32
      %add3A_643 = arith.addi %mul3A_601, %add3A_642 : i32
      %dma_start3A_644 = arith.constant 0 : i32
      %dma_start3A_645 = tpu.memref_slice %arg7[%add3A_643, %dma_start3A_644] : memref<32x80xi32, #tpu.memory_space<vmem>> -> memref<1x80xi32, #tpu.memory_space<vmem>>
      %dma_start3A_646 = tpu.memref_squeeze %dma_start3A_645 : memref<1x80xi32, #tpu.memory_space<vmem>> -> memref<80xi32, #tpu.memory_space<vmem>>
      %dma_start3A_647 = arith.constant 0 : i32
      %dma_start3A_648 = arith.constant 0 : i32
      %dma_start3A_649 = tpu.memref_slice %arg12[%dma_start3A_647, %dma_start3A_648] : memref<10240x128xf32, #tpu.memory_space<vmem_shared>> -> memref<10240x128xf32, #tpu.memory_space<vmem_shared>>
      tpu.enqueue_indirect_dma source(%arg10 : memref<80x128xf32, #tpu.memory_space<vmem>>) target(%dma_start3A_649 : memref<10240x128xf32, #tpu.memory_space<vmem_shared>>) offsets(%dma_start3A_646 : memref<80xi32, #tpu.memory_space<vmem>>) semaphore(%arg19 : memref<!tpu.dma_semaphore, #tpu.memory_space<semaphore_mem>>) {add = true}
      %add3A_650 = arith.constant 3 : i32
      %add3A_651 = arith.addi %mul3A_601, %add3A_650 : i32
      %dma_wait3A_652 = arith.constant 0 : i32
      %dma_wait3A_653 = tpu.memref_slice %arg6[%add3A_651, %dma_wait3A_652] : memref<32x80xi32, #tpu.memory_space<vmem>> -> memref<1x80xi32, #tpu.memory_space<vmem>>
      %dma_wait3A_654 = tpu.memref_squeeze %dma_wait3A_653 : memref<1x80xi32, #tpu.memory_space<vmem>> -> memref<80xi32, #tpu.memory_space<vmem>>
      %dma_wait3A_655 = arith.constant 0 : i32
      %dma_wait3A_656 = arith.constant 0 : i32
      %dma_wait3A_657 = tpu.memref_slice %arg2[%dma_wait3A_655, %dma_wait3A_656] : memref<10016x128xf32, #tpu.memory_space<hbm>> -> memref<10016x128xf32, #tpu.memory_space<hbm>>
      tpu.wait_indirect_dma semaphore(%arg16 : memref<!tpu.dma_semaphore, #tpu.memory_space<semaphore_mem>>) src(%dma_wait3A_657 : memref<10016x128xf32, #tpu.memory_space<hbm>>) dst(%arg11 : memref<80x128xf32, #tpu.memory_space<vmem>>)
      %add3A_658 = arith.constant 3 : i32
      %add3A_659 = arith.addi %mul3A_601, %add3A_658 : i32
      %dma_start3A_660 = arith.constant 0 : i32
      %dma_start3A_661 = tpu.memref_slice %arg7[%add3A_659, %dma_start3A_660] : memref<32x80xi32, #tpu.memory_space<vmem>> -> memref<1x80xi32, #tpu.memory_space<vmem>>
      %dma_start3A_662 = tpu.memref_squeeze %dma_start3A_661 : memref<1x80xi32, #tpu.memory_space<vmem>> -> memref<80xi32, #tpu.memory_space<vmem>>
      %dma_start3A_663 = arith.constant 0 : i32
      %dma_start3A_664 = arith.constant 0 : i32
      %dma_start3A_665 = tpu.memref_slice %arg12[%dma_start3A_663, %dma_start3A_664] : memref<10240x128xf32, #tpu.memory_space<vmem_shared>> -> memref<10240x128xf32, #tpu.memory_space<vmem_shared>>
      tpu.enqueue_indirect_dma source(%arg11 : memref<80x128xf32, #tpu.memory_space<vmem>>) target(%dma_start3A_665 : memref<10240x128xf32, #tpu.memory_space<vmem_shared>>) offsets(%dma_start3A_662 : memref<80xi32, #tpu.memory_space<vmem>>) semaphore(%arg20 : memref<!tpu.dma_semaphore, #tpu.memory_space<semaphore_mem>>) {add = true}
      %add3A_666 = arith.constant 0 : i32
      %add3A_667 = arith.addi %mul3A_601, %add3A_666 : i32
      %dma_wait3A_668 = arith.constant 0 : i32
      %dma_wait3A_669 = tpu.memref_slice %arg7[%add3A_667, %dma_wait3A_668] : memref<32x80xi32, #tpu.memory_space<vmem>> -> memref<1x80xi32, #tpu.memory_space<vmem>>
      %dma_wait3A_670 = tpu.memref_squeeze %dma_wait3A_669 : memref<1x80xi32, #tpu.memory_space<vmem>> -> memref<80xi32, #tpu.memory_space<vmem>>
      %dma_wait3A_671 = arith.constant 0 : i32
      %dma_wait3A_672 = arith.constant 0 : i32
      %dma_wait3A_673 = tpu.memref_slice %arg12[%dma_wait3A_671, %dma_wait3A_672] : memref<10240x128xf32, #tpu.memory_space<vmem_shared>> -> memref<10240x128xf32, #tpu.memory_space<vmem_shared>>
      tpu.wait_indirect_dma semaphore(%arg17 : memref<!tpu.dma_semaphore, #tpu.memory_space<semaphore_mem>>) src(%arg8 : memref<80x128xf32, #tpu.memory_space<vmem>>) dst(%dma_wait3A_673 : memref<10240x128xf32, #tpu.memory_space<vmem_shared>>)
      %add3A_674 = arith.constant 4 : i32
      %add3A_675 = arith.addi %mul3A_601, %add3A_674 : i32
      %add3A_676 = arith.constant 0 : i32
      %add3A_677 = arith.addi %add3A_675, %add3A_676 : i32
      %dma_start3A_678 = arith.constant 0 : i32
      %dma_start3A_679 = tpu.memref_slice %arg6[%add3A_677, %dma_start3A_678] : memref<32x80xi32, #tpu.memory_space<vmem>> -> memref<1x80xi32, #tpu.memory_space<vmem>>
      %dma_start3A_680 = tpu.memref_squeeze %dma_start3A_679 : memref<1x80xi32, #tpu.memory_space<vmem>> -> memref<80xi32, #tpu.memory_space<vmem>>
      %dma_start3A_681 = arith.constant 0 : i32
      %dma_start3A_682 = arith.constant 0 : i32
      %dma_start3A_683 = tpu.memref_slice %arg2[%dma_start3A_681, %dma_start3A_682] : memref<10016x128xf32, #tpu.memory_space<hbm>> -> memref<10016x128xf32, #tpu.memory_space<hbm>>
      tpu.enqueue_indirect_dma source(%dma_start3A_683 : memref<10016x128xf32, #tpu.memory_space<hbm>>) target(%arg8 : memref<80x128xf32, #tpu.memory_space<vmem>>) offsets(%dma_start3A_680 : memref<80xi32, #tpu.memory_space<vmem>>) semaphore(%arg13 : memref<!tpu.dma_semaphore, #tpu.memory_space<semaphore_mem>>)
      %add3A_684 = arith.constant 1 : i32
      %add3A_685 = arith.addi %mul3A_601, %add3A_684 : i32
      %dma_wait3A_686 = arith.constant 0 : i32
      %dma_wait3A_687 = tpu.memref_slice %arg7[%add3A_685, %dma_wait3A_686] : memref<32x80xi32, #tpu.memory_space<vmem>> -> memref<1x80xi32, #tpu.memory_space<vmem>>
      %dma_wait3A_688 = tpu.memref_squeeze %dma_wait3A_687 : memref<1x80xi32, #tpu.memory_space<vmem>> -> memref<80xi32, #tpu.memory_space<vmem>>
      %dma_wait3A_689 = arith.constant 0 : i32
      %dma_wait3A_690 = arith.constant 0 : i32
      %dma_wait3A_691 = tpu.memref_slice %arg12[%dma_wait3A_689, %dma_wait3A_690] : memref<10240x128xf32, #tpu.memory_space<vmem_shared>> -> memref<10240x128xf32, #tpu.memory_space<vmem_shared>>
      tpu.wait_indirect_dma semaphore(%arg18 : memref<!tpu.dma_semaphore, #tpu.memory_space<semaphore_mem>>) src(%arg9 : memref<80x128xf32, #tpu.memory_space<vmem>>) dst(%dma_wait3A_691 : memref<10240x128xf32, #tpu.memory_space<vmem_shared>>)
      %add3A_692 = arith.constant 4 : i32
      %add3A_693 = arith.addi %mul3A_601, %add3A_692 : i32
      %add3A_694 = arith.constant 1 : i32
      %add3A_695 = arith.addi %add3A_693, %add3A_694 : i32
      %dma_start3A_696 = arith.constant 0 : i32
      %dma_start3A_697 = tpu.memref_slice %arg6[%add3A_695, %dma_start3A_696] : memref<32x80xi32, #tpu.memory_space<vmem>> -> memref<1x80xi32, #tpu.memory_space<vmem>>
      %dma_start3A_698 = tpu.memref_squeeze %dma_start3A_697 : memref<1x80xi32, #tpu.memory_space<vmem>> -> memref<80xi32, #tpu.memory_space<vmem>>
      %dma_start3A_699 = arith.constant 0 : i32
      %dma_start3A_700 = arith.constant 0 : i32
      %dma_start3A_701 = tpu.memref_slice %arg2[%dma_start3A_699, %dma_start3A_700] : memref<10016x128xf32, #tpu.memory_space<hbm>> -> memref<10016x128xf32, #tpu.memory_space<hbm>>
      tpu.enqueue_indirect_dma source(%dma_start3A_701 : memref<10016x128xf32, #tpu.memory_space<hbm>>) target(%arg9 : memref<80x128xf32, #tpu.memory_space<vmem>>) offsets(%dma_start3A_698 : memref<80xi32, #tpu.memory_space<vmem>>) semaphore(%arg14 : memref<!tpu.dma_semaphore, #tpu.memory_space<semaphore_mem>>)
      %add3A_702 = arith.constant 2 : i32
      %add3A_703 = arith.addi %mul3A_601, %add3A_702 : i32
      %dma_wait3A_704 = arith.constant 0 : i32
      %dma_wait3A_705 = tpu.memref_slice %arg7[%add3A_703, %dma_wait3A_704] : memref<32x80xi32, #tpu.memory_space<vmem>> -> memref<1x80xi32, #tpu.memory_space<vmem>>
      %dma_wait3A_706 = tpu.memref_squeeze %dma_wait3A_705 : memref<1x80xi32, #tpu.memory_space<vmem>> -> memref<80xi32, #tpu.memory_space<vmem>>
      %dma_wait3A_707 = arith.constant 0 : i32
      %dma_wait3A_708 = arith.constant 0 : i32
      %dma_wait3A_709 = tpu.memref_slice %arg12[%dma_wait3A_707, %dma_wait3A_708] : memref<10240x128xf32, #tpu.memory_space<vmem_shared>> -> memref<10240x128xf32, #tpu.memory_space<vmem_shared>>
      tpu.wait_indirect_dma semaphore(%arg19 : memref<!tpu.dma_semaphore, #tpu.memory_space<semaphore_mem>>) src(%arg10 : memref<80x128xf32, #tpu.memory_space<vmem>>) dst(%dma_wait3A_709 : memref<10240x128xf32, #tpu.memory_space<vmem_shared>>)
      %add3A_710 = arith.constant 4 : i32
      %add3A_711 = arith.addi %mul3A_601, %add3A_710 : i32
      %add3A_712 = arith.constant 2 : i32
      %add3A_713 = arith.addi %add3A_711, %add3A_712 : i32
      %dma_start3A_714 = arith.constant 0 : i32
      %dma_start3A_715 = tpu.memref_slice %arg6[%add3A_713, %dma_start3A_714] : memref<32x80xi32, #tpu.memory_space<vmem>> -> memref<1x80xi32, #tpu.memory_space<vmem>>
      %dma_start3A_716 = tpu.memref_squeeze %dma_start3A_715 : memref<1x80xi32, #tpu.memory_space<vmem>> -> memref<80xi32, #tpu.memory_space<vmem>>
      %dma_start3A_717 = arith.constant 0 : i32
      %dma_start3A_718 = arith.constant 0 : i32
      %dma_start3A_719 = tpu.memref_slice %arg2[%dma_start3A_717, %dma_start3A_718] : memref<10016x128xf32, #tpu.memory_space<hbm>> -> memref<10016x128xf32, #tpu.memory_space<hbm>>
      tpu.enqueue_indirect_dma source(%dma_start3A_719 : memref<10016x128xf32, #tpu.memory_space<hbm>>) target(%arg10 : memref<80x128xf32, #tpu.memory_space<vmem>>) offsets(%dma_start3A_716 : memref<80xi32, #tpu.memory_space<vmem>>) semaphore(%arg15 : memref<!tpu.dma_semaphore, #tpu.memory_space<semaphore_mem>>)
      %add3A_720 = arith.constant 3 : i32
      %add3A_721 = arith.addi %mul3A_601, %add3A_720 : i32
      %dma_wait3A_722 = arith.constant 0 : i32
      %dma_wait3A_723 = tpu.memref_slice %arg7[%add3A_721, %dma_wait3A_722] : memref<32x80xi32, #tpu.memory_space<vmem>> -> memref<1x80xi32, #tpu.memory_space<vmem>>
      %dma_wait3A_724 = tpu.memref_squeeze %dma_wait3A_723 : memref<1x80xi32, #tpu.memory_space<vmem>> -> memref<80xi32, #tpu.memory_space<vmem>>
      %dma_wait3A_725 = arith.constant 0 : i32
      %dma_wait3A_726 = arith.constant 0 : i32
      %dma_wait3A_727 = tpu.memref_slice %arg12[%dma_wait3A_725, %dma_wait3A_726] : memref<10240x128xf32, #tpu.memory_space<vmem_shared>> -> memref<10240x128xf32, #tpu.memory_space<vmem_shared>>
      tpu.wait_indirect_dma semaphore(%arg20 : memref<!tpu.dma_semaphore, #tpu.memory_space<semaphore_mem>>) src(%arg11 : memref<80x128xf32, #tpu.memory_space<vmem>>) dst(%dma_wait3A_727 : memref<10240x128xf32, #tpu.memory_space<vmem_shared>>)
      %add3A_728 = arith.constant 4 : i32
      %add3A_729 = arith.addi %mul3A_601, %add3A_728 : i32
      %add3A_730 = arith.constant 3 : i32
      %add3A_731 = arith.addi %add3A_729, %add3A_730 : i32
      %dma_start3A_732 = arith.constant 0 : i32
      %dma_start3A_733 = tpu.memref_slice %arg6[%add3A_731, %dma_start3A_732] : memref<32x80xi32, #tpu.memory_space<vmem>> -> memref<1x80xi32, #tpu.memory_space<vmem>>
      %dma_start3A_734 = tpu.memref_squeeze %dma_start3A_733 : memref<1x80xi32, #tpu.memory_space<vmem>> -> memref<80xi32, #tpu.memory_space<vmem>>
      %dma_start3A_735 = arith.constant 0 : i32
      %dma_start3A_736 = arith.constant 0 : i32
      %dma_start3A_737 = tpu.memref_slice %arg2[%dma_start3A_735, %dma_start3A_736] : memref<10016x128xf32, #tpu.memory_space<hbm>> -> memref<10016x128xf32, #tpu.memory_space<hbm>>
      tpu.enqueue_indirect_dma source(%dma_start3A_737 : memref<10016x128xf32, #tpu.memory_space<hbm>>) target(%arg11 : memref<80x128xf32, #tpu.memory_space<vmem>>) offsets(%dma_start3A_734 : memref<80xi32, #tpu.memory_space<vmem>>) semaphore(%arg16 : memref<!tpu.dma_semaphore, #tpu.memory_space<semaphore_mem>>)
      %scan3A_738 = arith.constant 0 : i32
      scf.yield %scan3A_738 : i32
    }
    %scan3A_389 = arith.constant 7 : i32
    %dma_wait3A_390 = arith.constant 28 : i32
    %dma_wait3A_391 = arith.constant 0 : i32
    %dma_wait3A_392 = tpu.memref_slice %arg6[%dma_wait3A_390, %dma_wait3A_391] : memref<32x80xi32, #tpu.memory_space<vmem>> -> memref<1x80xi32, #tpu.memory_space<vmem>>
    %dma_wait3A_393 = tpu.memref_squeeze %dma_wait3A_392 : memref<1x80xi32, #tpu.memory_space<vmem>> -> memref<80xi32, #tpu.memory_space<vmem>>
    %dma_wait3A_394 = arith.constant 0 : i32
    %dma_wait3A_395 = arith.constant 0 : i32
    %dma_wait3A_396 = tpu.memref_slice %arg2[%dma_wait3A_394, %dma_wait3A_395] : memref<10016x128xf32, #tpu.memory_space<hbm>> -> memref<10016x128xf32, #tpu.memory_space<hbm>>
    tpu.wait_indirect_dma semaphore(%arg13 : memref<!tpu.dma_semaphore, #tpu.memory_space<semaphore_mem>>) src(%dma_wait3A_396 : memref<10016x128xf32, #tpu.memory_space<hbm>>) dst(%arg8 : memref<80x128xf32, #tpu.memory_space<vmem>>)
    %dma_start3A_397 = arith.constant 28 : i32
    %dma_start3A_398 = arith.constant 0 : i32
    %dma_start3A_399 = tpu.memref_slice %arg7[%dma_start3A_397, %dma_start3A_398] : memref<32x80xi32, #tpu.memory_space<vmem>> -> memref<1x80xi32, #tpu.memory_space<vmem>>
    %dma_start3A_400 = tpu.memref_squeeze %dma_start3A_399 : memref<1x80xi32, #tpu.memory_space<vmem>> -> memref<80xi32, #tpu.memory_space<vmem>>
    %dma_start3A_401 = arith.constant 0 : i32
    %dma_start3A_402 = arith.constant 0 : i32
    %dma_start3A_403 = tpu.memref_slice %arg12[%dma_start3A_401, %dma_start3A_402] : memref<10240x128xf32, #tpu.memory_space<vmem_shared>> -> memref<10240x128xf32, #tpu.memory_space<vmem_shared>>
    tpu.enqueue_indirect_dma source(%arg8 : memref<80x128xf32, #tpu.memory_space<vmem>>) target(%dma_start3A_403 : memref<10240x128xf32, #tpu.memory_space<vmem_shared>>) offsets(%dma_start3A_400 : memref<80xi32, #tpu.memory_space<vmem>>) semaphore(%arg17 : memref<!tpu.dma_semaphore, #tpu.memory_space<semaphore_mem>>) {add = true}
    %dma_wait3A_404 = arith.constant 29 : i32
    %dma_wait3A_405 = arith.constant 0 : i32
    %dma_wait3A_406 = tpu.memref_slice %arg6[%dma_wait3A_404, %dma_wait3A_405] : memref<32x80xi32, #tpu.memory_space<vmem>> -> memref<1x80xi32, #tpu.memory_space<vmem>>
    %dma_wait3A_407 = tpu.memref_squeeze %dma_wait3A_406 : memref<1x80xi32, #tpu.memory_space<vmem>> -> memref<80xi32, #tpu.memory_space<vmem>>
    %dma_wait3A_408 = arith.constant 0 : i32
    %dma_wait3A_409 = arith.constant 0 : i32
    %dma_wait3A_410 = tpu.memref_slice %arg2[%dma_wait3A_408, %dma_wait3A_409] : memref<10016x128xf32, #tpu.memory_space<hbm>> -> memref<10016x128xf32, #tpu.memory_space<hbm>>
    tpu.wait_indirect_dma semaphore(%arg14 : memref<!tpu.dma_semaphore, #tpu.memory_space<semaphore_mem>>) src(%dma_wait3A_410 : memref<10016x128xf32, #tpu.memory_space<hbm>>) dst(%arg9 : memref<80x128xf32, #tpu.memory_space<vmem>>)
    %dma_start3A_411 = arith.constant 29 : i32
    %dma_start3A_412 = arith.constant 0 : i32
    %dma_start3A_413 = tpu.memref_slice %arg7[%dma_start3A_411, %dma_start3A_412] : memref<32x80xi32, #tpu.memory_space<vmem>> -> memref<1x80xi32, #tpu.memory_space<vmem>>
    %dma_start3A_414 = tpu.memref_squeeze %dma_start3A_413 : memref<1x80xi32, #tpu.memory_space<vmem>> -> memref<80xi32, #tpu.memory_space<vmem>>
    %dma_start3A_415 = arith.constant 0 : i32
    %dma_start3A_416 = arith.constant 0 : i32
    %dma_start3A_417 = tpu.memref_slice %arg12[%dma_start3A_415, %dma_start3A_416] : memref<10240x128xf32, #tpu.memory_space<vmem_shared>> -> memref<10240x128xf32, #tpu.memory_space<vmem_shared>>
    tpu.enqueue_indirect_dma source(%arg9 : memref<80x128xf32, #tpu.memory_space<vmem>>) target(%dma_start3A_417 : memref<10240x128xf32, #tpu.memory_space<vmem_shared>>) offsets(%dma_start3A_414 : memref<80xi32, #tpu.memory_space<vmem>>) semaphore(%arg18 : memref<!tpu.dma_semaphore, #tpu.memory_space<semaphore_mem>>) {add = true}
    %dma_wait3A_418 = arith.constant 30 : i32
    %dma_wait3A_419 = arith.constant 0 : i32
    %dma_wait3A_420 = tpu.memref_slice %arg6[%dma_wait3A_418, %dma_wait3A_419] : memref<32x80xi32, #tpu.memory_space<vmem>> -> memref<1x80xi32, #tpu.memory_space<vmem>>
    %dma_wait3A_421 = tpu.memref_squeeze %dma_wait3A_420 : memref<1x80xi32, #tpu.memory_space<vmem>> -> memref<80xi32, #tpu.memory_space<vmem>>
    %dma_wait3A_422 = arith.constant 0 : i32
    %dma_wait3A_423 = arith.constant 0 : i32
    %dma_wait3A_424 = tpu.memref_slice %arg2[%dma_wait3A_422, %dma_wait3A_423] : memref<10016x128xf32, #tpu.memory_space<hbm>> -> memref<10016x128xf32, #tpu.memory_space<hbm>>
    tpu.wait_indirect_dma semaphore(%arg15 : memref<!tpu.dma_semaphore, #tpu.memory_space<semaphore_mem>>) src(%dma_wait3A_424 : memref<10016x128xf32, #tpu.memory_space<hbm>>) dst(%arg10 : memref<80x128xf32, #tpu.memory_space<vmem>>)
    %dma_start3A_425 = arith.constant 30 : i32
    %dma_start3A_426 = arith.constant 0 : i32
    %dma_start3A_427 = tpu.memref_slice %arg7[%dma_start3A_425, %dma_start3A_426] : memref<32x80xi32, #tpu.memory_space<vmem>> -> memref<1x80xi32, #tpu.memory_space<vmem>>
    %dma_start3A_428 = tpu.memref_squeeze %dma_start3A_427 : memref<1x80xi32, #tpu.memory_space<vmem>> -> memref<80xi32, #tpu.memory_space<vmem>>
    %dma_start3A_429 = arith.constant 0 : i32
    %dma_start3A_430 = arith.constant 0 : i32
    %dma_start3A_431 = tpu.memref_slice %arg12[%dma_start3A_429, %dma_start3A_430] : memref<10240x128xf32, #tpu.memory_space<vmem_shared>> -> memref<10240x128xf32, #tpu.memory_space<vmem_shared>>
    tpu.enqueue_indirect_dma source(%arg10 : memref<80x128xf32, #tpu.memory_space<vmem>>) target(%dma_start3A_431 : memref<10240x128xf32, #tpu.memory_space<vmem_shared>>) offsets(%dma_start3A_428 : memref<80xi32, #tpu.memory_space<vmem>>) semaphore(%arg19 : memref<!tpu.dma_semaphore, #tpu.memory_space<semaphore_mem>>) {add = true}
    %dma_wait3A_432 = arith.constant 31 : i32
    %dma_wait3A_433 = arith.constant 0 : i32
    %dma_wait3A_434 = tpu.memref_slice %arg6[%dma_wait3A_432, %dma_wait3A_433] : memref<32x80xi32, #tpu.memory_space<vmem>> -> memref<1x80xi32, #tpu.memory_space<vmem>>
    %dma_wait3A_435 = tpu.memref_squeeze %dma_wait3A_434 : memref<1x80xi32, #tpu.memory_space<vmem>> -> memref<80xi32, #tpu.memory_space<vmem>>
    %dma_wait3A_436 = arith.constant 0 : i32
    %dma_wait3A_437 = arith.constant 0 : i32
    %dma_wait3A_438 = tpu.memref_slice %arg2[%dma_wait3A_436, %dma_wait3A_437] : memref<10016x128xf32, #tpu.memory_space<hbm>> -> memref<10016x128xf32, #tpu.memory_space<hbm>>
    tpu.wait_indirect_dma semaphore(%arg16 : memref<!tpu.dma_semaphore, #tpu.memory_space<semaphore_mem>>) src(%dma_wait3A_438 : memref<10016x128xf32, #tpu.memory_space<hbm>>) dst(%arg11 : memref<80x128xf32, #tpu.memory_space<vmem>>)
    %dma_start3A_439 = arith.constant 31 : i32
    %dma_start3A_440 = arith.constant 0 : i32
    %dma_start3A_441 = tpu.memref_slice %arg7[%dma_start3A_439, %dma_start3A_440] : memref<32x80xi32, #tpu.memory_space<vmem>> -> memref<1x80xi32, #tpu.memory_space<vmem>>
    %dma_start3A_442 = tpu.memref_squeeze %dma_start3A_441 : memref<1x80xi32, #tpu.memory_space<vmem>> -> memref<80xi32, #tpu.memory_space<vmem>>
    %dma_start3A_443 = arith.constant 0 : i32
    %dma_start3A_444 = arith.constant 0 : i32
    %dma_start3A_445 = tpu.memref_slice %arg12[%dma_start3A_443, %dma_start3A_444] : memref<10240x128xf32, #tpu.memory_space<vmem_shared>> -> memref<10240x128xf32, #tpu.memory_space<vmem_shared>>
    tpu.enqueue_indirect_dma source(%arg11 : memref<80x128xf32, #tpu.memory_space<vmem>>) target(%dma_start3A_445 : memref<10240x128xf32, #tpu.memory_space<vmem_shared>>) offsets(%dma_start3A_442 : memref<80xi32, #tpu.memory_space<vmem>>) semaphore(%arg20 : memref<!tpu.dma_semaphore, #tpu.memory_space<semaphore_mem>>) {add = true}
    %dma_wait3A_446 = arith.constant 28 : i32
    %dma_wait3A_447 = arith.constant 0 : i32
    %dma_wait3A_448 = tpu.memref_slice %arg7[%dma_wait3A_446, %dma_wait3A_447] : memref<32x80xi32, #tpu.memory_space<vmem>> -> memref<1x80xi32, #tpu.memory_space<vmem>>
    %dma_wait3A_449 = tpu.memref_squeeze %dma_wait3A_448 : memref<1x80xi32, #tpu.memory_space<vmem>> -> memref<80xi32, #tpu.memory_space<vmem>>
    %dma_wait3A_450 = arith.constant 0 : i32
    %dma_wait3A_451 = arith.constant 0 : i32
    %dma_wait3A_452 = tpu.memref_slice %arg12[%dma_wait3A_450, %dma_wait3A_451] : memref<10240x128xf32, #tpu.memory_space<vmem_shared>> -> memref<10240x128xf32, #tpu.memory_space<vmem_shared>>
    tpu.wait_indirect_dma semaphore(%arg17 : memref<!tpu.dma_semaphore, #tpu.memory_space<semaphore_mem>>) src(%arg8 : memref<80x128xf32, #tpu.memory_space<vmem>>) dst(%dma_wait3A_452 : memref<10240x128xf32, #tpu.memory_space<vmem_shared>>)
    %dma_wait3A_453 = arith.constant 29 : i32
    %dma_wait3A_454 = arith.constant 0 : i32
    %dma_wait3A_455 = tpu.memref_slice %arg7[%dma_wait3A_453, %dma_wait3A_454] : memref<32x80xi32, #tpu.memory_space<vmem>> -> memref<1x80xi32, #tpu.memory_space<vmem>>
    %dma_wait3A_456 = tpu.memref_squeeze %dma_wait3A_455 : memref<1x80xi32, #tpu.memory_space<vmem>> -> memref<80xi32, #tpu.memory_space<vmem>>
    %dma_wait3A_457 = arith.constant 0 : i32
    %dma_wait3A_458 = arith.constant 0 : i32
    %dma_wait3A_459 = tpu.memref_slice %arg12[%dma_wait3A_457, %dma_wait3A_458] : memref<10240x128xf32, #tpu.memory_space<vmem_shared>> -> memref<10240x128xf32, #tpu.memory_space<vmem_shared>>
    tpu.wait_indirect_dma semaphore(%arg18 : memref<!tpu.dma_semaphore, #tpu.memory_space<semaphore_mem>>) src(%arg9 : memref<80x128xf32, #tpu.memory_space<vmem>>) dst(%dma_wait3A_459 : memref<10240x128xf32, #tpu.memory_space<vmem_shared>>)
    %dma_wait3A_460 = arith.constant 30 : i32
    %dma_wait3A_461 = arith.constant 0 : i32
    %dma_wait3A_462 = tpu.memref_slice %arg7[%dma_wait3A_460, %dma_wait3A_461] : memref<32x80xi32, #tpu.memory_space<vmem>> -> memref<1x80xi32, #tpu.memory_space<vmem>>
    %dma_wait3A_463 = tpu.memref_squeeze %dma_wait3A_462 : memref<1x80xi32, #tpu.memory_space<vmem>> -> memref<80xi32, #tpu.memory_space<vmem>>
    %dma_wait3A_464 = arith.constant 0 : i32
    %dma_wait3A_465 = arith.constant 0 : i32
    %dma_wait3A_466 = tpu.memref_slice %arg12[%dma_wait3A_464, %dma_wait3A_465] : memref<10240x128xf32, #tpu.memory_space<vmem_shared>> -> memref<10240x128xf32, #tpu.memory_space<vmem_shared>>
    tpu.wait_indirect_dma semaphore(%arg19 : memref<!tpu.dma_semaphore, #tpu.memory_space<semaphore_mem>>) src(%arg10 : memref<80x128xf32, #tpu.memory_space<vmem>>) dst(%dma_wait3A_466 : memref<10240x128xf32, #tpu.memory_space<vmem_shared>>)
    %dma_wait3A_467 = arith.constant 31 : i32
    %dma_wait3A_468 = arith.constant 0 : i32
    %dma_wait3A_469 = tpu.memref_slice %arg7[%dma_wait3A_467, %dma_wait3A_468] : memref<32x80xi32, #tpu.memory_space<vmem>> -> memref<1x80xi32, #tpu.memory_space<vmem>>
    %dma_wait3A_470 = tpu.memref_squeeze %dma_wait3A_469 : memref<1x80xi32, #tpu.memory_space<vmem>> -> memref<80xi32, #tpu.memory_space<vmem>>
    %dma_wait3A_471 = arith.constant 0 : i32
    %dma_wait3A_472 = arith.constant 0 : i32
    %dma_wait3A_473 = tpu.memref_slice %arg12[%dma_wait3A_471, %dma_wait3A_472] : memref<10240x128xf32, #tpu.memory_space<vmem_shared>> -> memref<10240x128xf32, #tpu.memory_space<vmem_shared>>
    tpu.wait_indirect_dma semaphore(%arg20 : memref<!tpu.dma_semaphore, #tpu.memory_space<semaphore_mem>>) src(%arg11 : memref<80x128xf32, #tpu.memory_space<vmem>>) dst(%dma_wait3A_473 : memref<10240x128xf32, #tpu.memory_space<vmem_shared>>)
    "tpu.region"() ({
      %run_scoped3A = tpu.sem_alloc : memref<!tpu.dma_semaphore, #tpu.memory_space<semaphore_mem>>
      %dma_start3A_598 = arith.constant 96 : i32
      %dma_start3A_599 = arith.constant 0 : i32
      %dma_start3A_600 = tpu.memref_slice %arg3[%add3A, %dma_start3A_598, %dma_start3A_599] : memref<32x128x80xi32, #tpu.memory_space<hbm>> -> memref<1x32x80xi32, #tpu.memory_space<hbm>>
      %dma_start3A_601 = tpu.memref_squeeze %dma_start3A_600 : memref<1x32x80xi32, #tpu.memory_space<hbm>> -> memref<32x80xi32, #tpu.memory_space<hbm>>
      %dma_start3A_602 = arith.constant 96 : i32
      %dma_start3A_603 = arith.constant 0 : i32
      %dma_start3A_604 = tpu.memref_slice %arg3[%add3A, %dma_start3A_602, %dma_start3A_603] : memref<32x128x80xi32, #tpu.memory_space<hbm>> -> memref<1x32x80xi32, #tpu.memory_space<hbm>>
      %dma_start3A_605 = tpu.memref_squeeze %dma_start3A_604 : memref<1x32x80xi32, #tpu.memory_space<hbm>> -> memref<32x80xi32, #tpu.memory_space<hbm>>
      tpu.enqueue_dma source(%dma_start3A_605 : memref<32x80xi32, #tpu.memory_space<hbm>>) target(%arg6 : memref<32x80xi32, #tpu.memory_space<vmem>>) target_semaphore(%run_scoped3A : memref<!tpu.dma_semaphore, #tpu.memory_space<semaphore_mem>>)
      %dma_wait3A_606 = arith.constant 96 : i32
      %dma_wait3A_607 = arith.constant 0 : i32
      %dma_wait3A_608 = tpu.memref_slice %arg3[%add3A, %dma_wait3A_606, %dma_wait3A_607] : memref<32x128x80xi32, #tpu.memory_space<hbm>> -> memref<1x32x80xi32, #tpu.memory_space<hbm>>
      %dma_wait3A_609 = tpu.memref_squeeze %dma_wait3A_608 : memref<1x32x80xi32, #tpu.memory_space<hbm>> -> memref<32x80xi32, #tpu.memory_space<hbm>>
      %dma_wait3A_610 = arith.constant 96 : i32
      %dma_wait3A_611 = arith.constant 0 : i32
      %dma_wait3A_612 = tpu.memref_slice %arg3[%add3A, %dma_wait3A_610, %dma_wait3A_611] : memref<32x128x80xi32, #tpu.memory_space<hbm>> -> memref<1x32x80xi32, #tpu.memory_space<hbm>>
      %dma_wait3A_613 = tpu.memref_squeeze %dma_wait3A_612 : memref<1x32x80xi32, #tpu.memory_space<hbm>> -> memref<32x80xi32, #tpu.memory_space<hbm>>
      tpu.wait_dma2 semaphore(%run_scoped3A : memref<!tpu.dma_semaphore, #tpu.memory_space<semaphore_mem>>) src(%dma_wait3A_613 : memref<32x80xi32, #tpu.memory_space<hbm>>) dst(%arg6 : memref<32x80xi32, #tpu.memory_space<vmem>>)
      tpu.yield
    }) : () -> ()
    "tpu.region"() ({
      %run_scoped3A = tpu.sem_alloc : memref<!tpu.dma_semaphore, #tpu.memory_space<semaphore_mem>>
      %dma_start3A_598 = arith.constant 96 : i32
      %dma_start3A_599 = arith.constant 0 : i32
      %dma_start3A_600 = tpu.memref_slice %arg4[%add3A, %dma_start3A_598, %dma_start3A_599] : memref<32x128x80xi32, #tpu.memory_space<hbm>> -> memref<1x32x80xi32, #tpu.memory_space<hbm>>
      %dma_start3A_601 = tpu.memref_squeeze %dma_start3A_600 : memref<1x32x80xi32, #tpu.memory_space<hbm>> -> memref<32x80xi32, #tpu.memory_space<hbm>>
      %dma_start3A_602 = arith.constant 96 : i32
      %dma_start3A_603 = arith.constant 0 : i32
      %dma_start3A_604 = tpu.memref_slice %arg4[%add3A, %dma_start3A_602, %dma_start3A_603] : memref<32x128x80xi32, #tpu.memory_space<hbm>> -> memref<1x32x80xi32, #tpu.memory_space<hbm>>
      %dma_start3A_605 = tpu.memref_squeeze %dma_start3A_604 : memref<1x32x80xi32, #tpu.memory_space<hbm>> -> memref<32x80xi32, #tpu.memory_space<hbm>>
      tpu.enqueue_dma source(%dma_start3A_605 : memref<32x80xi32, #tpu.memory_space<hbm>>) target(%arg7 : memref<32x80xi32, #tpu.memory_space<vmem>>) target_semaphore(%run_scoped3A : memref<!tpu.dma_semaphore, #tpu.memory_space<semaphore_mem>>)
      %dma_wait3A_606 = arith.constant 96 : i32
      %dma_wait3A_607 = arith.constant 0 : i32
      %dma_wait3A_608 = tpu.memref_slice %arg4[%add3A, %dma_wait3A_606, %dma_wait3A_607] : memref<32x128x80xi32, #tpu.memory_space<hbm>> -> memref<1x32x80xi32, #tpu.memory_space<hbm>>
      %dma_wait3A_609 = tpu.memref_squeeze %dma_wait3A_608 : memref<1x32x80xi32, #tpu.memory_space<hbm>> -> memref<32x80xi32, #tpu.memory_space<hbm>>
      %dma_wait3A_610 = arith.constant 96 : i32
      %dma_wait3A_611 = arith.constant 0 : i32
      %dma_wait3A_612 = tpu.memref_slice %arg4[%add3A, %dma_wait3A_610, %dma_wait3A_611] : memref<32x128x80xi32, #tpu.memory_space<hbm>> -> memref<1x32x80xi32, #tpu.memory_space<hbm>>
      %dma_wait3A_613 = tpu.memref_squeeze %dma_wait3A_612 : memref<1x32x80xi32, #tpu.memory_space<hbm>> -> memref<32x80xi32, #tpu.memory_space<hbm>>
      tpu.wait_dma2 semaphore(%run_scoped3A : memref<!tpu.dma_semaphore, #tpu.memory_space<semaphore_mem>>) src(%dma_wait3A_613 : memref<32x80xi32, #tpu.memory_space<hbm>>) dst(%arg7 : memref<32x80xi32, #tpu.memory_space<vmem>>)
      tpu.yield
    }) : () -> ()
    %dma_start3A_474 = arith.constant 0 : i32
    %dma_start3A_475 = arith.constant 0 : i32
    %dma_start3A_476 = tpu.memref_slice %arg6[%dma_start3A_474, %dma_start3A_475] : memref<32x80xi32, #tpu.memory_space<vmem>> -> memref<1x80xi32, #tpu.memory_space<vmem>>
    %dma_start3A_477 = tpu.memref_squeeze %dma_start3A_476 : memref<1x80xi32, #tpu.memory_space<vmem>> -> memref<80xi32, #tpu.memory_space<vmem>>
    %dma_start3A_478 = arith.constant 0 : i32
    %dma_start3A_479 = arith.constant 0 : i32
    %dma_start3A_480 = tpu.memref_slice %arg2[%dma_start3A_478, %dma_start3A_479] : memref<10016x128xf32, #tpu.memory_space<hbm>> -> memref<10016x128xf32, #tpu.memory_space<hbm>>
    tpu.enqueue_indirect_dma source(%dma_start3A_480 : memref<10016x128xf32, #tpu.memory_space<hbm>>) target(%arg8 : memref<80x128xf32, #tpu.memory_space<vmem>>) offsets(%dma_start3A_477 : memref<80xi32, #tpu.memory_space<vmem>>) semaphore(%arg13 : memref<!tpu.dma_semaphore, #tpu.memory_space<semaphore_mem>>)
    %dma_start3A_481 = arith.constant 1 : i32
    %dma_start3A_482 = arith.constant 0 : i32
    %dma_start3A_483 = tpu.memref_slice %arg6[%dma_start3A_481, %dma_start3A_482] : memref<32x80xi32, #tpu.memory_space<vmem>> -> memref<1x80xi32, #tpu.memory_space<vmem>>
    %dma_start3A_484 = tpu.memref_squeeze %dma_start3A_483 : memref<1x80xi32, #tpu.memory_space<vmem>> -> memref<80xi32, #tpu.memory_space<vmem>>
    %dma_start3A_485 = arith.constant 0 : i32
    %dma_start3A_486 = arith.constant 0 : i32
    %dma_start3A_487 = tpu.memref_slice %arg2[%dma_start3A_485, %dma_start3A_486] : memref<10016x128xf32, #tpu.memory_space<hbm>> -> memref<10016x128xf32, #tpu.memory_space<hbm>>
    tpu.enqueue_indirect_dma source(%dma_start3A_487 : memref<10016x128xf32, #tpu.memory_space<hbm>>) target(%arg9 : memref<80x128xf32, #tpu.memory_space<vmem>>) offsets(%dma_start3A_484 : memref<80xi32, #tpu.memory_space<vmem>>) semaphore(%arg14 : memref<!tpu.dma_semaphore, #tpu.memory_space<semaphore_mem>>)
    %dma_start3A_488 = arith.constant 2 : i32
    %dma_start3A_489 = arith.constant 0 : i32
    %dma_start3A_490 = tpu.memref_slice %arg6[%dma_start3A_488, %dma_start3A_489] : memref<32x80xi32, #tpu.memory_space<vmem>> -> memref<1x80xi32, #tpu.memory_space<vmem>>
    %dma_start3A_491 = tpu.memref_squeeze %dma_start3A_490 : memref<1x80xi32, #tpu.memory_space<vmem>> -> memref<80xi32, #tpu.memory_space<vmem>>
    %dma_start3A_492 = arith.constant 0 : i32
    %dma_start3A_493 = arith.constant 0 : i32
    %dma_start3A_494 = tpu.memref_slice %arg2[%dma_start3A_492, %dma_start3A_493] : memref<10016x128xf32, #tpu.memory_space<hbm>> -> memref<10016x128xf32, #tpu.memory_space<hbm>>
    tpu.enqueue_indirect_dma source(%dma_start3A_494 : memref<10016x128xf32, #tpu.memory_space<hbm>>) target(%arg10 : memref<80x128xf32, #tpu.memory_space<vmem>>) offsets(%dma_start3A_491 : memref<80xi32, #tpu.memory_space<vmem>>) semaphore(%arg15 : memref<!tpu.dma_semaphore, #tpu.memory_space<semaphore_mem>>)
    %dma_start3A_495 = arith.constant 3 : i32
    %dma_start3A_496 = arith.constant 0 : i32
    %dma_start3A_497 = tpu.memref_slice %arg6[%dma_start3A_495, %dma_start3A_496] : memref<32x80xi32, #tpu.memory_space<vmem>> -> memref<1x80xi32, #tpu.memory_space<vmem>>
    %dma_start3A_498 = tpu.memref_squeeze %dma_start3A_497 : memref<1x80xi32, #tpu.memory_space<vmem>> -> memref<80xi32, #tpu.memory_space<vmem>>
    %dma_start3A_499 = arith.constant 0 : i32
    %dma_start3A_500 = arith.constant 0 : i32
    %dma_start3A_501 = tpu.memref_slice %arg2[%dma_start3A_499, %dma_start3A_500] : memref<10016x128xf32, #tpu.memory_space<hbm>> -> memref<10016x128xf32, #tpu.memory_space<hbm>>
    tpu.enqueue_indirect_dma source(%dma_start3A_501 : memref<10016x128xf32, #tpu.memory_space<hbm>>) target(%arg11 : memref<80x128xf32, #tpu.memory_space<vmem>>) offsets(%dma_start3A_498 : memref<80xi32, #tpu.memory_space<vmem>>) semaphore(%arg16 : memref<!tpu.dma_semaphore, #tpu.memory_space<semaphore_mem>>)
    %scan3A_502 = arith.constant 0 : i32
    %scan3A_503 = arith.constant 0 : i32
    %scan3A_504 = arith.constant 7 : i32
    %scan3A_505 = arith.addi %scan3A_503, %scan3A_504 : i32
    %scan3A_506 = arith.constant 1 : i32
    %scan3A_507 = scf.for %scan3A_598 = %scan3A_503 to %scan3A_505 step %scan3A_506 iter_args(%scan3A_599 = %scan3A_502) -> (i32)  : i32 {
      %mul3A_600 = arith.constant 4 : i32
      %mul3A_601 = arith.muli %scan3A_598, %mul3A_600 : i32
      %add3A_602 = arith.constant 0 : i32
      %add3A_603 = arith.addi %mul3A_601, %add3A_602 : i32
      %dma_wait3A_604 = arith.constant 0 : i32
      %dma_wait3A_605 = tpu.memref_slice %arg6[%add3A_603, %dma_wait3A_604] : memref<32x80xi32, #tpu.memory_space<vmem>> -> memref<1x80xi32, #tpu.memory_space<vmem>>
      %dma_wait3A_606 = tpu.memref_squeeze %dma_wait3A_605 : memref<1x80xi32, #tpu.memory_space<vmem>> -> memref<80xi32, #tpu.memory_space<vmem>>
      %dma_wait3A_607 = arith.constant 0 : i32
      %dma_wait3A_608 = arith.constant 0 : i32
      %dma_wait3A_609 = tpu.memref_slice %arg2[%dma_wait3A_607, %dma_wait3A_608] : memref<10016x128xf32, #tpu.memory_space<hbm>> -> memref<10016x128xf32, #tpu.memory_space<hbm>>
      tpu.wait_indirect_dma semaphore(%arg13 : memref<!tpu.dma_semaphore, #tpu.memory_space<semaphore_mem>>) src(%dma_wait3A_609 : memref<10016x128xf32, #tpu.memory_space<hbm>>) dst(%arg8 : memref<80x128xf32, #tpu.memory_space<vmem>>)
      %add3A_610 = arith.constant 0 : i32
      %add3A_611 = arith.addi %mul3A_601, %add3A_610 : i32
      %dma_start3A_612 = arith.constant 0 : i32
      %dma_start3A_613 = tpu.memref_slice %arg7[%add3A_611, %dma_start3A_612] : memref<32x80xi32, #tpu.memory_space<vmem>> -> memref<1x80xi32, #tpu.memory_space<vmem>>
      %dma_start3A_614 = tpu.memref_squeeze %dma_start3A_613 : memref<1x80xi32, #tpu.memory_space<vmem>> -> memref<80xi32, #tpu.memory_space<vmem>>
      %dma_start3A_615 = arith.constant 0 : i32
      %dma_start3A_616 = arith.constant 0 : i32
      %dma_start3A_617 = tpu.memref_slice %arg12[%dma_start3A_615, %dma_start3A_616] : memref<10240x128xf32, #tpu.memory_space<vmem_shared>> -> memref<10240x128xf32, #tpu.memory_space<vmem_shared>>
      tpu.enqueue_indirect_dma source(%arg8 : memref<80x128xf32, #tpu.memory_space<vmem>>) target(%dma_start3A_617 : memref<10240x128xf32, #tpu.memory_space<vmem_shared>>) offsets(%dma_start3A_614 : memref<80xi32, #tpu.memory_space<vmem>>) semaphore(%arg17 : memref<!tpu.dma_semaphore, #tpu.memory_space<semaphore_mem>>) {add = true}
      %add3A_618 = arith.constant 1 : i32
      %add3A_619 = arith.addi %mul3A_601, %add3A_618 : i32
      %dma_wait3A_620 = arith.constant 0 : i32
      %dma_wait3A_621 = tpu.memref_slice %arg6[%add3A_619, %dma_wait3A_620] : memref<32x80xi32, #tpu.memory_space<vmem>> -> memref<1x80xi32, #tpu.memory_space<vmem>>
      %dma_wait3A_622 = tpu.memref_squeeze %dma_wait3A_621 : memref<1x80xi32, #tpu.memory_space<vmem>> -> memref<80xi32, #tpu.memory_space<vmem>>
      %dma_wait3A_623 = arith.constant 0 : i32
      %dma_wait3A_624 = arith.constant 0 : i32
      %dma_wait3A_625 = tpu.memref_slice %arg2[%dma_wait3A_623, %dma_wait3A_624] : memref<10016x128xf32, #tpu.memory_space<hbm>> -> memref<10016x128xf32, #tpu.memory_space<hbm>>
      tpu.wait_indirect_dma semaphore(%arg14 : memref<!tpu.dma_semaphore, #tpu.memory_space<semaphore_mem>>) src(%dma_wait3A_625 : memref<10016x128xf32, #tpu.memory_space<hbm>>) dst(%arg9 : memref<80x128xf32, #tpu.memory_space<vmem>>)
      %add3A_626 = arith.constant 1 : i32
      %add3A_627 = arith.addi %mul3A_601, %add3A_626 : i32
      %dma_start3A_628 = arith.constant 0 : i32
      %dma_start3A_629 = tpu.memref_slice %arg7[%add3A_627, %dma_start3A_628] : memref<32x80xi32, #tpu.memory_space<vmem>> -> memref<1x80xi32, #tpu.memory_space<vmem>>
      %dma_start3A_630 = tpu.memref_squeeze %dma_start3A_629 : memref<1x80xi32, #tpu.memory_space<vmem>> -> memref<80xi32, #tpu.memory_space<vmem>>
      %dma_start3A_631 = arith.constant 0 : i32
      %dma_start3A_632 = arith.constant 0 : i32
      %dma_start3A_633 = tpu.memref_slice %arg12[%dma_start3A_631, %dma_start3A_632] : memref<10240x128xf32, #tpu.memory_space<vmem_shared>> -> memref<10240x128xf32, #tpu.memory_space<vmem_shared>>
      tpu.enqueue_indirect_dma source(%arg9 : memref<80x128xf32, #tpu.memory_space<vmem>>) target(%dma_start3A_633 : memref<10240x128xf32, #tpu.memory_space<vmem_shared>>) offsets(%dma_start3A_630 : memref<80xi32, #tpu.memory_space<vmem>>) semaphore(%arg18 : memref<!tpu.dma_semaphore, #tpu.memory_space<semaphore_mem>>) {add = true}
      %add3A_634 = arith.constant 2 : i32
      %add3A_635 = arith.addi %mul3A_601, %add3A_634 : i32
      %dma_wait3A_636 = arith.constant 0 : i32
      %dma_wait3A_637 = tpu.memref_slice %arg6[%add3A_635, %dma_wait3A_636] : memref<32x80xi32, #tpu.memory_space<vmem>> -> memref<1x80xi32, #tpu.memory_space<vmem>>
      %dma_wait3A_638 = tpu.memref_squeeze %dma_wait3A_637 : memref<1x80xi32, #tpu.memory_space<vmem>> -> memref<80xi32, #tpu.memory_space<vmem>>
      %dma_wait3A_639 = arith.constant 0 : i32
      %dma_wait3A_640 = arith.constant 0 : i32
      %dma_wait3A_641 = tpu.memref_slice %arg2[%dma_wait3A_639, %dma_wait3A_640] : memref<10016x128xf32, #tpu.memory_space<hbm>> -> memref<10016x128xf32, #tpu.memory_space<hbm>>
      tpu.wait_indirect_dma semaphore(%arg15 : memref<!tpu.dma_semaphore, #tpu.memory_space<semaphore_mem>>) src(%dma_wait3A_641 : memref<10016x128xf32, #tpu.memory_space<hbm>>) dst(%arg10 : memref<80x128xf32, #tpu.memory_space<vmem>>)
      %add3A_642 = arith.constant 2 : i32
      %add3A_643 = arith.addi %mul3A_601, %add3A_642 : i32
      %dma_start3A_644 = arith.constant 0 : i32
      %dma_start3A_645 = tpu.memref_slice %arg7[%add3A_643, %dma_start3A_644] : memref<32x80xi32, #tpu.memory_space<vmem>> -> memref<1x80xi32, #tpu.memory_space<vmem>>
      %dma_start3A_646 = tpu.memref_squeeze %dma_start3A_645 : memref<1x80xi32, #tpu.memory_space<vmem>> -> memref<80xi32, #tpu.memory_space<vmem>>
      %dma_start3A_647 = arith.constant 0 : i32
      %dma_start3A_648 = arith.constant 0 : i32
      %dma_start3A_649 = tpu.memref_slice %arg12[%dma_start3A_647, %dma_start3A_648] : memref<10240x128xf32, #tpu.memory_space<vmem_shared>> -> memref<10240x128xf32, #tpu.memory_space<vmem_shared>>
      tpu.enqueue_indirect_dma source(%arg10 : memref<80x128xf32, #tpu.memory_space<vmem>>) target(%dma_start3A_649 : memref<10240x128xf32, #tpu.memory_space<vmem_shared>>) offsets(%dma_start3A_646 : memref<80xi32, #tpu.memory_space<vmem>>) semaphore(%arg19 : memref<!tpu.dma_semaphore, #tpu.memory_space<semaphore_mem>>) {add = true}
      %add3A_650 = arith.constant 3 : i32
      %add3A_651 = arith.addi %mul3A_601, %add3A_650 : i32
      %dma_wait3A_652 = arith.constant 0 : i32
      %dma_wait3A_653 = tpu.memref_slice %arg6[%add3A_651, %dma_wait3A_652] : memref<32x80xi32, #tpu.memory_space<vmem>> -> memref<1x80xi32, #tpu.memory_space<vmem>>
      %dma_wait3A_654 = tpu.memref_squeeze %dma_wait3A_653 : memref<1x80xi32, #tpu.memory_space<vmem>> -> memref<80xi32, #tpu.memory_space<vmem>>
      %dma_wait3A_655 = arith.constant 0 : i32
      %dma_wait3A_656 = arith.constant 0 : i32
      %dma_wait3A_657 = tpu.memref_slice %arg2[%dma_wait3A_655, %dma_wait3A_656] : memref<10016x128xf32, #tpu.memory_space<hbm>> -> memref<10016x128xf32, #tpu.memory_space<hbm>>
      tpu.wait_indirect_dma semaphore(%arg16 : memref<!tpu.dma_semaphore, #tpu.memory_space<semaphore_mem>>) src(%dma_wait3A_657 : memref<10016x128xf32, #tpu.memory_space<hbm>>) dst(%arg11 : memref<80x128xf32, #tpu.memory_space<vmem>>)
      %add3A_658 = arith.constant 3 : i32
      %add3A_659 = arith.addi %mul3A_601, %add3A_658 : i32
      %dma_start3A_660 = arith.constant 0 : i32
      %dma_start3A_661 = tpu.memref_slice %arg7[%add3A_659, %dma_start3A_660] : memref<32x80xi32, #tpu.memory_space<vmem>> -> memref<1x80xi32, #tpu.memory_space<vmem>>
      %dma_start3A_662 = tpu.memref_squeeze %dma_start3A_661 : memref<1x80xi32, #tpu.memory_space<vmem>> -> memref<80xi32, #tpu.memory_space<vmem>>
      %dma_start3A_663 = arith.constant 0 : i32
      %dma_start3A_664 = arith.constant 0 : i32
      %dma_start3A_665 = tpu.memref_slice %arg12[%dma_start3A_663, %dma_start3A_664] : memref<10240x128xf32, #tpu.memory_space<vmem_shared>> -> memref<10240x128xf32, #tpu.memory_space<vmem_shared>>
      tpu.enqueue_indirect_dma source(%arg11 : memref<80x128xf32, #tpu.memory_space<vmem>>) target(%dma_start3A_665 : memref<10240x128xf32, #tpu.memory_space<vmem_shared>>) offsets(%dma_start3A_662 : memref<80xi32, #tpu.memory_space<vmem>>) semaphore(%arg20 : memref<!tpu.dma_semaphore, #tpu.memory_space<semaphore_mem>>) {add = true}
      %add3A_666 = arith.constant 0 : i32
      %add3A_667 = arith.addi %mul3A_601, %add3A_666 : i32
      %dma_wait3A_668 = arith.constant 0 : i32
      %dma_wait3A_669 = tpu.memref_slice %arg7[%add3A_667, %dma_wait3A_668] : memref<32x80xi32, #tpu.memory_space<vmem>> -> memref<1x80xi32, #tpu.memory_space<vmem>>
      %dma_wait3A_670 = tpu.memref_squeeze %dma_wait3A_669 : memref<1x80xi32, #tpu.memory_space<vmem>> -> memref<80xi32, #tpu.memory_space<vmem>>
      %dma_wait3A_671 = arith.constant 0 : i32
      %dma_wait3A_672 = arith.constant 0 : i32
      %dma_wait3A_673 = tpu.memref_slice %arg12[%dma_wait3A_671, %dma_wait3A_672] : memref<10240x128xf32, #tpu.memory_space<vmem_shared>> -> memref<10240x128xf32, #tpu.memory_space<vmem_shared>>
      tpu.wait_indirect_dma semaphore(%arg17 : memref<!tpu.dma_semaphore, #tpu.memory_space<semaphore_mem>>) src(%arg8 : memref<80x128xf32, #tpu.memory_space<vmem>>) dst(%dma_wait3A_673 : memref<10240x128xf32, #tpu.memory_space<vmem_shared>>)
      %add3A_674 = arith.constant 4 : i32
      %add3A_675 = arith.addi %mul3A_601, %add3A_674 : i32
      %add3A_676 = arith.constant 0 : i32
      %add3A_677 = arith.addi %add3A_675, %add3A_676 : i32
      %dma_start3A_678 = arith.constant 0 : i32
      %dma_start3A_679 = tpu.memref_slice %arg6[%add3A_677, %dma_start3A_678] : memref<32x80xi32, #tpu.memory_space<vmem>> -> memref<1x80xi32, #tpu.memory_space<vmem>>
      %dma_start3A_680 = tpu.memref_squeeze %dma_start3A_679 : memref<1x80xi32, #tpu.memory_space<vmem>> -> memref<80xi32, #tpu.memory_space<vmem>>
      %dma_start3A_681 = arith.constant 0 : i32
      %dma_start3A_682 = arith.constant 0 : i32
      %dma_start3A_683 = tpu.memref_slice %arg2[%dma_start3A_681, %dma_start3A_682] : memref<10016x128xf32, #tpu.memory_space<hbm>> -> memref<10016x128xf32, #tpu.memory_space<hbm>>
      tpu.enqueue_indirect_dma source(%dma_start3A_683 : memref<10016x128xf32, #tpu.memory_space<hbm>>) target(%arg8 : memref<80x128xf32, #tpu.memory_space<vmem>>) offsets(%dma_start3A_680 : memref<80xi32, #tpu.memory_space<vmem>>) semaphore(%arg13 : memref<!tpu.dma_semaphore, #tpu.memory_space<semaphore_mem>>)
      %add3A_684 = arith.constant 1 : i32
      %add3A_685 = arith.addi %mul3A_601, %add3A_684 : i32
      %dma_wait3A_686 = arith.constant 0 : i32
      %dma_wait3A_687 = tpu.memref_slice %arg7[%add3A_685, %dma_wait3A_686] : memref<32x80xi32, #tpu.memory_space<vmem>> -> memref<1x80xi32, #tpu.memory_space<vmem>>
      %dma_wait3A_688 = tpu.memref_squeeze %dma_wait3A_687 : memref<1x80xi32, #tpu.memory_space<vmem>> -> memref<80xi32, #tpu.memory_space<vmem>>
      %dma_wait3A_689 = arith.constant 0 : i32
      %dma_wait3A_690 = arith.constant 0 : i32
      %dma_wait3A_691 = tpu.memref_slice %arg12[%dma_wait3A_689, %dma_wait3A_690] : memref<10240x128xf32, #tpu.memory_space<vmem_shared>> -> memref<10240x128xf32, #tpu.memory_space<vmem_shared>>
      tpu.wait_indirect_dma semaphore(%arg18 : memref<!tpu.dma_semaphore, #tpu.memory_space<semaphore_mem>>) src(%arg9 : memref<80x128xf32, #tpu.memory_space<vmem>>) dst(%dma_wait3A_691 : memref<10240x128xf32, #tpu.memory_space<vmem_shared>>)
      %add3A_692 = arith.constant 4 : i32
      %add3A_693 = arith.addi %mul3A_601, %add3A_692 : i32
      %add3A_694 = arith.constant 1 : i32
      %add3A_695 = arith.addi %add3A_693, %add3A_694 : i32
      %dma_start3A_696 = arith.constant 0 : i32
      %dma_start3A_697 = tpu.memref_slice %arg6[%add3A_695, %dma_start3A_696] : memref<32x80xi32, #tpu.memory_space<vmem>> -> memref<1x80xi32, #tpu.memory_space<vmem>>
      %dma_start3A_698 = tpu.memref_squeeze %dma_start3A_697 : memref<1x80xi32, #tpu.memory_space<vmem>> -> memref<80xi32, #tpu.memory_space<vmem>>
      %dma_start3A_699 = arith.constant 0 : i32
      %dma_start3A_700 = arith.constant 0 : i32
      %dma_start3A_701 = tpu.memref_slice %arg2[%dma_start3A_699, %dma_start3A_700] : memref<10016x128xf32, #tpu.memory_space<hbm>> -> memref<10016x128xf32, #tpu.memory_space<hbm>>
      tpu.enqueue_indirect_dma source(%dma_start3A_701 : memref<10016x128xf32, #tpu.memory_space<hbm>>) target(%arg9 : memref<80x128xf32, #tpu.memory_space<vmem>>) offsets(%dma_start3A_698 : memref<80xi32, #tpu.memory_space<vmem>>) semaphore(%arg14 : memref<!tpu.dma_semaphore, #tpu.memory_space<semaphore_mem>>)
      %add3A_702 = arith.constant 2 : i32
      %add3A_703 = arith.addi %mul3A_601, %add3A_702 : i32
      %dma_wait3A_704 = arith.constant 0 : i32
      %dma_wait3A_705 = tpu.memref_slice %arg7[%add3A_703, %dma_wait3A_704] : memref<32x80xi32, #tpu.memory_space<vmem>> -> memref<1x80xi32, #tpu.memory_space<vmem>>
      %dma_wait3A_706 = tpu.memref_squeeze %dma_wait3A_705 : memref<1x80xi32, #tpu.memory_space<vmem>> -> memref<80xi32, #tpu.memory_space<vmem>>
      %dma_wait3A_707 = arith.constant 0 : i32
      %dma_wait3A_708 = arith.constant 0 : i32
      %dma_wait3A_709 = tpu.memref_slice %arg12[%dma_wait3A_707, %dma_wait3A_708] : memref<10240x128xf32, #tpu.memory_space<vmem_shared>> -> memref<10240x128xf32, #tpu.memory_space<vmem_shared>>
      tpu.wait_indirect_dma semaphore(%arg19 : memref<!tpu.dma_semaphore, #tpu.memory_space<semaphore_mem>>) src(%arg10 : memref<80x128xf32, #tpu.memory_space<vmem>>) dst(%dma_wait3A_709 : memref<10240x128xf32, #tpu.memory_space<vmem_shared>>)
      %add3A_710 = arith.constant 4 : i32
      %add3A_711 = arith.addi %mul3A_601, %add3A_710 : i32
      %add3A_712 = arith.constant 2 : i32
      %add3A_713 = arith.addi %add3A_711, %add3A_712 : i32
      %dma_start3A_714 = arith.constant 0 : i32
      %dma_start3A_715 = tpu.memref_slice %arg6[%add3A_713, %dma_start3A_714] : memref<32x80xi32, #tpu.memory_space<vmem>> -> memref<1x80xi32, #tpu.memory_space<vmem>>
      %dma_start3A_716 = tpu.memref_squeeze %dma_start3A_715 : memref<1x80xi32, #tpu.memory_space<vmem>> -> memref<80xi32, #tpu.memory_space<vmem>>
      %dma_start3A_717 = arith.constant 0 : i32
      %dma_start3A_718 = arith.constant 0 : i32
      %dma_start3A_719 = tpu.memref_slice %arg2[%dma_start3A_717, %dma_start3A_718] : memref<10016x128xf32, #tpu.memory_space<hbm>> -> memref<10016x128xf32, #tpu.memory_space<hbm>>
      tpu.enqueue_indirect_dma source(%dma_start3A_719 : memref<10016x128xf32, #tpu.memory_space<hbm>>) target(%arg10 : memref<80x128xf32, #tpu.memory_space<vmem>>) offsets(%dma_start3A_716 : memref<80xi32, #tpu.memory_space<vmem>>) semaphore(%arg15 : memref<!tpu.dma_semaphore, #tpu.memory_space<semaphore_mem>>)
      %add3A_720 = arith.constant 3 : i32
      %add3A_721 = arith.addi %mul3A_601, %add3A_720 : i32
      %dma_wait3A_722 = arith.constant 0 : i32
      %dma_wait3A_723 = tpu.memref_slice %arg7[%add3A_721, %dma_wait3A_722] : memref<32x80xi32, #tpu.memory_space<vmem>> -> memref<1x80xi32, #tpu.memory_space<vmem>>
      %dma_wait3A_724 = tpu.memref_squeeze %dma_wait3A_723 : memref<1x80xi32, #tpu.memory_space<vmem>> -> memref<80xi32, #tpu.memory_space<vmem>>
      %dma_wait3A_725 = arith.constant 0 : i32
      %dma_wait3A_726 = arith.constant 0 : i32
      %dma_wait3A_727 = tpu.memref_slice %arg12[%dma_wait3A_725, %dma_wait3A_726] : memref<10240x128xf32, #tpu.memory_space<vmem_shared>> -> memref<10240x128xf32, #tpu.memory_space<vmem_shared>>
      tpu.wait_indirect_dma semaphore(%arg20 : memref<!tpu.dma_semaphore, #tpu.memory_space<semaphore_mem>>) src(%arg11 : memref<80x128xf32, #tpu.memory_space<vmem>>) dst(%dma_wait3A_727 : memref<10240x128xf32, #tpu.memory_space<vmem_shared>>)
      %add3A_728 = arith.constant 4 : i32
      %add3A_729 = arith.addi %mul3A_601, %add3A_728 : i32
      %add3A_730 = arith.constant 3 : i32
      %add3A_731 = arith.addi %add3A_729, %add3A_730 : i32
      %dma_start3A_732 = arith.constant 0 : i32
      %dma_start3A_733 = tpu.memref_slice %arg6[%add3A_731, %dma_start3A_732] : memref<32x80xi32, #tpu.memory_space<vmem>> -> memref<1x80xi32, #tpu.memory_space<vmem>>
      %dma_start3A_734 = tpu.memref_squeeze %dma_start3A_733 : memref<1x80xi32, #tpu.memory_space<vmem>> -> memref<80xi32, #tpu.memory_space<vmem>>
      %dma_start3A_735 = arith.constant 0 : i32
      %dma_start3A_736 = arith.constant 0 : i32
      %dma_start3A_737 = tpu.memref_slice %arg2[%dma_start3A_735, %dma_start3A_736] : memref<10016x128xf32, #tpu.memory_space<hbm>> -> memref<10016x128xf32, #tpu.memory_space<hbm>>
      tpu.enqueue_indirect_dma source(%dma_start3A_737 : memref<10016x128xf32, #tpu.memory_space<hbm>>) target(%arg11 : memref<80x128xf32, #tpu.memory_space<vmem>>) offsets(%dma_start3A_734 : memref<80xi32, #tpu.memory_space<vmem>>) semaphore(%arg16 : memref<!tpu.dma_semaphore, #tpu.memory_space<semaphore_mem>>)
      %scan3A_738 = arith.constant 0 : i32
      scf.yield %scan3A_738 : i32
    }
    %scan3A_508 = arith.constant 7 : i32
    %dma_wait3A_509 = arith.constant 28 : i32
    %dma_wait3A_510 = arith.constant 0 : i32
    %dma_wait3A_511 = tpu.memref_slice %arg6[%dma_wait3A_509, %dma_wait3A_510] : memref<32x80xi32, #tpu.memory_space<vmem>> -> memref<1x80xi32, #tpu.memory_space<vmem>>
    %dma_wait3A_512 = tpu.memref_squeeze %dma_wait3A_511 : memref<1x80xi32, #tpu.memory_space<vmem>> -> memref<80xi32, #tpu.memory_space<vmem>>
    %dma_wait3A_513 = arith.constant 0 : i32
    %dma_wait3A_514 = arith.constant 0 : i32
    %dma_wait3A_515 = tpu.memref_slice %arg2[%dma_wait3A_513, %dma_wait3A_514] : memref<10016x128xf32, #tpu.memory_space<hbm>> -> memref<10016x128xf32, #tpu.memory_space<hbm>>
    tpu.wait_indirect_dma semaphore(%arg13 : memref<!tpu.dma_semaphore, #tpu.memory_space<semaphore_mem>>) src(%dma_wait3A_515 : memref<10016x128xf32, #tpu.memory_space<hbm>>) dst(%arg8 : memref<80x128xf32, #tpu.memory_space<vmem>>)
    %dma_start3A_516 = arith.constant 28 : i32
    %dma_start3A_517 = arith.constant 0 : i32
    %dma_start3A_518 = tpu.memref_slice %arg7[%dma_start3A_516, %dma_start3A_517] : memref<32x80xi32, #tpu.memory_space<vmem>> -> memref<1x80xi32, #tpu.memory_space<vmem>>
    %dma_start3A_519 = tpu.memref_squeeze %dma_start3A_518 : memref<1x80xi32, #tpu.memory_space<vmem>> -> memref<80xi32, #tpu.memory_space<vmem>>
    %dma_start3A_520 = arith.constant 0 : i32
    %dma_start3A_521 = arith.constant 0 : i32
    %dma_start3A_522 = tpu.memref_slice %arg12[%dma_start3A_520, %dma_start3A_521] : memref<10240x128xf32, #tpu.memory_space<vmem_shared>> -> memref<10240x128xf32, #tpu.memory_space<vmem_shared>>
    tpu.enqueue_indirect_dma source(%arg8 : memref<80x128xf32, #tpu.memory_space<vmem>>) target(%dma_start3A_522 : memref<10240x128xf32, #tpu.memory_space<vmem_shared>>) offsets(%dma_start3A_519 : memref<80xi32, #tpu.memory_space<vmem>>) semaphore(%arg17 : memref<!tpu.dma_semaphore, #tpu.memory_space<semaphore_mem>>) {add = true}
    %dma_wait3A_523 = arith.constant 29 : i32
    %dma_wait3A_524 = arith.constant 0 : i32
    %dma_wait3A_525 = tpu.memref_slice %arg6[%dma_wait3A_523, %dma_wait3A_524] : memref<32x80xi32, #tpu.memory_space<vmem>> -> memref<1x80xi32, #tpu.memory_space<vmem>>
    %dma_wait3A_526 = tpu.memref_squeeze %dma_wait3A_525 : memref<1x80xi32, #tpu.memory_space<vmem>> -> memref<80xi32, #tpu.memory_space<vmem>>
    %dma_wait3A_527 = arith.constant 0 : i32
    %dma_wait3A_528 = arith.constant 0 : i32
    %dma_wait3A_529 = tpu.memref_slice %arg2[%dma_wait3A_527, %dma_wait3A_528] : memref<10016x128xf32, #tpu.memory_space<hbm>> -> memref<10016x128xf32, #tpu.memory_space<hbm>>
    tpu.wait_indirect_dma semaphore(%arg14 : memref<!tpu.dma_semaphore, #tpu.memory_space<semaphore_mem>>) src(%dma_wait3A_529 : memref<10016x128xf32, #tpu.memory_space<hbm>>) dst(%arg9 : memref<80x128xf32, #tpu.memory_space<vmem>>)
    %dma_start3A_530 = arith.constant 29 : i32
    %dma_start3A_531 = arith.constant 0 : i32
    %dma_start3A_532 = tpu.memref_slice %arg7[%dma_start3A_530, %dma_start3A_531] : memref<32x80xi32, #tpu.memory_space<vmem>> -> memref<1x80xi32, #tpu.memory_space<vmem>>
    %dma_start3A_533 = tpu.memref_squeeze %dma_start3A_532 : memref<1x80xi32, #tpu.memory_space<vmem>> -> memref<80xi32, #tpu.memory_space<vmem>>
    %dma_start3A_534 = arith.constant 0 : i32
    %dma_start3A_535 = arith.constant 0 : i32
    %dma_start3A_536 = tpu.memref_slice %arg12[%dma_start3A_534, %dma_start3A_535] : memref<10240x128xf32, #tpu.memory_space<vmem_shared>> -> memref<10240x128xf32, #tpu.memory_space<vmem_shared>>
    tpu.enqueue_indirect_dma source(%arg9 : memref<80x128xf32, #tpu.memory_space<vmem>>) target(%dma_start3A_536 : memref<10240x128xf32, #tpu.memory_space<vmem_shared>>) offsets(%dma_start3A_533 : memref<80xi32, #tpu.memory_space<vmem>>) semaphore(%arg18 : memref<!tpu.dma_semaphore, #tpu.memory_space<semaphore_mem>>) {add = true}
    %dma_wait3A_537 = arith.constant 30 : i32
    %dma_wait3A_538 = arith.constant 0 : i32
    %dma_wait3A_539 = tpu.memref_slice %arg6[%dma_wait3A_537, %dma_wait3A_538] : memref<32x80xi32, #tpu.memory_space<vmem>> -> memref<1x80xi32, #tpu.memory_space<vmem>>
    %dma_wait3A_540 = tpu.memref_squeeze %dma_wait3A_539 : memref<1x80xi32, #tpu.memory_space<vmem>> -> memref<80xi32, #tpu.memory_space<vmem>>
    %dma_wait3A_541 = arith.constant 0 : i32
    %dma_wait3A_542 = arith.constant 0 : i32
    %dma_wait3A_543 = tpu.memref_slice %arg2[%dma_wait3A_541, %dma_wait3A_542] : memref<10016x128xf32, #tpu.memory_space<hbm>> -> memref<10016x128xf32, #tpu.memory_space<hbm>>
    tpu.wait_indirect_dma semaphore(%arg15 : memref<!tpu.dma_semaphore, #tpu.memory_space<semaphore_mem>>) src(%dma_wait3A_543 : memref<10016x128xf32, #tpu.memory_space<hbm>>) dst(%arg10 : memref<80x128xf32, #tpu.memory_space<vmem>>)
    %dma_start3A_544 = arith.constant 30 : i32
    %dma_start3A_545 = arith.constant 0 : i32
    %dma_start3A_546 = tpu.memref_slice %arg7[%dma_start3A_544, %dma_start3A_545] : memref<32x80xi32, #tpu.memory_space<vmem>> -> memref<1x80xi32, #tpu.memory_space<vmem>>
    %dma_start3A_547 = tpu.memref_squeeze %dma_start3A_546 : memref<1x80xi32, #tpu.memory_space<vmem>> -> memref<80xi32, #tpu.memory_space<vmem>>
    %dma_start3A_548 = arith.constant 0 : i32
    %dma_start3A_549 = arith.constant 0 : i32
    %dma_start3A_550 = tpu.memref_slice %arg12[%dma_start3A_548, %dma_start3A_549] : memref<10240x128xf32, #tpu.memory_space<vmem_shared>> -> memref<10240x128xf32, #tpu.memory_space<vmem_shared>>
    tpu.enqueue_indirect_dma source(%arg10 : memref<80x128xf32, #tpu.memory_space<vmem>>) target(%dma_start3A_550 : memref<10240x128xf32, #tpu.memory_space<vmem_shared>>) offsets(%dma_start3A_547 : memref<80xi32, #tpu.memory_space<vmem>>) semaphore(%arg19 : memref<!tpu.dma_semaphore, #tpu.memory_space<semaphore_mem>>) {add = true}
    %dma_wait3A_551 = arith.constant 31 : i32
    %dma_wait3A_552 = arith.constant 0 : i32
    %dma_wait3A_553 = tpu.memref_slice %arg6[%dma_wait3A_551, %dma_wait3A_552] : memref<32x80xi32, #tpu.memory_space<vmem>> -> memref<1x80xi32, #tpu.memory_space<vmem>>
    %dma_wait3A_554 = tpu.memref_squeeze %dma_wait3A_553 : memref<1x80xi32, #tpu.memory_space<vmem>> -> memref<80xi32, #tpu.memory_space<vmem>>
    %dma_wait3A_555 = arith.constant 0 : i32
    %dma_wait3A_556 = arith.constant 0 : i32
    %dma_wait3A_557 = tpu.memref_slice %arg2[%dma_wait3A_555, %dma_wait3A_556] : memref<10016x128xf32, #tpu.memory_space<hbm>> -> memref<10016x128xf32, #tpu.memory_space<hbm>>
    tpu.wait_indirect_dma semaphore(%arg16 : memref<!tpu.dma_semaphore, #tpu.memory_space<semaphore_mem>>) src(%dma_wait3A_557 : memref<10016x128xf32, #tpu.memory_space<hbm>>) dst(%arg11 : memref<80x128xf32, #tpu.memory_space<vmem>>)
    %dma_start3A_558 = arith.constant 31 : i32
    %dma_start3A_559 = arith.constant 0 : i32
    %dma_start3A_560 = tpu.memref_slice %arg7[%dma_start3A_558, %dma_start3A_559] : memref<32x80xi32, #tpu.memory_space<vmem>> -> memref<1x80xi32, #tpu.memory_space<vmem>>
    %dma_start3A_561 = tpu.memref_squeeze %dma_start3A_560 : memref<1x80xi32, #tpu.memory_space<vmem>> -> memref<80xi32, #tpu.memory_space<vmem>>
    %dma_start3A_562 = arith.constant 0 : i32
    %dma_start3A_563 = arith.constant 0 : i32
    %dma_start3A_564 = tpu.memref_slice %arg12[%dma_start3A_562, %dma_start3A_563] : memref<10240x128xf32, #tpu.memory_space<vmem_shared>> -> memref<10240x128xf32, #tpu.memory_space<vmem_shared>>
    tpu.enqueue_indirect_dma source(%arg11 : memref<80x128xf32, #tpu.memory_space<vmem>>) target(%dma_start3A_564 : memref<10240x128xf32, #tpu.memory_space<vmem_shared>>) offsets(%dma_start3A_561 : memref<80xi32, #tpu.memory_space<vmem>>) semaphore(%arg20 : memref<!tpu.dma_semaphore, #tpu.memory_space<semaphore_mem>>) {add = true}
    %dma_wait3A_565 = arith.constant 28 : i32
    %dma_wait3A_566 = arith.constant 0 : i32
    %dma_wait3A_567 = tpu.memref_slice %arg7[%dma_wait3A_565, %dma_wait3A_566] : memref<32x80xi32, #tpu.memory_space<vmem>> -> memref<1x80xi32, #tpu.memory_space<vmem>>
    %dma_wait3A_568 = tpu.memref_squeeze %dma_wait3A_567 : memref<1x80xi32, #tpu.memory_space<vmem>> -> memref<80xi32, #tpu.memory_space<vmem>>
    %dma_wait3A_569 = arith.constant 0 : i32
    %dma_wait3A_570 = arith.constant 0 : i32
    %dma_wait3A_571 = tpu.memref_slice %arg12[%dma_wait3A_569, %dma_wait3A_570] : memref<10240x128xf32, #tpu.memory_space<vmem_shared>> -> memref<10240x128xf32, #tpu.memory_space<vmem_shared>>
    tpu.wait_indirect_dma semaphore(%arg17 : memref<!tpu.dma_semaphore, #tpu.memory_space<semaphore_mem>>) src(%arg8 : memref<80x128xf32, #tpu.memory_space<vmem>>) dst(%dma_wait3A_571 : memref<10240x128xf32, #tpu.memory_space<vmem_shared>>)
    %dma_wait3A_572 = arith.constant 29 : i32
    %dma_wait3A_573 = arith.constant 0 : i32
    %dma_wait3A_574 = tpu.memref_slice %arg7[%dma_wait3A_572, %dma_wait3A_573] : memref<32x80xi32, #tpu.memory_space<vmem>> -> memref<1x80xi32, #tpu.memory_space<vmem>>
    %dma_wait3A_575 = tpu.memref_squeeze %dma_wait3A_574 : memref<1x80xi32, #tpu.memory_space<vmem>> -> memref<80xi32, #tpu.memory_space<vmem>>
    %dma_wait3A_576 = arith.constant 0 : i32
    %dma_wait3A_577 = arith.constant 0 : i32
    %dma_wait3A_578 = tpu.memref_slice %arg12[%dma_wait3A_576, %dma_wait3A_577] : memref<10240x128xf32, #tpu.memory_space<vmem_shared>> -> memref<10240x128xf32, #tpu.memory_space<vmem_shared>>
    tpu.wait_indirect_dma semaphore(%arg18 : memref<!tpu.dma_semaphore, #tpu.memory_space<semaphore_mem>>) src(%arg9 : memref<80x128xf32, #tpu.memory_space<vmem>>) dst(%dma_wait3A_578 : memref<10240x128xf32, #tpu.memory_space<vmem_shared>>)
    %dma_wait3A_579 = arith.constant 30 : i32
    %dma_wait3A_580 = arith.constant 0 : i32
    %dma_wait3A_581 = tpu.memref_slice %arg7[%dma_wait3A_579, %dma_wait3A_580] : memref<32x80xi32, #tpu.memory_space<vmem>> -> memref<1x80xi32, #tpu.memory_space<vmem>>
    %dma_wait3A_582 = tpu.memref_squeeze %dma_wait3A_581 : memref<1x80xi32, #tpu.memory_space<vmem>> -> memref<80xi32, #tpu.memory_space<vmem>>
    %dma_wait3A_583 = arith.constant 0 : i32
    %dma_wait3A_584 = arith.constant 0 : i32
    %dma_wait3A_585 = tpu.memref_slice %arg12[%dma_wait3A_583, %dma_wait3A_584] : memref<10240x128xf32, #tpu.memory_space<vmem_shared>> -> memref<10240x128xf32, #tpu.memory_space<vmem_shared>>
    tpu.wait_indirect_dma semaphore(%arg19 : memref<!tpu.dma_semaphore, #tpu.memory_space<semaphore_mem>>) src(%arg10 : memref<80x128xf32, #tpu.memory_space<vmem>>) dst(%dma_wait3A_585 : memref<10240x128xf32, #tpu.memory_space<vmem_shared>>)
    %dma_wait3A_586 = arith.constant 31 : i32
    %dma_wait3A_587 = arith.constant 0 : i32
    %dma_wait3A_588 = tpu.memref_slice %arg7[%dma_wait3A_586, %dma_wait3A_587] : memref<32x80xi32, #tpu.memory_space<vmem>> -> memref<1x80xi32, #tpu.memory_space<vmem>>
    %dma_wait3A_589 = tpu.memref_squeeze %dma_wait3A_588 : memref<1x80xi32, #tpu.memory_space<vmem>> -> memref<80xi32, #tpu.memory_space<vmem>>
    %dma_wait3A_590 = arith.constant 0 : i32
    %dma_wait3A_591 = arith.constant 0 : i32
    %dma_wait3A_592 = tpu.memref_slice %arg12[%dma_wait3A_590, %dma_wait3A_591] : memref<10240x128xf32, #tpu.memory_space<vmem_shared>> -> memref<10240x128xf32, #tpu.memory_space<vmem_shared>>
    tpu.wait_indirect_dma semaphore(%arg20 : memref<!tpu.dma_semaphore, #tpu.memory_space<semaphore_mem>>) src(%arg11 : memref<80x128xf32, #tpu.memory_space<vmem>>) dst(%dma_wait3A_592 : memref<10240x128xf32, #tpu.memory_space<vmem_shared>>)
    %barrier3A_593 = arith.constant 0 : index
    tpu.barrier barrier_id(%barrier3A_593)
    %mul3A_594 = arith.constant 640 : i32
    %mul3A_595 = arith.muli %arg1, %mul3A_594 : i32
    %mul3A_596 = arith.constant 640 : i32
    %mul3A_597 = arith.muli %arg1, %mul3A_596 : i32
    "tpu.region"() ({
      %run_scoped3A = tpu.sem_alloc : memref<!tpu.dma_semaphore, #tpu.memory_space<semaphore_mem>>
      %dma_start3A_598 = arith.constant 0 : i32
      %dma_start3A_599 = tpu.memref_slice %arg5[%arg0, %mul3A_597, %dma_start3A_598] : memref<2x10240x128xf32, #tpu.memory_space<hbm>> -> memref<1x640x128xf32, #tpu.memory_space<hbm>>
      %dma_start3A_600 = tpu.memref_squeeze %dma_start3A_599 : memref<1x640x128xf32, #tpu.memory_space<hbm>> -> memref<640x128xf32, #tpu.memory_space<hbm>>
      %dma_start3A_601 = arith.constant 0 : i32
      %dma_start3A_602 = tpu.memref_slice %arg12[%mul3A_595, %dma_start3A_601] : memref<10240x128xf32, #tpu.memory_space<vmem_shared>> -> memref<640x128xf32, #tpu.memory_space<vmem_shared>>
      tpu.enqueue_dma source(%dma_start3A_602 : memref<640x128xf32, #tpu.memory_space<vmem_shared>>) target(%dma_start3A_600 : memref<640x128xf32, #tpu.memory_space<hbm>>) target_semaphore(%run_scoped3A : memref<!tpu.dma_semaphore, #tpu.memory_space<semaphore_mem>>)
      %dma_wait3A_603 = arith.constant 0 : i32
      %dma_wait3A_604 = tpu.memref_slice %arg5[%arg0, %mul3A_597, %dma_wait3A_603] : memref<2x10240x128xf32, #tpu.memory_space<hbm>> -> memref<1x640x128xf32, #tpu.memory_space<hbm>>
      %dma_wait3A_605 = tpu.memref_squeeze %dma_wait3A_604 : memref<1x640x128xf32, #tpu.memory_space<hbm>> -> memref<640x128xf32, #tpu.memory_space<hbm>>
      %dma_wait3A_606 = arith.constant 0 : i32
      %dma_wait3A_607 = tpu.memref_slice %arg12[%mul3A_595, %dma_wait3A_606] : memref<10240x128xf32, #tpu.memory_space<vmem_shared>> -> memref<640x128xf32, #tpu.memory_space<vmem_shared>>
      tpu.wait_dma2 semaphore(%run_scoped3A : memref<!tpu.dma_semaphore, #tpu.memory_space<semaphore_mem>>) src(%dma_wait3A_607 : memref<640x128xf32, #tpu.memory_space<vmem_shared>>) dst(%dma_wait3A_605 : memref<640x128xf32, #tpu.memory_space<hbm>>)
      tpu.yield
    }) : () -> ()
    return
  }
}

#map = affine_map<(d0, d1) -> (0, 0, 0)>
#map1 = affine_map<(d0, d1) -> (0)>
module attributes {stable_mosaic.version = 14 : i64} {
  func.func @_deg_kernel(%arg0: i32, %arg1: i32, %arg2: memref<32x128x80xi32, #tpu.memory_space<hbm>>, %arg3: memref<20480xf32, #tpu.memory_space<hbm>>, %arg4: memref<128x80xi32, #tpu.memory_space<vmem>>, %arg5: memref<80xf32, #tpu.memory_space<vmem>>, %arg6: memref<640xf32, #tpu.memory_space<vmem>>, %arg7: memref<10240xf32, #tpu.memory_space<vmem_shared>>, %arg8: memref<!tpu.dma_semaphore, #tpu.memory_space<semaphore_mem>>) attributes {dimension_semantics = [#tpu.dimension_semantics<core_parallel>, #tpu.dimension_semantics<subcore_parallel>], iteration_bounds = array<i64: 2, 16>, scalar_prefetch = 0 : i64, scratch_operands = 5 : i64, tpu.core_type = #tpu.core_type<sc_vector_subcore>, window_params = [{transform_indices = #map}, {transform_indices = #map1}]} {
    %mul3A = arith.constant 16 : i32
    %mul3A_0 = arith.muli %arg0, %mul3A : i32
    %add3A = arith.addi %mul3A_0, %arg1 : i32
    %scan3A = arith.constant 0 : i32
    %scan3A_1 = arith.constant 0 : i32
    %scan3A_2 = arith.constant 5 : i32
    %scan3A_3 = arith.addi %scan3A_1, %scan3A_2 : i32
    %scan3A_4 = arith.constant 1 : i32
    %scan3A_5 = scf.for %scan3A_31 = %scan3A_1 to %scan3A_3 step %scan3A_4 iter_args(%scan3A_32 = %scan3A) -> (i32)  : i32 {
      %broadcast_in_dim3A = arith.constant 1.000000e+00 : f32
      %broadcast_in_dim3A_33 = vector.broadcast %broadcast_in_dim3A : f32 to vector<16xf32>
      %mul3A_34 = arith.constant 16 : i32
      %mul3A_35 = arith.muli %scan3A_31, %mul3A_34 : i32
      %swap3A = arith.index_cast %mul3A_35 : i32 to index
      %swap3A_36 = tpu.vector_load %arg5[%swap3A] {strides = array<i32>} : memref<80xf32, #tpu.memory_space<vmem>>, vector<16xf32>,
      %swap3A_37 = vector.shape_cast %swap3A_36 : vector<16xf32> to vector<16xf32>
      %swap3A_38 = vector.shape_cast %broadcast_in_dim3A_33 : vector<16xf32> to vector<16xf32>
      tpu.vector_store %arg5[%swap3A], %swap3A_38 {strides = array<i32>} : memref<80xf32, #tpu.memory_space<vmem>>, vector<16xf32>,
      %scan3A_39 = arith.constant 0 : i32
      scf.yield %scan3A_39 : i32
    }
    %scan3A_6 = arith.constant 5 : i32
    %scan3A_7 = arith.constant 0 : i32
    %scan3A_8 = arith.constant 0 : i32
    %scan3A_9 = arith.constant 40 : i32
    %scan3A_10 = arith.addi %scan3A_8, %scan3A_9 : i32
    %scan3A_11 = arith.constant 1 : i32
    %scan3A_12 = scf.for %scan3A_31 = %scan3A_8 to %scan3A_10 step %scan3A_11 iter_args(%scan3A_32 = %scan3A_7) -> (i32)  : i32 {
      %broadcast_in_dim3A = arith.constant 0.000000e+00 : f32
      %broadcast_in_dim3A_33 = vector.broadcast %broadcast_in_dim3A : f32 to vector<16xf32>
      %mul3A_34 = arith.constant 16 : i32
      %mul3A_35 = arith.muli %scan3A_31, %mul3A_34 : i32
      %swap3A = arith.index_cast %mul3A_35 : i32 to index
      %swap3A_36 = tpu.vector_load %arg6[%swap3A] {strides = array<i32>} : memref<640xf32, #tpu.memory_space<vmem>>, vector<16xf32>,
      %swap3A_37 = vector.shape_cast %swap3A_36 : vector<16xf32> to vector<16xf32>
      %swap3A_38 = vector.shape_cast %broadcast_in_dim3A_33 : vector<16xf32> to vector<16xf32>
      tpu.vector_store %arg6[%swap3A], %swap3A_38 {strides = array<i32>} : memref<640xf32, #tpu.memory_space<vmem>>, vector<16xf32>,
      %scan3A_39 = arith.constant 0 : i32
      scf.yield %scan3A_39 : i32
    }
    %scan3A_13 = arith.constant 40 : i32
    %mul3A_14 = arith.constant 640 : i32
    %mul3A_15 = arith.muli %arg1, %mul3A_14 : i32
    "tpu.region"() ({
      %run_scoped3A = tpu.sem_alloc : memref<!tpu.dma_semaphore, #tpu.memory_space<semaphore_mem>>
      %dma_start3A = tpu.memref_slice %arg7[%mul3A_15] : memref<10240xf32, #tpu.memory_space<vmem_shared>> -> memref<640xf32, #tpu.memory_space<vmem_shared>>
      %dma_start3A_31 = tpu.memref_slice %arg7[%mul3A_15] : memref<10240xf32, #tpu.memory_space<vmem_shared>> -> memref<640xf32, #tpu.memory_space<vmem_shared>>
      tpu.enqueue_dma source(%arg6 : memref<640xf32, #tpu.memory_space<vmem>>) target(%dma_start3A_31 : memref<640xf32, #tpu.memory_space<vmem_shared>>) target_semaphore(%run_scoped3A : memref<!tpu.dma_semaphore, #tpu.memory_space<semaphore_mem>>)
      %dma_wait3A = tpu.memref_slice %arg7[%mul3A_15] : memref<10240xf32, #tpu.memory_space<vmem_shared>> -> memref<640xf32, #tpu.memory_space<vmem_shared>>
      %dma_wait3A_32 = tpu.memref_slice %arg7[%mul3A_15] : memref<10240xf32, #tpu.memory_space<vmem_shared>> -> memref<640xf32, #tpu.memory_space<vmem_shared>>
      tpu.wait_dma2 semaphore(%run_scoped3A : memref<!tpu.dma_semaphore, #tpu.memory_space<semaphore_mem>>) src(%arg6 : memref<640xf32, #tpu.memory_space<vmem>>) dst(%dma_wait3A_32 : memref<640xf32, #tpu.memory_space<vmem_shared>>)
      tpu.yield
    }) : () -> ()
    "tpu.region"() ({
      %run_scoped3A = tpu.sem_alloc : memref<!tpu.dma_semaphore, #tpu.memory_space<semaphore_mem>>
      %dma_start3A = arith.constant 0 : i32
      %dma_start3A_31 = arith.constant 0 : i32
      %dma_start3A_32 = tpu.memref_slice %arg2[%add3A, %dma_start3A, %dma_start3A_31] : memref<32x128x80xi32, #tpu.memory_space<hbm>> -> memref<1x128x80xi32, #tpu.memory_space<hbm>>
      %dma_start3A_33 = tpu.memref_squeeze %dma_start3A_32 : memref<1x128x80xi32, #tpu.memory_space<hbm>> -> memref<128x80xi32, #tpu.memory_space<hbm>>
      %dma_start3A_34 = arith.constant 0 : i32
      %dma_start3A_35 = arith.constant 0 : i32
      %dma_start3A_36 = tpu.memref_slice %arg2[%add3A, %dma_start3A_34, %dma_start3A_35] : memref<32x128x80xi32, #tpu.memory_space<hbm>> -> memref<1x128x80xi32, #tpu.memory_space<hbm>>
      %dma_start3A_37 = tpu.memref_squeeze %dma_start3A_36 : memref<1x128x80xi32, #tpu.memory_space<hbm>> -> memref<128x80xi32, #tpu.memory_space<hbm>>
      tpu.enqueue_dma source(%dma_start3A_37 : memref<128x80xi32, #tpu.memory_space<hbm>>) target(%arg4 : memref<128x80xi32, #tpu.memory_space<vmem>>) target_semaphore(%run_scoped3A : memref<!tpu.dma_semaphore, #tpu.memory_space<semaphore_mem>>)
      %dma_wait3A = arith.constant 0 : i32
      %dma_wait3A_38 = arith.constant 0 : i32
      %dma_wait3A_39 = tpu.memref_slice %arg2[%add3A, %dma_wait3A, %dma_wait3A_38] : memref<32x128x80xi32, #tpu.memory_space<hbm>> -> memref<1x128x80xi32, #tpu.memory_space<hbm>>
      %dma_wait3A_40 = tpu.memref_squeeze %dma_wait3A_39 : memref<1x128x80xi32, #tpu.memory_space<hbm>> -> memref<128x80xi32, #tpu.memory_space<hbm>>
      %dma_wait3A_41 = arith.constant 0 : i32
      %dma_wait3A_42 = arith.constant 0 : i32
      %dma_wait3A_43 = tpu.memref_slice %arg2[%add3A, %dma_wait3A_41, %dma_wait3A_42] : memref<32x128x80xi32, #tpu.memory_space<hbm>> -> memref<1x128x80xi32, #tpu.memory_space<hbm>>
      %dma_wait3A_44 = tpu.memref_squeeze %dma_wait3A_43 : memref<1x128x80xi32, #tpu.memory_space<hbm>> -> memref<128x80xi32, #tpu.memory_space<hbm>>
      tpu.wait_dma2 semaphore(%run_scoped3A : memref<!tpu.dma_semaphore, #tpu.memory_space<semaphore_mem>>) src(%dma_wait3A_44 : memref<128x80xi32, #tpu.memory_space<hbm>>) dst(%arg4 : memref<128x80xi32, #tpu.memory_space<vmem>>)
      tpu.yield
    }) : () -> ()
    %barrier3A = arith.constant 0 : index
    tpu.barrier barrier_id(%barrier3A)
    %scan3A_16 = arith.constant 0 : i32
    %scan3A_17 = arith.constant 0 : i32
    %scan3A_18 = arith.constant 16 : i32
    %scan3A_19 = arith.addi %scan3A_17, %scan3A_18 : i32
    %scan3A_20 = arith.constant 1 : i32
    %scan3A_21 = scf.for %scan3A_31 = %scan3A_17 to %scan3A_19 step %scan3A_20 iter_args(%scan3A_32 = %scan3A_16) -> (i32)  : i32 {
      %mul3A_33 = arith.constant 8 : i32
      %mul3A_34 = arith.muli %scan3A_31, %mul3A_33 : i32
      %add3A_35 = arith.constant 0 : i32
      %add3A_36 = arith.addi %mul3A_34, %add3A_35 : i32
      %dma_start3A = arith.constant 0 : i32
      %dma_start3A_37 = tpu.memref_slice %arg4[%add3A_36, %dma_start3A] : memref<128x80xi32, #tpu.memory_space<vmem>> -> memref<1x80xi32, #tpu.memory_space<vmem>>
      %dma_start3A_38 = tpu.memref_squeeze %dma_start3A_37 : memref<1x80xi32, #tpu.memory_space<vmem>> -> memref<80xi32, #tpu.memory_space<vmem>>
      %dma_start3A_39 = arith.constant 0 : i32
      %dma_start3A_40 = tpu.memref_slice %arg7[%dma_start3A_39] : memref<10240xf32, #tpu.memory_space<vmem_shared>> -> memref<10240xf32, #tpu.memory_space<vmem_shared>>
      tpu.enqueue_indirect_dma source(%arg5 : memref<80xf32, #tpu.memory_space<vmem>>) target(%dma_start3A_40 : memref<10240xf32, #tpu.memory_space<vmem_shared>>) offsets(%dma_start3A_38 : memref<80xi32, #tpu.memory_space<vmem>>) semaphore(%arg8 : memref<!tpu.dma_semaphore, #tpu.memory_space<semaphore_mem>>) {add = true}
      %mul3A_41 = arith.constant 8 : i32
      %mul3A_42 = arith.muli %scan3A_31, %mul3A_41 : i32
      %add3A_43 = arith.constant 1 : i32
      %add3A_44 = arith.addi %mul3A_42, %add3A_43 : i32
      %dma_start3A_45 = arith.constant 0 : i32
      %dma_start3A_46 = tpu.memref_slice %arg4[%add3A_44, %dma_start3A_45] : memref<128x80xi32, #tpu.memory_space<vmem>> -> memref<1x80xi32, #tpu.memory_space<vmem>>
      %dma_start3A_47 = tpu.memref_squeeze %dma_start3A_46 : memref<1x80xi32, #tpu.memory_space<vmem>> -> memref<80xi32, #tpu.memory_space<vmem>>
      %dma_start3A_48 = arith.constant 0 : i32
      %dma_start3A_49 = tpu.memref_slice %arg7[%dma_start3A_48] : memref<10240xf32, #tpu.memory_space<vmem_shared>> -> memref<10240xf32, #tpu.memory_space<vmem_shared>>
      tpu.enqueue_indirect_dma source(%arg5 : memref<80xf32, #tpu.memory_space<vmem>>) target(%dma_start3A_49 : memref<10240xf32, #tpu.memory_space<vmem_shared>>) offsets(%dma_start3A_47 : memref<80xi32, #tpu.memory_space<vmem>>) semaphore(%arg8 : memref<!tpu.dma_semaphore, #tpu.memory_space<semaphore_mem>>) {add = true}
      %mul3A_50 = arith.constant 8 : i32
      %mul3A_51 = arith.muli %scan3A_31, %mul3A_50 : i32
      %add3A_52 = arith.constant 2 : i32
      %add3A_53 = arith.addi %mul3A_51, %add3A_52 : i32
      %dma_start3A_54 = arith.constant 0 : i32
      %dma_start3A_55 = tpu.memref_slice %arg4[%add3A_53, %dma_start3A_54] : memref<128x80xi32, #tpu.memory_space<vmem>> -> memref<1x80xi32, #tpu.memory_space<vmem>>
      %dma_start3A_56 = tpu.memref_squeeze %dma_start3A_55 : memref<1x80xi32, #tpu.memory_space<vmem>> -> memref<80xi32, #tpu.memory_space<vmem>>
      %dma_start3A_57 = arith.constant 0 : i32
      %dma_start3A_58 = tpu.memref_slice %arg7[%dma_start3A_57] : memref<10240xf32, #tpu.memory_space<vmem_shared>> -> memref<10240xf32, #tpu.memory_space<vmem_shared>>
      tpu.enqueue_indirect_dma source(%arg5 : memref<80xf32, #tpu.memory_space<vmem>>) target(%dma_start3A_58 : memref<10240xf32, #tpu.memory_space<vmem_shared>>) offsets(%dma_start3A_56 : memref<80xi32, #tpu.memory_space<vmem>>) semaphore(%arg8 : memref<!tpu.dma_semaphore, #tpu.memory_space<semaphore_mem>>) {add = true}
      %mul3A_59 = arith.constant 8 : i32
      %mul3A_60 = arith.muli %scan3A_31, %mul3A_59 : i32
      %add3A_61 = arith.constant 3 : i32
      %add3A_62 = arith.addi %mul3A_60, %add3A_61 : i32
      %dma_start3A_63 = arith.constant 0 : i32
      %dma_start3A_64 = tpu.memref_slice %arg4[%add3A_62, %dma_start3A_63] : memref<128x80xi32, #tpu.memory_space<vmem>> -> memref<1x80xi32, #tpu.memory_space<vmem>>
      %dma_start3A_65 = tpu.memref_squeeze %dma_start3A_64 : memref<1x80xi32, #tpu.memory_space<vmem>> -> memref<80xi32, #tpu.memory_space<vmem>>
      %dma_start3A_66 = arith.constant 0 : i32
      %dma_start3A_67 = tpu.memref_slice %arg7[%dma_start3A_66] : memref<10240xf32, #tpu.memory_space<vmem_shared>> -> memref<10240xf32, #tpu.memory_space<vmem_shared>>
      tpu.enqueue_indirect_dma source(%arg5 : memref<80xf32, #tpu.memory_space<vmem>>) target(%dma_start3A_67 : memref<10240xf32, #tpu.memory_space<vmem_shared>>) offsets(%dma_start3A_65 : memref<80xi32, #tpu.memory_space<vmem>>) semaphore(%arg8 : memref<!tpu.dma_semaphore, #tpu.memory_space<semaphore_mem>>) {add = true}
      %mul3A_68 = arith.constant 8 : i32
      %mul3A_69 = arith.muli %scan3A_31, %mul3A_68 : i32
      %add3A_70 = arith.constant 4 : i32
      %add3A_71 = arith.addi %mul3A_69, %add3A_70 : i32
      %dma_start3A_72 = arith.constant 0 : i32
      %dma_start3A_73 = tpu.memref_slice %arg4[%add3A_71, %dma_start3A_72] : memref<128x80xi32, #tpu.memory_space<vmem>> -> memref<1x80xi32, #tpu.memory_space<vmem>>
      %dma_start3A_74 = tpu.memref_squeeze %dma_start3A_73 : memref<1x80xi32, #tpu.memory_space<vmem>> -> memref<80xi32, #tpu.memory_space<vmem>>
      %dma_start3A_75 = arith.constant 0 : i32
      %dma_start3A_76 = tpu.memref_slice %arg7[%dma_start3A_75] : memref<10240xf32, #tpu.memory_space<vmem_shared>> -> memref<10240xf32, #tpu.memory_space<vmem_shared>>
      tpu.enqueue_indirect_dma source(%arg5 : memref<80xf32, #tpu.memory_space<vmem>>) target(%dma_start3A_76 : memref<10240xf32, #tpu.memory_space<vmem_shared>>) offsets(%dma_start3A_74 : memref<80xi32, #tpu.memory_space<vmem>>) semaphore(%arg8 : memref<!tpu.dma_semaphore, #tpu.memory_space<semaphore_mem>>) {add = true}
      %mul3A_77 = arith.constant 8 : i32
      %mul3A_78 = arith.muli %scan3A_31, %mul3A_77 : i32
      %add3A_79 = arith.constant 5 : i32
      %add3A_80 = arith.addi %mul3A_78, %add3A_79 : i32
      %dma_start3A_81 = arith.constant 0 : i32
      %dma_start3A_82 = tpu.memref_slice %arg4[%add3A_80, %dma_start3A_81] : memref<128x80xi32, #tpu.memory_space<vmem>> -> memref<1x80xi32, #tpu.memory_space<vmem>>
      %dma_start3A_83 = tpu.memref_squeeze %dma_start3A_82 : memref<1x80xi32, #tpu.memory_space<vmem>> -> memref<80xi32, #tpu.memory_space<vmem>>
      %dma_start3A_84 = arith.constant 0 : i32
      %dma_start3A_85 = tpu.memref_slice %arg7[%dma_start3A_84] : memref<10240xf32, #tpu.memory_space<vmem_shared>> -> memref<10240xf32, #tpu.memory_space<vmem_shared>>
      tpu.enqueue_indirect_dma source(%arg5 : memref<80xf32, #tpu.memory_space<vmem>>) target(%dma_start3A_85 : memref<10240xf32, #tpu.memory_space<vmem_shared>>) offsets(%dma_start3A_83 : memref<80xi32, #tpu.memory_space<vmem>>) semaphore(%arg8 : memref<!tpu.dma_semaphore, #tpu.memory_space<semaphore_mem>>) {add = true}
      %mul3A_86 = arith.constant 8 : i32
      %mul3A_87 = arith.muli %scan3A_31, %mul3A_86 : i32
      %add3A_88 = arith.constant 6 : i32
      %add3A_89 = arith.addi %mul3A_87, %add3A_88 : i32
      %dma_start3A_90 = arith.constant 0 : i32
      %dma_start3A_91 = tpu.memref_slice %arg4[%add3A_89, %dma_start3A_90] : memref<128x80xi32, #tpu.memory_space<vmem>> -> memref<1x80xi32, #tpu.memory_space<vmem>>
      %dma_start3A_92 = tpu.memref_squeeze %dma_start3A_91 : memref<1x80xi32, #tpu.memory_space<vmem>> -> memref<80xi32, #tpu.memory_space<vmem>>
      %dma_start3A_93 = arith.constant 0 : i32
      %dma_start3A_94 = tpu.memref_slice %arg7[%dma_start3A_93] : memref<10240xf32, #tpu.memory_space<vmem_shared>> -> memref<10240xf32, #tpu.memory_space<vmem_shared>>
      tpu.enqueue_indirect_dma source(%arg5 : memref<80xf32, #tpu.memory_space<vmem>>) target(%dma_start3A_94 : memref<10240xf32, #tpu.memory_space<vmem_shared>>) offsets(%dma_start3A_92 : memref<80xi32, #tpu.memory_space<vmem>>) semaphore(%arg8 : memref<!tpu.dma_semaphore, #tpu.memory_space<semaphore_mem>>) {add = true}
      %mul3A_95 = arith.constant 8 : i32
      %mul3A_96 = arith.muli %scan3A_31, %mul3A_95 : i32
      %add3A_97 = arith.constant 7 : i32
      %add3A_98 = arith.addi %mul3A_96, %add3A_97 : i32
      %dma_start3A_99 = arith.constant 0 : i32
      %dma_start3A_100 = tpu.memref_slice %arg4[%add3A_98, %dma_start3A_99] : memref<128x80xi32, #tpu.memory_space<vmem>> -> memref<1x80xi32, #tpu.memory_space<vmem>>
      %dma_start3A_101 = tpu.memref_squeeze %dma_start3A_100 : memref<1x80xi32, #tpu.memory_space<vmem>> -> memref<80xi32, #tpu.memory_space<vmem>>
      %dma_start3A_102 = arith.constant 0 : i32
      %dma_start3A_103 = tpu.memref_slice %arg7[%dma_start3A_102] : memref<10240xf32, #tpu.memory_space<vmem_shared>> -> memref<10240xf32, #tpu.memory_space<vmem_shared>>
      tpu.enqueue_indirect_dma source(%arg5 : memref<80xf32, #tpu.memory_space<vmem>>) target(%dma_start3A_103 : memref<10240xf32, #tpu.memory_space<vmem_shared>>) offsets(%dma_start3A_101 : memref<80xi32, #tpu.memory_space<vmem>>) semaphore(%arg8 : memref<!tpu.dma_semaphore, #tpu.memory_space<semaphore_mem>>) {add = true}
      %mul3A_104 = arith.constant 8 : i32
      %mul3A_105 = arith.muli %scan3A_31, %mul3A_104 : i32
      %add3A_106 = arith.constant 0 : i32
      %add3A_107 = arith.addi %mul3A_105, %add3A_106 : i32
      %dma_wait3A = arith.constant 0 : i32
      %dma_wait3A_108 = tpu.memref_slice %arg4[%add3A_107, %dma_wait3A] : memref<128x80xi32, #tpu.memory_space<vmem>> -> memref<1x80xi32, #tpu.memory_space<vmem>>
      %dma_wait3A_109 = tpu.memref_squeeze %dma_wait3A_108 : memref<1x80xi32, #tpu.memory_space<vmem>> -> memref<80xi32, #tpu.memory_space<vmem>>
      %dma_wait3A_110 = arith.constant 0 : i32
      %dma_wait3A_111 = tpu.memref_slice %arg7[%dma_wait3A_110] : memref<10240xf32, #tpu.memory_space<vmem_shared>> -> memref<10240xf32, #tpu.memory_space<vmem_shared>>
      tpu.wait_indirect_dma semaphore(%arg8 : memref<!tpu.dma_semaphore, #tpu.memory_space<semaphore_mem>>) src(%arg5 : memref<80xf32, #tpu.memory_space<vmem>>) dst(%dma_wait3A_111 : memref<10240xf32, #tpu.memory_space<vmem_shared>>)
      %mul3A_112 = arith.constant 8 : i32
      %mul3A_113 = arith.muli %scan3A_31, %mul3A_112 : i32
      %add3A_114 = arith.constant 1 : i32
      %add3A_115 = arith.addi %mul3A_113, %add3A_114 : i32
      %dma_wait3A_116 = arith.constant 0 : i32
      %dma_wait3A_117 = tpu.memref_slice %arg4[%add3A_115, %dma_wait3A_116] : memref<128x80xi32, #tpu.memory_space<vmem>> -> memref<1x80xi32, #tpu.memory_space<vmem>>
      %dma_wait3A_118 = tpu.memref_squeeze %dma_wait3A_117 : memref<1x80xi32, #tpu.memory_space<vmem>> -> memref<80xi32, #tpu.memory_space<vmem>>
      %dma_wait3A_119 = arith.constant 0 : i32
      %dma_wait3A_120 = tpu.memref_slice %arg7[%dma_wait3A_119] : memref<10240xf32, #tpu.memory_space<vmem_shared>> -> memref<10240xf32, #tpu.memory_space<vmem_shared>>
      tpu.wait_indirect_dma semaphore(%arg8 : memref<!tpu.dma_semaphore, #tpu.memory_space<semaphore_mem>>) src(%arg5 : memref<80xf32, #tpu.memory_space<vmem>>) dst(%dma_wait3A_120 : memref<10240xf32, #tpu.memory_space<vmem_shared>>)
      %mul3A_121 = arith.constant 8 : i32
      %mul3A_122 = arith.muli %scan3A_31, %mul3A_121 : i32
      %add3A_123 = arith.constant 2 : i32
      %add3A_124 = arith.addi %mul3A_122, %add3A_123 : i32
      %dma_wait3A_125 = arith.constant 0 : i32
      %dma_wait3A_126 = tpu.memref_slice %arg4[%add3A_124, %dma_wait3A_125] : memref<128x80xi32, #tpu.memory_space<vmem>> -> memref<1x80xi32, #tpu.memory_space<vmem>>
      %dma_wait3A_127 = tpu.memref_squeeze %dma_wait3A_126 : memref<1x80xi32, #tpu.memory_space<vmem>> -> memref<80xi32, #tpu.memory_space<vmem>>
      %dma_wait3A_128 = arith.constant 0 : i32
      %dma_wait3A_129 = tpu.memref_slice %arg7[%dma_wait3A_128] : memref<10240xf32, #tpu.memory_space<vmem_shared>> -> memref<10240xf32, #tpu.memory_space<vmem_shared>>
      tpu.wait_indirect_dma semaphore(%arg8 : memref<!tpu.dma_semaphore, #tpu.memory_space<semaphore_mem>>) src(%arg5 : memref<80xf32, #tpu.memory_space<vmem>>) dst(%dma_wait3A_129 : memref<10240xf32, #tpu.memory_space<vmem_shared>>)
      %mul3A_130 = arith.constant 8 : i32
      %mul3A_131 = arith.muli %scan3A_31, %mul3A_130 : i32
      %add3A_132 = arith.constant 3 : i32
      %add3A_133 = arith.addi %mul3A_131, %add3A_132 : i32
      %dma_wait3A_134 = arith.constant 0 : i32
      %dma_wait3A_135 = tpu.memref_slice %arg4[%add3A_133, %dma_wait3A_134] : memref<128x80xi32, #tpu.memory_space<vmem>> -> memref<1x80xi32, #tpu.memory_space<vmem>>
      %dma_wait3A_136 = tpu.memref_squeeze %dma_wait3A_135 : memref<1x80xi32, #tpu.memory_space<vmem>> -> memref<80xi32, #tpu.memory_space<vmem>>
      %dma_wait3A_137 = arith.constant 0 : i32
      %dma_wait3A_138 = tpu.memref_slice %arg7[%dma_wait3A_137] : memref<10240xf32, #tpu.memory_space<vmem_shared>> -> memref<10240xf32, #tpu.memory_space<vmem_shared>>
      tpu.wait_indirect_dma semaphore(%arg8 : memref<!tpu.dma_semaphore, #tpu.memory_space<semaphore_mem>>) src(%arg5 : memref<80xf32, #tpu.memory_space<vmem>>) dst(%dma_wait3A_138 : memref<10240xf32, #tpu.memory_space<vmem_shared>>)
      %mul3A_139 = arith.constant 8 : i32
      %mul3A_140 = arith.muli %scan3A_31, %mul3A_139 : i32
      %add3A_141 = arith.constant 4 : i32
      %add3A_142 = arith.addi %mul3A_140, %add3A_141 : i32
      %dma_wait3A_143 = arith.constant 0 : i32
      %dma_wait3A_144 = tpu.memref_slice %arg4[%add3A_142, %dma_wait3A_143] : memref<128x80xi32, #tpu.memory_space<vmem>> -> memref<1x80xi32, #tpu.memory_space<vmem>>
      %dma_wait3A_145 = tpu.memref_squeeze %dma_wait3A_144 : memref<1x80xi32, #tpu.memory_space<vmem>> -> memref<80xi32, #tpu.memory_space<vmem>>
      %dma_wait3A_146 = arith.constant 0 : i32
      %dma_wait3A_147 = tpu.memref_slice %arg7[%dma_wait3A_146] : memref<10240xf32, #tpu.memory_space<vmem_shared>> -> memref<10240xf32, #tpu.memory_space<vmem_shared>>
      tpu.wait_indirect_dma semaphore(%arg8 : memref<!tpu.dma_semaphore, #tpu.memory_space<semaphore_mem>>) src(%arg5 : memref<80xf32, #tpu.memory_space<vmem>>) dst(%dma_wait3A_147 : memref<10240xf32, #tpu.memory_space<vmem_shared>>)
      %mul3A_148 = arith.constant 8 : i32
      %mul3A_149 = arith.muli %scan3A_31, %mul3A_148 : i32
      %add3A_150 = arith.constant 5 : i32
      %add3A_151 = arith.addi %mul3A_149, %add3A_150 : i32
      %dma_wait3A_152 = arith.constant 0 : i32
      %dma_wait3A_153 = tpu.memref_slice %arg4[%add3A_151, %dma_wait3A_152] : memref<128x80xi32, #tpu.memory_space<vmem>> -> memref<1x80xi32, #tpu.memory_space<vmem>>
      %dma_wait3A_154 = tpu.memref_squeeze %dma_wait3A_153 : memref<1x80xi32, #tpu.memory_space<vmem>> -> memref<80xi32, #tpu.memory_space<vmem>>
      %dma_wait3A_155 = arith.constant 0 : i32
      %dma_wait3A_156 = tpu.memref_slice %arg7[%dma_wait3A_155] : memref<10240xf32, #tpu.memory_space<vmem_shared>> -> memref<10240xf32, #tpu.memory_space<vmem_shared>>
      tpu.wait_indirect_dma semaphore(%arg8 : memref<!tpu.dma_semaphore, #tpu.memory_space<semaphore_mem>>) src(%arg5 : memref<80xf32, #tpu.memory_space<vmem>>) dst(%dma_wait3A_156 : memref<10240xf32, #tpu.memory_space<vmem_shared>>)
      %mul3A_157 = arith.constant 8 : i32
      %mul3A_158 = arith.muli %scan3A_31, %mul3A_157 : i32
      %add3A_159 = arith.constant 6 : i32
      %add3A_160 = arith.addi %mul3A_158, %add3A_159 : i32
      %dma_wait3A_161 = arith.constant 0 : i32
      %dma_wait3A_162 = tpu.memref_slice %arg4[%add3A_160, %dma_wait3A_161] : memref<128x80xi32, #tpu.memory_space<vmem>> -> memref<1x80xi32, #tpu.memory_space<vmem>>
      %dma_wait3A_163 = tpu.memref_squeeze %dma_wait3A_162 : memref<1x80xi32, #tpu.memory_space<vmem>> -> memref<80xi32, #tpu.memory_space<vmem>>
      %dma_wait3A_164 = arith.constant 0 : i32
      %dma_wait3A_165 = tpu.memref_slice %arg7[%dma_wait3A_164] : memref<10240xf32, #tpu.memory_space<vmem_shared>> -> memref<10240xf32, #tpu.memory_space<vmem_shared>>
      tpu.wait_indirect_dma semaphore(%arg8 : memref<!tpu.dma_semaphore, #tpu.memory_space<semaphore_mem>>) src(%arg5 : memref<80xf32, #tpu.memory_space<vmem>>) dst(%dma_wait3A_165 : memref<10240xf32, #tpu.memory_space<vmem_shared>>)
      %mul3A_166 = arith.constant 8 : i32
      %mul3A_167 = arith.muli %scan3A_31, %mul3A_166 : i32
      %add3A_168 = arith.constant 7 : i32
      %add3A_169 = arith.addi %mul3A_167, %add3A_168 : i32
      %dma_wait3A_170 = arith.constant 0 : i32
      %dma_wait3A_171 = tpu.memref_slice %arg4[%add3A_169, %dma_wait3A_170] : memref<128x80xi32, #tpu.memory_space<vmem>> -> memref<1x80xi32, #tpu.memory_space<vmem>>
      %dma_wait3A_172 = tpu.memref_squeeze %dma_wait3A_171 : memref<1x80xi32, #tpu.memory_space<vmem>> -> memref<80xi32, #tpu.memory_space<vmem>>
      %dma_wait3A_173 = arith.constant 0 : i32
      %dma_wait3A_174 = tpu.memref_slice %arg7[%dma_wait3A_173] : memref<10240xf32, #tpu.memory_space<vmem_shared>> -> memref<10240xf32, #tpu.memory_space<vmem_shared>>
      tpu.wait_indirect_dma semaphore(%arg8 : memref<!tpu.dma_semaphore, #tpu.memory_space<semaphore_mem>>) src(%arg5 : memref<80xf32, #tpu.memory_space<vmem>>) dst(%dma_wait3A_174 : memref<10240xf32, #tpu.memory_space<vmem_shared>>)
      %scan3A_175 = arith.constant 0 : i32
      scf.yield %scan3A_175 : i32
    }
    %scan3A_22 = arith.constant 16 : i32
    %barrier3A_23 = arith.constant 0 : index
    tpu.barrier barrier_id(%barrier3A_23)
    %mul3A_24 = arith.constant 640 : i32
    %mul3A_25 = arith.muli %arg1, %mul3A_24 : i32
    %mul3A_26 = arith.constant 10240 : i32
    %mul3A_27 = arith.muli %arg0, %mul3A_26 : i32
    %mul3A_28 = arith.constant 640 : i32
    %mul3A_29 = arith.muli %arg1, %mul3A_28 : i32
    %add3A_30 = arith.addi %mul3A_27, %mul3A_29 : i32
    "tpu.region"() ({
      %run_scoped3A = tpu.sem_alloc : memref<!tpu.dma_semaphore, #tpu.memory_space<semaphore_mem>>
      %dma_start3A = tpu.memref_slice %arg3[%add3A_30] : memref<20480xf32, #tpu.memory_space<hbm>> -> memref<640xf32, #tpu.memory_space<hbm>>
      %dma_start3A_31 = tpu.memref_slice %arg7[%mul3A_25] : memref<10240xf32, #tpu.memory_space<vmem_shared>> -> memref<640xf32, #tpu.memory_space<vmem_shared>>
      tpu.enqueue_dma source(%dma_start3A_31 : memref<640xf32, #tpu.memory_space<vmem_shared>>) target(%dma_start3A : memref<640xf32, #tpu.memory_space<hbm>>) target_semaphore(%run_scoped3A : memref<!tpu.dma_semaphore, #tpu.memory_space<semaphore_mem>>)
      %dma_wait3A = tpu.memref_slice %arg3[%add3A_30] : memref<20480xf32, #tpu.memory_space<hbm>> -> memref<640xf32, #tpu.memory_space<hbm>>
      %dma_wait3A_32 = tpu.memref_slice %arg7[%mul3A_25] : memref<10240xf32, #tpu.memory_space<vmem_shared>> -> memref<640xf32, #tpu.memory_space<vmem_shared>>
      tpu.wait_dma2 semaphore(%run_scoped3A : memref<!tpu.dma_semaphore, #tpu.memory_space<semaphore_mem>>) src(%dma_wait3A_32 : memref<640xf32, #tpu.memory_space<vmem_shared>>) dst(%dma_wait3A : memref<640xf32, #tpu.memory_space<hbm>>)
      tpu.yield
    }) : () -> ()
    return
  }
}

#map = affine_map<(d0, d1) -> (0, 0)>
#map1 = affine_map<(d0, d1) -> (0, 0, 0)>
module attributes {stable_mosaic.version = 14 : i64} {
  func.func @_edge_kernel(%arg0: i32, %arg1: i32, %arg2: memref<10016x128xf32, #tpu.memory_space<hbm>>, %arg3: memref<32x128x80xi32, #tpu.memory_space<hbm>>, %arg4: memref<32x128x80xi32, #tpu.memory_space<hbm>>, %arg5: memref<2x10240x128xf32, #tpu.memory_space<hbm>>, %arg6: memref<32x80xi32, #tpu.memory_space<vmem>>, %arg7: memref<32x80xi32, #tpu.memory_space<vmem>>, %arg8: memref<80x128xf32, #tpu.memory_space<vmem>>, %arg9: memref<80x128xf32, #tpu.memory_space<vmem>>, %arg10: memref<80x128xf32, #tpu.memory_space<vmem>>, %arg11: memref<80x128xf32, #tpu.memory_space<vmem>>, %arg12: memref<10240x128xf32, #tpu.memory_space<vmem_shared>>, %arg13: memref<!tpu.dma_semaphore, #tpu.memory_space<semaphore_mem>>, %arg14: memref<!tpu.dma_semaphore, #tpu.memory_space<semaphore_mem>>, %arg15: memref<!tpu.dma_semaphore, #tpu.memory_space<semaphore_mem>>, %arg16: memref<!tpu.dma_semaphore, #tpu.memory_space<semaphore_mem>>, %arg17: memref<!tpu.dma_semaphore, #tpu.memory_space<semaphore_mem>>, %arg18: memref<!tpu.dma_semaphore, #tpu.memory_space<semaphore_mem>>, %arg19: memref<!tpu.dma_semaphore, #tpu.memory_space<semaphore_mem>>, %arg20: memref<!tpu.dma_semaphore, #tpu.memory_space<semaphore_mem>>) attributes {dimension_semantics = [#tpu.dimension_semantics<core_parallel>, #tpu.dimension_semantics<subcore_parallel>], iteration_bounds = array<i64: 2, 16>, scalar_prefetch = 0 : i64, scratch_operands = 15 : i64, tpu.core_type = #tpu.core_type<sc_vector_subcore>, window_params = [{transform_indices = #map}, {transform_indices = #map1}, {transform_indices = #map1}, {transform_indices = #map1}]} {
    %mul3A = arith.constant 16 : i32
    %mul3A_0 = arith.muli %arg0, %mul3A : i32
    %add3A = arith.addi %mul3A_0, %arg1 : i32
    %scan3A = arith.constant 0 : i32
    %scan3A_1 = arith.constant 0 : i32
    %scan3A_2 = arith.constant 640 : i32
    %scan3A_3 = arith.addi %scan3A_1, %scan3A_2 : i32
    %scan3A_4 = arith.constant 1 : i32
    %scan3A_5 = scf.for %scan3A_598 = %scan3A_1 to %scan3A_3 step %scan3A_4 iter_args(%scan3A_599 = %scan3A) -> (i32)  : i32 {
      %jit3A = arith.constant 8 : i32
      %div3A = arith.divsi %scan3A_598, %jit3A : i32
      %sign3A = arith.constant 0 : i32
      %sign3A_600 = arith.cmpi sgt, %scan3A_598, %sign3A : i32
      %sign3A_601 = arith.extui %sign3A_600 : i1 to i32
      %sign3A_602 = arith.constant 0 : i32
      %sign3A_603 = arith.cmpi slt, %scan3A_598, %sign3A_602 : i32
      %sign3A_604 = arith.extui %sign3A_603 : i1 to i32
      %sign3A_605 = arith.subi %sign3A_601, %sign3A_604 : i32
      %sign3A_606 = arith.constant 0 : i32
      %sign3A_607 = arith.cmpi sgt, %jit3A, %sign3A_606 : i32
      %sign3A_608 = arith.extui %sign3A_607 : i1 to i32
      %sign3A_609 = arith.constant 0 : i32
      %sign3A_610 = arith.cmpi slt, %jit3A, %sign3A_609 : i32
      %sign3A_611 = arith.extui %sign3A_610 : i1 to i32
      %sign3A_612 = arith.subi %sign3A_608, %sign3A_611 : i32
      %ne3A = arith.cmpi ne, %sign3A_605, %sign3A_612 : i32
      %rem3A = arith.remsi %scan3A_598, %jit3A : i32
      %ne3A_613 = arith.constant 0 : i32
      %ne3A_614 = arith.cmpi ne, %rem3A, %ne3A_613 : i32
      %and3A = arith.andi %ne3A, %ne3A_614 : i1
      %sub3A = arith.constant 1 : i32
      %sub3A_615 = arith.subi %div3A, %sub3A : i32
      %select_n3A = arith.select %and3A, %sub3A_615, %div3A : i32
      %jit3A_616 = arith.constant 8 : i32
      %eq3A = arith.constant 0 : i32
      %eq3A_617 = arith.cmpi eq, %jit3A_616, %eq3A : i32
      %jit3A_618 = arith.constant 1 : i32
      %select_n3A_619 = arith.select %eq3A_617, %jit3A_618, %jit3A_616 : i32
      %rem3A_620 = arith.remsi %scan3A_598, %select_n3A_619 : i32
      %ne3A_621 = arith.constant 0 : i32
      %ne3A_622 = arith.cmpi ne, %rem3A_620, %ne3A_621 : i32
      %lt3A = arith.constant 0 : i32
      %lt3A_623 = arith.cmpi slt, %rem3A_620, %lt3A : i32
      %lt3A_624 = arith.constant 0 : i32
      %lt3A_625 = arith.cmpi slt, %select_n3A_619, %lt3A_624 : i32
      %ne3A_626 = arith.xori %lt3A_623, %lt3A_625 : i1
      %and3A_627 = arith.andi %ne3A_626, %ne3A_622 : i1
      %add3A_628 = arith.addi %rem3A_620, %select_n3A_619 : i32
      %select_n3A_629 = arith.select %and3A_627, %add3A_628, %rem3A_620 : i32
      %mul3A_630 = arith.constant 16 : i32
      %mul3A_631 = arith.muli %select_n3A_629, %mul3A_630 : i32
      %broadcast_in_dim3A = arith.constant 0.000000e+00 : f32
      %broadcast_in_dim3A_632 = vector.broadcast %broadcast_in_dim3A : f32 to vector<16xf32>
      %swap3A = arith.index_cast %select_n3A : i32 to index
      %swap3A_633 = arith.index_cast %mul3A_631 : i32 to index
      %swap3A_634 = tpu.vector_load %arg8[%swap3A, %swap3A_633] {strides = array<i32>} : memref<80x128xf32, #tpu.memory_space<vmem>>, vector<1x16xf32>,
      %swap3A_635 = vector.shape_cast %swap3A_634 : vector<1x16xf32> to vector<16xf32>
      %swap3A_636 = vector.shape_cast %broadcast_in_dim3A_632 : vector<16xf32> to vector<1x16xf32>
      tpu.vector_store %arg8[%swap3A, %swap3A_633], %swap3A_636 {strides = array<i32>} : memref<80x128xf32, #tpu.memory_space<vmem>>, vector<1x16xf32>,
      %scan3A_637 = arith.constant 0 : i32
      scf.yield %scan3A_637 : i32
    }
    %scan3A_6 = arith.constant 640 : i32
    %mul3A_7 = arith.constant 640 : i32
    %mul3A_8 = arith.muli %arg1, %mul3A_7 : i32
    %add3A_9 = arith.constant 0 : i32
    %add3A_10 = arith.addi %mul3A_8, %add3A_9 : i32
    %dma_start3A = arith.constant 0 : i32
    %dma_start3A_11 = tpu.memref_slice %arg12[%add3A_10, %dma_start3A] : memref<10240x128xf32, #tpu.memory_space<vmem_shared>> -> memref<80x128xf32, #tpu.memory_space<vmem_shared>>
    %dma_start3A_12 = arith.constant 0 : i32
    %dma_start3A_13 = tpu.memref_slice %arg12[%add3A_10, %dma_start3A_12] : memref<10240x128xf32, #tpu.memory_space<vmem_shared>> -> memref<80x128xf32, #tpu.memory_space<vmem_shared>>
    tpu.enqueue_dma source(%arg8 : memref<80x128xf32, #tpu.memory_space<vmem>>) target(%dma_start3A_13 : memref<80x128xf32, #tpu.memory_space<vmem_shared>>) target_semaphore(%arg13 : memref<!tpu.dma_semaphore, #tpu.memory_space<semaphore_mem>>)
    %mul3A_14 = arith.constant 640 : i32
    %mul3A_15 = arith.muli %arg1, %mul3A_14 : i32
    %add3A_16 = arith.constant 80 : i32
    %add3A_17 = arith.addi %mul3A_15, %add3A_16 : i32
    %dma_start3A_18 = arith.constant 0 : i32
    %dma_start3A_19 = tpu.memref_slice %arg12[%add3A_17, %dma_start3A_18] : memref<10240x128xf32, #tpu.memory_space<vmem_shared>> -> memref<80x128xf32, #tpu.memory_space<vmem_shared>>
    %dma_start3A_20 = arith.constant 0 : i32
    %dma_start3A_21 = tpu.memref_slice %arg12[%add3A_17, %dma_start3A_20] : memref<10240x128xf32, #tpu.memory_space<vmem_shared>> -> memref<80x128xf32, #tpu.memory_space<vmem_shared>>
    tpu.enqueue_dma source(%arg8 : memref<80x128xf32, #tpu.memory_space<vmem>>) target(%dma_start3A_21 : memref<80x128xf32, #tpu.memory_space<vmem_shared>>) target_semaphore(%arg13 : memref<!tpu.dma_semaphore, #tpu.memory_space<semaphore_mem>>)
    %mul3A_22 = arith.constant 640 : i32
    %mul3A_23 = arith.muli %arg1, %mul3A_22 : i32
    %add3A_24 = arith.constant 160 : i32
    %add3A_25 = arith.addi %mul3A_23, %add3A_24 : i32
    %dma_start3A_26 = arith.constant 0 : i32
    %dma_start3A_27 = tpu.memref_slice %arg12[%add3A_25, %dma_start3A_26] : memref<10240x128xf32, #tpu.memory_space<vmem_shared>> -> memref<80x128xf32, #tpu.memory_space<vmem_shared>>
    %dma_start3A_28 = arith.constant 0 : i32
    %dma_start3A_29 = tpu.memref_slice %arg12[%add3A_25, %dma_start3A_28] : memref<10240x128xf32, #tpu.memory_space<vmem_shared>> -> memref<80x128xf32, #tpu.memory_space<vmem_shared>>
    tpu.enqueue_dma source(%arg8 : memref<80x128xf32, #tpu.memory_space<vmem>>) target(%dma_start3A_29 : memref<80x128xf32, #tpu.memory_space<vmem_shared>>) target_semaphore(%arg13 : memref<!tpu.dma_semaphore, #tpu.memory_space<semaphore_mem>>)
    %mul3A_30 = arith.constant 640 : i32
    %mul3A_31 = arith.muli %arg1, %mul3A_30 : i32
    %add3A_32 = arith.constant 240 : i32
    %add3A_33 = arith.addi %mul3A_31, %add3A_32 : i32
    %dma_start3A_34 = arith.constant 0 : i32
    %dma_start3A_35 = tpu.memref_slice %arg12[%add3A_33, %dma_start3A_34] : memref<10240x128xf32, #tpu.memory_space<vmem_shared>> -> memref<80x128xf32, #tpu.memory_space<vmem_shared>>
    %dma_start3A_36 = arith.constant 0 : i32
    %dma_start3A_37 = tpu.memref_slice %arg12[%add3A_33, %dma_start3A_36] : memref<10240x128xf32, #tpu.memory_space<vmem_shared>> -> memref<80x128xf32, #tpu.memory_space<vmem_shared>>
    tpu.enqueue_dma source(%arg8 : memref<80x128xf32, #tpu.memory_space<vmem>>) target(%dma_start3A_37 : memref<80x128xf32, #tpu.memory_space<vmem_shared>>) target_semaphore(%arg13 : memref<!tpu.dma_semaphore, #tpu.memory_space<semaphore_mem>>)
    %mul3A_38 = arith.constant 640 : i32
    %mul3A_39 = arith.muli %arg1, %mul3A_38 : i32
    %add3A_40 = arith.constant 320 : i32
    %add3A_41 = arith.addi %mul3A_39, %add3A_40 : i32
    %dma_start3A_42 = arith.constant 0 : i32
    %dma_start3A_43 = tpu.memref_slice %arg12[%add3A_41, %dma_start3A_42] : memref<10240x128xf32, #tpu.memory_space<vmem_shared>> -> memref<80x128xf32, #tpu.memory_space<vmem_shared>>
    %dma_start3A_44 = arith.constant 0 : i32
    %dma_start3A_45 = tpu.memref_slice %arg12[%add3A_41, %dma_start3A_44] : memref<10240x128xf32, #tpu.memory_space<vmem_shared>> -> memref<80x128xf32, #tpu.memory_space<vmem_shared>>
    tpu.enqueue_dma source(%arg8 : memref<80x128xf32, #tpu.memory_space<vmem>>) target(%dma_start3A_45 : memref<80x128xf32, #tpu.memory_space<vmem_shared>>) target_semaphore(%arg13 : memref<!tpu.dma_semaphore, #tpu.memory_space<semaphore_mem>>)
    %mul3A_46 = arith.constant 640 : i32
    %mul3A_47 = arith.muli %arg1, %mul3A_46 : i32
    %add3A_48 = arith.constant 400 : i32
    %add3A_49 = arith.addi %mul3A_47, %add3A_48 : i32
    %dma_start3A_50 = arith.constant 0 : i32
    %dma_start3A_51 = tpu.memref_slice %arg12[%add3A_49, %dma_start3A_50] : memref<10240x128xf32, #tpu.memory_space<vmem_shared>> -> memref<80x128xf32, #tpu.memory_space<vmem_shared>>
    %dma_start3A_52 = arith.constant 0 : i32
    %dma_start3A_53 = tpu.memref_slice %arg12[%add3A_49, %dma_start3A_52] : memref<10240x128xf32, #tpu.memory_space<vmem_shared>> -> memref<80x128xf32, #tpu.memory_space<vmem_shared>>
    tpu.enqueue_dma source(%arg8 : memref<80x128xf32, #tpu.memory_space<vmem>>) target(%dma_start3A_53 : memref<80x128xf32, #tpu.memory_space<vmem_shared>>) target_semaphore(%arg13 : memref<!tpu.dma_semaphore, #tpu.memory_space<semaphore_mem>>)
    %mul3A_54 = arith.constant 640 : i32
    %mul3A_55 = arith.muli %arg1, %mul3A_54 : i32
    %add3A_56 = arith.constant 480 : i32
    %add3A_57 = arith.addi %mul3A_55, %add3A_56 : i32
    %dma_start3A_58 = arith.constant 0 : i32
    %dma_start3A_59 = tpu.memref_slice %arg12[%add3A_57, %dma_start3A_58] : memref<10240x128xf32, #tpu.memory_space<vmem_shared>> -> memref<80x128xf32, #tpu.memory_space<vmem_shared>>
    %dma_start3A_60 = arith.constant 0 : i32
    %dma_start3A_61 = tpu.memref_slice %arg12[%add3A_57, %dma_start3A_60] : memref<10240x128xf32, #tpu.memory_space<vmem_shared>> -> memref<80x128xf32, #tpu.memory_space<vmem_shared>>
    tpu.enqueue_dma source(%arg8 : memref<80x128xf32, #tpu.memory_space<vmem>>) target(%dma_start3A_61 : memref<80x128xf32, #tpu.memory_space<vmem_shared>>) target_semaphore(%arg13 : memref<!tpu.dma_semaphore, #tpu.memory_space<semaphore_mem>>)
    %mul3A_62 = arith.constant 640 : i32
    %mul3A_63 = arith.muli %arg1, %mul3A_62 : i32
    %add3A_64 = arith.constant 560 : i32
    %add3A_65 = arith.addi %mul3A_63, %add3A_64 : i32
    %dma_start3A_66 = arith.constant 0 : i32
    %dma_start3A_67 = tpu.memref_slice %arg12[%add3A_65, %dma_start3A_66] : memref<10240x128xf32, #tpu.memory_space<vmem_shared>> -> memref<80x128xf32, #tpu.memory_space<vmem_shared>>
    %dma_start3A_68 = arith.constant 0 : i32
    %dma_start3A_69 = tpu.memref_slice %arg12[%add3A_65, %dma_start3A_68] : memref<10240x128xf32, #tpu.memory_space<vmem_shared>> -> memref<80x128xf32, #tpu.memory_space<vmem_shared>>
    tpu.enqueue_dma source(%arg8 : memref<80x128xf32, #tpu.memory_space<vmem>>) target(%dma_start3A_69 : memref<80x128xf32, #tpu.memory_space<vmem_shared>>) target_semaphore(%arg13 : memref<!tpu.dma_semaphore, #tpu.memory_space<semaphore_mem>>)
    %mul3A_70 = arith.constant 640 : i32
    %mul3A_71 = arith.muli %arg1, %mul3A_70 : i32
    %dma_wait3A = arith.constant 0 : i32
    %dma_wait3A_72 = tpu.memref_slice %arg12[%mul3A_71, %dma_wait3A] : memref<10240x128xf32, #tpu.memory_space<vmem_shared>> -> memref<80x128xf32, #tpu.memory_space<vmem_shared>>
    %dma_wait3A_73 = arith.constant 0 : i32
    %dma_wait3A_74 = tpu.memref_slice %arg12[%mul3A_71, %dma_wait3A_73] : memref<10240x128xf32, #tpu.memory_space<vmem_shared>> -> memref<80x128xf32, #tpu.memory_space<vmem_shared>>
    tpu.wait_dma2 semaphore(%arg13 : memref<!tpu.dma_semaphore, #tpu.memory_space<semaphore_mem>>) src(%arg8 : memref<80x128xf32, #tpu.memory_space<vmem>>) dst(%dma_wait3A_74 : memref<80x128xf32, #tpu.memory_space<vmem_shared>>)
    %mul3A_75 = arith.constant 640 : i32
    %mul3A_76 = arith.muli %arg1, %mul3A_75 : i32
    %dma_wait3A_77 = arith.constant 0 : i32
    %dma_wait3A_78 = tpu.memref_slice %arg12[%mul3A_76, %dma_wait3A_77] : memref<10240x128xf32, #tpu.memory_space<vmem_shared>> -> memref<80x128xf32, #tpu.memory_space<vmem_shared>>
    %dma_wait3A_79 = arith.constant 0 : i32
    %dma_wait3A_80 = tpu.memref_slice %arg12[%mul3A_76, %dma_wait3A_79] : memref<10240x128xf32, #tpu.memory_space<vmem_shared>> -> memref<80x128xf32, #tpu.memory_space<vmem_shared>>
    tpu.wait_dma2 semaphore(%arg13 : memref<!tpu.dma_semaphore, #tpu.memory_space<semaphore_mem>>) src(%arg8 : memref<80x128xf32, #tpu.memory_space<vmem>>) dst(%dma_wait3A_80 : memref<80x128xf32, #tpu.memory_space<vmem_shared>>)
    %mul3A_81 = arith.constant 640 : i32
    %mul3A_82 = arith.muli %arg1, %mul3A_81 : i32
    %dma_wait3A_83 = arith.constant 0 : i32
    %dma_wait3A_84 = tpu.memref_slice %arg12[%mul3A_82, %dma_wait3A_83] : memref<10240x128xf32, #tpu.memory_space<vmem_shared>> -> memref<80x128xf32, #tpu.memory_space<vmem_shared>>
    %dma_wait3A_85 = arith.constant 0 : i32
    %dma_wait3A_86 = tpu.memref_slice %arg12[%mul3A_82, %dma_wait3A_85] : memref<10240x128xf32, #tpu.memory_space<vmem_shared>> -> memref<80x128xf32, #tpu.memory_space<vmem_shared>>
    tpu.wait_dma2 semaphore(%arg13 : memref<!tpu.dma_semaphore, #tpu.memory_space<semaphore_mem>>) src(%arg8 : memref<80x128xf32, #tpu.memory_space<vmem>>) dst(%dma_wait3A_86 : memref<80x128xf32, #tpu.memory_space<vmem_shared>>)
    %mul3A_87 = arith.constant 640 : i32
    %mul3A_88 = arith.muli %arg1, %mul3A_87 : i32
    %dma_wait3A_89 = arith.constant 0 : i32
    %dma_wait3A_90 = tpu.memref_slice %arg12[%mul3A_88, %dma_wait3A_89] : memref<10240x128xf32, #tpu.memory_space<vmem_shared>> -> memref<80x128xf32, #tpu.memory_space<vmem_shared>>
    %dma_wait3A_91 = arith.constant 0 : i32
    %dma_wait3A_92 = tpu.memref_slice %arg12[%mul3A_88, %dma_wait3A_91] : memref<10240x128xf32, #tpu.memory_space<vmem_shared>> -> memref<80x128xf32, #tpu.memory_space<vmem_shared>>
    tpu.wait_dma2 semaphore(%arg13 : memref<!tpu.dma_semaphore, #tpu.memory_space<semaphore_mem>>) src(%arg8 : memref<80x128xf32, #tpu.memory_space<vmem>>) dst(%dma_wait3A_92 : memref<80x128xf32, #tpu.memory_space<vmem_shared>>)
    %mul3A_93 = arith.constant 640 : i32
    %mul3A_94 = arith.muli %arg1, %mul3A_93 : i32
    %dma_wait3A_95 = arith.constant 0 : i32
    %dma_wait3A_96 = tpu.memref_slice %arg12[%mul3A_94, %dma_wait3A_95] : memref<10240x128xf32, #tpu.memory_space<vmem_shared>> -> memref<80x128xf32, #tpu.memory_space<vmem_shared>>
    %dma_wait3A_97 = arith.constant 0 : i32
    %dma_wait3A_98 = tpu.memref_slice %arg12[%mul3A_94, %dma_wait3A_97] : memref<10240x128xf32, #tpu.memory_space<vmem_shared>> -> memref<80x128xf32, #tpu.memory_space<vmem_shared>>
    tpu.wait_dma2 semaphore(%arg13 : memref<!tpu.dma_semaphore, #tpu.memory_space<semaphore_mem>>) src(%arg8 : memref<80x128xf32, #tpu.memory_space<vmem>>) dst(%dma_wait3A_98 : memref<80x128xf32, #tpu.memory_space<vmem_shared>>)
    %mul3A_99 = arith.constant 640 : i32
    %mul3A_100 = arith.muli %arg1, %mul3A_99 : i32
    %dma_wait3A_101 = arith.constant 0 : i32
    %dma_wait3A_102 = tpu.memref_slice %arg12[%mul3A_100, %dma_wait3A_101] : memref<10240x128xf32, #tpu.memory_space<vmem_shared>> -> memref<80x128xf32, #tpu.memory_space<vmem_shared>>
    %dma_wait3A_103 = arith.constant 0 : i32
    %dma_wait3A_104 = tpu.memref_slice %arg12[%mul3A_100, %dma_wait3A_103] : memref<10240x128xf32, #tpu.memory_space<vmem_shared>> -> memref<80x128xf32, #tpu.memory_space<vmem_shared>>
    tpu.wait_dma2 semaphore(%arg13 : memref<!tpu.dma_semaphore, #tpu.memory_space<semaphore_mem>>) src(%arg8 : memref<80x128xf32, #tpu.memory_space<vmem>>) dst(%dma_wait3A_104 : memref<80x128xf32, #tpu.memory_space<vmem_shared>>)
    %mul3A_105 = arith.constant 640 : i32
    %mul3A_106 = arith.muli %arg1, %mul3A_105 : i32
    %dma_wait3A_107 = arith.constant 0 : i32
    %dma_wait3A_108 = tpu.memref_slice %arg12[%mul3A_106, %dma_wait3A_107] : memref<10240x128xf32, #tpu.memory_space<vmem_shared>> -> memref<80x128xf32, #tpu.memory_space<vmem_shared>>
    %dma_wait3A_109 = arith.constant 0 : i32
    %dma_wait3A_110 = tpu.memref_slice %arg12[%mul3A_106, %dma_wait3A_109] : memref<10240x128xf32, #tpu.memory_space<vmem_shared>> -> memref<80x128xf32, #tpu.memory_space<vmem_shared>>
    tpu.wait_dma2 semaphore(%arg13 : memref<!tpu.dma_semaphore, #tpu.memory_space<semaphore_mem>>) src(%arg8 : memref<80x128xf32, #tpu.memory_space<vmem>>) dst(%dma_wait3A_110 : memref<80x128xf32, #tpu.memory_space<vmem_shared>>)
    %mul3A_111 = arith.constant 640 : i32
    %mul3A_112 = arith.muli %arg1, %mul3A_111 : i32
    %dma_wait3A_113 = arith.constant 0 : i32
    %dma_wait3A_114 = tpu.memref_slice %arg12[%mul3A_112, %dma_wait3A_113] : memref<10240x128xf32, #tpu.memory_space<vmem_shared>> -> memref<80x128xf32, #tpu.memory_space<vmem_shared>>
    %dma_wait3A_115 = arith.constant 0 : i32
    %dma_wait3A_116 = tpu.memref_slice %arg12[%mul3A_112, %dma_wait3A_115] : memref<10240x128xf32, #tpu.memory_space<vmem_shared>> -> memref<80x128xf32, #tpu.memory_space<vmem_shared>>
    tpu.wait_dma2 semaphore(%arg13 : memref<!tpu.dma_semaphore, #tpu.memory_space<semaphore_mem>>) src(%arg8 : memref<80x128xf32, #tpu.memory_space<vmem>>) dst(%dma_wait3A_116 : memref<80x128xf32, #tpu.memory_space<vmem_shared>>)
    %barrier3A = arith.constant 0 : index
    tpu.barrier barrier_id(%barrier3A)
    "tpu.region"() ({
      %run_scoped3A = tpu.sem_alloc : memref<!tpu.dma_semaphore, #tpu.memory_space<semaphore_mem>>
      %dma_start3A_598 = arith.constant 0 : i32
      %dma_start3A_599 = arith.constant 0 : i32
      %dma_start3A_600 = tpu.memref_slice %arg3[%add3A, %dma_start3A_598, %dma_start3A_599] : memref<32x128x80xi32, #tpu.memory_space<hbm>> -> memref<1x32x80xi32, #tpu.memory_space<hbm>>
      %dma_start3A_601 = tpu.memref_squeeze %dma_start3A_600 : memref<1x32x80xi32, #tpu.memory_space<hbm>> -> memref<32x80xi32, #tpu.memory_space<hbm>>
      %dma_start3A_602 = arith.constant 0 : i32
      %dma_start3A_603 = arith.constant 0 : i32
      %dma_start3A_604 = tpu.memref_slice %arg3[%add3A, %dma_start3A_602, %dma_start3A_603] : memref<32x128x80xi32, #tpu.memory_space<hbm>> -> memref<1x32x80xi32, #tpu.memory_space<hbm>>
      %dma_start3A_605 = tpu.memref_squeeze %dma_start3A_604 : memref<1x32x80xi32, #tpu.memory_space<hbm>> -> memref<32x80xi32, #tpu.memory_space<hbm>>
      tpu.enqueue_dma source(%dma_start3A_605 : memref<32x80xi32, #tpu.memory_space<hbm>>) target(%arg6 : memref<32x80xi32, #tpu.memory_space<vmem>>) target_semaphore(%run_scoped3A : memref<!tpu.dma_semaphore, #tpu.memory_space<semaphore_mem>>)
      %dma_wait3A_606 = arith.constant 0 : i32
      %dma_wait3A_607 = arith.constant 0 : i32
      %dma_wait3A_608 = tpu.memref_slice %arg3[%add3A, %dma_wait3A_606, %dma_wait3A_607] : memref<32x128x80xi32, #tpu.memory_space<hbm>> -> memref<1x32x80xi32, #tpu.memory_space<hbm>>
      %dma_wait3A_609 = tpu.memref_squeeze %dma_wait3A_608 : memref<1x32x80xi32, #tpu.memory_space<hbm>> -> memref<32x80xi32, #tpu.memory_space<hbm>>
      %dma_wait3A_610 = arith.constant 0 : i32
      %dma_wait3A_611 = arith.constant 0 : i32
      %dma_wait3A_612 = tpu.memref_slice %arg3[%add3A, %dma_wait3A_610, %dma_wait3A_611] : memref<32x128x80xi32, #tpu.memory_space<hbm>> -> memref<1x32x80xi32, #tpu.memory_space<hbm>>
      %dma_wait3A_613 = tpu.memref_squeeze %dma_wait3A_612 : memref<1x32x80xi32, #tpu.memory_space<hbm>> -> memref<32x80xi32, #tpu.memory_space<hbm>>
      tpu.wait_dma2 semaphore(%run_scoped3A : memref<!tpu.dma_semaphore, #tpu.memory_space<semaphore_mem>>) src(%dma_wait3A_613 : memref<32x80xi32, #tpu.memory_space<hbm>>) dst(%arg6 : memref<32x80xi32, #tpu.memory_space<vmem>>)
      tpu.yield
    }) : () -> ()
    "tpu.region"() ({
      %run_scoped3A = tpu.sem_alloc : memref<!tpu.dma_semaphore, #tpu.memory_space<semaphore_mem>>
      %dma_start3A_598 = arith.constant 0 : i32
      %dma_start3A_599 = arith.constant 0 : i32
      %dma_start3A_600 = tpu.memref_slice %arg4[%add3A, %dma_start3A_598, %dma_start3A_599] : memref<32x128x80xi32, #tpu.memory_space<hbm>> -> memref<1x32x80xi32, #tpu.memory_space<hbm>>
      %dma_start3A_601 = tpu.memref_squeeze %dma_start3A_600 : memref<1x32x80xi32, #tpu.memory_space<hbm>> -> memref<32x80xi32, #tpu.memory_space<hbm>>
      %dma_start3A_602 = arith.constant 0 : i32
      %dma_start3A_603 = arith.constant 0 : i32
      %dma_start3A_604 = tpu.memref_slice %arg4[%add3A, %dma_start3A_602, %dma_start3A_603] : memref<32x128x80xi32, #tpu.memory_space<hbm>> -> memref<1x32x80xi32, #tpu.memory_space<hbm>>
      %dma_start3A_605 = tpu.memref_squeeze %dma_start3A_604 : memref<1x32x80xi32, #tpu.memory_space<hbm>> -> memref<32x80xi32, #tpu.memory_space<hbm>>
      tpu.enqueue_dma source(%dma_start3A_605 : memref<32x80xi32, #tpu.memory_space<hbm>>) target(%arg7 : memref<32x80xi32, #tpu.memory_space<vmem>>) target_semaphore(%run_scoped3A : memref<!tpu.dma_semaphore, #tpu.memory_space<semaphore_mem>>)
      %dma_wait3A_606 = arith.constant 0 : i32
      %dma_wait3A_607 = arith.constant 0 : i32
      %dma_wait3A_608 = tpu.memref_slice %arg4[%add3A, %dma_wait3A_606, %dma_wait3A_607] : memref<32x128x80xi32, #tpu.memory_space<hbm>> -> memref<1x32x80xi32, #tpu.memory_space<hbm>>
      %dma_wait3A_609 = tpu.memref_squeeze %dma_wait3A_608 : memref<1x32x80xi32, #tpu.memory_space<hbm>> -> memref<32x80xi32, #tpu.memory_space<hbm>>
      %dma_wait3A_610 = arith.constant 0 : i32
      %dma_wait3A_611 = arith.constant 0 : i32
      %dma_wait3A_612 = tpu.memref_slice %arg4[%add3A, %dma_wait3A_610, %dma_wait3A_611] : memref<32x128x80xi32, #tpu.memory_space<hbm>> -> memref<1x32x80xi32, #tpu.memory_space<hbm>>
      %dma_wait3A_613 = tpu.memref_squeeze %dma_wait3A_612 : memref<1x32x80xi32, #tpu.memory_space<hbm>> -> memref<32x80xi32, #tpu.memory_space<hbm>>
      tpu.wait_dma2 semaphore(%run_scoped3A : memref<!tpu.dma_semaphore, #tpu.memory_space<semaphore_mem>>) src(%dma_wait3A_613 : memref<32x80xi32, #tpu.memory_space<hbm>>) dst(%arg7 : memref<32x80xi32, #tpu.memory_space<vmem>>)
      tpu.yield
    }) : () -> ()
    %dma_start3A_117 = arith.constant 0 : i32
    %dma_start3A_118 = arith.constant 0 : i32
    %dma_start3A_119 = tpu.memref_slice %arg6[%dma_start3A_117, %dma_start3A_118] : memref<32x80xi32, #tpu.memory_space<vmem>> -> memref<1x80xi32, #tpu.memory_space<vmem>>
    %dma_start3A_120 = tpu.memref_squeeze %dma_start3A_119 : memref<1x80xi32, #tpu.memory_space<vmem>> -> memref<80xi32, #tpu.memory_space<vmem>>
    %dma_start3A_121 = arith.constant 0 : i32
    %dma_start3A_122 = arith.constant 0 : i32
    %dma_start3A_123 = tpu.memref_slice %arg2[%dma_start3A_121, %dma_start3A_122] : memref<10016x128xf32, #tpu.memory_space<hbm>> -> memref<10016x128xf32, #tpu.memory_space<hbm>>
    tpu.enqueue_indirect_dma source(%dma_start3A_123 : memref<10016x128xf32, #tpu.memory_space<hbm>>) target(%arg8 : memref<80x128xf32, #tpu.memory_space<vmem>>) offsets(%dma_start3A_120 : memref<80xi32, #tpu.memory_space<vmem>>) semaphore(%arg13 : memref<!tpu.dma_semaphore, #tpu.memory_space<semaphore_mem>>)
    %dma_start3A_124 = arith.constant 1 : i32
    %dma_start3A_125 = arith.constant 0 : i32
    %dma_start3A_126 = tpu.memref_slice %arg6[%dma_start3A_124, %dma_start3A_125] : memref<32x80xi32, #tpu.memory_space<vmem>> -> memref<1x80xi32, #tpu.memory_space<vmem>>
    %dma_start3A_127 = tpu.memref_squeeze %dma_start3A_126 : memref<1x80xi32, #tpu.memory_space<vmem>> -> memref<80xi32, #tpu.memory_space<vmem>>
    %dma_start3A_128 = arith.constant 0 : i32
    %dma_start3A_129 = arith.constant 0 : i32
    %dma_start3A_130 = tpu.memref_slice %arg2[%dma_start3A_128, %dma_start3A_129] : memref<10016x128xf32, #tpu.memory_space<hbm>> -> memref<10016x128xf32, #tpu.memory_space<hbm>>
    tpu.enqueue_indirect_dma source(%dma_start3A_130 : memref<10016x128xf32, #tpu.memory_space<hbm>>) target(%arg9 : memref<80x128xf32, #tpu.memory_space<vmem>>) offsets(%dma_start3A_127 : memref<80xi32, #tpu.memory_space<vmem>>) semaphore(%arg14 : memref<!tpu.dma_semaphore, #tpu.memory_space<semaphore_mem>>)
    %dma_start3A_131 = arith.constant 2 : i32
    %dma_start3A_132 = arith.constant 0 : i32
    %dma_start3A_133 = tpu.memref_slice %arg6[%dma_start3A_131, %dma_start3A_132] : memref<32x80xi32, #tpu.memory_space<vmem>> -> memref<1x80xi32, #tpu.memory_space<vmem>>
    %dma_start3A_134 = tpu.memref_squeeze %dma_start3A_133 : memref<1x80xi32, #tpu.memory_space<vmem>> -> memref<80xi32, #tpu.memory_space<vmem>>
    %dma_start3A_135 = arith.constant 0 : i32
    %dma_start3A_136 = arith.constant 0 : i32
    %dma_start3A_137 = tpu.memref_slice %arg2[%dma_start3A_135, %dma_start3A_136] : memref<10016x128xf32, #tpu.memory_space<hbm>> -> memref<10016x128xf32, #tpu.memory_space<hbm>>
    tpu.enqueue_indirect_dma source(%dma_start3A_137 : memref<10016x128xf32, #tpu.memory_space<hbm>>) target(%arg10 : memref<80x128xf32, #tpu.memory_space<vmem>>) offsets(%dma_start3A_134 : memref<80xi32, #tpu.memory_space<vmem>>) semaphore(%arg15 : memref<!tpu.dma_semaphore, #tpu.memory_space<semaphore_mem>>)
    %dma_start3A_138 = arith.constant 3 : i32
    %dma_start3A_139 = arith.constant 0 : i32
    %dma_start3A_140 = tpu.memref_slice %arg6[%dma_start3A_138, %dma_start3A_139] : memref<32x80xi32, #tpu.memory_space<vmem>> -> memref<1x80xi32, #tpu.memory_space<vmem>>
    %dma_start3A_141 = tpu.memref_squeeze %dma_start3A_140 : memref<1x80xi32, #tpu.memory_space<vmem>> -> memref<80xi32, #tpu.memory_space<vmem>>
    %dma_start3A_142 = arith.constant 0 : i32
    %dma_start3A_143 = arith.constant 0 : i32
    %dma_start3A_144 = tpu.memref_slice %arg2[%dma_start3A_142, %dma_start3A_143] : memref<10016x128xf32, #tpu.memory_space<hbm>> -> memref<10016x128xf32, #tpu.memory_space<hbm>>
    tpu.enqueue_indirect_dma source(%dma_start3A_144 : memref<10016x128xf32, #tpu.memory_space<hbm>>) target(%arg11 : memref<80x128xf32, #tpu.memory_space<vmem>>) offsets(%dma_start3A_141 : memref<80xi32, #tpu.memory_space<vmem>>) semaphore(%arg16 : memref<!tpu.dma_semaphore, #tpu.memory_space<semaphore_mem>>)
    %scan3A_145 = arith.constant 0 : i32
    %scan3A_146 = arith.constant 0 : i32
    %scan3A_147 = arith.constant 7 : i32
    %scan3A_148 = arith.addi %scan3A_146, %scan3A_147 : i32
    %scan3A_149 = arith.constant 1 : i32
    %scan3A_150 = scf.for %scan3A_598 = %scan3A_146 to %scan3A_148 step %scan3A_149 iter_args(%scan3A_599 = %scan3A_145) -> (i32)  : i32 {
      %mul3A_600 = arith.constant 4 : i32
      %mul3A_601 = arith.muli %scan3A_598, %mul3A_600 : i32
      %add3A_602 = arith.constant 0 : i32
      %add3A_603 = arith.addi %mul3A_601, %add3A_602 : i32
      %dma_wait3A_604 = arith.constant 0 : i32
      %dma_wait3A_605 = tpu.memref_slice %arg6[%add3A_603, %dma_wait3A_604] : memref<32x80xi32, #tpu.memory_space<vmem>> -> memref<1x80xi32, #tpu.memory_space<vmem>>
      %dma_wait3A_606 = tpu.memref_squeeze %dma_wait3A_605 : memref<1x80xi32, #tpu.memory_space<vmem>> -> memref<80xi32, #tpu.memory_space<vmem>>
      %dma_wait3A_607 = arith.constant 0 : i32
      %dma_wait3A_608 = arith.constant 0 : i32
      %dma_wait3A_609 = tpu.memref_slice %arg2[%dma_wait3A_607, %dma_wait3A_608] : memref<10016x128xf32, #tpu.memory_space<hbm>> -> memref<10016x128xf32, #tpu.memory_space<hbm>>
      tpu.wait_indirect_dma semaphore(%arg13 : memref<!tpu.dma_semaphore, #tpu.memory_space<semaphore_mem>>) src(%dma_wait3A_609 : memref<10016x128xf32, #tpu.memory_space<hbm>>) dst(%arg8 : memref<80x128xf32, #tpu.memory_space<vmem>>)
      %add3A_610 = arith.constant 0 : i32
      %add3A_611 = arith.addi %mul3A_601, %add3A_610 : i32
      %dma_start3A_612 = arith.constant 0 : i32
      %dma_start3A_613 = tpu.memref_slice %arg7[%add3A_611, %dma_start3A_612] : memref<32x80xi32, #tpu.memory_space<vmem>> -> memref<1x80xi32, #tpu.memory_space<vmem>>
      %dma_start3A_614 = tpu.memref_squeeze %dma_start3A_613 : memref<1x80xi32, #tpu.memory_space<vmem>> -> memref<80xi32, #tpu.memory_space<vmem>>
      %dma_start3A_615 = arith.constant 0 : i32
      %dma_start3A_616 = arith.constant 0 : i32
      %dma_start3A_617 = tpu.memref_slice %arg12[%dma_start3A_615, %dma_start3A_616] : memref<10240x128xf32, #tpu.memory_space<vmem_shared>> -> memref<10240x128xf32, #tpu.memory_space<vmem_shared>>
      tpu.enqueue_indirect_dma source(%arg8 : memref<80x128xf32, #tpu.memory_space<vmem>>) target(%dma_start3A_617 : memref<10240x128xf32, #tpu.memory_space<vmem_shared>>) offsets(%dma_start3A_614 : memref<80xi32, #tpu.memory_space<vmem>>) semaphore(%arg17 : memref<!tpu.dma_semaphore, #tpu.memory_space<semaphore_mem>>) {add = true}
      %add3A_618 = arith.constant 1 : i32
      %add3A_619 = arith.addi %mul3A_601, %add3A_618 : i32
      %dma_wait3A_620 = arith.constant 0 : i32
      %dma_wait3A_621 = tpu.memref_slice %arg6[%add3A_619, %dma_wait3A_620] : memref<32x80xi32, #tpu.memory_space<vmem>> -> memref<1x80xi32, #tpu.memory_space<vmem>>
      %dma_wait3A_622 = tpu.memref_squeeze %dma_wait3A_621 : memref<1x80xi32, #tpu.memory_space<vmem>> -> memref<80xi32, #tpu.memory_space<vmem>>
      %dma_wait3A_623 = arith.constant 0 : i32
      %dma_wait3A_624 = arith.constant 0 : i32
      %dma_wait3A_625 = tpu.memref_slice %arg2[%dma_wait3A_623, %dma_wait3A_624] : memref<10016x128xf32, #tpu.memory_space<hbm>> -> memref<10016x128xf32, #tpu.memory_space<hbm>>
      tpu.wait_indirect_dma semaphore(%arg14 : memref<!tpu.dma_semaphore, #tpu.memory_space<semaphore_mem>>) src(%dma_wait3A_625 : memref<10016x128xf32, #tpu.memory_space<hbm>>) dst(%arg9 : memref<80x128xf32, #tpu.memory_space<vmem>>)
      %add3A_626 = arith.constant 1 : i32
      %add3A_627 = arith.addi %mul3A_601, %add3A_626 : i32
      %dma_start3A_628 = arith.constant 0 : i32
      %dma_start3A_629 = tpu.memref_slice %arg7[%add3A_627, %dma_start3A_628] : memref<32x80xi32, #tpu.memory_space<vmem>> -> memref<1x80xi32, #tpu.memory_space<vmem>>
      %dma_start3A_630 = tpu.memref_squeeze %dma_start3A_629 : memref<1x80xi32, #tpu.memory_space<vmem>> -> memref<80xi32, #tpu.memory_space<vmem>>
      %dma_start3A_631 = arith.constant 0 : i32
      %dma_start3A_632 = arith.constant 0 : i32
      %dma_start3A_633 = tpu.memref_slice %arg12[%dma_start3A_631, %dma_start3A_632] : memref<10240x128xf32, #tpu.memory_space<vmem_shared>> -> memref<10240x128xf32, #tpu.memory_space<vmem_shared>>
      tpu.enqueue_indirect_dma source(%arg9 : memref<80x128xf32, #tpu.memory_space<vmem>>) target(%dma_start3A_633 : memref<10240x128xf32, #tpu.memory_space<vmem_shared>>) offsets(%dma_start3A_630 : memref<80xi32, #tpu.memory_space<vmem>>) semaphore(%arg18 : memref<!tpu.dma_semaphore, #tpu.memory_space<semaphore_mem>>) {add = true}
      %add3A_634 = arith.constant 2 : i32
      %add3A_635 = arith.addi %mul3A_601, %add3A_634 : i32
      %dma_wait3A_636 = arith.constant 0 : i32
      %dma_wait3A_637 = tpu.memref_slice %arg6[%add3A_635, %dma_wait3A_636] : memref<32x80xi32, #tpu.memory_space<vmem>> -> memref<1x80xi32, #tpu.memory_space<vmem>>
      %dma_wait3A_638 = tpu.memref_squeeze %dma_wait3A_637 : memref<1x80xi32, #tpu.memory_space<vmem>> -> memref<80xi32, #tpu.memory_space<vmem>>
      %dma_wait3A_639 = arith.constant 0 : i32
      %dma_wait3A_640 = arith.constant 0 : i32
      %dma_wait3A_641 = tpu.memref_slice %arg2[%dma_wait3A_639, %dma_wait3A_640] : memref<10016x128xf32, #tpu.memory_space<hbm>> -> memref<10016x128xf32, #tpu.memory_space<hbm>>
      tpu.wait_indirect_dma semaphore(%arg15 : memref<!tpu.dma_semaphore, #tpu.memory_space<semaphore_mem>>) src(%dma_wait3A_641 : memref<10016x128xf32, #tpu.memory_space<hbm>>) dst(%arg10 : memref<80x128xf32, #tpu.memory_space<vmem>>)
      %add3A_642 = arith.constant 2 : i32
      %add3A_643 = arith.addi %mul3A_601, %add3A_642 : i32
      %dma_start3A_644 = arith.constant 0 : i32
      %dma_start3A_645 = tpu.memref_slice %arg7[%add3A_643, %dma_start3A_644] : memref<32x80xi32, #tpu.memory_space<vmem>> -> memref<1x80xi32, #tpu.memory_space<vmem>>
      %dma_start3A_646 = tpu.memref_squeeze %dma_start3A_645 : memref<1x80xi32, #tpu.memory_space<vmem>> -> memref<80xi32, #tpu.memory_space<vmem>>
      %dma_start3A_647 = arith.constant 0 : i32
      %dma_start3A_648 = arith.constant 0 : i32
      %dma_start3A_649 = tpu.memref_slice %arg12[%dma_start3A_647, %dma_start3A_648] : memref<10240x128xf32, #tpu.memory_space<vmem_shared>> -> memref<10240x128xf32, #tpu.memory_space<vmem_shared>>
      tpu.enqueue_indirect_dma source(%arg10 : memref<80x128xf32, #tpu.memory_space<vmem>>) target(%dma_start3A_649 : memref<10240x128xf32, #tpu.memory_space<vmem_shared>>) offsets(%dma_start3A_646 : memref<80xi32, #tpu.memory_space<vmem>>) semaphore(%arg19 : memref<!tpu.dma_semaphore, #tpu.memory_space<semaphore_mem>>) {add = true}
      %add3A_650 = arith.constant 3 : i32
      %add3A_651 = arith.addi %mul3A_601, %add3A_650 : i32
      %dma_wait3A_652 = arith.constant 0 : i32
      %dma_wait3A_653 = tpu.memref_slice %arg6[%add3A_651, %dma_wait3A_652] : memref<32x80xi32, #tpu.memory_space<vmem>> -> memref<1x80xi32, #tpu.memory_space<vmem>>
      %dma_wait3A_654 = tpu.memref_squeeze %dma_wait3A_653 : memref<1x80xi32, #tpu.memory_space<vmem>> -> memref<80xi32, #tpu.memory_space<vmem>>
      %dma_wait3A_655 = arith.constant 0 : i32
      %dma_wait3A_656 = arith.constant 0 : i32
      %dma_wait3A_657 = tpu.memref_slice %arg2[%dma_wait3A_655, %dma_wait3A_656] : memref<10016x128xf32, #tpu.memory_space<hbm>> -> memref<10016x128xf32, #tpu.memory_space<hbm>>
      tpu.wait_indirect_dma semaphore(%arg16 : memref<!tpu.dma_semaphore, #tpu.memory_space<semaphore_mem>>) src(%dma_wait3A_657 : memref<10016x128xf32, #tpu.memory_space<hbm>>) dst(%arg11 : memref<80x128xf32, #tpu.memory_space<vmem>>)
      %add3A_658 = arith.constant 3 : i32
      %add3A_659 = arith.addi %mul3A_601, %add3A_658 : i32
      %dma_start3A_660 = arith.constant 0 : i32
      %dma_start3A_661 = tpu.memref_slice %arg7[%add3A_659, %dma_start3A_660] : memref<32x80xi32, #tpu.memory_space<vmem>> -> memref<1x80xi32, #tpu.memory_space<vmem>>
      %dma_start3A_662 = tpu.memref_squeeze %dma_start3A_661 : memref<1x80xi32, #tpu.memory_space<vmem>> -> memref<80xi32, #tpu.memory_space<vmem>>
      %dma_start3A_663 = arith.constant 0 : i32
      %dma_start3A_664 = arith.constant 0 : i32
      %dma_start3A_665 = tpu.memref_slice %arg12[%dma_start3A_663, %dma_start3A_664] : memref<10240x128xf32, #tpu.memory_space<vmem_shared>> -> memref<10240x128xf32, #tpu.memory_space<vmem_shared>>
      tpu.enqueue_indirect_dma source(%arg11 : memref<80x128xf32, #tpu.memory_space<vmem>>) target(%dma_start3A_665 : memref<10240x128xf32, #tpu.memory_space<vmem_shared>>) offsets(%dma_start3A_662 : memref<80xi32, #tpu.memory_space<vmem>>) semaphore(%arg20 : memref<!tpu.dma_semaphore, #tpu.memory_space<semaphore_mem>>) {add = true}
      %add3A_666 = arith.constant 0 : i32
      %add3A_667 = arith.addi %mul3A_601, %add3A_666 : i32
      %dma_wait3A_668 = arith.constant 0 : i32
      %dma_wait3A_669 = tpu.memref_slice %arg7[%add3A_667, %dma_wait3A_668] : memref<32x80xi32, #tpu.memory_space<vmem>> -> memref<1x80xi32, #tpu.memory_space<vmem>>
      %dma_wait3A_670 = tpu.memref_squeeze %dma_wait3A_669 : memref<1x80xi32, #tpu.memory_space<vmem>> -> memref<80xi32, #tpu.memory_space<vmem>>
      %dma_wait3A_671 = arith.constant 0 : i32
      %dma_wait3A_672 = arith.constant 0 : i32
      %dma_wait3A_673 = tpu.memref_slice %arg12[%dma_wait3A_671, %dma_wait3A_672] : memref<10240x128xf32, #tpu.memory_space<vmem_shared>> -> memref<10240x128xf32, #tpu.memory_space<vmem_shared>>
      tpu.wait_indirect_dma semaphore(%arg17 : memref<!tpu.dma_semaphore, #tpu.memory_space<semaphore_mem>>) src(%arg8 : memref<80x128xf32, #tpu.memory_space<vmem>>) dst(%dma_wait3A_673 : memref<10240x128xf32, #tpu.memory_space<vmem_shared>>)
      %add3A_674 = arith.constant 4 : i32
      %add3A_675 = arith.addi %mul3A_601, %add3A_674 : i32
      %add3A_676 = arith.constant 0 : i32
      %add3A_677 = arith.addi %add3A_675, %add3A_676 : i32
      %dma_start3A_678 = arith.constant 0 : i32
      %dma_start3A_679 = tpu.memref_slice %arg6[%add3A_677, %dma_start3A_678] : memref<32x80xi32, #tpu.memory_space<vmem>> -> memref<1x80xi32, #tpu.memory_space<vmem>>
      %dma_start3A_680 = tpu.memref_squeeze %dma_start3A_679 : memref<1x80xi32, #tpu.memory_space<vmem>> -> memref<80xi32, #tpu.memory_space<vmem>>
      %dma_start3A_681 = arith.constant 0 : i32
      %dma_start3A_682 = arith.constant 0 : i32
      %dma_start3A_683 = tpu.memref_slice %arg2[%dma_start3A_681, %dma_start3A_682] : memref<10016x128xf32, #tpu.memory_space<hbm>> -> memref<10016x128xf32, #tpu.memory_space<hbm>>
      tpu.enqueue_indirect_dma source(%dma_start3A_683 : memref<10016x128xf32, #tpu.memory_space<hbm>>) target(%arg8 : memref<80x128xf32, #tpu.memory_space<vmem>>) offsets(%dma_start3A_680 : memref<80xi32, #tpu.memory_space<vmem>>) semaphore(%arg13 : memref<!tpu.dma_semaphore, #tpu.memory_space<semaphore_mem>>)
      %add3A_684 = arith.constant 1 : i32
      %add3A_685 = arith.addi %mul3A_601, %add3A_684 : i32
      %dma_wait3A_686 = arith.constant 0 : i32
      %dma_wait3A_687 = tpu.memref_slice %arg7[%add3A_685, %dma_wait3A_686] : memref<32x80xi32, #tpu.memory_space<vmem>> -> memref<1x80xi32, #tpu.memory_space<vmem>>
      %dma_wait3A_688 = tpu.memref_squeeze %dma_wait3A_687 : memref<1x80xi32, #tpu.memory_space<vmem>> -> memref<80xi32, #tpu.memory_space<vmem>>
      %dma_wait3A_689 = arith.constant 0 : i32
      %dma_wait3A_690 = arith.constant 0 : i32
      %dma_wait3A_691 = tpu.memref_slice %arg12[%dma_wait3A_689, %dma_wait3A_690] : memref<10240x128xf32, #tpu.memory_space<vmem_shared>> -> memref<10240x128xf32, #tpu.memory_space<vmem_shared>>
      tpu.wait_indirect_dma semaphore(%arg18 : memref<!tpu.dma_semaphore, #tpu.memory_space<semaphore_mem>>) src(%arg9 : memref<80x128xf32, #tpu.memory_space<vmem>>) dst(%dma_wait3A_691 : memref<10240x128xf32, #tpu.memory_space<vmem_shared>>)
      %add3A_692 = arith.constant 4 : i32
      %add3A_693 = arith.addi %mul3A_601, %add3A_692 : i32
      %add3A_694 = arith.constant 1 : i32
      %add3A_695 = arith.addi %add3A_693, %add3A_694 : i32
      %dma_start3A_696 = arith.constant 0 : i32
      %dma_start3A_697 = tpu.memref_slice %arg6[%add3A_695, %dma_start3A_696] : memref<32x80xi32, #tpu.memory_space<vmem>> -> memref<1x80xi32, #tpu.memory_space<vmem>>
      %dma_start3A_698 = tpu.memref_squeeze %dma_start3A_697 : memref<1x80xi32, #tpu.memory_space<vmem>> -> memref<80xi32, #tpu.memory_space<vmem>>
      %dma_start3A_699 = arith.constant 0 : i32
      %dma_start3A_700 = arith.constant 0 : i32
      %dma_start3A_701 = tpu.memref_slice %arg2[%dma_start3A_699, %dma_start3A_700] : memref<10016x128xf32, #tpu.memory_space<hbm>> -> memref<10016x128xf32, #tpu.memory_space<hbm>>
      tpu.enqueue_indirect_dma source(%dma_start3A_701 : memref<10016x128xf32, #tpu.memory_space<hbm>>) target(%arg9 : memref<80x128xf32, #tpu.memory_space<vmem>>) offsets(%dma_start3A_698 : memref<80xi32, #tpu.memory_space<vmem>>) semaphore(%arg14 : memref<!tpu.dma_semaphore, #tpu.memory_space<semaphore_mem>>)
      %add3A_702 = arith.constant 2 : i32
      %add3A_703 = arith.addi %mul3A_601, %add3A_702 : i32
      %dma_wait3A_704 = arith.constant 0 : i32
      %dma_wait3A_705 = tpu.memref_slice %arg7[%add3A_703, %dma_wait3A_704] : memref<32x80xi32, #tpu.memory_space<vmem>> -> memref<1x80xi32, #tpu.memory_space<vmem>>
      %dma_wait3A_706 = tpu.memref_squeeze %dma_wait3A_705 : memref<1x80xi32, #tpu.memory_space<vmem>> -> memref<80xi32, #tpu.memory_space<vmem>>
      %dma_wait3A_707 = arith.constant 0 : i32
      %dma_wait3A_708 = arith.constant 0 : i32
      %dma_wait3A_709 = tpu.memref_slice %arg12[%dma_wait3A_707, %dma_wait3A_708] : memref<10240x128xf32, #tpu.memory_space<vmem_shared>> -> memref<10240x128xf32, #tpu.memory_space<vmem_shared>>
      tpu.wait_indirect_dma semaphore(%arg19 : memref<!tpu.dma_semaphore, #tpu.memory_space<semaphore_mem>>) src(%arg10 : memref<80x128xf32, #tpu.memory_space<vmem>>) dst(%dma_wait3A_709 : memref<10240x128xf32, #tpu.memory_space<vmem_shared>>)
      %add3A_710 = arith.constant 4 : i32
      %add3A_711 = arith.addi %mul3A_601, %add3A_710 : i32
      %add3A_712 = arith.constant 2 : i32
      %add3A_713 = arith.addi %add3A_711, %add3A_712 : i32
      %dma_start3A_714 = arith.constant 0 : i32
      %dma_start3A_715 = tpu.memref_slice %arg6[%add3A_713, %dma_start3A_714] : memref<32x80xi32, #tpu.memory_space<vmem>> -> memref<1x80xi32, #tpu.memory_space<vmem>>
      %dma_start3A_716 = tpu.memref_squeeze %dma_start3A_715 : memref<1x80xi32, #tpu.memory_space<vmem>> -> memref<80xi32, #tpu.memory_space<vmem>>
      %dma_start3A_717 = arith.constant 0 : i32
      %dma_start3A_718 = arith.constant 0 : i32
      %dma_start3A_719 = tpu.memref_slice %arg2[%dma_start3A_717, %dma_start3A_718] : memref<10016x128xf32, #tpu.memory_space<hbm>> -> memref<10016x128xf32, #tpu.memory_space<hbm>>
      tpu.enqueue_indirect_dma source(%dma_start3A_719 : memref<10016x128xf32, #tpu.memory_space<hbm>>) target(%arg10 : memref<80x128xf32, #tpu.memory_space<vmem>>) offsets(%dma_start3A_716 : memref<80xi32, #tpu.memory_space<vmem>>) semaphore(%arg15 : memref<!tpu.dma_semaphore, #tpu.memory_space<semaphore_mem>>)
      %add3A_720 = arith.constant 3 : i32
      %add3A_721 = arith.addi %mul3A_601, %add3A_720 : i32
      %dma_wait3A_722 = arith.constant 0 : i32
      %dma_wait3A_723 = tpu.memref_slice %arg7[%add3A_721, %dma_wait3A_722] : memref<32x80xi32, #tpu.memory_space<vmem>> -> memref<1x80xi32, #tpu.memory_space<vmem>>
      %dma_wait3A_724 = tpu.memref_squeeze %dma_wait3A_723 : memref<1x80xi32, #tpu.memory_space<vmem>> -> memref<80xi32, #tpu.memory_space<vmem>>
      %dma_wait3A_725 = arith.constant 0 : i32
      %dma_wait3A_726 = arith.constant 0 : i32
      %dma_wait3A_727 = tpu.memref_slice %arg12[%dma_wait3A_725, %dma_wait3A_726] : memref<10240x128xf32, #tpu.memory_space<vmem_shared>> -> memref<10240x128xf32, #tpu.memory_space<vmem_shared>>
      tpu.wait_indirect_dma semaphore(%arg20 : memref<!tpu.dma_semaphore, #tpu.memory_space<semaphore_mem>>) src(%arg11 : memref<80x128xf32, #tpu.memory_space<vmem>>) dst(%dma_wait3A_727 : memref<10240x128xf32, #tpu.memory_space<vmem_shared>>)
      %add3A_728 = arith.constant 4 : i32
      %add3A_729 = arith.addi %mul3A_601, %add3A_728 : i32
      %add3A_730 = arith.constant 3 : i32
      %add3A_731 = arith.addi %add3A_729, %add3A_730 : i32
      %dma_start3A_732 = arith.constant 0 : i32
      %dma_start3A_733 = tpu.memref_slice %arg6[%add3A_731, %dma_start3A_732] : memref<32x80xi32, #tpu.memory_space<vmem>> -> memref<1x80xi32, #tpu.memory_space<vmem>>
      %dma_start3A_734 = tpu.memref_squeeze %dma_start3A_733 : memref<1x80xi32, #tpu.memory_space<vmem>> -> memref<80xi32, #tpu.memory_space<vmem>>
      %dma_start3A_735 = arith.constant 0 : i32
      %dma_start3A_736 = arith.constant 0 : i32
      %dma_start3A_737 = tpu.memref_slice %arg2[%dma_start3A_735, %dma_start3A_736] : memref<10016x128xf32, #tpu.memory_space<hbm>> -> memref<10016x128xf32, #tpu.memory_space<hbm>>
      tpu.enqueue_indirect_dma source(%dma_start3A_737 : memref<10016x128xf32, #tpu.memory_space<hbm>>) target(%arg11 : memref<80x128xf32, #tpu.memory_space<vmem>>) offsets(%dma_start3A_734 : memref<80xi32, #tpu.memory_space<vmem>>) semaphore(%arg16 : memref<!tpu.dma_semaphore, #tpu.memory_space<semaphore_mem>>)
      %scan3A_738 = arith.constant 0 : i32
      scf.yield %scan3A_738 : i32
    }
    %scan3A_151 = arith.constant 7 : i32
    %dma_wait3A_152 = arith.constant 28 : i32
    %dma_wait3A_153 = arith.constant 0 : i32
    %dma_wait3A_154 = tpu.memref_slice %arg6[%dma_wait3A_152, %dma_wait3A_153] : memref<32x80xi32, #tpu.memory_space<vmem>> -> memref<1x80xi32, #tpu.memory_space<vmem>>
    %dma_wait3A_155 = tpu.memref_squeeze %dma_wait3A_154 : memref<1x80xi32, #tpu.memory_space<vmem>> -> memref<80xi32, #tpu.memory_space<vmem>>
    %dma_wait3A_156 = arith.constant 0 : i32
    %dma_wait3A_157 = arith.constant 0 : i32
    %dma_wait3A_158 = tpu.memref_slice %arg2[%dma_wait3A_156, %dma_wait3A_157] : memref<10016x128xf32, #tpu.memory_space<hbm>> -> memref<10016x128xf32, #tpu.memory_space<hbm>>
    tpu.wait_indirect_dma semaphore(%arg13 : memref<!tpu.dma_semaphore, #tpu.memory_space<semaphore_mem>>) src(%dma_wait3A_158 : memref<10016x128xf32, #tpu.memory_space<hbm>>) dst(%arg8 : memref<80x128xf32, #tpu.memory_space<vmem>>)
    %dma_start3A_159 = arith.constant 28 : i32
    %dma_start3A_160 = arith.constant 0 : i32
    %dma_start3A_161 = tpu.memref_slice %arg7[%dma_start3A_159, %dma_start3A_160] : memref<32x80xi32, #tpu.memory_space<vmem>> -> memref<1x80xi32, #tpu.memory_space<vmem>>
    %dma_start3A_162 = tpu.memref_squeeze %dma_start3A_161 : memref<1x80xi32, #tpu.memory_space<vmem>> -> memref<80xi32, #tpu.memory_space<vmem>>
    %dma_start3A_163 = arith.constant 0 : i32
    %dma_start3A_164 = arith.constant 0 : i32
    %dma_start3A_165 = tpu.memref_slice %arg12[%dma_start3A_163, %dma_start3A_164] : memref<10240x128xf32, #tpu.memory_space<vmem_shared>> -> memref<10240x128xf32, #tpu.memory_space<vmem_shared>>
    tpu.enqueue_indirect_dma source(%arg8 : memref<80x128xf32, #tpu.memory_space<vmem>>) target(%dma_start3A_165 : memref<10240x128xf32, #tpu.memory_space<vmem_shared>>) offsets(%dma_start3A_162 : memref<80xi32, #tpu.memory_space<vmem>>) semaphore(%arg17 : memref<!tpu.dma_semaphore, #tpu.memory_space<semaphore_mem>>) {add = true}
    %dma_wait3A_166 = arith.constant 29 : i32
    %dma_wait3A_167 = arith.constant 0 : i32
    %dma_wait3A_168 = tpu.memref_slice %arg6[%dma_wait3A_166, %dma_wait3A_167] : memref<32x80xi32, #tpu.memory_space<vmem>> -> memref<1x80xi32, #tpu.memory_space<vmem>>
    %dma_wait3A_169 = tpu.memref_squeeze %dma_wait3A_168 : memref<1x80xi32, #tpu.memory_space<vmem>> -> memref<80xi32, #tpu.memory_space<vmem>>
    %dma_wait3A_170 = arith.constant 0 : i32
    %dma_wait3A_171 = arith.constant 0 : i32
    %dma_wait3A_172 = tpu.memref_slice %arg2[%dma_wait3A_170, %dma_wait3A_171] : memref<10016x128xf32, #tpu.memory_space<hbm>> -> memref<10016x128xf32, #tpu.memory_space<hbm>>
    tpu.wait_indirect_dma semaphore(%arg14 : memref<!tpu.dma_semaphore, #tpu.memory_space<semaphore_mem>>) src(%dma_wait3A_172 : memref<10016x128xf32, #tpu.memory_space<hbm>>) dst(%arg9 : memref<80x128xf32, #tpu.memory_space<vmem>>)
    %dma_start3A_173 = arith.constant 29 : i32
    %dma_start3A_174 = arith.constant 0 : i32
    %dma_start3A_175 = tpu.memref_slice %arg7[%dma_start3A_173, %dma_start3A_174] : memref<32x80xi32, #tpu.memory_space<vmem>> -> memref<1x80xi32, #tpu.memory_space<vmem>>
    %dma_start3A_176 = tpu.memref_squeeze %dma_start3A_175 : memref<1x80xi32, #tpu.memory_space<vmem>> -> memref<80xi32, #tpu.memory_space<vmem>>
    %dma_start3A_177 = arith.constant 0 : i32
    %dma_start3A_178 = arith.constant 0 : i32
    %dma_start3A_179 = tpu.memref_slice %arg12[%dma_start3A_177, %dma_start3A_178] : memref<10240x128xf32, #tpu.memory_space<vmem_shared>> -> memref<10240x128xf32, #tpu.memory_space<vmem_shared>>
    tpu.enqueue_indirect_dma source(%arg9 : memref<80x128xf32, #tpu.memory_space<vmem>>) target(%dma_start3A_179 : memref<10240x128xf32, #tpu.memory_space<vmem_shared>>) offsets(%dma_start3A_176 : memref<80xi32, #tpu.memory_space<vmem>>) semaphore(%arg18 : memref<!tpu.dma_semaphore, #tpu.memory_space<semaphore_mem>>) {add = true}
    %dma_wait3A_180 = arith.constant 30 : i32
    %dma_wait3A_181 = arith.constant 0 : i32
    %dma_wait3A_182 = tpu.memref_slice %arg6[%dma_wait3A_180, %dma_wait3A_181] : memref<32x80xi32, #tpu.memory_space<vmem>> -> memref<1x80xi32, #tpu.memory_space<vmem>>
    %dma_wait3A_183 = tpu.memref_squeeze %dma_wait3A_182 : memref<1x80xi32, #tpu.memory_space<vmem>> -> memref<80xi32, #tpu.memory_space<vmem>>
    %dma_wait3A_184 = arith.constant 0 : i32
    %dma_wait3A_185 = arith.constant 0 : i32
    %dma_wait3A_186 = tpu.memref_slice %arg2[%dma_wait3A_184, %dma_wait3A_185] : memref<10016x128xf32, #tpu.memory_space<hbm>> -> memref<10016x128xf32, #tpu.memory_space<hbm>>
    tpu.wait_indirect_dma semaphore(%arg15 : memref<!tpu.dma_semaphore, #tpu.memory_space<semaphore_mem>>) src(%dma_wait3A_186 : memref<10016x128xf32, #tpu.memory_space<hbm>>) dst(%arg10 : memref<80x128xf32, #tpu.memory_space<vmem>>)
    %dma_start3A_187 = arith.constant 30 : i32
    %dma_start3A_188 = arith.constant 0 : i32
    %dma_start3A_189 = tpu.memref_slice %arg7[%dma_start3A_187, %dma_start3A_188] : memref<32x80xi32, #tpu.memory_space<vmem>> -> memref<1x80xi32, #tpu.memory_space<vmem>>
    %dma_start3A_190 = tpu.memref_squeeze %dma_start3A_189 : memref<1x80xi32, #tpu.memory_space<vmem>> -> memref<80xi32, #tpu.memory_space<vmem>>
    %dma_start3A_191 = arith.constant 0 : i32
    %dma_start3A_192 = arith.constant 0 : i32
    %dma_start3A_193 = tpu.memref_slice %arg12[%dma_start3A_191, %dma_start3A_192] : memref<10240x128xf32, #tpu.memory_space<vmem_shared>> -> memref<10240x128xf32, #tpu.memory_space<vmem_shared>>
    tpu.enqueue_indirect_dma source(%arg10 : memref<80x128xf32, #tpu.memory_space<vmem>>) target(%dma_start3A_193 : memref<10240x128xf32, #tpu.memory_space<vmem_shared>>) offsets(%dma_start3A_190 : memref<80xi32, #tpu.memory_space<vmem>>) semaphore(%arg19 : memref<!tpu.dma_semaphore, #tpu.memory_space<semaphore_mem>>) {add = true}
    %dma_wait3A_194 = arith.constant 31 : i32
    %dma_wait3A_195 = arith.constant 0 : i32
    %dma_wait3A_196 = tpu.memref_slice %arg6[%dma_wait3A_194, %dma_wait3A_195] : memref<32x80xi32, #tpu.memory_space<vmem>> -> memref<1x80xi32, #tpu.memory_space<vmem>>
    %dma_wait3A_197 = tpu.memref_squeeze %dma_wait3A_196 : memref<1x80xi32, #tpu.memory_space<vmem>> -> memref<80xi32, #tpu.memory_space<vmem>>
    %dma_wait3A_198 = arith.constant 0 : i32
    %dma_wait3A_199 = arith.constant 0 : i32
    %dma_wait3A_200 = tpu.memref_slice %arg2[%dma_wait3A_198, %dma_wait3A_199] : memref<10016x128xf32, #tpu.memory_space<hbm>> -> memref<10016x128xf32, #tpu.memory_space<hbm>>
    tpu.wait_indirect_dma semaphore(%arg16 : memref<!tpu.dma_semaphore, #tpu.memory_space<semaphore_mem>>) src(%dma_wait3A_200 : memref<10016x128xf32, #tpu.memory_space<hbm>>) dst(%arg11 : memref<80x128xf32, #tpu.memory_space<vmem>>)
    %dma_start3A_201 = arith.constant 31 : i32
    %dma_start3A_202 = arith.constant 0 : i32
    %dma_start3A_203 = tpu.memref_slice %arg7[%dma_start3A_201, %dma_start3A_202] : memref<32x80xi32, #tpu.memory_space<vmem>> -> memref<1x80xi32, #tpu.memory_space<vmem>>
    %dma_start3A_204 = tpu.memref_squeeze %dma_start3A_203 : memref<1x80xi32, #tpu.memory_space<vmem>> -> memref<80xi32, #tpu.memory_space<vmem>>
    %dma_start3A_205 = arith.constant 0 : i32
    %dma_start3A_206 = arith.constant 0 : i32
    %dma_start3A_207 = tpu.memref_slice %arg12[%dma_start3A_205, %dma_start3A_206] : memref<10240x128xf32, #tpu.memory_space<vmem_shared>> -> memref<10240x128xf32, #tpu.memory_space<vmem_shared>>
    tpu.enqueue_indirect_dma source(%arg11 : memref<80x128xf32, #tpu.memory_space<vmem>>) target(%dma_start3A_207 : memref<10240x128xf32, #tpu.memory_space<vmem_shared>>) offsets(%dma_start3A_204 : memref<80xi32, #tpu.memory_space<vmem>>) semaphore(%arg20 : memref<!tpu.dma_semaphore, #tpu.memory_space<semaphore_mem>>) {add = true}
    %dma_wait3A_208 = arith.constant 28 : i32
    %dma_wait3A_209 = arith.constant 0 : i32
    %dma_wait3A_210 = tpu.memref_slice %arg7[%dma_wait3A_208, %dma_wait3A_209] : memref<32x80xi32, #tpu.memory_space<vmem>> -> memref<1x80xi32, #tpu.memory_space<vmem>>
    %dma_wait3A_211 = tpu.memref_squeeze %dma_wait3A_210 : memref<1x80xi32, #tpu.memory_space<vmem>> -> memref<80xi32, #tpu.memory_space<vmem>>
    %dma_wait3A_212 = arith.constant 0 : i32
    %dma_wait3A_213 = arith.constant 0 : i32
    %dma_wait3A_214 = tpu.memref_slice %arg12[%dma_wait3A_212, %dma_wait3A_213] : memref<10240x128xf32, #tpu.memory_space<vmem_shared>> -> memref<10240x128xf32, #tpu.memory_space<vmem_shared>>
    tpu.wait_indirect_dma semaphore(%arg17 : memref<!tpu.dma_semaphore, #tpu.memory_space<semaphore_mem>>) src(%arg8 : memref<80x128xf32, #tpu.memory_space<vmem>>) dst(%dma_wait3A_214 : memref<10240x128xf32, #tpu.memory_space<vmem_shared>>)
    %dma_wait3A_215 = arith.constant 29 : i32
    %dma_wait3A_216 = arith.constant 0 : i32
    %dma_wait3A_217 = tpu.memref_slice %arg7[%dma_wait3A_215, %dma_wait3A_216] : memref<32x80xi32, #tpu.memory_space<vmem>> -> memref<1x80xi32, #tpu.memory_space<vmem>>
    %dma_wait3A_218 = tpu.memref_squeeze %dma_wait3A_217 : memref<1x80xi32, #tpu.memory_space<vmem>> -> memref<80xi32, #tpu.memory_space<vmem>>
    %dma_wait3A_219 = arith.constant 0 : i32
    %dma_wait3A_220 = arith.constant 0 : i32
    %dma_wait3A_221 = tpu.memref_slice %arg12[%dma_wait3A_219, %dma_wait3A_220] : memref<10240x128xf32, #tpu.memory_space<vmem_shared>> -> memref<10240x128xf32, #tpu.memory_space<vmem_shared>>
    tpu.wait_indirect_dma semaphore(%arg18 : memref<!tpu.dma_semaphore, #tpu.memory_space<semaphore_mem>>) src(%arg9 : memref<80x128xf32, #tpu.memory_space<vmem>>) dst(%dma_wait3A_221 : memref<10240x128xf32, #tpu.memory_space<vmem_shared>>)
    %dma_wait3A_222 = arith.constant 30 : i32
    %dma_wait3A_223 = arith.constant 0 : i32
    %dma_wait3A_224 = tpu.memref_slice %arg7[%dma_wait3A_222, %dma_wait3A_223] : memref<32x80xi32, #tpu.memory_space<vmem>> -> memref<1x80xi32, #tpu.memory_space<vmem>>
    %dma_wait3A_225 = tpu.memref_squeeze %dma_wait3A_224 : memref<1x80xi32, #tpu.memory_space<vmem>> -> memref<80xi32, #tpu.memory_space<vmem>>
    %dma_wait3A_226 = arith.constant 0 : i32
    %dma_wait3A_227 = arith.constant 0 : i32
    %dma_wait3A_228 = tpu.memref_slice %arg12[%dma_wait3A_226, %dma_wait3A_227] : memref<10240x128xf32, #tpu.memory_space<vmem_shared>> -> memref<10240x128xf32, #tpu.memory_space<vmem_shared>>
    tpu.wait_indirect_dma semaphore(%arg19 : memref<!tpu.dma_semaphore, #tpu.memory_space<semaphore_mem>>) src(%arg10 : memref<80x128xf32, #tpu.memory_space<vmem>>) dst(%dma_wait3A_228 : memref<10240x128xf32, #tpu.memory_space<vmem_shared>>)
    %dma_wait3A_229 = arith.constant 31 : i32
    %dma_wait3A_230 = arith.constant 0 : i32
    %dma_wait3A_231 = tpu.memref_slice %arg7[%dma_wait3A_229, %dma_wait3A_230] : memref<32x80xi32, #tpu.memory_space<vmem>> -> memref<1x80xi32, #tpu.memory_space<vmem>>
    %dma_wait3A_232 = tpu.memref_squeeze %dma_wait3A_231 : memref<1x80xi32, #tpu.memory_space<vmem>> -> memref<80xi32, #tpu.memory_space<vmem>>
    %dma_wait3A_233 = arith.constant 0 : i32
    %dma_wait3A_234 = arith.constant 0 : i32
    %dma_wait3A_235 = tpu.memref_slice %arg12[%dma_wait3A_233, %dma_wait3A_234] : memref<10240x128xf32, #tpu.memory_space<vmem_shared>> -> memref<10240x128xf32, #tpu.memory_space<vmem_shared>>
    tpu.wait_indirect_dma semaphore(%arg20 : memref<!tpu.dma_semaphore, #tpu.memory_space<semaphore_mem>>) src(%arg11 : memref<80x128xf32, #tpu.memory_space<vmem>>) dst(%dma_wait3A_235 : memref<10240x128xf32, #tpu.memory_space<vmem_shared>>)
    "tpu.region"() ({
      %run_scoped3A = tpu.sem_alloc : memref<!tpu.dma_semaphore, #tpu.memory_space<semaphore_mem>>
      %dma_start3A_598 = arith.constant 32 : i32
      %dma_start3A_599 = arith.constant 0 : i32
      %dma_start3A_600 = tpu.memref_slice %arg3[%add3A, %dma_start3A_598, %dma_start3A_599] : memref<32x128x80xi32, #tpu.memory_space<hbm>> -> memref<1x32x80xi32, #tpu.memory_space<hbm>>
      %dma_start3A_601 = tpu.memref_squeeze %dma_start3A_600 : memref<1x32x80xi32, #tpu.memory_space<hbm>> -> memref<32x80xi32, #tpu.memory_space<hbm>>
      %dma_start3A_602 = arith.constant 32 : i32
      %dma_start3A_603 = arith.constant 0 : i32
      %dma_start3A_604 = tpu.memref_slice %arg3[%add3A, %dma_start3A_602, %dma_start3A_603] : memref<32x128x80xi32, #tpu.memory_space<hbm>> -> memref<1x32x80xi32, #tpu.memory_space<hbm>>
      %dma_start3A_605 = tpu.memref_squeeze %dma_start3A_604 : memref<1x32x80xi32, #tpu.memory_space<hbm>> -> memref<32x80xi32, #tpu.memory_space<hbm>>
      tpu.enqueue_dma source(%dma_start3A_605 : memref<32x80xi32, #tpu.memory_space<hbm>>) target(%arg6 : memref<32x80xi32, #tpu.memory_space<vmem>>) target_semaphore(%run_scoped3A : memref<!tpu.dma_semaphore, #tpu.memory_space<semaphore_mem>>)
      %dma_wait3A_606 = arith.constant 32 : i32
      %dma_wait3A_607 = arith.constant 0 : i32
      %dma_wait3A_608 = tpu.memref_slice %arg3[%add3A, %dma_wait3A_606, %dma_wait3A_607] : memref<32x128x80xi32, #tpu.memory_space<hbm>> -> memref<1x32x80xi32, #tpu.memory_space<hbm>>
      %dma_wait3A_609 = tpu.memref_squeeze %dma_wait3A_608 : memref<1x32x80xi32, #tpu.memory_space<hbm>> -> memref<32x80xi32, #tpu.memory_space<hbm>>
      %dma_wait3A_610 = arith.constant 32 : i32
      %dma_wait3A_611 = arith.constant 0 : i32
      %dma_wait3A_612 = tpu.memref_slice %arg3[%add3A, %dma_wait3A_610, %dma_wait3A_611] : memref<32x128x80xi32, #tpu.memory_space<hbm>> -> memref<1x32x80xi32, #tpu.memory_space<hbm>>
      %dma_wait3A_613 = tpu.memref_squeeze %dma_wait3A_612 : memref<1x32x80xi32, #tpu.memory_space<hbm>> -> memref<32x80xi32, #tpu.memory_space<hbm>>
      tpu.wait_dma2 semaphore(%run_scoped3A : memref<!tpu.dma_semaphore, #tpu.memory_space<semaphore_mem>>) src(%dma_wait3A_613 : memref<32x80xi32, #tpu.memory_space<hbm>>) dst(%arg6 : memref<32x80xi32, #tpu.memory_space<vmem>>)
      tpu.yield
    }) : () -> ()
    "tpu.region"() ({
      %run_scoped3A = tpu.sem_alloc : memref<!tpu.dma_semaphore, #tpu.memory_space<semaphore_mem>>
      %dma_start3A_598 = arith.constant 32 : i32
      %dma_start3A_599 = arith.constant 0 : i32
      %dma_start3A_600 = tpu.memref_slice %arg4[%add3A, %dma_start3A_598, %dma_start3A_599] : memref<32x128x80xi32, #tpu.memory_space<hbm>> -> memref<1x32x80xi32, #tpu.memory_space<hbm>>
      %dma_start3A_601 = tpu.memref_squeeze %dma_start3A_600 : memref<1x32x80xi32, #tpu.memory_space<hbm>> -> memref<32x80xi32, #tpu.memory_space<hbm>>
      %dma_start3A_602 = arith.constant 32 : i32
      %dma_start3A_603 = arith.constant 0 : i32
      %dma_start3A_604 = tpu.memref_slice %arg4[%add3A, %dma_start3A_602, %dma_start3A_603] : memref<32x128x80xi32, #tpu.memory_space<hbm>> -> memref<1x32x80xi32, #tpu.memory_space<hbm>>
      %dma_start3A_605 = tpu.memref_squeeze %dma_start3A_604 : memref<1x32x80xi32, #tpu.memory_space<hbm>> -> memref<32x80xi32, #tpu.memory_space<hbm>>
      tpu.enqueue_dma source(%dma_start3A_605 : memref<32x80xi32, #tpu.memory_space<hbm>>) target(%arg7 : memref<32x80xi32, #tpu.memory_space<vmem>>) target_semaphore(%run_scoped3A : memref<!tpu.dma_semaphore, #tpu.memory_space<semaphore_mem>>)
      %dma_wait3A_606 = arith.constant 32 : i32
      %dma_wait3A_607 = arith.constant 0 : i32
      %dma_wait3A_608 = tpu.memref_slice %arg4[%add3A, %dma_wait3A_606, %dma_wait3A_607] : memref<32x128x80xi32, #tpu.memory_space<hbm>> -> memref<1x32x80xi32, #tpu.memory_space<hbm>>
      %dma_wait3A_609 = tpu.memref_squeeze %dma_wait3A_608 : memref<1x32x80xi32, #tpu.memory_space<hbm>> -> memref<32x80xi32, #tpu.memory_space<hbm>>
      %dma_wait3A_610 = arith.constant 32 : i32
      %dma_wait3A_611 = arith.constant 0 : i32
      %dma_wait3A_612 = tpu.memref_slice %arg4[%add3A, %dma_wait3A_610, %dma_wait3A_611] : memref<32x128x80xi32, #tpu.memory_space<hbm>> -> memref<1x32x80xi32, #tpu.memory_space<hbm>>
      %dma_wait3A_613 = tpu.memref_squeeze %dma_wait3A_612 : memref<1x32x80xi32, #tpu.memory_space<hbm>> -> memref<32x80xi32, #tpu.memory_space<hbm>>
      tpu.wait_dma2 semaphore(%run_scoped3A : memref<!tpu.dma_semaphore, #tpu.memory_space<semaphore_mem>>) src(%dma_wait3A_613 : memref<32x80xi32, #tpu.memory_space<hbm>>) dst(%arg7 : memref<32x80xi32, #tpu.memory_space<vmem>>)
      tpu.yield
    }) : () -> ()
    %dma_start3A_236 = arith.constant 0 : i32
    %dma_start3A_237 = arith.constant 0 : i32
    %dma_start3A_238 = tpu.memref_slice %arg6[%dma_start3A_236, %dma_start3A_237] : memref<32x80xi32, #tpu.memory_space<vmem>> -> memref<1x80xi32, #tpu.memory_space<vmem>>
    %dma_start3A_239 = tpu.memref_squeeze %dma_start3A_238 : memref<1x80xi32, #tpu.memory_space<vmem>> -> memref<80xi32, #tpu.memory_space<vmem>>
    %dma_start3A_240 = arith.constant 0 : i32
    %dma_start3A_241 = arith.constant 0 : i32
    %dma_start3A_242 = tpu.memref_slice %arg2[%dma_start3A_240, %dma_start3A_241] : memref<10016x128xf32, #tpu.memory_space<hbm>> -> memref<10016x128xf32, #tpu.memory_space<hbm>>
    tpu.enqueue_indirect_dma source(%dma_start3A_242 : memref<10016x128xf32, #tpu.memory_space<hbm>>) target(%arg8 : memref<80x128xf32, #tpu.memory_space<vmem>>) offsets(%dma_start3A_239 : memref<80xi32, #tpu.memory_space<vmem>>) semaphore(%arg13 : memref<!tpu.dma_semaphore, #tpu.memory_space<semaphore_mem>>)
    %dma_start3A_243 = arith.constant 1 : i32
    %dma_start3A_244 = arith.constant 0 : i32
    %dma_start3A_245 = tpu.memref_slice %arg6[%dma_start3A_243, %dma_start3A_244] : memref<32x80xi32, #tpu.memory_space<vmem>> -> memref<1x80xi32, #tpu.memory_space<vmem>>
    %dma_start3A_246 = tpu.memref_squeeze %dma_start3A_245 : memref<1x80xi32, #tpu.memory_space<vmem>> -> memref<80xi32, #tpu.memory_space<vmem>>
    %dma_start3A_247 = arith.constant 0 : i32
    %dma_start3A_248 = arith.constant 0 : i32
    %dma_start3A_249 = tpu.memref_slice %arg2[%dma_start3A_247, %dma_start3A_248] : memref<10016x128xf32, #tpu.memory_space<hbm>> -> memref<10016x128xf32, #tpu.memory_space<hbm>>
    tpu.enqueue_indirect_dma source(%dma_start3A_249 : memref<10016x128xf32, #tpu.memory_space<hbm>>) target(%arg9 : memref<80x128xf32, #tpu.memory_space<vmem>>) offsets(%dma_start3A_246 : memref<80xi32, #tpu.memory_space<vmem>>) semaphore(%arg14 : memref<!tpu.dma_semaphore, #tpu.memory_space<semaphore_mem>>)
    %dma_start3A_250 = arith.constant 2 : i32
    %dma_start3A_251 = arith.constant 0 : i32
    %dma_start3A_252 = tpu.memref_slice %arg6[%dma_start3A_250, %dma_start3A_251] : memref<32x80xi32, #tpu.memory_space<vmem>> -> memref<1x80xi32, #tpu.memory_space<vmem>>
    %dma_start3A_253 = tpu.memref_squeeze %dma_start3A_252 : memref<1x80xi32, #tpu.memory_space<vmem>> -> memref<80xi32, #tpu.memory_space<vmem>>
    %dma_start3A_254 = arith.constant 0 : i32
    %dma_start3A_255 = arith.constant 0 : i32
    %dma_start3A_256 = tpu.memref_slice %arg2[%dma_start3A_254, %dma_start3A_255] : memref<10016x128xf32, #tpu.memory_space<hbm>> -> memref<10016x128xf32, #tpu.memory_space<hbm>>
    tpu.enqueue_indirect_dma source(%dma_start3A_256 : memref<10016x128xf32, #tpu.memory_space<hbm>>) target(%arg10 : memref<80x128xf32, #tpu.memory_space<vmem>>) offsets(%dma_start3A_253 : memref<80xi32, #tpu.memory_space<vmem>>) semaphore(%arg15 : memref<!tpu.dma_semaphore, #tpu.memory_space<semaphore_mem>>)
    %dma_start3A_257 = arith.constant 3 : i32
    %dma_start3A_258 = arith.constant 0 : i32
    %dma_start3A_259 = tpu.memref_slice %arg6[%dma_start3A_257, %dma_start3A_258] : memref<32x80xi32, #tpu.memory_space<vmem>> -> memref<1x80xi32, #tpu.memory_space<vmem>>
    %dma_start3A_260 = tpu.memref_squeeze %dma_start3A_259 : memref<1x80xi32, #tpu.memory_space<vmem>> -> memref<80xi32, #tpu.memory_space<vmem>>
    %dma_start3A_261 = arith.constant 0 : i32
    %dma_start3A_262 = arith.constant 0 : i32
    %dma_start3A_263 = tpu.memref_slice %arg2[%dma_start3A_261, %dma_start3A_262] : memref<10016x128xf32, #tpu.memory_space<hbm>> -> memref<10016x128xf32, #tpu.memory_space<hbm>>
    tpu.enqueue_indirect_dma source(%dma_start3A_263 : memref<10016x128xf32, #tpu.memory_space<hbm>>) target(%arg11 : memref<80x128xf32, #tpu.memory_space<vmem>>) offsets(%dma_start3A_260 : memref<80xi32, #tpu.memory_space<vmem>>) semaphore(%arg16 : memref<!tpu.dma_semaphore, #tpu.memory_space<semaphore_mem>>)
    %scan3A_264 = arith.constant 0 : i32
    %scan3A_265 = arith.constant 0 : i32
    %scan3A_266 = arith.constant 7 : i32
    %scan3A_267 = arith.addi %scan3A_265, %scan3A_266 : i32
    %scan3A_268 = arith.constant 1 : i32
    %scan3A_269 = scf.for %scan3A_598 = %scan3A_265 to %scan3A_267 step %scan3A_268 iter_args(%scan3A_599 = %scan3A_264) -> (i32)  : i32 {
      %mul3A_600 = arith.constant 4 : i32
      %mul3A_601 = arith.muli %scan3A_598, %mul3A_600 : i32
      %add3A_602 = arith.constant 0 : i32
      %add3A_603 = arith.addi %mul3A_601, %add3A_602 : i32
      %dma_wait3A_604 = arith.constant 0 : i32
      %dma_wait3A_605 = tpu.memref_slice %arg6[%add3A_603, %dma_wait3A_604] : memref<32x80xi32, #tpu.memory_space<vmem>> -> memref<1x80xi32, #tpu.memory_space<vmem>>
      %dma_wait3A_606 = tpu.memref_squeeze %dma_wait3A_605 : memref<1x80xi32, #tpu.memory_space<vmem>> -> memref<80xi32, #tpu.memory_space<vmem>>
      %dma_wait3A_607 = arith.constant 0 : i32
      %dma_wait3A_608 = arith.constant 0 : i32
      %dma_wait3A_609 = tpu.memref_slice %arg2[%dma_wait3A_607, %dma_wait3A_608] : memref<10016x128xf32, #tpu.memory_space<hbm>> -> memref<10016x128xf32, #tpu.memory_space<hbm>>
      tpu.wait_indirect_dma semaphore(%arg13 : memref<!tpu.dma_semaphore, #tpu.memory_space<semaphore_mem>>) src(%dma_wait3A_609 : memref<10016x128xf32, #tpu.memory_space<hbm>>) dst(%arg8 : memref<80x128xf32, #tpu.memory_space<vmem>>)
      %add3A_610 = arith.constant 0 : i32
      %add3A_611 = arith.addi %mul3A_601, %add3A_610 : i32
      %dma_start3A_612 = arith.constant 0 : i32
      %dma_start3A_613 = tpu.memref_slice %arg7[%add3A_611, %dma_start3A_612] : memref<32x80xi32, #tpu.memory_space<vmem>> -> memref<1x80xi32, #tpu.memory_space<vmem>>
      %dma_start3A_614 = tpu.memref_squeeze %dma_start3A_613 : memref<1x80xi32, #tpu.memory_space<vmem>> -> memref<80xi32, #tpu.memory_space<vmem>>
      %dma_start3A_615 = arith.constant 0 : i32
      %dma_start3A_616 = arith.constant 0 : i32
      %dma_start3A_617 = tpu.memref_slice %arg12[%dma_start3A_615, %dma_start3A_616] : memref<10240x128xf32, #tpu.memory_space<vmem_shared>> -> memref<10240x128xf32, #tpu.memory_space<vmem_shared>>
      tpu.enqueue_indirect_dma source(%arg8 : memref<80x128xf32, #tpu.memory_space<vmem>>) target(%dma_start3A_617 : memref<10240x128xf32, #tpu.memory_space<vmem_shared>>) offsets(%dma_start3A_614 : memref<80xi32, #tpu.memory_space<vmem>>) semaphore(%arg17 : memref<!tpu.dma_semaphore, #tpu.memory_space<semaphore_mem>>) {add = true}
      %add3A_618 = arith.constant 1 : i32
      %add3A_619 = arith.addi %mul3A_601, %add3A_618 : i32
      %dma_wait3A_620 = arith.constant 0 : i32
      %dma_wait3A_621 = tpu.memref_slice %arg6[%add3A_619, %dma_wait3A_620] : memref<32x80xi32, #tpu.memory_space<vmem>> -> memref<1x80xi32, #tpu.memory_space<vmem>>
      %dma_wait3A_622 = tpu.memref_squeeze %dma_wait3A_621 : memref<1x80xi32, #tpu.memory_space<vmem>> -> memref<80xi32, #tpu.memory_space<vmem>>
      %dma_wait3A_623 = arith.constant 0 : i32
      %dma_wait3A_624 = arith.constant 0 : i32
      %dma_wait3A_625 = tpu.memref_slice %arg2[%dma_wait3A_623, %dma_wait3A_624] : memref<10016x128xf32, #tpu.memory_space<hbm>> -> memref<10016x128xf32, #tpu.memory_space<hbm>>
      tpu.wait_indirect_dma semaphore(%arg14 : memref<!tpu.dma_semaphore, #tpu.memory_space<semaphore_mem>>) src(%dma_wait3A_625 : memref<10016x128xf32, #tpu.memory_space<hbm>>) dst(%arg9 : memref<80x128xf32, #tpu.memory_space<vmem>>)
      %add3A_626 = arith.constant 1 : i32
      %add3A_627 = arith.addi %mul3A_601, %add3A_626 : i32
      %dma_start3A_628 = arith.constant 0 : i32
      %dma_start3A_629 = tpu.memref_slice %arg7[%add3A_627, %dma_start3A_628] : memref<32x80xi32, #tpu.memory_space<vmem>> -> memref<1x80xi32, #tpu.memory_space<vmem>>
      %dma_start3A_630 = tpu.memref_squeeze %dma_start3A_629 : memref<1x80xi32, #tpu.memory_space<vmem>> -> memref<80xi32, #tpu.memory_space<vmem>>
      %dma_start3A_631 = arith.constant 0 : i32
      %dma_start3A_632 = arith.constant 0 : i32
      %dma_start3A_633 = tpu.memref_slice %arg12[%dma_start3A_631, %dma_start3A_632] : memref<10240x128xf32, #tpu.memory_space<vmem_shared>> -> memref<10240x128xf32, #tpu.memory_space<vmem_shared>>
      tpu.enqueue_indirect_dma source(%arg9 : memref<80x128xf32, #tpu.memory_space<vmem>>) target(%dma_start3A_633 : memref<10240x128xf32, #tpu.memory_space<vmem_shared>>) offsets(%dma_start3A_630 : memref<80xi32, #tpu.memory_space<vmem>>) semaphore(%arg18 : memref<!tpu.dma_semaphore, #tpu.memory_space<semaphore_mem>>) {add = true}
      %add3A_634 = arith.constant 2 : i32
      %add3A_635 = arith.addi %mul3A_601, %add3A_634 : i32
      %dma_wait3A_636 = arith.constant 0 : i32
      %dma_wait3A_637 = tpu.memref_slice %arg6[%add3A_635, %dma_wait3A_636] : memref<32x80xi32, #tpu.memory_space<vmem>> -> memref<1x80xi32, #tpu.memory_space<vmem>>
      %dma_wait3A_638 = tpu.memref_squeeze %dma_wait3A_637 : memref<1x80xi32, #tpu.memory_space<vmem>> -> memref<80xi32, #tpu.memory_space<vmem>>
      %dma_wait3A_639 = arith.constant 0 : i32
      %dma_wait3A_640 = arith.constant 0 : i32
      %dma_wait3A_641 = tpu.memref_slice %arg2[%dma_wait3A_639, %dma_wait3A_640] : memref<10016x128xf32, #tpu.memory_space<hbm>> -> memref<10016x128xf32, #tpu.memory_space<hbm>>
      tpu.wait_indirect_dma semaphore(%arg15 : memref<!tpu.dma_semaphore, #tpu.memory_space<semaphore_mem>>) src(%dma_wait3A_641 : memref<10016x128xf32, #tpu.memory_space<hbm>>) dst(%arg10 : memref<80x128xf32, #tpu.memory_space<vmem>>)
      %add3A_642 = arith.constant 2 : i32
      %add3A_643 = arith.addi %mul3A_601, %add3A_642 : i32
      %dma_start3A_644 = arith.constant 0 : i32
      %dma_start3A_645 = tpu.memref_slice %arg7[%add3A_643, %dma_start3A_644] : memref<32x80xi32, #tpu.memory_space<vmem>> -> memref<1x80xi32, #tpu.memory_space<vmem>>
      %dma_start3A_646 = tpu.memref_squeeze %dma_start3A_645 : memref<1x80xi32, #tpu.memory_space<vmem>> -> memref<80xi32, #tpu.memory_space<vmem>>
      %dma_start3A_647 = arith.constant 0 : i32
      %dma_start3A_648 = arith.constant 0 : i32
      %dma_start3A_649 = tpu.memref_slice %arg12[%dma_start3A_647, %dma_start3A_648] : memref<10240x128xf32, #tpu.memory_space<vmem_shared>> -> memref<10240x128xf32, #tpu.memory_space<vmem_shared>>
      tpu.enqueue_indirect_dma source(%arg10 : memref<80x128xf32, #tpu.memory_space<vmem>>) target(%dma_start3A_649 : memref<10240x128xf32, #tpu.memory_space<vmem_shared>>) offsets(%dma_start3A_646 : memref<80xi32, #tpu.memory_space<vmem>>) semaphore(%arg19 : memref<!tpu.dma_semaphore, #tpu.memory_space<semaphore_mem>>) {add = true}
      %add3A_650 = arith.constant 3 : i32
      %add3A_651 = arith.addi %mul3A_601, %add3A_650 : i32
      %dma_wait3A_652 = arith.constant 0 : i32
      %dma_wait3A_653 = tpu.memref_slice %arg6[%add3A_651, %dma_wait3A_652] : memref<32x80xi32, #tpu.memory_space<vmem>> -> memref<1x80xi32, #tpu.memory_space<vmem>>
      %dma_wait3A_654 = tpu.memref_squeeze %dma_wait3A_653 : memref<1x80xi32, #tpu.memory_space<vmem>> -> memref<80xi32, #tpu.memory_space<vmem>>
      %dma_wait3A_655 = arith.constant 0 : i32
      %dma_wait3A_656 = arith.constant 0 : i32
      %dma_wait3A_657 = tpu.memref_slice %arg2[%dma_wait3A_655, %dma_wait3A_656] : memref<10016x128xf32, #tpu.memory_space<hbm>> -> memref<10016x128xf32, #tpu.memory_space<hbm>>
      tpu.wait_indirect_dma semaphore(%arg16 : memref<!tpu.dma_semaphore, #tpu.memory_space<semaphore_mem>>) src(%dma_wait3A_657 : memref<10016x128xf32, #tpu.memory_space<hbm>>) dst(%arg11 : memref<80x128xf32, #tpu.memory_space<vmem>>)
      %add3A_658 = arith.constant 3 : i32
      %add3A_659 = arith.addi %mul3A_601, %add3A_658 : i32
      %dma_start3A_660 = arith.constant 0 : i32
      %dma_start3A_661 = tpu.memref_slice %arg7[%add3A_659, %dma_start3A_660] : memref<32x80xi32, #tpu.memory_space<vmem>> -> memref<1x80xi32, #tpu.memory_space<vmem>>
      %dma_start3A_662 = tpu.memref_squeeze %dma_start3A_661 : memref<1x80xi32, #tpu.memory_space<vmem>> -> memref<80xi32, #tpu.memory_space<vmem>>
      %dma_start3A_663 = arith.constant 0 : i32
      %dma_start3A_664 = arith.constant 0 : i32
      %dma_start3A_665 = tpu.memref_slice %arg12[%dma_start3A_663, %dma_start3A_664] : memref<10240x128xf32, #tpu.memory_space<vmem_shared>> -> memref<10240x128xf32, #tpu.memory_space<vmem_shared>>
      tpu.enqueue_indirect_dma source(%arg11 : memref<80x128xf32, #tpu.memory_space<vmem>>) target(%dma_start3A_665 : memref<10240x128xf32, #tpu.memory_space<vmem_shared>>) offsets(%dma_start3A_662 : memref<80xi32, #tpu.memory_space<vmem>>) semaphore(%arg20 : memref<!tpu.dma_semaphore, #tpu.memory_space<semaphore_mem>>) {add = true}
      %add3A_666 = arith.constant 0 : i32
      %add3A_667 = arith.addi %mul3A_601, %add3A_666 : i32
      %dma_wait3A_668 = arith.constant 0 : i32
      %dma_wait3A_669 = tpu.memref_slice %arg7[%add3A_667, %dma_wait3A_668] : memref<32x80xi32, #tpu.memory_space<vmem>> -> memref<1x80xi32, #tpu.memory_space<vmem>>
      %dma_wait3A_670 = tpu.memref_squeeze %dma_wait3A_669 : memref<1x80xi32, #tpu.memory_space<vmem>> -> memref<80xi32, #tpu.memory_space<vmem>>
      %dma_wait3A_671 = arith.constant 0 : i32
      %dma_wait3A_672 = arith.constant 0 : i32
      %dma_wait3A_673 = tpu.memref_slice %arg12[%dma_wait3A_671, %dma_wait3A_672] : memref<10240x128xf32, #tpu.memory_space<vmem_shared>> -> memref<10240x128xf32, #tpu.memory_space<vmem_shared>>
      tpu.wait_indirect_dma semaphore(%arg17 : memref<!tpu.dma_semaphore, #tpu.memory_space<semaphore_mem>>) src(%arg8 : memref<80x128xf32, #tpu.memory_space<vmem>>) dst(%dma_wait3A_673 : memref<10240x128xf32, #tpu.memory_space<vmem_shared>>)
      %add3A_674 = arith.constant 4 : i32
      %add3A_675 = arith.addi %mul3A_601, %add3A_674 : i32
      %add3A_676 = arith.constant 0 : i32
      %add3A_677 = arith.addi %add3A_675, %add3A_676 : i32
      %dma_start3A_678 = arith.constant 0 : i32
      %dma_start3A_679 = tpu.memref_slice %arg6[%add3A_677, %dma_start3A_678] : memref<32x80xi32, #tpu.memory_space<vmem>> -> memref<1x80xi32, #tpu.memory_space<vmem>>
      %dma_start3A_680 = tpu.memref_squeeze %dma_start3A_679 : memref<1x80xi32, #tpu.memory_space<vmem>> -> memref<80xi32, #tpu.memory_space<vmem>>
      %dma_start3A_681 = arith.constant 0 : i32
      %dma_start3A_682 = arith.constant 0 : i32
      %dma_start3A_683 = tpu.memref_slice %arg2[%dma_start3A_681, %dma_start3A_682] : memref<10016x128xf32, #tpu.memory_space<hbm>> -> memref<10016x128xf32, #tpu.memory_space<hbm>>
      tpu.enqueue_indirect_dma source(%dma_start3A_683 : memref<10016x128xf32, #tpu.memory_space<hbm>>) target(%arg8 : memref<80x128xf32, #tpu.memory_space<vmem>>) offsets(%dma_start3A_680 : memref<80xi32, #tpu.memory_space<vmem>>) semaphore(%arg13 : memref<!tpu.dma_semaphore, #tpu.memory_space<semaphore_mem>>)
      %add3A_684 = arith.constant 1 : i32
      %add3A_685 = arith.addi %mul3A_601, %add3A_684 : i32
      %dma_wait3A_686 = arith.constant 0 : i32
      %dma_wait3A_687 = tpu.memref_slice %arg7[%add3A_685, %dma_wait3A_686] : memref<32x80xi32, #tpu.memory_space<vmem>> -> memref<1x80xi32, #tpu.memory_space<vmem>>
      %dma_wait3A_688 = tpu.memref_squeeze %dma_wait3A_687 : memref<1x80xi32, #tpu.memory_space<vmem>> -> memref<80xi32, #tpu.memory_space<vmem>>
      %dma_wait3A_689 = arith.constant 0 : i32
      %dma_wait3A_690 = arith.constant 0 : i32
      %dma_wait3A_691 = tpu.memref_slice %arg12[%dma_wait3A_689, %dma_wait3A_690] : memref<10240x128xf32, #tpu.memory_space<vmem_shared>> -> memref<10240x128xf32, #tpu.memory_space<vmem_shared>>
      tpu.wait_indirect_dma semaphore(%arg18 : memref<!tpu.dma_semaphore, #tpu.memory_space<semaphore_mem>>) src(%arg9 : memref<80x128xf32, #tpu.memory_space<vmem>>) dst(%dma_wait3A_691 : memref<10240x128xf32, #tpu.memory_space<vmem_shared>>)
      %add3A_692 = arith.constant 4 : i32
      %add3A_693 = arith.addi %mul3A_601, %add3A_692 : i32
      %add3A_694 = arith.constant 1 : i32
      %add3A_695 = arith.addi %add3A_693, %add3A_694 : i32
      %dma_start3A_696 = arith.constant 0 : i32
      %dma_start3A_697 = tpu.memref_slice %arg6[%add3A_695, %dma_start3A_696] : memref<32x80xi32, #tpu.memory_space<vmem>> -> memref<1x80xi32, #tpu.memory_space<vmem>>
      %dma_start3A_698 = tpu.memref_squeeze %dma_start3A_697 : memref<1x80xi32, #tpu.memory_space<vmem>> -> memref<80xi32, #tpu.memory_space<vmem>>
      %dma_start3A_699 = arith.constant 0 : i32
      %dma_start3A_700 = arith.constant 0 : i32
      %dma_start3A_701 = tpu.memref_slice %arg2[%dma_start3A_699, %dma_start3A_700] : memref<10016x128xf32, #tpu.memory_space<hbm>> -> memref<10016x128xf32, #tpu.memory_space<hbm>>
      tpu.enqueue_indirect_dma source(%dma_start3A_701 : memref<10016x128xf32, #tpu.memory_space<hbm>>) target(%arg9 : memref<80x128xf32, #tpu.memory_space<vmem>>) offsets(%dma_start3A_698 : memref<80xi32, #tpu.memory_space<vmem>>) semaphore(%arg14 : memref<!tpu.dma_semaphore, #tpu.memory_space<semaphore_mem>>)
      %add3A_702 = arith.constant 2 : i32
      %add3A_703 = arith.addi %mul3A_601, %add3A_702 : i32
      %dma_wait3A_704 = arith.constant 0 : i32
      %dma_wait3A_705 = tpu.memref_slice %arg7[%add3A_703, %dma_wait3A_704] : memref<32x80xi32, #tpu.memory_space<vmem>> -> memref<1x80xi32, #tpu.memory_space<vmem>>
      %dma_wait3A_706 = tpu.memref_squeeze %dma_wait3A_705 : memref<1x80xi32, #tpu.memory_space<vmem>> -> memref<80xi32, #tpu.memory_space<vmem>>
      %dma_wait3A_707 = arith.constant 0 : i32
      %dma_wait3A_708 = arith.constant 0 : i32
      %dma_wait3A_709 = tpu.memref_slice %arg12[%dma_wait3A_707, %dma_wait3A_708] : memref<10240x128xf32, #tpu.memory_space<vmem_shared>> -> memref<10240x128xf32, #tpu.memory_space<vmem_shared>>
      tpu.wait_indirect_dma semaphore(%arg19 : memref<!tpu.dma_semaphore, #tpu.memory_space<semaphore_mem>>) src(%arg10 : memref<80x128xf32, #tpu.memory_space<vmem>>) dst(%dma_wait3A_709 : memref<10240x128xf32, #tpu.memory_space<vmem_shared>>)
      %add3A_710 = arith.constant 4 : i32
      %add3A_711 = arith.addi %mul3A_601, %add3A_710 : i32
      %add3A_712 = arith.constant 2 : i32
      %add3A_713 = arith.addi %add3A_711, %add3A_712 : i32
      %dma_start3A_714 = arith.constant 0 : i32
      %dma_start3A_715 = tpu.memref_slice %arg6[%add3A_713, %dma_start3A_714] : memref<32x80xi32, #tpu.memory_space<vmem>> -> memref<1x80xi32, #tpu.memory_space<vmem>>
      %dma_start3A_716 = tpu.memref_squeeze %dma_start3A_715 : memref<1x80xi32, #tpu.memory_space<vmem>> -> memref<80xi32, #tpu.memory_space<vmem>>
      %dma_start3A_717 = arith.constant 0 : i32
      %dma_start3A_718 = arith.constant 0 : i32
      %dma_start3A_719 = tpu.memref_slice %arg2[%dma_start3A_717, %dma_start3A_718] : memref<10016x128xf32, #tpu.memory_space<hbm>> -> memref<10016x128xf32, #tpu.memory_space<hbm>>
      tpu.enqueue_indirect_dma source(%dma_start3A_719 : memref<10016x128xf32, #tpu.memory_space<hbm>>) target(%arg10 : memref<80x128xf32, #tpu.memory_space<vmem>>) offsets(%dma_start3A_716 : memref<80xi32, #tpu.memory_space<vmem>>) semaphore(%arg15 : memref<!tpu.dma_semaphore, #tpu.memory_space<semaphore_mem>>)
      %add3A_720 = arith.constant 3 : i32
      %add3A_721 = arith.addi %mul3A_601, %add3A_720 : i32
      %dma_wait3A_722 = arith.constant 0 : i32
      %dma_wait3A_723 = tpu.memref_slice %arg7[%add3A_721, %dma_wait3A_722] : memref<32x80xi32, #tpu.memory_space<vmem>> -> memref<1x80xi32, #tpu.memory_space<vmem>>
      %dma_wait3A_724 = tpu.memref_squeeze %dma_wait3A_723 : memref<1x80xi32, #tpu.memory_space<vmem>> -> memref<80xi32, #tpu.memory_space<vmem>>
      %dma_wait3A_725 = arith.constant 0 : i32
      %dma_wait3A_726 = arith.constant 0 : i32
      %dma_wait3A_727 = tpu.memref_slice %arg12[%dma_wait3A_725, %dma_wait3A_726] : memref<10240x128xf32, #tpu.memory_space<vmem_shared>> -> memref<10240x128xf32, #tpu.memory_space<vmem_shared>>
      tpu.wait_indirect_dma semaphore(%arg20 : memref<!tpu.dma_semaphore, #tpu.memory_space<semaphore_mem>>) src(%arg11 : memref<80x128xf32, #tpu.memory_space<vmem>>) dst(%dma_wait3A_727 : memref<10240x128xf32, #tpu.memory_space<vmem_shared>>)
      %add3A_728 = arith.constant 4 : i32
      %add3A_729 = arith.addi %mul3A_601, %add3A_728 : i32
      %add3A_730 = arith.constant 3 : i32
      %add3A_731 = arith.addi %add3A_729, %add3A_730 : i32
      %dma_start3A_732 = arith.constant 0 : i32
      %dma_start3A_733 = tpu.memref_slice %arg6[%add3A_731, %dma_start3A_732] : memref<32x80xi32, #tpu.memory_space<vmem>> -> memref<1x80xi32, #tpu.memory_space<vmem>>
      %dma_start3A_734 = tpu.memref_squeeze %dma_start3A_733 : memref<1x80xi32, #tpu.memory_space<vmem>> -> memref<80xi32, #tpu.memory_space<vmem>>
      %dma_start3A_735 = arith.constant 0 : i32
      %dma_start3A_736 = arith.constant 0 : i32
      %dma_start3A_737 = tpu.memref_slice %arg2[%dma_start3A_735, %dma_start3A_736] : memref<10016x128xf32, #tpu.memory_space<hbm>> -> memref<10016x128xf32, #tpu.memory_space<hbm>>
      tpu.enqueue_indirect_dma source(%dma_start3A_737 : memref<10016x128xf32, #tpu.memory_space<hbm>>) target(%arg11 : memref<80x128xf32, #tpu.memory_space<vmem>>) offsets(%dma_start3A_734 : memref<80xi32, #tpu.memory_space<vmem>>) semaphore(%arg16 : memref<!tpu.dma_semaphore, #tpu.memory_space<semaphore_mem>>)
      %scan3A_738 = arith.constant 0 : i32
      scf.yield %scan3A_738 : i32
    }
    %scan3A_270 = arith.constant 7 : i32
    %dma_wait3A_271 = arith.constant 28 : i32
    %dma_wait3A_272 = arith.constant 0 : i32
    %dma_wait3A_273 = tpu.memref_slice %arg6[%dma_wait3A_271, %dma_wait3A_272] : memref<32x80xi32, #tpu.memory_space<vmem>> -> memref<1x80xi32, #tpu.memory_space<vmem>>
    %dma_wait3A_274 = tpu.memref_squeeze %dma_wait3A_273 : memref<1x80xi32, #tpu.memory_space<vmem>> -> memref<80xi32, #tpu.memory_space<vmem>>
    %dma_wait3A_275 = arith.constant 0 : i32
    %dma_wait3A_276 = arith.constant 0 : i32
    %dma_wait3A_277 = tpu.memref_slice %arg2[%dma_wait3A_275, %dma_wait3A_276] : memref<10016x128xf32, #tpu.memory_space<hbm>> -> memref<10016x128xf32, #tpu.memory_space<hbm>>
    tpu.wait_indirect_dma semaphore(%arg13 : memref<!tpu.dma_semaphore, #tpu.memory_space<semaphore_mem>>) src(%dma_wait3A_277 : memref<10016x128xf32, #tpu.memory_space<hbm>>) dst(%arg8 : memref<80x128xf32, #tpu.memory_space<vmem>>)
    %dma_start3A_278 = arith.constant 28 : i32
    %dma_start3A_279 = arith.constant 0 : i32
    %dma_start3A_280 = tpu.memref_slice %arg7[%dma_start3A_278, %dma_start3A_279] : memref<32x80xi32, #tpu.memory_space<vmem>> -> memref<1x80xi32, #tpu.memory_space<vmem>>
    %dma_start3A_281 = tpu.memref_squeeze %dma_start3A_280 : memref<1x80xi32, #tpu.memory_space<vmem>> -> memref<80xi32, #tpu.memory_space<vmem>>
    %dma_start3A_282 = arith.constant 0 : i32
    %dma_start3A_283 = arith.constant 0 : i32
    %dma_start3A_284 = tpu.memref_slice %arg12[%dma_start3A_282, %dma_start3A_283] : memref<10240x128xf32, #tpu.memory_space<vmem_shared>> -> memref<10240x128xf32, #tpu.memory_space<vmem_shared>>
    tpu.enqueue_indirect_dma source(%arg8 : memref<80x128xf32, #tpu.memory_space<vmem>>) target(%dma_start3A_284 : memref<10240x128xf32, #tpu.memory_space<vmem_shared>>) offsets(%dma_start3A_281 : memref<80xi32, #tpu.memory_space<vmem>>) semaphore(%arg17 : memref<!tpu.dma_semaphore, #tpu.memory_space<semaphore_mem>>) {add = true}
    %dma_wait3A_285 = arith.constant 29 : i32
    %dma_wait3A_286 = arith.constant 0 : i32
    %dma_wait3A_287 = tpu.memref_slice %arg6[%dma_wait3A_285, %dma_wait3A_286] : memref<32x80xi32, #tpu.memory_space<vmem>> -> memref<1x80xi32, #tpu.memory_space<vmem>>
    %dma_wait3A_288 = tpu.memref_squeeze %dma_wait3A_287 : memref<1x80xi32, #tpu.memory_space<vmem>> -> memref<80xi32, #tpu.memory_space<vmem>>
    %dma_wait3A_289 = arith.constant 0 : i32
    %dma_wait3A_290 = arith.constant 0 : i32
    %dma_wait3A_291 = tpu.memref_slice %arg2[%dma_wait3A_289, %dma_wait3A_290] : memref<10016x128xf32, #tpu.memory_space<hbm>> -> memref<10016x128xf32, #tpu.memory_space<hbm>>
    tpu.wait_indirect_dma semaphore(%arg14 : memref<!tpu.dma_semaphore, #tpu.memory_space<semaphore_mem>>) src(%dma_wait3A_291 : memref<10016x128xf32, #tpu.memory_space<hbm>>) dst(%arg9 : memref<80x128xf32, #tpu.memory_space<vmem>>)
    %dma_start3A_292 = arith.constant 29 : i32
    %dma_start3A_293 = arith.constant 0 : i32
    %dma_start3A_294 = tpu.memref_slice %arg7[%dma_start3A_292, %dma_start3A_293] : memref<32x80xi32, #tpu.memory_space<vmem>> -> memref<1x80xi32, #tpu.memory_space<vmem>>
    %dma_start3A_295 = tpu.memref_squeeze %dma_start3A_294 : memref<1x80xi32, #tpu.memory_space<vmem>> -> memref<80xi32, #tpu.memory_space<vmem>>
    %dma_start3A_296 = arith.constant 0 : i32
    %dma_start3A_297 = arith.constant 0 : i32
    %dma_start3A_298 = tpu.memref_slice %arg12[%dma_start3A_296, %dma_start3A_297] : memref<10240x128xf32, #tpu.memory_space<vmem_shared>> -> memref<10240x128xf32, #tpu.memory_space<vmem_shared>>
    tpu.enqueue_indirect_dma source(%arg9 : memref<80x128xf32, #tpu.memory_space<vmem>>) target(%dma_start3A_298 : memref<10240x128xf32, #tpu.memory_space<vmem_shared>>) offsets(%dma_start3A_295 : memref<80xi32, #tpu.memory_space<vmem>>) semaphore(%arg18 : memref<!tpu.dma_semaphore, #tpu.memory_space<semaphore_mem>>) {add = true}
    %dma_wait3A_299 = arith.constant 30 : i32
    %dma_wait3A_300 = arith.constant 0 : i32
    %dma_wait3A_301 = tpu.memref_slice %arg6[%dma_wait3A_299, %dma_wait3A_300] : memref<32x80xi32, #tpu.memory_space<vmem>> -> memref<1x80xi32, #tpu.memory_space<vmem>>
    %dma_wait3A_302 = tpu.memref_squeeze %dma_wait3A_301 : memref<1x80xi32, #tpu.memory_space<vmem>> -> memref<80xi32, #tpu.memory_space<vmem>>
    %dma_wait3A_303 = arith.constant 0 : i32
    %dma_wait3A_304 = arith.constant 0 : i32
    %dma_wait3A_305 = tpu.memref_slice %arg2[%dma_wait3A_303, %dma_wait3A_304] : memref<10016x128xf32, #tpu.memory_space<hbm>> -> memref<10016x128xf32, #tpu.memory_space<hbm>>
    tpu.wait_indirect_dma semaphore(%arg15 : memref<!tpu.dma_semaphore, #tpu.memory_space<semaphore_mem>>) src(%dma_wait3A_305 : memref<10016x128xf32, #tpu.memory_space<hbm>>) dst(%arg10 : memref<80x128xf32, #tpu.memory_space<vmem>>)
    %dma_start3A_306 = arith.constant 30 : i32
    %dma_start3A_307 = arith.constant 0 : i32
    %dma_start3A_308 = tpu.memref_slice %arg7[%dma_start3A_306, %dma_start3A_307] : memref<32x80xi32, #tpu.memory_space<vmem>> -> memref<1x80xi32, #tpu.memory_space<vmem>>
    %dma_start3A_309 = tpu.memref_squeeze %dma_start3A_308 : memref<1x80xi32, #tpu.memory_space<vmem>> -> memref<80xi32, #tpu.memory_space<vmem>>
    %dma_start3A_310 = arith.constant 0 : i32
    %dma_start3A_311 = arith.constant 0 : i32
    %dma_start3A_312 = tpu.memref_slice %arg12[%dma_start3A_310, %dma_start3A_311] : memref<10240x128xf32, #tpu.memory_space<vmem_shared>> -> memref<10240x128xf32, #tpu.memory_space<vmem_shared>>
    tpu.enqueue_indirect_dma source(%arg10 : memref<80x128xf32, #tpu.memory_space<vmem>>) target(%dma_start3A_312 : memref<10240x128xf32, #tpu.memory_space<vmem_shared>>) offsets(%dma_start3A_309 : memref<80xi32, #tpu.memory_space<vmem>>) semaphore(%arg19 : memref<!tpu.dma_semaphore, #tpu.memory_space<semaphore_mem>>) {add = true}
    %dma_wait3A_313 = arith.constant 31 : i32
    %dma_wait3A_314 = arith.constant 0 : i32
    %dma_wait3A_315 = tpu.memref_slice %arg6[%dma_wait3A_313, %dma_wait3A_314] : memref<32x80xi32, #tpu.memory_space<vmem>> -> memref<1x80xi32, #tpu.memory_space<vmem>>
    %dma_wait3A_316 = tpu.memref_squeeze %dma_wait3A_315 : memref<1x80xi32, #tpu.memory_space<vmem>> -> memref<80xi32, #tpu.memory_space<vmem>>
    %dma_wait3A_317 = arith.constant 0 : i32
    %dma_wait3A_318 = arith.constant 0 : i32
    %dma_wait3A_319 = tpu.memref_slice %arg2[%dma_wait3A_317, %dma_wait3A_318] : memref<10016x128xf32, #tpu.memory_space<hbm>> -> memref<10016x128xf32, #tpu.memory_space<hbm>>
    tpu.wait_indirect_dma semaphore(%arg16 : memref<!tpu.dma_semaphore, #tpu.memory_space<semaphore_mem>>) src(%dma_wait3A_319 : memref<10016x128xf32, #tpu.memory_space<hbm>>) dst(%arg11 : memref<80x128xf32, #tpu.memory_space<vmem>>)
    %dma_start3A_320 = arith.constant 31 : i32
    %dma_start3A_321 = arith.constant 0 : i32
    %dma_start3A_322 = tpu.memref_slice %arg7[%dma_start3A_320, %dma_start3A_321] : memref<32x80xi32, #tpu.memory_space<vmem>> -> memref<1x80xi32, #tpu.memory_space<vmem>>
    %dma_start3A_323 = tpu.memref_squeeze %dma_start3A_322 : memref<1x80xi32, #tpu.memory_space<vmem>> -> memref<80xi32, #tpu.memory_space<vmem>>
    %dma_start3A_324 = arith.constant 0 : i32
    %dma_start3A_325 = arith.constant 0 : i32
    %dma_start3A_326 = tpu.memref_slice %arg12[%dma_start3A_324, %dma_start3A_325] : memref<10240x128xf32, #tpu.memory_space<vmem_shared>> -> memref<10240x128xf32, #tpu.memory_space<vmem_shared>>
    tpu.enqueue_indirect_dma source(%arg11 : memref<80x128xf32, #tpu.memory_space<vmem>>) target(%dma_start3A_326 : memref<10240x128xf32, #tpu.memory_space<vmem_shared>>) offsets(%dma_start3A_323 : memref<80xi32, #tpu.memory_space<vmem>>) semaphore(%arg20 : memref<!tpu.dma_semaphore, #tpu.memory_space<semaphore_mem>>) {add = true}
    %dma_wait3A_327 = arith.constant 28 : i32
    %dma_wait3A_328 = arith.constant 0 : i32
    %dma_wait3A_329 = tpu.memref_slice %arg7[%dma_wait3A_327, %dma_wait3A_328] : memref<32x80xi32, #tpu.memory_space<vmem>> -> memref<1x80xi32, #tpu.memory_space<vmem>>
    %dma_wait3A_330 = tpu.memref_squeeze %dma_wait3A_329 : memref<1x80xi32, #tpu.memory_space<vmem>> -> memref<80xi32, #tpu.memory_space<vmem>>
    %dma_wait3A_331 = arith.constant 0 : i32
    %dma_wait3A_332 = arith.constant 0 : i32
    %dma_wait3A_333 = tpu.memref_slice %arg12[%dma_wait3A_331, %dma_wait3A_332] : memref<10240x128xf32, #tpu.memory_space<vmem_shared>> -> memref<10240x128xf32, #tpu.memory_space<vmem_shared>>
    tpu.wait_indirect_dma semaphore(%arg17 : memref<!tpu.dma_semaphore, #tpu.memory_space<semaphore_mem>>) src(%arg8 : memref<80x128xf32, #tpu.memory_space<vmem>>) dst(%dma_wait3A_333 : memref<10240x128xf32, #tpu.memory_space<vmem_shared>>)
    %dma_wait3A_334 = arith.constant 29 : i32
    %dma_wait3A_335 = arith.constant 0 : i32
    %dma_wait3A_336 = tpu.memref_slice %arg7[%dma_wait3A_334, %dma_wait3A_335] : memref<32x80xi32, #tpu.memory_space<vmem>> -> memref<1x80xi32, #tpu.memory_space<vmem>>
    %dma_wait3A_337 = tpu.memref_squeeze %dma_wait3A_336 : memref<1x80xi32, #tpu.memory_space<vmem>> -> memref<80xi32, #tpu.memory_space<vmem>>
    %dma_wait3A_338 = arith.constant 0 : i32
    %dma_wait3A_339 = arith.constant 0 : i32
    %dma_wait3A_340 = tpu.memref_slice %arg12[%dma_wait3A_338, %dma_wait3A_339] : memref<10240x128xf32, #tpu.memory_space<vmem_shared>> -> memref<10240x128xf32, #tpu.memory_space<vmem_shared>>
    tpu.wait_indirect_dma semaphore(%arg18 : memref<!tpu.dma_semaphore, #tpu.memory_space<semaphore_mem>>) src(%arg9 : memref<80x128xf32, #tpu.memory_space<vmem>>) dst(%dma_wait3A_340 : memref<10240x128xf32, #tpu.memory_space<vmem_shared>>)
    %dma_wait3A_341 = arith.constant 30 : i32
    %dma_wait3A_342 = arith.constant 0 : i32
    %dma_wait3A_343 = tpu.memref_slice %arg7[%dma_wait3A_341, %dma_wait3A_342] : memref<32x80xi32, #tpu.memory_space<vmem>> -> memref<1x80xi32, #tpu.memory_space<vmem>>
    %dma_wait3A_344 = tpu.memref_squeeze %dma_wait3A_343 : memref<1x80xi32, #tpu.memory_space<vmem>> -> memref<80xi32, #tpu.memory_space<vmem>>
    %dma_wait3A_345 = arith.constant 0 : i32
    %dma_wait3A_346 = arith.constant 0 : i32
    %dma_wait3A_347 = tpu.memref_slice %arg12[%dma_wait3A_345, %dma_wait3A_346] : memref<10240x128xf32, #tpu.memory_space<vmem_shared>> -> memref<10240x128xf32, #tpu.memory_space<vmem_shared>>
    tpu.wait_indirect_dma semaphore(%arg19 : memref<!tpu.dma_semaphore, #tpu.memory_space<semaphore_mem>>) src(%arg10 : memref<80x128xf32, #tpu.memory_space<vmem>>) dst(%dma_wait3A_347 : memref<10240x128xf32, #tpu.memory_space<vmem_shared>>)
    %dma_wait3A_348 = arith.constant 31 : i32
    %dma_wait3A_349 = arith.constant 0 : i32
    %dma_wait3A_350 = tpu.memref_slice %arg7[%dma_wait3A_348, %dma_wait3A_349] : memref<32x80xi32, #tpu.memory_space<vmem>> -> memref<1x80xi32, #tpu.memory_space<vmem>>
    %dma_wait3A_351 = tpu.memref_squeeze %dma_wait3A_350 : memref<1x80xi32, #tpu.memory_space<vmem>> -> memref<80xi32, #tpu.memory_space<vmem>>
    %dma_wait3A_352 = arith.constant 0 : i32
    %dma_wait3A_353 = arith.constant 0 : i32
    %dma_wait3A_354 = tpu.memref_slice %arg12[%dma_wait3A_352, %dma_wait3A_353] : memref<10240x128xf32, #tpu.memory_space<vmem_shared>> -> memref<10240x128xf32, #tpu.memory_space<vmem_shared>>
    tpu.wait_indirect_dma semaphore(%arg20 : memref<!tpu.dma_semaphore, #tpu.memory_space<semaphore_mem>>) src(%arg11 : memref<80x128xf32, #tpu.memory_space<vmem>>) dst(%dma_wait3A_354 : memref<10240x128xf32, #tpu.memory_space<vmem_shared>>)
    "tpu.region"() ({
      %run_scoped3A = tpu.sem_alloc : memref<!tpu.dma_semaphore, #tpu.memory_space<semaphore_mem>>
      %dma_start3A_598 = arith.constant 64 : i32
      %dma_start3A_599 = arith.constant 0 : i32
      %dma_start3A_600 = tpu.memref_slice %arg3[%add3A, %dma_start3A_598, %dma_start3A_599] : memref<32x128x80xi32, #tpu.memory_space<hbm>> -> memref<1x32x80xi32, #tpu.memory_space<hbm>>
      %dma_start3A_601 = tpu.memref_squeeze %dma_start3A_600 : memref<1x32x80xi32, #tpu.memory_space<hbm>> -> memref<32x80xi32, #tpu.memory_space<hbm>>
      %dma_start3A_602 = arith.constant 64 : i32
      %dma_start3A_603 = arith.constant 0 : i32
      %dma_start3A_604 = tpu.memref_slice %arg3[%add3A, %dma_start3A_602, %dma_start3A_603] : memref<32x128x80xi32, #tpu.memory_space<hbm>> -> memref<1x32x80xi32, #tpu.memory_space<hbm>>
      %dma_start3A_605 = tpu.memref_squeeze %dma_start3A_604 : memref<1x32x80xi32, #tpu.memory_space<hbm>> -> memref<32x80xi32, #tpu.memory_space<hbm>>
      tpu.enqueue_dma source(%dma_start3A_605 : memref<32x80xi32, #tpu.memory_space<hbm>>) target(%arg6 : memref<32x80xi32, #tpu.memory_space<vmem>>) target_semaphore(%run_scoped3A : memref<!tpu.dma_semaphore, #tpu.memory_space<semaphore_mem>>)
      %dma_wait3A_606 = arith.constant 64 : i32
      %dma_wait3A_607 = arith.constant 0 : i32
      %dma_wait3A_608 = tpu.memref_slice %arg3[%add3A, %dma_wait3A_606, %dma_wait3A_607] : memref<32x128x80xi32, #tpu.memory_space<hbm>> -> memref<1x32x80xi32, #tpu.memory_space<hbm>>
      %dma_wait3A_609 = tpu.memref_squeeze %dma_wait3A_608 : memref<1x32x80xi32, #tpu.memory_space<hbm>> -> memref<32x80xi32, #tpu.memory_space<hbm>>
      %dma_wait3A_610 = arith.constant 64 : i32
      %dma_wait3A_611 = arith.constant 0 : i32
      %dma_wait3A_612 = tpu.memref_slice %arg3[%add3A, %dma_wait3A_610, %dma_wait3A_611] : memref<32x128x80xi32, #tpu.memory_space<hbm>> -> memref<1x32x80xi32, #tpu.memory_space<hbm>>
      %dma_wait3A_613 = tpu.memref_squeeze %dma_wait3A_612 : memref<1x32x80xi32, #tpu.memory_space<hbm>> -> memref<32x80xi32, #tpu.memory_space<hbm>>
      tpu.wait_dma2 semaphore(%run_scoped3A : memref<!tpu.dma_semaphore, #tpu.memory_space<semaphore_mem>>) src(%dma_wait3A_613 : memref<32x80xi32, #tpu.memory_space<hbm>>) dst(%arg6 : memref<32x80xi32, #tpu.memory_space<vmem>>)
      tpu.yield
    }) : () -> ()
    "tpu.region"() ({
      %run_scoped3A = tpu.sem_alloc : memref<!tpu.dma_semaphore, #tpu.memory_space<semaphore_mem>>
      %dma_start3A_598 = arith.constant 64 : i32
      %dma_start3A_599 = arith.constant 0 : i32
      %dma_start3A_600 = tpu.memref_slice %arg4[%add3A, %dma_start3A_598, %dma_start3A_599] : memref<32x128x80xi32, #tpu.memory_space<hbm>> -> memref<1x32x80xi32, #tpu.memory_space<hbm>>
      %dma_start3A_601 = tpu.memref_squeeze %dma_start3A_600 : memref<1x32x80xi32, #tpu.memory_space<hbm>> -> memref<32x80xi32, #tpu.memory_space<hbm>>
      %dma_start3A_602 = arith.constant 64 : i32
      %dma_start3A_603 = arith.constant 0 : i32
      %dma_start3A_604 = tpu.memref_slice %arg4[%add3A, %dma_start3A_602, %dma_start3A_603] : memref<32x128x80xi32, #tpu.memory_space<hbm>> -> memref<1x32x80xi32, #tpu.memory_space<hbm>>
      %dma_start3A_605 = tpu.memref_squeeze %dma_start3A_604 : memref<1x32x80xi32, #tpu.memory_space<hbm>> -> memref<32x80xi32, #tpu.memory_space<hbm>>
      tpu.enqueue_dma source(%dma_start3A_605 : memref<32x80xi32, #tpu.memory_space<hbm>>) target(%arg7 : memref<32x80xi32, #tpu.memory_space<vmem>>) target_semaphore(%run_scoped3A : memref<!tpu.dma_semaphore, #tpu.memory_space<semaphore_mem>>)
      %dma_wait3A_606 = arith.constant 64 : i32
      %dma_wait3A_607 = arith.constant 0 : i32
      %dma_wait3A_608 = tpu.memref_slice %arg4[%add3A, %dma_wait3A_606, %dma_wait3A_607] : memref<32x128x80xi32, #tpu.memory_space<hbm>> -> memref<1x32x80xi32, #tpu.memory_space<hbm>>
      %dma_wait3A_609 = tpu.memref_squeeze %dma_wait3A_608 : memref<1x32x80xi32, #tpu.memory_space<hbm>> -> memref<32x80xi32, #tpu.memory_space<hbm>>
      %dma_wait3A_610 = arith.constant 64 : i32
      %dma_wait3A_611 = arith.constant 0 : i32
      %dma_wait3A_612 = tpu.memref_slice %arg4[%add3A, %dma_wait3A_610, %dma_wait3A_611] : memref<32x128x80xi32, #tpu.memory_space<hbm>> -> memref<1x32x80xi32, #tpu.memory_space<hbm>>
      %dma_wait3A_613 = tpu.memref_squeeze %dma_wait3A_612 : memref<1x32x80xi32, #tpu.memory_space<hbm>> -> memref<32x80xi32, #tpu.memory_space<hbm>>
      tpu.wait_dma2 semaphore(%run_scoped3A : memref<!tpu.dma_semaphore, #tpu.memory_space<semaphore_mem>>) src(%dma_wait3A_613 : memref<32x80xi32, #tpu.memory_space<hbm>>) dst(%arg7 : memref<32x80xi32, #tpu.memory_space<vmem>>)
      tpu.yield
    }) : () -> ()
    %dma_start3A_355 = arith.constant 0 : i32
    %dma_start3A_356 = arith.constant 0 : i32
    %dma_start3A_357 = tpu.memref_slice %arg6[%dma_start3A_355, %dma_start3A_356] : memref<32x80xi32, #tpu.memory_space<vmem>> -> memref<1x80xi32, #tpu.memory_space<vmem>>
    %dma_start3A_358 = tpu.memref_squeeze %dma_start3A_357 : memref<1x80xi32, #tpu.memory_space<vmem>> -> memref<80xi32, #tpu.memory_space<vmem>>
    %dma_start3A_359 = arith.constant 0 : i32
    %dma_start3A_360 = arith.constant 0 : i32
    %dma_start3A_361 = tpu.memref_slice %arg2[%dma_start3A_359, %dma_start3A_360] : memref<10016x128xf32, #tpu.memory_space<hbm>> -> memref<10016x128xf32, #tpu.memory_space<hbm>>
    tpu.enqueue_indirect_dma source(%dma_start3A_361 : memref<10016x128xf32, #tpu.memory_space<hbm>>) target(%arg8 : memref<80x128xf32, #tpu.memory_space<vmem>>) offsets(%dma_start3A_358 : memref<80xi32, #tpu.memory_space<vmem>>) semaphore(%arg13 : memref<!tpu.dma_semaphore, #tpu.memory_space<semaphore_mem>>)
    %dma_start3A_362 = arith.constant 1 : i32
    %dma_start3A_363 = arith.constant 0 : i32
    %dma_start3A_364 = tpu.memref_slice %arg6[%dma_start3A_362, %dma_start3A_363] : memref<32x80xi32, #tpu.memory_space<vmem>> -> memref<1x80xi32, #tpu.memory_space<vmem>>
    %dma_start3A_365 = tpu.memref_squeeze %dma_start3A_364 : memref<1x80xi32, #tpu.memory_space<vmem>> -> memref<80xi32, #tpu.memory_space<vmem>>
    %dma_start3A_366 = arith.constant 0 : i32
    %dma_start3A_367 = arith.constant 0 : i32
    %dma_start3A_368 = tpu.memref_slice %arg2[%dma_start3A_366, %dma_start3A_367] : memref<10016x128xf32, #tpu.memory_space<hbm>> -> memref<10016x128xf32, #tpu.memory_space<hbm>>
    tpu.enqueue_indirect_dma source(%dma_start3A_368 : memref<10016x128xf32, #tpu.memory_space<hbm>>) target(%arg9 : memref<80x128xf32, #tpu.memory_space<vmem>>) offsets(%dma_start3A_365 : memref<80xi32, #tpu.memory_space<vmem>>) semaphore(%arg14 : memref<!tpu.dma_semaphore, #tpu.memory_space<semaphore_mem>>)
    %dma_start3A_369 = arith.constant 2 : i32
    %dma_start3A_370 = arith.constant 0 : i32
    %dma_start3A_371 = tpu.memref_slice %arg6[%dma_start3A_369, %dma_start3A_370] : memref<32x80xi32, #tpu.memory_space<vmem>> -> memref<1x80xi32, #tpu.memory_space<vmem>>
    %dma_start3A_372 = tpu.memref_squeeze %dma_start3A_371 : memref<1x80xi32, #tpu.memory_space<vmem>> -> memref<80xi32, #tpu.memory_space<vmem>>
    %dma_start3A_373 = arith.constant 0 : i32
    %dma_start3A_374 = arith.constant 0 : i32
    %dma_start3A_375 = tpu.memref_slice %arg2[%dma_start3A_373, %dma_start3A_374] : memref<10016x128xf32, #tpu.memory_space<hbm>> -> memref<10016x128xf32, #tpu.memory_space<hbm>>
    tpu.enqueue_indirect_dma source(%dma_start3A_375 : memref<10016x128xf32, #tpu.memory_space<hbm>>) target(%arg10 : memref<80x128xf32, #tpu.memory_space<vmem>>) offsets(%dma_start3A_372 : memref<80xi32, #tpu.memory_space<vmem>>) semaphore(%arg15 : memref<!tpu.dma_semaphore, #tpu.memory_space<semaphore_mem>>)
    %dma_start3A_376 = arith.constant 3 : i32
    %dma_start3A_377 = arith.constant 0 : i32
    %dma_start3A_378 = tpu.memref_slice %arg6[%dma_start3A_376, %dma_start3A_377] : memref<32x80xi32, #tpu.memory_space<vmem>> -> memref<1x80xi32, #tpu.memory_space<vmem>>
    %dma_start3A_379 = tpu.memref_squeeze %dma_start3A_378 : memref<1x80xi32, #tpu.memory_space<vmem>> -> memref<80xi32, #tpu.memory_space<vmem>>
    %dma_start3A_380 = arith.constant 0 : i32
    %dma_start3A_381 = arith.constant 0 : i32
    %dma_start3A_382 = tpu.memref_slice %arg2[%dma_start3A_380, %dma_start3A_381] : memref<10016x128xf32, #tpu.memory_space<hbm>> -> memref<10016x128xf32, #tpu.memory_space<hbm>>
    tpu.enqueue_indirect_dma source(%dma_start3A_382 : memref<10016x128xf32, #tpu.memory_space<hbm>>) target(%arg11 : memref<80x128xf32, #tpu.memory_space<vmem>>) offsets(%dma_start3A_379 : memref<80xi32, #tpu.memory_space<vmem>>) semaphore(%arg16 : memref<!tpu.dma_semaphore, #tpu.memory_space<semaphore_mem>>)
    %scan3A_383 = arith.constant 0 : i32
    %scan3A_384 = arith.constant 0 : i32
    %scan3A_385 = arith.constant 7 : i32
    %scan3A_386 = arith.addi %scan3A_384, %scan3A_385 : i32
    %scan3A_387 = arith.constant 1 : i32
    %scan3A_388 = scf.for %scan3A_598 = %scan3A_384 to %scan3A_386 step %scan3A_387 iter_args(%scan3A_599 = %scan3A_383) -> (i32)  : i32 {
      %mul3A_600 = arith.constant 4 : i32
      %mul3A_601 = arith.muli %scan3A_598, %mul3A_600 : i32
      %add3A_602 = arith.constant 0 : i32
      %add3A_603 = arith.addi %mul3A_601, %add3A_602 : i32
      %dma_wait3A_604 = arith.constant 0 : i32
      %dma_wait3A_605 = tpu.memref_slice %arg6[%add3A_603, %dma_wait3A_604] : memref<32x80xi32, #tpu.memory_space<vmem>> -> memref<1x80xi32, #tpu.memory_space<vmem>>
      %dma_wait3A_606 = tpu.memref_squeeze %dma_wait3A_605 : memref<1x80xi32, #tpu.memory_space<vmem>> -> memref<80xi32, #tpu.memory_space<vmem>>
      %dma_wait3A_607 = arith.constant 0 : i32
      %dma_wait3A_608 = arith.constant 0 : i32
      %dma_wait3A_609 = tpu.memref_slice %arg2[%dma_wait3A_607, %dma_wait3A_608] : memref<10016x128xf32, #tpu.memory_space<hbm>> -> memref<10016x128xf32, #tpu.memory_space<hbm>>
      tpu.wait_indirect_dma semaphore(%arg13 : memref<!tpu.dma_semaphore, #tpu.memory_space<semaphore_mem>>) src(%dma_wait3A_609 : memref<10016x128xf32, #tpu.memory_space<hbm>>) dst(%arg8 : memref<80x128xf32, #tpu.memory_space<vmem>>)
      %add3A_610 = arith.constant 0 : i32
      %add3A_611 = arith.addi %mul3A_601, %add3A_610 : i32
      %dma_start3A_612 = arith.constant 0 : i32
      %dma_start3A_613 = tpu.memref_slice %arg7[%add3A_611, %dma_start3A_612] : memref<32x80xi32, #tpu.memory_space<vmem>> -> memref<1x80xi32, #tpu.memory_space<vmem>>
      %dma_start3A_614 = tpu.memref_squeeze %dma_start3A_613 : memref<1x80xi32, #tpu.memory_space<vmem>> -> memref<80xi32, #tpu.memory_space<vmem>>
      %dma_start3A_615 = arith.constant 0 : i32
      %dma_start3A_616 = arith.constant 0 : i32
      %dma_start3A_617 = tpu.memref_slice %arg12[%dma_start3A_615, %dma_start3A_616] : memref<10240x128xf32, #tpu.memory_space<vmem_shared>> -> memref<10240x128xf32, #tpu.memory_space<vmem_shared>>
      tpu.enqueue_indirect_dma source(%arg8 : memref<80x128xf32, #tpu.memory_space<vmem>>) target(%dma_start3A_617 : memref<10240x128xf32, #tpu.memory_space<vmem_shared>>) offsets(%dma_start3A_614 : memref<80xi32, #tpu.memory_space<vmem>>) semaphore(%arg17 : memref<!tpu.dma_semaphore, #tpu.memory_space<semaphore_mem>>) {add = true}
      %add3A_618 = arith.constant 1 : i32
      %add3A_619 = arith.addi %mul3A_601, %add3A_618 : i32
      %dma_wait3A_620 = arith.constant 0 : i32
      %dma_wait3A_621 = tpu.memref_slice %arg6[%add3A_619, %dma_wait3A_620] : memref<32x80xi32, #tpu.memory_space<vmem>> -> memref<1x80xi32, #tpu.memory_space<vmem>>
      %dma_wait3A_622 = tpu.memref_squeeze %dma_wait3A_621 : memref<1x80xi32, #tpu.memory_space<vmem>> -> memref<80xi32, #tpu.memory_space<vmem>>
      %dma_wait3A_623 = arith.constant 0 : i32
      %dma_wait3A_624 = arith.constant 0 : i32
      %dma_wait3A_625 = tpu.memref_slice %arg2[%dma_wait3A_623, %dma_wait3A_624] : memref<10016x128xf32, #tpu.memory_space<hbm>> -> memref<10016x128xf32, #tpu.memory_space<hbm>>
      tpu.wait_indirect_dma semaphore(%arg14 : memref<!tpu.dma_semaphore, #tpu.memory_space<semaphore_mem>>) src(%dma_wait3A_625 : memref<10016x128xf32, #tpu.memory_space<hbm>>) dst(%arg9 : memref<80x128xf32, #tpu.memory_space<vmem>>)
      %add3A_626 = arith.constant 1 : i32
      %add3A_627 = arith.addi %mul3A_601, %add3A_626 : i32
      %dma_start3A_628 = arith.constant 0 : i32
      %dma_start3A_629 = tpu.memref_slice %arg7[%add3A_627, %dma_start3A_628] : memref<32x80xi32, #tpu.memory_space<vmem>> -> memref<1x80xi32, #tpu.memory_space<vmem>>
      %dma_start3A_630 = tpu.memref_squeeze %dma_start3A_629 : memref<1x80xi32, #tpu.memory_space<vmem>> -> memref<80xi32, #tpu.memory_space<vmem>>
      %dma_start3A_631 = arith.constant 0 : i32
      %dma_start3A_632 = arith.constant 0 : i32
      %dma_start3A_633 = tpu.memref_slice %arg12[%dma_start3A_631, %dma_start3A_632] : memref<10240x128xf32, #tpu.memory_space<vmem_shared>> -> memref<10240x128xf32, #tpu.memory_space<vmem_shared>>
      tpu.enqueue_indirect_dma source(%arg9 : memref<80x128xf32, #tpu.memory_space<vmem>>) target(%dma_start3A_633 : memref<10240x128xf32, #tpu.memory_space<vmem_shared>>) offsets(%dma_start3A_630 : memref<80xi32, #tpu.memory_space<vmem>>) semaphore(%arg18 : memref<!tpu.dma_semaphore, #tpu.memory_space<semaphore_mem>>) {add = true}
      %add3A_634 = arith.constant 2 : i32
      %add3A_635 = arith.addi %mul3A_601, %add3A_634 : i32
      %dma_wait3A_636 = arith.constant 0 : i32
      %dma_wait3A_637 = tpu.memref_slice %arg6[%add3A_635, %dma_wait3A_636] : memref<32x80xi32, #tpu.memory_space<vmem>> -> memref<1x80xi32, #tpu.memory_space<vmem>>
      %dma_wait3A_638 = tpu.memref_squeeze %dma_wait3A_637 : memref<1x80xi32, #tpu.memory_space<vmem>> -> memref<80xi32, #tpu.memory_space<vmem>>
      %dma_wait3A_639 = arith.constant 0 : i32
      %dma_wait3A_640 = arith.constant 0 : i32
      %dma_wait3A_641 = tpu.memref_slice %arg2[%dma_wait3A_639, %dma_wait3A_640] : memref<10016x128xf32, #tpu.memory_space<hbm>> -> memref<10016x128xf32, #tpu.memory_space<hbm>>
      tpu.wait_indirect_dma semaphore(%arg15 : memref<!tpu.dma_semaphore, #tpu.memory_space<semaphore_mem>>) src(%dma_wait3A_641 : memref<10016x128xf32, #tpu.memory_space<hbm>>) dst(%arg10 : memref<80x128xf32, #tpu.memory_space<vmem>>)
      %add3A_642 = arith.constant 2 : i32
      %add3A_643 = arith.addi %mul3A_601, %add3A_642 : i32
      %dma_start3A_644 = arith.constant 0 : i32
      %dma_start3A_645 = tpu.memref_slice %arg7[%add3A_643, %dma_start3A_644] : memref<32x80xi32, #tpu.memory_space<vmem>> -> memref<1x80xi32, #tpu.memory_space<vmem>>
      %dma_start3A_646 = tpu.memref_squeeze %dma_start3A_645 : memref<1x80xi32, #tpu.memory_space<vmem>> -> memref<80xi32, #tpu.memory_space<vmem>>
      %dma_start3A_647 = arith.constant 0 : i32
      %dma_start3A_648 = arith.constant 0 : i32
      %dma_start3A_649 = tpu.memref_slice %arg12[%dma_start3A_647, %dma_start3A_648] : memref<10240x128xf32, #tpu.memory_space<vmem_shared>> -> memref<10240x128xf32, #tpu.memory_space<vmem_shared>>
      tpu.enqueue_indirect_dma source(%arg10 : memref<80x128xf32, #tpu.memory_space<vmem>>) target(%dma_start3A_649 : memref<10240x128xf32, #tpu.memory_space<vmem_shared>>) offsets(%dma_start3A_646 : memref<80xi32, #tpu.memory_space<vmem>>) semaphore(%arg19 : memref<!tpu.dma_semaphore, #tpu.memory_space<semaphore_mem>>) {add = true}
      %add3A_650 = arith.constant 3 : i32
      %add3A_651 = arith.addi %mul3A_601, %add3A_650 : i32
      %dma_wait3A_652 = arith.constant 0 : i32
      %dma_wait3A_653 = tpu.memref_slice %arg6[%add3A_651, %dma_wait3A_652] : memref<32x80xi32, #tpu.memory_space<vmem>> -> memref<1x80xi32, #tpu.memory_space<vmem>>
      %dma_wait3A_654 = tpu.memref_squeeze %dma_wait3A_653 : memref<1x80xi32, #tpu.memory_space<vmem>> -> memref<80xi32, #tpu.memory_space<vmem>>
      %dma_wait3A_655 = arith.constant 0 : i32
      %dma_wait3A_656 = arith.constant 0 : i32
      %dma_wait3A_657 = tpu.memref_slice %arg2[%dma_wait3A_655, %dma_wait3A_656] : memref<10016x128xf32, #tpu.memory_space<hbm>> -> memref<10016x128xf32, #tpu.memory_space<hbm>>
      tpu.wait_indirect_dma semaphore(%arg16 : memref<!tpu.dma_semaphore, #tpu.memory_space<semaphore_mem>>) src(%dma_wait3A_657 : memref<10016x128xf32, #tpu.memory_space<hbm>>) dst(%arg11 : memref<80x128xf32, #tpu.memory_space<vmem>>)
      %add3A_658 = arith.constant 3 : i32
      %add3A_659 = arith.addi %mul3A_601, %add3A_658 : i32
      %dma_start3A_660 = arith.constant 0 : i32
      %dma_start3A_661 = tpu.memref_slice %arg7[%add3A_659, %dma_start3A_660] : memref<32x80xi32, #tpu.memory_space<vmem>> -> memref<1x80xi32, #tpu.memory_space<vmem>>
      %dma_start3A_662 = tpu.memref_squeeze %dma_start3A_661 : memref<1x80xi32, #tpu.memory_space<vmem>> -> memref<80xi32, #tpu.memory_space<vmem>>
      %dma_start3A_663 = arith.constant 0 : i32
      %dma_start3A_664 = arith.constant 0 : i32
      %dma_start3A_665 = tpu.memref_slice %arg12[%dma_start3A_663, %dma_start3A_664] : memref<10240x128xf32, #tpu.memory_space<vmem_shared>> -> memref<10240x128xf32, #tpu.memory_space<vmem_shared>>
      tpu.enqueue_indirect_dma source(%arg11 : memref<80x128xf32, #tpu.memory_space<vmem>>) target(%dma_start3A_665 : memref<10240x128xf32, #tpu.memory_space<vmem_shared>>) offsets(%dma_start3A_662 : memref<80xi32, #tpu.memory_space<vmem>>) semaphore(%arg20 : memref<!tpu.dma_semaphore, #tpu.memory_space<semaphore_mem>>) {add = true}
      %add3A_666 = arith.constant 0 : i32
      %add3A_667 = arith.addi %mul3A_601, %add3A_666 : i32
      %dma_wait3A_668 = arith.constant 0 : i32
      %dma_wait3A_669 = tpu.memref_slice %arg7[%add3A_667, %dma_wait3A_668] : memref<32x80xi32, #tpu.memory_space<vmem>> -> memref<1x80xi32, #tpu.memory_space<vmem>>
      %dma_wait3A_670 = tpu.memref_squeeze %dma_wait3A_669 : memref<1x80xi32, #tpu.memory_space<vmem>> -> memref<80xi32, #tpu.memory_space<vmem>>
      %dma_wait3A_671 = arith.constant 0 : i32
      %dma_wait3A_672 = arith.constant 0 : i32
      %dma_wait3A_673 = tpu.memref_slice %arg12[%dma_wait3A_671, %dma_wait3A_672] : memref<10240x128xf32, #tpu.memory_space<vmem_shared>> -> memref<10240x128xf32, #tpu.memory_space<vmem_shared>>
      tpu.wait_indirect_dma semaphore(%arg17 : memref<!tpu.dma_semaphore, #tpu.memory_space<semaphore_mem>>) src(%arg8 : memref<80x128xf32, #tpu.memory_space<vmem>>) dst(%dma_wait3A_673 : memref<10240x128xf32, #tpu.memory_space<vmem_shared>>)
      %add3A_674 = arith.constant 4 : i32
      %add3A_675 = arith.addi %mul3A_601, %add3A_674 : i32
      %add3A_676 = arith.constant 0 : i32
      %add3A_677 = arith.addi %add3A_675, %add3A_676 : i32
      %dma_start3A_678 = arith.constant 0 : i32
      %dma_start3A_679 = tpu.memref_slice %arg6[%add3A_677, %dma_start3A_678] : memref<32x80xi32, #tpu.memory_space<vmem>> -> memref<1x80xi32, #tpu.memory_space<vmem>>
      %dma_start3A_680 = tpu.memref_squeeze %dma_start3A_679 : memref<1x80xi32, #tpu.memory_space<vmem>> -> memref<80xi32, #tpu.memory_space<vmem>>
      %dma_start3A_681 = arith.constant 0 : i32
      %dma_start3A_682 = arith.constant 0 : i32
      %dma_start3A_683 = tpu.memref_slice %arg2[%dma_start3A_681, %dma_start3A_682] : memref<10016x128xf32, #tpu.memory_space<hbm>> -> memref<10016x128xf32, #tpu.memory_space<hbm>>
      tpu.enqueue_indirect_dma source(%dma_start3A_683 : memref<10016x128xf32, #tpu.memory_space<hbm>>) target(%arg8 : memref<80x128xf32, #tpu.memory_space<vmem>>) offsets(%dma_start3A_680 : memref<80xi32, #tpu.memory_space<vmem>>) semaphore(%arg13 : memref<!tpu.dma_semaphore, #tpu.memory_space<semaphore_mem>>)
      %add3A_684 = arith.constant 1 : i32
      %add3A_685 = arith.addi %mul3A_601, %add3A_684 : i32
      %dma_wait3A_686 = arith.constant 0 : i32
      %dma_wait3A_687 = tpu.memref_slice %arg7[%add3A_685, %dma_wait3A_686] : memref<32x80xi32, #tpu.memory_space<vmem>> -> memref<1x80xi32, #tpu.memory_space<vmem>>
      %dma_wait3A_688 = tpu.memref_squeeze %dma_wait3A_687 : memref<1x80xi32, #tpu.memory_space<vmem>> -> memref<80xi32, #tpu.memory_space<vmem>>
      %dma_wait3A_689 = arith.constant 0 : i32
      %dma_wait3A_690 = arith.constant 0 : i32
      %dma_wait3A_691 = tpu.memref_slice %arg12[%dma_wait3A_689, %dma_wait3A_690] : memref<10240x128xf32, #tpu.memory_space<vmem_shared>> -> memref<10240x128xf32, #tpu.memory_space<vmem_shared>>
      tpu.wait_indirect_dma semaphore(%arg18 : memref<!tpu.dma_semaphore, #tpu.memory_space<semaphore_mem>>) src(%arg9 : memref<80x128xf32, #tpu.memory_space<vmem>>) dst(%dma_wait3A_691 : memref<10240x128xf32, #tpu.memory_space<vmem_shared>>)
      %add3A_692 = arith.constant 4 : i32
      %add3A_693 = arith.addi %mul3A_601, %add3A_692 : i32
      %add3A_694 = arith.constant 1 : i32
      %add3A_695 = arith.addi %add3A_693, %add3A_694 : i32
      %dma_start3A_696 = arith.constant 0 : i32
      %dma_start3A_697 = tpu.memref_slice %arg6[%add3A_695, %dma_start3A_696] : memref<32x80xi32, #tpu.memory_space<vmem>> -> memref<1x80xi32, #tpu.memory_space<vmem>>
      %dma_start3A_698 = tpu.memref_squeeze %dma_start3A_697 : memref<1x80xi32, #tpu.memory_space<vmem>> -> memref<80xi32, #tpu.memory_space<vmem>>
      %dma_start3A_699 = arith.constant 0 : i32
      %dma_start3A_700 = arith.constant 0 : i32
      %dma_start3A_701 = tpu.memref_slice %arg2[%dma_start3A_699, %dma_start3A_700] : memref<10016x128xf32, #tpu.memory_space<hbm>> -> memref<10016x128xf32, #tpu.memory_space<hbm>>
      tpu.enqueue_indirect_dma source(%dma_start3A_701 : memref<10016x128xf32, #tpu.memory_space<hbm>>) target(%arg9 : memref<80x128xf32, #tpu.memory_space<vmem>>) offsets(%dma_start3A_698 : memref<80xi32, #tpu.memory_space<vmem>>) semaphore(%arg14 : memref<!tpu.dma_semaphore, #tpu.memory_space<semaphore_mem>>)
      %add3A_702 = arith.constant 2 : i32
      %add3A_703 = arith.addi %mul3A_601, %add3A_702 : i32
      %dma_wait3A_704 = arith.constant 0 : i32
      %dma_wait3A_705 = tpu.memref_slice %arg7[%add3A_703, %dma_wait3A_704] : memref<32x80xi32, #tpu.memory_space<vmem>> -> memref<1x80xi32, #tpu.memory_space<vmem>>
      %dma_wait3A_706 = tpu.memref_squeeze %dma_wait3A_705 : memref<1x80xi32, #tpu.memory_space<vmem>> -> memref<80xi32, #tpu.memory_space<vmem>>
      %dma_wait3A_707 = arith.constant 0 : i32
      %dma_wait3A_708 = arith.constant 0 : i32
      %dma_wait3A_709 = tpu.memref_slice %arg12[%dma_wait3A_707, %dma_wait3A_708] : memref<10240x128xf32, #tpu.memory_space<vmem_shared>> -> memref<10240x128xf32, #tpu.memory_space<vmem_shared>>
      tpu.wait_indirect_dma semaphore(%arg19 : memref<!tpu.dma_semaphore, #tpu.memory_space<semaphore_mem>>) src(%arg10 : memref<80x128xf32, #tpu.memory_space<vmem>>) dst(%dma_wait3A_709 : memref<10240x128xf32, #tpu.memory_space<vmem_shared>>)
      %add3A_710 = arith.constant 4 : i32
      %add3A_711 = arith.addi %mul3A_601, %add3A_710 : i32
      %add3A_712 = arith.constant 2 : i32
      %add3A_713 = arith.addi %add3A_711, %add3A_712 : i32
      %dma_start3A_714 = arith.constant 0 : i32
      %dma_start3A_715 = tpu.memref_slice %arg6[%add3A_713, %dma_start3A_714] : memref<32x80xi32, #tpu.memory_space<vmem>> -> memref<1x80xi32, #tpu.memory_space<vmem>>
      %dma_start3A_716 = tpu.memref_squeeze %dma_start3A_715 : memref<1x80xi32, #tpu.memory_space<vmem>> -> memref<80xi32, #tpu.memory_space<vmem>>
      %dma_start3A_717 = arith.constant 0 : i32
      %dma_start3A_718 = arith.constant 0 : i32
      %dma_start3A_719 = tpu.memref_slice %arg2[%dma_start3A_717, %dma_start3A_718] : memref<10016x128xf32, #tpu.memory_space<hbm>> -> memref<10016x128xf32, #tpu.memory_space<hbm>>
      tpu.enqueue_indirect_dma source(%dma_start3A_719 : memref<10016x128xf32, #tpu.memory_space<hbm>>) target(%arg10 : memref<80x128xf32, #tpu.memory_space<vmem>>) offsets(%dma_start3A_716 : memref<80xi32, #tpu.memory_space<vmem>>) semaphore(%arg15 : memref<!tpu.dma_semaphore, #tpu.memory_space<semaphore_mem>>)
      %add3A_720 = arith.constant 3 : i32
      %add3A_721 = arith.addi %mul3A_601, %add3A_720 : i32
      %dma_wait3A_722 = arith.constant 0 : i32
      %dma_wait3A_723 = tpu.memref_slice %arg7[%add3A_721, %dma_wait3A_722] : memref<32x80xi32, #tpu.memory_space<vmem>> -> memref<1x80xi32, #tpu.memory_space<vmem>>
      %dma_wait3A_724 = tpu.memref_squeeze %dma_wait3A_723 : memref<1x80xi32, #tpu.memory_space<vmem>> -> memref<80xi32, #tpu.memory_space<vmem>>
      %dma_wait3A_725 = arith.constant 0 : i32
      %dma_wait3A_726 = arith.constant 0 : i32
      %dma_wait3A_727 = tpu.memref_slice %arg12[%dma_wait3A_725, %dma_wait3A_726] : memref<10240x128xf32, #tpu.memory_space<vmem_shared>> -> memref<10240x128xf32, #tpu.memory_space<vmem_shared>>
      tpu.wait_indirect_dma semaphore(%arg20 : memref<!tpu.dma_semaphore, #tpu.memory_space<semaphore_mem>>) src(%arg11 : memref<80x128xf32, #tpu.memory_space<vmem>>) dst(%dma_wait3A_727 : memref<10240x128xf32, #tpu.memory_space<vmem_shared>>)
      %add3A_728 = arith.constant 4 : i32
      %add3A_729 = arith.addi %mul3A_601, %add3A_728 : i32
      %add3A_730 = arith.constant 3 : i32
      %add3A_731 = arith.addi %add3A_729, %add3A_730 : i32
      %dma_start3A_732 = arith.constant 0 : i32
      %dma_start3A_733 = tpu.memref_slice %arg6[%add3A_731, %dma_start3A_732] : memref<32x80xi32, #tpu.memory_space<vmem>> -> memref<1x80xi32, #tpu.memory_space<vmem>>
      %dma_start3A_734 = tpu.memref_squeeze %dma_start3A_733 : memref<1x80xi32, #tpu.memory_space<vmem>> -> memref<80xi32, #tpu.memory_space<vmem>>
      %dma_start3A_735 = arith.constant 0 : i32
      %dma_start3A_736 = arith.constant 0 : i32
      %dma_start3A_737 = tpu.memref_slice %arg2[%dma_start3A_735, %dma_start3A_736] : memref<10016x128xf32, #tpu.memory_space<hbm>> -> memref<10016x128xf32, #tpu.memory_space<hbm>>
      tpu.enqueue_indirect_dma source(%dma_start3A_737 : memref<10016x128xf32, #tpu.memory_space<hbm>>) target(%arg11 : memref<80x128xf32, #tpu.memory_space<vmem>>) offsets(%dma_start3A_734 : memref<80xi32, #tpu.memory_space<vmem>>) semaphore(%arg16 : memref<!tpu.dma_semaphore, #tpu.memory_space<semaphore_mem>>)
      %scan3A_738 = arith.constant 0 : i32
      scf.yield %scan3A_738 : i32
    }
    %scan3A_389 = arith.constant 7 : i32
    %dma_wait3A_390 = arith.constant 28 : i32
    %dma_wait3A_391 = arith.constant 0 : i32
    %dma_wait3A_392 = tpu.memref_slice %arg6[%dma_wait3A_390, %dma_wait3A_391] : memref<32x80xi32, #tpu.memory_space<vmem>> -> memref<1x80xi32, #tpu.memory_space<vmem>>
    %dma_wait3A_393 = tpu.memref_squeeze %dma_wait3A_392 : memref<1x80xi32, #tpu.memory_space<vmem>> -> memref<80xi32, #tpu.memory_space<vmem>>
    %dma_wait3A_394 = arith.constant 0 : i32
    %dma_wait3A_395 = arith.constant 0 : i32
    %dma_wait3A_396 = tpu.memref_slice %arg2[%dma_wait3A_394, %dma_wait3A_395] : memref<10016x128xf32, #tpu.memory_space<hbm>> -> memref<10016x128xf32, #tpu.memory_space<hbm>>
    tpu.wait_indirect_dma semaphore(%arg13 : memref<!tpu.dma_semaphore, #tpu.memory_space<semaphore_mem>>) src(%dma_wait3A_396 : memref<10016x128xf32, #tpu.memory_space<hbm>>) dst(%arg8 : memref<80x128xf32, #tpu.memory_space<vmem>>)
    %dma_start3A_397 = arith.constant 28 : i32
    %dma_start3A_398 = arith.constant 0 : i32
    %dma_start3A_399 = tpu.memref_slice %arg7[%dma_start3A_397, %dma_start3A_398] : memref<32x80xi32, #tpu.memory_space<vmem>> -> memref<1x80xi32, #tpu.memory_space<vmem>>
    %dma_start3A_400 = tpu.memref_squeeze %dma_start3A_399 : memref<1x80xi32, #tpu.memory_space<vmem>> -> memref<80xi32, #tpu.memory_space<vmem>>
    %dma_start3A_401 = arith.constant 0 : i32
    %dma_start3A_402 = arith.constant 0 : i32
    %dma_start3A_403 = tpu.memref_slice %arg12[%dma_start3A_401, %dma_start3A_402] : memref<10240x128xf32, #tpu.memory_space<vmem_shared>> -> memref<10240x128xf32, #tpu.memory_space<vmem_shared>>
    tpu.enqueue_indirect_dma source(%arg8 : memref<80x128xf32, #tpu.memory_space<vmem>>) target(%dma_start3A_403 : memref<10240x128xf32, #tpu.memory_space<vmem_shared>>) offsets(%dma_start3A_400 : memref<80xi32, #tpu.memory_space<vmem>>) semaphore(%arg17 : memref<!tpu.dma_semaphore, #tpu.memory_space<semaphore_mem>>) {add = true}
    %dma_wait3A_404 = arith.constant 29 : i32
    %dma_wait3A_405 = arith.constant 0 : i32
    %dma_wait3A_406 = tpu.memref_slice %arg6[%dma_wait3A_404, %dma_wait3A_405] : memref<32x80xi32, #tpu.memory_space<vmem>> -> memref<1x80xi32, #tpu.memory_space<vmem>>
    %dma_wait3A_407 = tpu.memref_squeeze %dma_wait3A_406 : memref<1x80xi32, #tpu.memory_space<vmem>> -> memref<80xi32, #tpu.memory_space<vmem>>
    %dma_wait3A_408 = arith.constant 0 : i32
    %dma_wait3A_409 = arith.constant 0 : i32
    %dma_wait3A_410 = tpu.memref_slice %arg2[%dma_wait3A_408, %dma_wait3A_409] : memref<10016x128xf32, #tpu.memory_space<hbm>> -> memref<10016x128xf32, #tpu.memory_space<hbm>>
    tpu.wait_indirect_dma semaphore(%arg14 : memref<!tpu.dma_semaphore, #tpu.memory_space<semaphore_mem>>) src(%dma_wait3A_410 : memref<10016x128xf32, #tpu.memory_space<hbm>>) dst(%arg9 : memref<80x128xf32, #tpu.memory_space<vmem>>)
    %dma_start3A_411 = arith.constant 29 : i32
    %dma_start3A_412 = arith.constant 0 : i32
    %dma_start3A_413 = tpu.memref_slice %arg7[%dma_start3A_411, %dma_start3A_412] : memref<32x80xi32, #tpu.memory_space<vmem>> -> memref<1x80xi32, #tpu.memory_space<vmem>>
    %dma_start3A_414 = tpu.memref_squeeze %dma_start3A_413 : memref<1x80xi32, #tpu.memory_space<vmem>> -> memref<80xi32, #tpu.memory_space<vmem>>
    %dma_start3A_415 = arith.constant 0 : i32
    %dma_start3A_416 = arith.constant 0 : i32
    %dma_start3A_417 = tpu.memref_slice %arg12[%dma_start3A_415, %dma_start3A_416] : memref<10240x128xf32, #tpu.memory_space<vmem_shared>> -> memref<10240x128xf32, #tpu.memory_space<vmem_shared>>
    tpu.enqueue_indirect_dma source(%arg9 : memref<80x128xf32, #tpu.memory_space<vmem>>) target(%dma_start3A_417 : memref<10240x128xf32, #tpu.memory_space<vmem_shared>>) offsets(%dma_start3A_414 : memref<80xi32, #tpu.memory_space<vmem>>) semaphore(%arg18 : memref<!tpu.dma_semaphore, #tpu.memory_space<semaphore_mem>>) {add = true}
    %dma_wait3A_418 = arith.constant 30 : i32
    %dma_wait3A_419 = arith.constant 0 : i32
    %dma_wait3A_420 = tpu.memref_slice %arg6[%dma_wait3A_418, %dma_wait3A_419] : memref<32x80xi32, #tpu.memory_space<vmem>> -> memref<1x80xi32, #tpu.memory_space<vmem>>
    %dma_wait3A_421 = tpu.memref_squeeze %dma_wait3A_420 : memref<1x80xi32, #tpu.memory_space<vmem>> -> memref<80xi32, #tpu.memory_space<vmem>>
    %dma_wait3A_422 = arith.constant 0 : i32
    %dma_wait3A_423 = arith.constant 0 : i32
    %dma_wait3A_424 = tpu.memref_slice %arg2[%dma_wait3A_422, %dma_wait3A_423] : memref<10016x128xf32, #tpu.memory_space<hbm>> -> memref<10016x128xf32, #tpu.memory_space<hbm>>
    tpu.wait_indirect_dma semaphore(%arg15 : memref<!tpu.dma_semaphore, #tpu.memory_space<semaphore_mem>>) src(%dma_wait3A_424 : memref<10016x128xf32, #tpu.memory_space<hbm>>) dst(%arg10 : memref<80x128xf32, #tpu.memory_space<vmem>>)
    %dma_start3A_425 = arith.constant 30 : i32
    %dma_start3A_426 = arith.constant 0 : i32
    %dma_start3A_427 = tpu.memref_slice %arg7[%dma_start3A_425, %dma_start3A_426] : memref<32x80xi32, #tpu.memory_space<vmem>> -> memref<1x80xi32, #tpu.memory_space<vmem>>
    %dma_start3A_428 = tpu.memref_squeeze %dma_start3A_427 : memref<1x80xi32, #tpu.memory_space<vmem>> -> memref<80xi32, #tpu.memory_space<vmem>>
    %dma_start3A_429 = arith.constant 0 : i32
    %dma_start3A_430 = arith.constant 0 : i32
    %dma_start3A_431 = tpu.memref_slice %arg12[%dma_start3A_429, %dma_start3A_430] : memref<10240x128xf32, #tpu.memory_space<vmem_shared>> -> memref<10240x128xf32, #tpu.memory_space<vmem_shared>>
    tpu.enqueue_indirect_dma source(%arg10 : memref<80x128xf32, #tpu.memory_space<vmem>>) target(%dma_start3A_431 : memref<10240x128xf32, #tpu.memory_space<vmem_shared>>) offsets(%dma_start3A_428 : memref<80xi32, #tpu.memory_space<vmem>>) semaphore(%arg19 : memref<!tpu.dma_semaphore, #tpu.memory_space<semaphore_mem>>) {add = true}
    %dma_wait3A_432 = arith.constant 31 : i32
    %dma_wait3A_433 = arith.constant 0 : i32
    %dma_wait3A_434 = tpu.memref_slice %arg6[%dma_wait3A_432, %dma_wait3A_433] : memref<32x80xi32, #tpu.memory_space<vmem>> -> memref<1x80xi32, #tpu.memory_space<vmem>>
    %dma_wait3A_435 = tpu.memref_squeeze %dma_wait3A_434 : memref<1x80xi32, #tpu.memory_space<vmem>> -> memref<80xi32, #tpu.memory_space<vmem>>
    %dma_wait3A_436 = arith.constant 0 : i32
    %dma_wait3A_437 = arith.constant 0 : i32
    %dma_wait3A_438 = tpu.memref_slice %arg2[%dma_wait3A_436, %dma_wait3A_437] : memref<10016x128xf32, #tpu.memory_space<hbm>> -> memref<10016x128xf32, #tpu.memory_space<hbm>>
    tpu.wait_indirect_dma semaphore(%arg16 : memref<!tpu.dma_semaphore, #tpu.memory_space<semaphore_mem>>) src(%dma_wait3A_438 : memref<10016x128xf32, #tpu.memory_space<hbm>>) dst(%arg11 : memref<80x128xf32, #tpu.memory_space<vmem>>)
    %dma_start3A_439 = arith.constant 31 : i32
    %dma_start3A_440 = arith.constant 0 : i32
    %dma_start3A_441 = tpu.memref_slice %arg7[%dma_start3A_439, %dma_start3A_440] : memref<32x80xi32, #tpu.memory_space<vmem>> -> memref<1x80xi32, #tpu.memory_space<vmem>>
    %dma_start3A_442 = tpu.memref_squeeze %dma_start3A_441 : memref<1x80xi32, #tpu.memory_space<vmem>> -> memref<80xi32, #tpu.memory_space<vmem>>
    %dma_start3A_443 = arith.constant 0 : i32
    %dma_start3A_444 = arith.constant 0 : i32
    %dma_start3A_445 = tpu.memref_slice %arg12[%dma_start3A_443, %dma_start3A_444] : memref<10240x128xf32, #tpu.memory_space<vmem_shared>> -> memref<10240x128xf32, #tpu.memory_space<vmem_shared>>
    tpu.enqueue_indirect_dma source(%arg11 : memref<80x128xf32, #tpu.memory_space<vmem>>) target(%dma_start3A_445 : memref<10240x128xf32, #tpu.memory_space<vmem_shared>>) offsets(%dma_start3A_442 : memref<80xi32, #tpu.memory_space<vmem>>) semaphore(%arg20 : memref<!tpu.dma_semaphore, #tpu.memory_space<semaphore_mem>>) {add = true}
    %dma_wait3A_446 = arith.constant 28 : i32
    %dma_wait3A_447 = arith.constant 0 : i32
    %dma_wait3A_448 = tpu.memref_slice %arg7[%dma_wait3A_446, %dma_wait3A_447] : memref<32x80xi32, #tpu.memory_space<vmem>> -> memref<1x80xi32, #tpu.memory_space<vmem>>
    %dma_wait3A_449 = tpu.memref_squeeze %dma_wait3A_448 : memref<1x80xi32, #tpu.memory_space<vmem>> -> memref<80xi32, #tpu.memory_space<vmem>>
    %dma_wait3A_450 = arith.constant 0 : i32
    %dma_wait3A_451 = arith.constant 0 : i32
    %dma_wait3A_452 = tpu.memref_slice %arg12[%dma_wait3A_450, %dma_wait3A_451] : memref<10240x128xf32, #tpu.memory_space<vmem_shared>> -> memref<10240x128xf32, #tpu.memory_space<vmem_shared>>
    tpu.wait_indirect_dma semaphore(%arg17 : memref<!tpu.dma_semaphore, #tpu.memory_space<semaphore_mem>>) src(%arg8 : memref<80x128xf32, #tpu.memory_space<vmem>>) dst(%dma_wait3A_452 : memref<10240x128xf32, #tpu.memory_space<vmem_shared>>)
    %dma_wait3A_453 = arith.constant 29 : i32
    %dma_wait3A_454 = arith.constant 0 : i32
    %dma_wait3A_455 = tpu.memref_slice %arg7[%dma_wait3A_453, %dma_wait3A_454] : memref<32x80xi32, #tpu.memory_space<vmem>> -> memref<1x80xi32, #tpu.memory_space<vmem>>
    %dma_wait3A_456 = tpu.memref_squeeze %dma_wait3A_455 : memref<1x80xi32, #tpu.memory_space<vmem>> -> memref<80xi32, #tpu.memory_space<vmem>>
    %dma_wait3A_457 = arith.constant 0 : i32
    %dma_wait3A_458 = arith.constant 0 : i32
    %dma_wait3A_459 = tpu.memref_slice %arg12[%dma_wait3A_457, %dma_wait3A_458] : memref<10240x128xf32, #tpu.memory_space<vmem_shared>> -> memref<10240x128xf32, #tpu.memory_space<vmem_shared>>
    tpu.wait_indirect_dma semaphore(%arg18 : memref<!tpu.dma_semaphore, #tpu.memory_space<semaphore_mem>>) src(%arg9 : memref<80x128xf32, #tpu.memory_space<vmem>>) dst(%dma_wait3A_459 : memref<10240x128xf32, #tpu.memory_space<vmem_shared>>)
    %dma_wait3A_460 = arith.constant 30 : i32
    %dma_wait3A_461 = arith.constant 0 : i32
    %dma_wait3A_462 = tpu.memref_slice %arg7[%dma_wait3A_460, %dma_wait3A_461] : memref<32x80xi32, #tpu.memory_space<vmem>> -> memref<1x80xi32, #tpu.memory_space<vmem>>
    %dma_wait3A_463 = tpu.memref_squeeze %dma_wait3A_462 : memref<1x80xi32, #tpu.memory_space<vmem>> -> memref<80xi32, #tpu.memory_space<vmem>>
    %dma_wait3A_464 = arith.constant 0 : i32
    %dma_wait3A_465 = arith.constant 0 : i32
    %dma_wait3A_466 = tpu.memref_slice %arg12[%dma_wait3A_464, %dma_wait3A_465] : memref<10240x128xf32, #tpu.memory_space<vmem_shared>> -> memref<10240x128xf32, #tpu.memory_space<vmem_shared>>
    tpu.wait_indirect_dma semaphore(%arg19 : memref<!tpu.dma_semaphore, #tpu.memory_space<semaphore_mem>>) src(%arg10 : memref<80x128xf32, #tpu.memory_space<vmem>>) dst(%dma_wait3A_466 : memref<10240x128xf32, #tpu.memory_space<vmem_shared>>)
    %dma_wait3A_467 = arith.constant 31 : i32
    %dma_wait3A_468 = arith.constant 0 : i32
    %dma_wait3A_469 = tpu.memref_slice %arg7[%dma_wait3A_467, %dma_wait3A_468] : memref<32x80xi32, #tpu.memory_space<vmem>> -> memref<1x80xi32, #tpu.memory_space<vmem>>
    %dma_wait3A_470 = tpu.memref_squeeze %dma_wait3A_469 : memref<1x80xi32, #tpu.memory_space<vmem>> -> memref<80xi32, #tpu.memory_space<vmem>>
    %dma_wait3A_471 = arith.constant 0 : i32
    %dma_wait3A_472 = arith.constant 0 : i32
    %dma_wait3A_473 = tpu.memref_slice %arg12[%dma_wait3A_471, %dma_wait3A_472] : memref<10240x128xf32, #tpu.memory_space<vmem_shared>> -> memref<10240x128xf32, #tpu.memory_space<vmem_shared>>
    tpu.wait_indirect_dma semaphore(%arg20 : memref<!tpu.dma_semaphore, #tpu.memory_space<semaphore_mem>>) src(%arg11 : memref<80x128xf32, #tpu.memory_space<vmem>>) dst(%dma_wait3A_473 : memref<10240x128xf32, #tpu.memory_space<vmem_shared>>)
    "tpu.region"() ({
      %run_scoped3A = tpu.sem_alloc : memref<!tpu.dma_semaphore, #tpu.memory_space<semaphore_mem>>
      %dma_start3A_598 = arith.constant 96 : i32
      %dma_start3A_599 = arith.constant 0 : i32
      %dma_start3A_600 = tpu.memref_slice %arg3[%add3A, %dma_start3A_598, %dma_start3A_599] : memref<32x128x80xi32, #tpu.memory_space<hbm>> -> memref<1x32x80xi32, #tpu.memory_space<hbm>>
      %dma_start3A_601 = tpu.memref_squeeze %dma_start3A_600 : memref<1x32x80xi32, #tpu.memory_space<hbm>> -> memref<32x80xi32, #tpu.memory_space<hbm>>
      %dma_start3A_602 = arith.constant 96 : i32
      %dma_start3A_603 = arith.constant 0 : i32
      %dma_start3A_604 = tpu.memref_slice %arg3[%add3A, %dma_start3A_602, %dma_start3A_603] : memref<32x128x80xi32, #tpu.memory_space<hbm>> -> memref<1x32x80xi32, #tpu.memory_space<hbm>>
      %dma_start3A_605 = tpu.memref_squeeze %dma_start3A_604 : memref<1x32x80xi32, #tpu.memory_space<hbm>> -> memref<32x80xi32, #tpu.memory_space<hbm>>
      tpu.enqueue_dma source(%dma_start3A_605 : memref<32x80xi32, #tpu.memory_space<hbm>>) target(%arg6 : memref<32x80xi32, #tpu.memory_space<vmem>>) target_semaphore(%run_scoped3A : memref<!tpu.dma_semaphore, #tpu.memory_space<semaphore_mem>>)
      %dma_wait3A_606 = arith.constant 96 : i32
      %dma_wait3A_607 = arith.constant 0 : i32
      %dma_wait3A_608 = tpu.memref_slice %arg3[%add3A, %dma_wait3A_606, %dma_wait3A_607] : memref<32x128x80xi32, #tpu.memory_space<hbm>> -> memref<1x32x80xi32, #tpu.memory_space<hbm>>
      %dma_wait3A_609 = tpu.memref_squeeze %dma_wait3A_608 : memref<1x32x80xi32, #tpu.memory_space<hbm>> -> memref<32x80xi32, #tpu.memory_space<hbm>>
      %dma_wait3A_610 = arith.constant 96 : i32
      %dma_wait3A_611 = arith.constant 0 : i32
      %dma_wait3A_612 = tpu.memref_slice %arg3[%add3A, %dma_wait3A_610, %dma_wait3A_611] : memref<32x128x80xi32, #tpu.memory_space<hbm>> -> memref<1x32x80xi32, #tpu.memory_space<hbm>>
      %dma_wait3A_613 = tpu.memref_squeeze %dma_wait3A_612 : memref<1x32x80xi32, #tpu.memory_space<hbm>> -> memref<32x80xi32, #tpu.memory_space<hbm>>
      tpu.wait_dma2 semaphore(%run_scoped3A : memref<!tpu.dma_semaphore, #tpu.memory_space<semaphore_mem>>) src(%dma_wait3A_613 : memref<32x80xi32, #tpu.memory_space<hbm>>) dst(%arg6 : memref<32x80xi32, #tpu.memory_space<vmem>>)
      tpu.yield
    }) : () -> ()
    "tpu.region"() ({
      %run_scoped3A = tpu.sem_alloc : memref<!tpu.dma_semaphore, #tpu.memory_space<semaphore_mem>>
      %dma_start3A_598 = arith.constant 96 : i32
      %dma_start3A_599 = arith.constant 0 : i32
      %dma_start3A_600 = tpu.memref_slice %arg4[%add3A, %dma_start3A_598, %dma_start3A_599] : memref<32x128x80xi32, #tpu.memory_space<hbm>> -> memref<1x32x80xi32, #tpu.memory_space<hbm>>
      %dma_start3A_601 = tpu.memref_squeeze %dma_start3A_600 : memref<1x32x80xi32, #tpu.memory_space<hbm>> -> memref<32x80xi32, #tpu.memory_space<hbm>>
      %dma_start3A_602 = arith.constant 96 : i32
      %dma_start3A_603 = arith.constant 0 : i32
      %dma_start3A_604 = tpu.memref_slice %arg4[%add3A, %dma_start3A_602, %dma_start3A_603] : memref<32x128x80xi32, #tpu.memory_space<hbm>> -> memref<1x32x80xi32, #tpu.memory_space<hbm>>
      %dma_start3A_605 = tpu.memref_squeeze %dma_start3A_604 : memref<1x32x80xi32, #tpu.memory_space<hbm>> -> memref<32x80xi32, #tpu.memory_space<hbm>>
      tpu.enqueue_dma source(%dma_start3A_605 : memref<32x80xi32, #tpu.memory_space<hbm>>) target(%arg7 : memref<32x80xi32, #tpu.memory_space<vmem>>) target_semaphore(%run_scoped3A : memref<!tpu.dma_semaphore, #tpu.memory_space<semaphore_mem>>)
      %dma_wait3A_606 = arith.constant 96 : i32
      %dma_wait3A_607 = arith.constant 0 : i32
      %dma_wait3A_608 = tpu.memref_slice %arg4[%add3A, %dma_wait3A_606, %dma_wait3A_607] : memref<32x128x80xi32, #tpu.memory_space<hbm>> -> memref<1x32x80xi32, #tpu.memory_space<hbm>>
      %dma_wait3A_609 = tpu.memref_squeeze %dma_wait3A_608 : memref<1x32x80xi32, #tpu.memory_space<hbm>> -> memref<32x80xi32, #tpu.memory_space<hbm>>
      %dma_wait3A_610 = arith.constant 96 : i32
      %dma_wait3A_611 = arith.constant 0 : i32
      %dma_wait3A_612 = tpu.memref_slice %arg4[%add3A, %dma_wait3A_610, %dma_wait3A_611] : memref<32x128x80xi32, #tpu.memory_space<hbm>> -> memref<1x32x80xi32, #tpu.memory_space<hbm>>
      %dma_wait3A_613 = tpu.memref_squeeze %dma_wait3A_612 : memref<1x32x80xi32, #tpu.memory_space<hbm>> -> memref<32x80xi32, #tpu.memory_space<hbm>>
      tpu.wait_dma2 semaphore(%run_scoped3A : memref<!tpu.dma_semaphore, #tpu.memory_space<semaphore_mem>>) src(%dma_wait3A_613 : memref<32x80xi32, #tpu.memory_space<hbm>>) dst(%arg7 : memref<32x80xi32, #tpu.memory_space<vmem>>)
      tpu.yield
    }) : () -> ()
    %dma_start3A_474 = arith.constant 0 : i32
    %dma_start3A_475 = arith.constant 0 : i32
    %dma_start3A_476 = tpu.memref_slice %arg6[%dma_start3A_474, %dma_start3A_475] : memref<32x80xi32, #tpu.memory_space<vmem>> -> memref<1x80xi32, #tpu.memory_space<vmem>>
    %dma_start3A_477 = tpu.memref_squeeze %dma_start3A_476 : memref<1x80xi32, #tpu.memory_space<vmem>> -> memref<80xi32, #tpu.memory_space<vmem>>
    %dma_start3A_478 = arith.constant 0 : i32
    %dma_start3A_479 = arith.constant 0 : i32
    %dma_start3A_480 = tpu.memref_slice %arg2[%dma_start3A_478, %dma_start3A_479] : memref<10016x128xf32, #tpu.memory_space<hbm>> -> memref<10016x128xf32, #tpu.memory_space<hbm>>
    tpu.enqueue_indirect_dma source(%dma_start3A_480 : memref<10016x128xf32, #tpu.memory_space<hbm>>) target(%arg8 : memref<80x128xf32, #tpu.memory_space<vmem>>) offsets(%dma_start3A_477 : memref<80xi32, #tpu.memory_space<vmem>>) semaphore(%arg13 : memref<!tpu.dma_semaphore, #tpu.memory_space<semaphore_mem>>)
    %dma_start3A_481 = arith.constant 1 : i32
    %dma_start3A_482 = arith.constant 0 : i32
    %dma_start3A_483 = tpu.memref_slice %arg6[%dma_start3A_481, %dma_start3A_482] : memref<32x80xi32, #tpu.memory_space<vmem>> -> memref<1x80xi32, #tpu.memory_space<vmem>>
    %dma_start3A_484 = tpu.memref_squeeze %dma_start3A_483 : memref<1x80xi32, #tpu.memory_space<vmem>> -> memref<80xi32, #tpu.memory_space<vmem>>
    %dma_start3A_485 = arith.constant 0 : i32
    %dma_start3A_486 = arith.constant 0 : i32
    %dma_start3A_487 = tpu.memref_slice %arg2[%dma_start3A_485, %dma_start3A_486] : memref<10016x128xf32, #tpu.memory_space<hbm>> -> memref<10016x128xf32, #tpu.memory_space<hbm>>
    tpu.enqueue_indirect_dma source(%dma_start3A_487 : memref<10016x128xf32, #tpu.memory_space<hbm>>) target(%arg9 : memref<80x128xf32, #tpu.memory_space<vmem>>) offsets(%dma_start3A_484 : memref<80xi32, #tpu.memory_space<vmem>>) semaphore(%arg14 : memref<!tpu.dma_semaphore, #tpu.memory_space<semaphore_mem>>)
    %dma_start3A_488 = arith.constant 2 : i32
    %dma_start3A_489 = arith.constant 0 : i32
    %dma_start3A_490 = tpu.memref_slice %arg6[%dma_start3A_488, %dma_start3A_489] : memref<32x80xi32, #tpu.memory_space<vmem>> -> memref<1x80xi32, #tpu.memory_space<vmem>>
    %dma_start3A_491 = tpu.memref_squeeze %dma_start3A_490 : memref<1x80xi32, #tpu.memory_space<vmem>> -> memref<80xi32, #tpu.memory_space<vmem>>
    %dma_start3A_492 = arith.constant 0 : i32
    %dma_start3A_493 = arith.constant 0 : i32
    %dma_start3A_494 = tpu.memref_slice %arg2[%dma_start3A_492, %dma_start3A_493] : memref<10016x128xf32, #tpu.memory_space<hbm>> -> memref<10016x128xf32, #tpu.memory_space<hbm>>
    tpu.enqueue_indirect_dma source(%dma_start3A_494 : memref<10016x128xf32, #tpu.memory_space<hbm>>) target(%arg10 : memref<80x128xf32, #tpu.memory_space<vmem>>) offsets(%dma_start3A_491 : memref<80xi32, #tpu.memory_space<vmem>>) semaphore(%arg15 : memref<!tpu.dma_semaphore, #tpu.memory_space<semaphore_mem>>)
    %dma_start3A_495 = arith.constant 3 : i32
    %dma_start3A_496 = arith.constant 0 : i32
    %dma_start3A_497 = tpu.memref_slice %arg6[%dma_start3A_495, %dma_start3A_496] : memref<32x80xi32, #tpu.memory_space<vmem>> -> memref<1x80xi32, #tpu.memory_space<vmem>>
    %dma_start3A_498 = tpu.memref_squeeze %dma_start3A_497 : memref<1x80xi32, #tpu.memory_space<vmem>> -> memref<80xi32, #tpu.memory_space<vmem>>
    %dma_start3A_499 = arith.constant 0 : i32
    %dma_start3A_500 = arith.constant 0 : i32
    %dma_start3A_501 = tpu.memref_slice %arg2[%dma_start3A_499, %dma_start3A_500] : memref<10016x128xf32, #tpu.memory_space<hbm>> -> memref<10016x128xf32, #tpu.memory_space<hbm>>
    tpu.enqueue_indirect_dma source(%dma_start3A_501 : memref<10016x128xf32, #tpu.memory_space<hbm>>) target(%arg11 : memref<80x128xf32, #tpu.memory_space<vmem>>) offsets(%dma_start3A_498 : memref<80xi32, #tpu.memory_space<vmem>>) semaphore(%arg16 : memref<!tpu.dma_semaphore, #tpu.memory_space<semaphore_mem>>)
    %scan3A_502 = arith.constant 0 : i32
    %scan3A_503 = arith.constant 0 : i32
    %scan3A_504 = arith.constant 7 : i32
    %scan3A_505 = arith.addi %scan3A_503, %scan3A_504 : i32
    %scan3A_506 = arith.constant 1 : i32
    %scan3A_507 = scf.for %scan3A_598 = %scan3A_503 to %scan3A_505 step %scan3A_506 iter_args(%scan3A_599 = %scan3A_502) -> (i32)  : i32 {
      %mul3A_600 = arith.constant 4 : i32
      %mul3A_601 = arith.muli %scan3A_598, %mul3A_600 : i32
      %add3A_602 = arith.constant 0 : i32
      %add3A_603 = arith.addi %mul3A_601, %add3A_602 : i32
      %dma_wait3A_604 = arith.constant 0 : i32
      %dma_wait3A_605 = tpu.memref_slice %arg6[%add3A_603, %dma_wait3A_604] : memref<32x80xi32, #tpu.memory_space<vmem>> -> memref<1x80xi32, #tpu.memory_space<vmem>>
      %dma_wait3A_606 = tpu.memref_squeeze %dma_wait3A_605 : memref<1x80xi32, #tpu.memory_space<vmem>> -> memref<80xi32, #tpu.memory_space<vmem>>
      %dma_wait3A_607 = arith.constant 0 : i32
      %dma_wait3A_608 = arith.constant 0 : i32
      %dma_wait3A_609 = tpu.memref_slice %arg2[%dma_wait3A_607, %dma_wait3A_608] : memref<10016x128xf32, #tpu.memory_space<hbm>> -> memref<10016x128xf32, #tpu.memory_space<hbm>>
      tpu.wait_indirect_dma semaphore(%arg13 : memref<!tpu.dma_semaphore, #tpu.memory_space<semaphore_mem>>) src(%dma_wait3A_609 : memref<10016x128xf32, #tpu.memory_space<hbm>>) dst(%arg8 : memref<80x128xf32, #tpu.memory_space<vmem>>)
      %add3A_610 = arith.constant 0 : i32
      %add3A_611 = arith.addi %mul3A_601, %add3A_610 : i32
      %dma_start3A_612 = arith.constant 0 : i32
      %dma_start3A_613 = tpu.memref_slice %arg7[%add3A_611, %dma_start3A_612] : memref<32x80xi32, #tpu.memory_space<vmem>> -> memref<1x80xi32, #tpu.memory_space<vmem>>
      %dma_start3A_614 = tpu.memref_squeeze %dma_start3A_613 : memref<1x80xi32, #tpu.memory_space<vmem>> -> memref<80xi32, #tpu.memory_space<vmem>>
      %dma_start3A_615 = arith.constant 0 : i32
      %dma_start3A_616 = arith.constant 0 : i32
      %dma_start3A_617 = tpu.memref_slice %arg12[%dma_start3A_615, %dma_start3A_616] : memref<10240x128xf32, #tpu.memory_space<vmem_shared>> -> memref<10240x128xf32, #tpu.memory_space<vmem_shared>>
      tpu.enqueue_indirect_dma source(%arg8 : memref<80x128xf32, #tpu.memory_space<vmem>>) target(%dma_start3A_617 : memref<10240x128xf32, #tpu.memory_space<vmem_shared>>) offsets(%dma_start3A_614 : memref<80xi32, #tpu.memory_space<vmem>>) semaphore(%arg17 : memref<!tpu.dma_semaphore, #tpu.memory_space<semaphore_mem>>) {add = true}
      %add3A_618 = arith.constant 1 : i32
      %add3A_619 = arith.addi %mul3A_601, %add3A_618 : i32
      %dma_wait3A_620 = arith.constant 0 : i32
      %dma_wait3A_621 = tpu.memref_slice %arg6[%add3A_619, %dma_wait3A_620] : memref<32x80xi32, #tpu.memory_space<vmem>> -> memref<1x80xi32, #tpu.memory_space<vmem>>
      %dma_wait3A_622 = tpu.memref_squeeze %dma_wait3A_621 : memref<1x80xi32, #tpu.memory_space<vmem>> -> memref<80xi32, #tpu.memory_space<vmem>>
      %dma_wait3A_623 = arith.constant 0 : i32
      %dma_wait3A_624 = arith.constant 0 : i32
      %dma_wait3A_625 = tpu.memref_slice %arg2[%dma_wait3A_623, %dma_wait3A_624] : memref<10016x128xf32, #tpu.memory_space<hbm>> -> memref<10016x128xf32, #tpu.memory_space<hbm>>
      tpu.wait_indirect_dma semaphore(%arg14 : memref<!tpu.dma_semaphore, #tpu.memory_space<semaphore_mem>>) src(%dma_wait3A_625 : memref<10016x128xf32, #tpu.memory_space<hbm>>) dst(%arg9 : memref<80x128xf32, #tpu.memory_space<vmem>>)
      %add3A_626 = arith.constant 1 : i32
      %add3A_627 = arith.addi %mul3A_601, %add3A_626 : i32
      %dma_start3A_628 = arith.constant 0 : i32
      %dma_start3A_629 = tpu.memref_slice %arg7[%add3A_627, %dma_start3A_628] : memref<32x80xi32, #tpu.memory_space<vmem>> -> memref<1x80xi32, #tpu.memory_space<vmem>>
      %dma_start3A_630 = tpu.memref_squeeze %dma_start3A_629 : memref<1x80xi32, #tpu.memory_space<vmem>> -> memref<80xi32, #tpu.memory_space<vmem>>
      %dma_start3A_631 = arith.constant 0 : i32
      %dma_start3A_632 = arith.constant 0 : i32
      %dma_start3A_633 = tpu.memref_slice %arg12[%dma_start3A_631, %dma_start3A_632] : memref<10240x128xf32, #tpu.memory_space<vmem_shared>> -> memref<10240x128xf32, #tpu.memory_space<vmem_shared>>
      tpu.enqueue_indirect_dma source(%arg9 : memref<80x128xf32, #tpu.memory_space<vmem>>) target(%dma_start3A_633 : memref<10240x128xf32, #tpu.memory_space<vmem_shared>>) offsets(%dma_start3A_630 : memref<80xi32, #tpu.memory_space<vmem>>) semaphore(%arg18 : memref<!tpu.dma_semaphore, #tpu.memory_space<semaphore_mem>>) {add = true}
      %add3A_634 = arith.constant 2 : i32
      %add3A_635 = arith.addi %mul3A_601, %add3A_634 : i32
      %dma_wait3A_636 = arith.constant 0 : i32
      %dma_wait3A_637 = tpu.memref_slice %arg6[%add3A_635, %dma_wait3A_636] : memref<32x80xi32, #tpu.memory_space<vmem>> -> memref<1x80xi32, #tpu.memory_space<vmem>>
      %dma_wait3A_638 = tpu.memref_squeeze %dma_wait3A_637 : memref<1x80xi32, #tpu.memory_space<vmem>> -> memref<80xi32, #tpu.memory_space<vmem>>
      %dma_wait3A_639 = arith.constant 0 : i32
      %dma_wait3A_640 = arith.constant 0 : i32
      %dma_wait3A_641 = tpu.memref_slice %arg2[%dma_wait3A_639, %dma_wait3A_640] : memref<10016x128xf32, #tpu.memory_space<hbm>> -> memref<10016x128xf32, #tpu.memory_space<hbm>>
      tpu.wait_indirect_dma semaphore(%arg15 : memref<!tpu.dma_semaphore, #tpu.memory_space<semaphore_mem>>) src(%dma_wait3A_641 : memref<10016x128xf32, #tpu.memory_space<hbm>>) dst(%arg10 : memref<80x128xf32, #tpu.memory_space<vmem>>)
      %add3A_642 = arith.constant 2 : i32
      %add3A_643 = arith.addi %mul3A_601, %add3A_642 : i32
      %dma_start3A_644 = arith.constant 0 : i32
      %dma_start3A_645 = tpu.memref_slice %arg7[%add3A_643, %dma_start3A_644] : memref<32x80xi32, #tpu.memory_space<vmem>> -> memref<1x80xi32, #tpu.memory_space<vmem>>
      %dma_start3A_646 = tpu.memref_squeeze %dma_start3A_645 : memref<1x80xi32, #tpu.memory_space<vmem>> -> memref<80xi32, #tpu.memory_space<vmem>>
      %dma_start3A_647 = arith.constant 0 : i32
      %dma_start3A_648 = arith.constant 0 : i32
      %dma_start3A_649 = tpu.memref_slice %arg12[%dma_start3A_647, %dma_start3A_648] : memref<10240x128xf32, #tpu.memory_space<vmem_shared>> -> memref<10240x128xf32, #tpu.memory_space<vmem_shared>>
      tpu.enqueue_indirect_dma source(%arg10 : memref<80x128xf32, #tpu.memory_space<vmem>>) target(%dma_start3A_649 : memref<10240x128xf32, #tpu.memory_space<vmem_shared>>) offsets(%dma_start3A_646 : memref<80xi32, #tpu.memory_space<vmem>>) semaphore(%arg19 : memref<!tpu.dma_semaphore, #tpu.memory_space<semaphore_mem>>) {add = true}
      %add3A_650 = arith.constant 3 : i32
      %add3A_651 = arith.addi %mul3A_601, %add3A_650 : i32
      %dma_wait3A_652 = arith.constant 0 : i32
      %dma_wait3A_653 = tpu.memref_slice %arg6[%add3A_651, %dma_wait3A_652] : memref<32x80xi32, #tpu.memory_space<vmem>> -> memref<1x80xi32, #tpu.memory_space<vmem>>
      %dma_wait3A_654 = tpu.memref_squeeze %dma_wait3A_653 : memref<1x80xi32, #tpu.memory_space<vmem>> -> memref<80xi32, #tpu.memory_space<vmem>>
      %dma_wait3A_655 = arith.constant 0 : i32
      %dma_wait3A_656 = arith.constant 0 : i32
      %dma_wait3A_657 = tpu.memref_slice %arg2[%dma_wait3A_655, %dma_wait3A_656] : memref<10016x128xf32, #tpu.memory_space<hbm>> -> memref<10016x128xf32, #tpu.memory_space<hbm>>
      tpu.wait_indirect_dma semaphore(%arg16 : memref<!tpu.dma_semaphore, #tpu.memory_space<semaphore_mem>>) src(%dma_wait3A_657 : memref<10016x128xf32, #tpu.memory_space<hbm>>) dst(%arg11 : memref<80x128xf32, #tpu.memory_space<vmem>>)
      %add3A_658 = arith.constant 3 : i32
      %add3A_659 = arith.addi %mul3A_601, %add3A_658 : i32
      %dma_start3A_660 = arith.constant 0 : i32
      %dma_start3A_661 = tpu.memref_slice %arg7[%add3A_659, %dma_start3A_660] : memref<32x80xi32, #tpu.memory_space<vmem>> -> memref<1x80xi32, #tpu.memory_space<vmem>>
      %dma_start3A_662 = tpu.memref_squeeze %dma_start3A_661 : memref<1x80xi32, #tpu.memory_space<vmem>> -> memref<80xi32, #tpu.memory_space<vmem>>
      %dma_start3A_663 = arith.constant 0 : i32
      %dma_start3A_664 = arith.constant 0 : i32
      %dma_start3A_665 = tpu.memref_slice %arg12[%dma_start3A_663, %dma_start3A_664] : memref<10240x128xf32, #tpu.memory_space<vmem_shared>> -> memref<10240x128xf32, #tpu.memory_space<vmem_shared>>
      tpu.enqueue_indirect_dma source(%arg11 : memref<80x128xf32, #tpu.memory_space<vmem>>) target(%dma_start3A_665 : memref<10240x128xf32, #tpu.memory_space<vmem_shared>>) offsets(%dma_start3A_662 : memref<80xi32, #tpu.memory_space<vmem>>) semaphore(%arg20 : memref<!tpu.dma_semaphore, #tpu.memory_space<semaphore_mem>>) {add = true}
      %add3A_666 = arith.constant 0 : i32
      %add3A_667 = arith.addi %mul3A_601, %add3A_666 : i32
      %dma_wait3A_668 = arith.constant 0 : i32
      %dma_wait3A_669 = tpu.memref_slice %arg7[%add3A_667, %dma_wait3A_668] : memref<32x80xi32, #tpu.memory_space<vmem>> -> memref<1x80xi32, #tpu.memory_space<vmem>>
      %dma_wait3A_670 = tpu.memref_squeeze %dma_wait3A_669 : memref<1x80xi32, #tpu.memory_space<vmem>> -> memref<80xi32, #tpu.memory_space<vmem>>
      %dma_wait3A_671 = arith.constant 0 : i32
      %dma_wait3A_672 = arith.constant 0 : i32
      %dma_wait3A_673 = tpu.memref_slice %arg12[%dma_wait3A_671, %dma_wait3A_672] : memref<10240x128xf32, #tpu.memory_space<vmem_shared>> -> memref<10240x128xf32, #tpu.memory_space<vmem_shared>>
      tpu.wait_indirect_dma semaphore(%arg17 : memref<!tpu.dma_semaphore, #tpu.memory_space<semaphore_mem>>) src(%arg8 : memref<80x128xf32, #tpu.memory_space<vmem>>) dst(%dma_wait3A_673 : memref<10240x128xf32, #tpu.memory_space<vmem_shared>>)
      %add3A_674 = arith.constant 4 : i32
      %add3A_675 = arith.addi %mul3A_601, %add3A_674 : i32
      %add3A_676 = arith.constant 0 : i32
      %add3A_677 = arith.addi %add3A_675, %add3A_676 : i32
      %dma_start3A_678 = arith.constant 0 : i32
      %dma_start3A_679 = tpu.memref_slice %arg6[%add3A_677, %dma_start3A_678] : memref<32x80xi32, #tpu.memory_space<vmem>> -> memref<1x80xi32, #tpu.memory_space<vmem>>
      %dma_start3A_680 = tpu.memref_squeeze %dma_start3A_679 : memref<1x80xi32, #tpu.memory_space<vmem>> -> memref<80xi32, #tpu.memory_space<vmem>>
      %dma_start3A_681 = arith.constant 0 : i32
      %dma_start3A_682 = arith.constant 0 : i32
      %dma_start3A_683 = tpu.memref_slice %arg2[%dma_start3A_681, %dma_start3A_682] : memref<10016x128xf32, #tpu.memory_space<hbm>> -> memref<10016x128xf32, #tpu.memory_space<hbm>>
      tpu.enqueue_indirect_dma source(%dma_start3A_683 : memref<10016x128xf32, #tpu.memory_space<hbm>>) target(%arg8 : memref<80x128xf32, #tpu.memory_space<vmem>>) offsets(%dma_start3A_680 : memref<80xi32, #tpu.memory_space<vmem>>) semaphore(%arg13 : memref<!tpu.dma_semaphore, #tpu.memory_space<semaphore_mem>>)
      %add3A_684 = arith.constant 1 : i32
      %add3A_685 = arith.addi %mul3A_601, %add3A_684 : i32
      %dma_wait3A_686 = arith.constant 0 : i32
      %dma_wait3A_687 = tpu.memref_slice %arg7[%add3A_685, %dma_wait3A_686] : memref<32x80xi32, #tpu.memory_space<vmem>> -> memref<1x80xi32, #tpu.memory_space<vmem>>
      %dma_wait3A_688 = tpu.memref_squeeze %dma_wait3A_687 : memref<1x80xi32, #tpu.memory_space<vmem>> -> memref<80xi32, #tpu.memory_space<vmem>>
      %dma_wait3A_689 = arith.constant 0 : i32
      %dma_wait3A_690 = arith.constant 0 : i32
      %dma_wait3A_691 = tpu.memref_slice %arg12[%dma_wait3A_689, %dma_wait3A_690] : memref<10240x128xf32, #tpu.memory_space<vmem_shared>> -> memref<10240x128xf32, #tpu.memory_space<vmem_shared>>
      tpu.wait_indirect_dma semaphore(%arg18 : memref<!tpu.dma_semaphore, #tpu.memory_space<semaphore_mem>>) src(%arg9 : memref<80x128xf32, #tpu.memory_space<vmem>>) dst(%dma_wait3A_691 : memref<10240x128xf32, #tpu.memory_space<vmem_shared>>)
      %add3A_692 = arith.constant 4 : i32
      %add3A_693 = arith.addi %mul3A_601, %add3A_692 : i32
      %add3A_694 = arith.constant 1 : i32
      %add3A_695 = arith.addi %add3A_693, %add3A_694 : i32
      %dma_start3A_696 = arith.constant 0 : i32
      %dma_start3A_697 = tpu.memref_slice %arg6[%add3A_695, %dma_start3A_696] : memref<32x80xi32, #tpu.memory_space<vmem>> -> memref<1x80xi32, #tpu.memory_space<vmem>>
      %dma_start3A_698 = tpu.memref_squeeze %dma_start3A_697 : memref<1x80xi32, #tpu.memory_space<vmem>> -> memref<80xi32, #tpu.memory_space<vmem>>
      %dma_start3A_699 = arith.constant 0 : i32
      %dma_start3A_700 = arith.constant 0 : i32
      %dma_start3A_701 = tpu.memref_slice %arg2[%dma_start3A_699, %dma_start3A_700] : memref<10016x128xf32, #tpu.memory_space<hbm>> -> memref<10016x128xf32, #tpu.memory_space<hbm>>
      tpu.enqueue_indirect_dma source(%dma_start3A_701 : memref<10016x128xf32, #tpu.memory_space<hbm>>) target(%arg9 : memref<80x128xf32, #tpu.memory_space<vmem>>) offsets(%dma_start3A_698 : memref<80xi32, #tpu.memory_space<vmem>>) semaphore(%arg14 : memref<!tpu.dma_semaphore, #tpu.memory_space<semaphore_mem>>)
      %add3A_702 = arith.constant 2 : i32
      %add3A_703 = arith.addi %mul3A_601, %add3A_702 : i32
      %dma_wait3A_704 = arith.constant 0 : i32
      %dma_wait3A_705 = tpu.memref_slice %arg7[%add3A_703, %dma_wait3A_704] : memref<32x80xi32, #tpu.memory_space<vmem>> -> memref<1x80xi32, #tpu.memory_space<vmem>>
      %dma_wait3A_706 = tpu.memref_squeeze %dma_wait3A_705 : memref<1x80xi32, #tpu.memory_space<vmem>> -> memref<80xi32, #tpu.memory_space<vmem>>
      %dma_wait3A_707 = arith.constant 0 : i32
      %dma_wait3A_708 = arith.constant 0 : i32
      %dma_wait3A_709 = tpu.memref_slice %arg12[%dma_wait3A_707, %dma_wait3A_708] : memref<10240x128xf32, #tpu.memory_space<vmem_shared>> -> memref<10240x128xf32, #tpu.memory_space<vmem_shared>>
      tpu.wait_indirect_dma semaphore(%arg19 : memref<!tpu.dma_semaphore, #tpu.memory_space<semaphore_mem>>) src(%arg10 : memref<80x128xf32, #tpu.memory_space<vmem>>) dst(%dma_wait3A_709 : memref<10240x128xf32, #tpu.memory_space<vmem_shared>>)
      %add3A_710 = arith.constant 4 : i32
      %add3A_711 = arith.addi %mul3A_601, %add3A_710 : i32
      %add3A_712 = arith.constant 2 : i32
      %add3A_713 = arith.addi %add3A_711, %add3A_712 : i32
      %dma_start3A_714 = arith.constant 0 : i32
      %dma_start3A_715 = tpu.memref_slice %arg6[%add3A_713, %dma_start3A_714] : memref<32x80xi32, #tpu.memory_space<vmem>> -> memref<1x80xi32, #tpu.memory_space<vmem>>
      %dma_start3A_716 = tpu.memref_squeeze %dma_start3A_715 : memref<1x80xi32, #tpu.memory_space<vmem>> -> memref<80xi32, #tpu.memory_space<vmem>>
      %dma_start3A_717 = arith.constant 0 : i32
      %dma_start3A_718 = arith.constant 0 : i32
      %dma_start3A_719 = tpu.memref_slice %arg2[%dma_start3A_717, %dma_start3A_718] : memref<10016x128xf32, #tpu.memory_space<hbm>> -> memref<10016x128xf32, #tpu.memory_space<hbm>>
      tpu.enqueue_indirect_dma source(%dma_start3A_719 : memref<10016x128xf32, #tpu.memory_space<hbm>>) target(%arg10 : memref<80x128xf32, #tpu.memory_space<vmem>>) offsets(%dma_start3A_716 : memref<80xi32, #tpu.memory_space<vmem>>) semaphore(%arg15 : memref<!tpu.dma_semaphore, #tpu.memory_space<semaphore_mem>>)
      %add3A_720 = arith.constant 3 : i32
      %add3A_721 = arith.addi %mul3A_601, %add3A_720 : i32
      %dma_wait3A_722 = arith.constant 0 : i32
      %dma_wait3A_723 = tpu.memref_slice %arg7[%add3A_721, %dma_wait3A_722] : memref<32x80xi32, #tpu.memory_space<vmem>> -> memref<1x80xi32, #tpu.memory_space<vmem>>
      %dma_wait3A_724 = tpu.memref_squeeze %dma_wait3A_723 : memref<1x80xi32, #tpu.memory_space<vmem>> -> memref<80xi32, #tpu.memory_space<vmem>>
      %dma_wait3A_725 = arith.constant 0 : i32
      %dma_wait3A_726 = arith.constant 0 : i32
      %dma_wait3A_727 = tpu.memref_slice %arg12[%dma_wait3A_725, %dma_wait3A_726] : memref<10240x128xf32, #tpu.memory_space<vmem_shared>> -> memref<10240x128xf32, #tpu.memory_space<vmem_shared>>
      tpu.wait_indirect_dma semaphore(%arg20 : memref<!tpu.dma_semaphore, #tpu.memory_space<semaphore_mem>>) src(%arg11 : memref<80x128xf32, #tpu.memory_space<vmem>>) dst(%dma_wait3A_727 : memref<10240x128xf32, #tpu.memory_space<vmem_shared>>)
      %add3A_728 = arith.constant 4 : i32
      %add3A_729 = arith.addi %mul3A_601, %add3A_728 : i32
      %add3A_730 = arith.constant 3 : i32
      %add3A_731 = arith.addi %add3A_729, %add3A_730 : i32
      %dma_start3A_732 = arith.constant 0 : i32
      %dma_start3A_733 = tpu.memref_slice %arg6[%add3A_731, %dma_start3A_732] : memref<32x80xi32, #tpu.memory_space<vmem>> -> memref<1x80xi32, #tpu.memory_space<vmem>>
      %dma_start3A_734 = tpu.memref_squeeze %dma_start3A_733 : memref<1x80xi32, #tpu.memory_space<vmem>> -> memref<80xi32, #tpu.memory_space<vmem>>
      %dma_start3A_735 = arith.constant 0 : i32
      %dma_start3A_736 = arith.constant 0 : i32
      %dma_start3A_737 = tpu.memref_slice %arg2[%dma_start3A_735, %dma_start3A_736] : memref<10016x128xf32, #tpu.memory_space<hbm>> -> memref<10016x128xf32, #tpu.memory_space<hbm>>
      tpu.enqueue_indirect_dma source(%dma_start3A_737 : memref<10016x128xf32, #tpu.memory_space<hbm>>) target(%arg11 : memref<80x128xf32, #tpu.memory_space<vmem>>) offsets(%dma_start3A_734 : memref<80xi32, #tpu.memory_space<vmem>>) semaphore(%arg16 : memref<!tpu.dma_semaphore, #tpu.memory_space<semaphore_mem>>)
      %scan3A_738 = arith.constant 0 : i32
      scf.yield %scan3A_738 : i32
    }
    %scan3A_508 = arith.constant 7 : i32
    %dma_wait3A_509 = arith.constant 28 : i32
    %dma_wait3A_510 = arith.constant 0 : i32
    %dma_wait3A_511 = tpu.memref_slice %arg6[%dma_wait3A_509, %dma_wait3A_510] : memref<32x80xi32, #tpu.memory_space<vmem>> -> memref<1x80xi32, #tpu.memory_space<vmem>>
    %dma_wait3A_512 = tpu.memref_squeeze %dma_wait3A_511 : memref<1x80xi32, #tpu.memory_space<vmem>> -> memref<80xi32, #tpu.memory_space<vmem>>
    %dma_wait3A_513 = arith.constant 0 : i32
    %dma_wait3A_514 = arith.constant 0 : i32
    %dma_wait3A_515 = tpu.memref_slice %arg2[%dma_wait3A_513, %dma_wait3A_514] : memref<10016x128xf32, #tpu.memory_space<hbm>> -> memref<10016x128xf32, #tpu.memory_space<hbm>>
    tpu.wait_indirect_dma semaphore(%arg13 : memref<!tpu.dma_semaphore, #tpu.memory_space<semaphore_mem>>) src(%dma_wait3A_515 : memref<10016x128xf32, #tpu.memory_space<hbm>>) dst(%arg8 : memref<80x128xf32, #tpu.memory_space<vmem>>)
    %dma_start3A_516 = arith.constant 28 : i32
    %dma_start3A_517 = arith.constant 0 : i32
    %dma_start3A_518 = tpu.memref_slice %arg7[%dma_start3A_516, %dma_start3A_517] : memref<32x80xi32, #tpu.memory_space<vmem>> -> memref<1x80xi32, #tpu.memory_space<vmem>>
    %dma_start3A_519 = tpu.memref_squeeze %dma_start3A_518 : memref<1x80xi32, #tpu.memory_space<vmem>> -> memref<80xi32, #tpu.memory_space<vmem>>
    %dma_start3A_520 = arith.constant 0 : i32
    %dma_start3A_521 = arith.constant 0 : i32
    %dma_start3A_522 = tpu.memref_slice %arg12[%dma_start3A_520, %dma_start3A_521] : memref<10240x128xf32, #tpu.memory_space<vmem_shared>> -> memref<10240x128xf32, #tpu.memory_space<vmem_shared>>
    tpu.enqueue_indirect_dma source(%arg8 : memref<80x128xf32, #tpu.memory_space<vmem>>) target(%dma_start3A_522 : memref<10240x128xf32, #tpu.memory_space<vmem_shared>>) offsets(%dma_start3A_519 : memref<80xi32, #tpu.memory_space<vmem>>) semaphore(%arg17 : memref<!tpu.dma_semaphore, #tpu.memory_space<semaphore_mem>>) {add = true}
    %dma_wait3A_523 = arith.constant 29 : i32
    %dma_wait3A_524 = arith.constant 0 : i32
    %dma_wait3A_525 = tpu.memref_slice %arg6[%dma_wait3A_523, %dma_wait3A_524] : memref<32x80xi32, #tpu.memory_space<vmem>> -> memref<1x80xi32, #tpu.memory_space<vmem>>
    %dma_wait3A_526 = tpu.memref_squeeze %dma_wait3A_525 : memref<1x80xi32, #tpu.memory_space<vmem>> -> memref<80xi32, #tpu.memory_space<vmem>>
    %dma_wait3A_527 = arith.constant 0 : i32
    %dma_wait3A_528 = arith.constant 0 : i32
    %dma_wait3A_529 = tpu.memref_slice %arg2[%dma_wait3A_527, %dma_wait3A_528] : memref<10016x128xf32, #tpu.memory_space<hbm>> -> memref<10016x128xf32, #tpu.memory_space<hbm>>
    tpu.wait_indirect_dma semaphore(%arg14 : memref<!tpu.dma_semaphore, #tpu.memory_space<semaphore_mem>>) src(%dma_wait3A_529 : memref<10016x128xf32, #tpu.memory_space<hbm>>) dst(%arg9 : memref<80x128xf32, #tpu.memory_space<vmem>>)
    %dma_start3A_530 = arith.constant 29 : i32
    %dma_start3A_531 = arith.constant 0 : i32
    %dma_start3A_532 = tpu.memref_slice %arg7[%dma_start3A_530, %dma_start3A_531] : memref<32x80xi32, #tpu.memory_space<vmem>> -> memref<1x80xi32, #tpu.memory_space<vmem>>
    %dma_start3A_533 = tpu.memref_squeeze %dma_start3A_532 : memref<1x80xi32, #tpu.memory_space<vmem>> -> memref<80xi32, #tpu.memory_space<vmem>>
    %dma_start3A_534 = arith.constant 0 : i32
    %dma_start3A_535 = arith.constant 0 : i32
    %dma_start3A_536 = tpu.memref_slice %arg12[%dma_start3A_534, %dma_start3A_535] : memref<10240x128xf32, #tpu.memory_space<vmem_shared>> -> memref<10240x128xf32, #tpu.memory_space<vmem_shared>>
    tpu.enqueue_indirect_dma source(%arg9 : memref<80x128xf32, #tpu.memory_space<vmem>>) target(%dma_start3A_536 : memref<10240x128xf32, #tpu.memory_space<vmem_shared>>) offsets(%dma_start3A_533 : memref<80xi32, #tpu.memory_space<vmem>>) semaphore(%arg18 : memref<!tpu.dma_semaphore, #tpu.memory_space<semaphore_mem>>) {add = true}
    %dma_wait3A_537 = arith.constant 30 : i32
    %dma_wait3A_538 = arith.constant 0 : i32
    %dma_wait3A_539 = tpu.memref_slice %arg6[%dma_wait3A_537, %dma_wait3A_538] : memref<32x80xi32, #tpu.memory_space<vmem>> -> memref<1x80xi32, #tpu.memory_space<vmem>>
    %dma_wait3A_540 = tpu.memref_squeeze %dma_wait3A_539 : memref<1x80xi32, #tpu.memory_space<vmem>> -> memref<80xi32, #tpu.memory_space<vmem>>
    %dma_wait3A_541 = arith.constant 0 : i32
    %dma_wait3A_542 = arith.constant 0 : i32
    %dma_wait3A_543 = tpu.memref_slice %arg2[%dma_wait3A_541, %dma_wait3A_542] : memref<10016x128xf32, #tpu.memory_space<hbm>> -> memref<10016x128xf32, #tpu.memory_space<hbm>>
    tpu.wait_indirect_dma semaphore(%arg15 : memref<!tpu.dma_semaphore, #tpu.memory_space<semaphore_mem>>) src(%dma_wait3A_543 : memref<10016x128xf32, #tpu.memory_space<hbm>>) dst(%arg10 : memref<80x128xf32, #tpu.memory_space<vmem>>)
    %dma_start3A_544 = arith.constant 30 : i32
    %dma_start3A_545 = arith.constant 0 : i32
    %dma_start3A_546 = tpu.memref_slice %arg7[%dma_start3A_544, %dma_start3A_545] : memref<32x80xi32, #tpu.memory_space<vmem>> -> memref<1x80xi32, #tpu.memory_space<vmem>>
    %dma_start3A_547 = tpu.memref_squeeze %dma_start3A_546 : memref<1x80xi32, #tpu.memory_space<vmem>> -> memref<80xi32, #tpu.memory_space<vmem>>
    %dma_start3A_548 = arith.constant 0 : i32
    %dma_start3A_549 = arith.constant 0 : i32
    %dma_start3A_550 = tpu.memref_slice %arg12[%dma_start3A_548, %dma_start3A_549] : memref<10240x128xf32, #tpu.memory_space<vmem_shared>> -> memref<10240x128xf32, #tpu.memory_space<vmem_shared>>
    tpu.enqueue_indirect_dma source(%arg10 : memref<80x128xf32, #tpu.memory_space<vmem>>) target(%dma_start3A_550 : memref<10240x128xf32, #tpu.memory_space<vmem_shared>>) offsets(%dma_start3A_547 : memref<80xi32, #tpu.memory_space<vmem>>) semaphore(%arg19 : memref<!tpu.dma_semaphore, #tpu.memory_space<semaphore_mem>>) {add = true}
    %dma_wait3A_551 = arith.constant 31 : i32
    %dma_wait3A_552 = arith.constant 0 : i32
    %dma_wait3A_553 = tpu.memref_slice %arg6[%dma_wait3A_551, %dma_wait3A_552] : memref<32x80xi32, #tpu.memory_space<vmem>> -> memref<1x80xi32, #tpu.memory_space<vmem>>
    %dma_wait3A_554 = tpu.memref_squeeze %dma_wait3A_553 : memref<1x80xi32, #tpu.memory_space<vmem>> -> memref<80xi32, #tpu.memory_space<vmem>>
    %dma_wait3A_555 = arith.constant 0 : i32
    %dma_wait3A_556 = arith.constant 0 : i32
    %dma_wait3A_557 = tpu.memref_slice %arg2[%dma_wait3A_555, %dma_wait3A_556] : memref<10016x128xf32, #tpu.memory_space<hbm>> -> memref<10016x128xf32, #tpu.memory_space<hbm>>
    tpu.wait_indirect_dma semaphore(%arg16 : memref<!tpu.dma_semaphore, #tpu.memory_space<semaphore_mem>>) src(%dma_wait3A_557 : memref<10016x128xf32, #tpu.memory_space<hbm>>) dst(%arg11 : memref<80x128xf32, #tpu.memory_space<vmem>>)
    %dma_start3A_558 = arith.constant 31 : i32
    %dma_start3A_559 = arith.constant 0 : i32
    %dma_start3A_560 = tpu.memref_slice %arg7[%dma_start3A_558, %dma_start3A_559] : memref<32x80xi32, #tpu.memory_space<vmem>> -> memref<1x80xi32, #tpu.memory_space<vmem>>
    %dma_start3A_561 = tpu.memref_squeeze %dma_start3A_560 : memref<1x80xi32, #tpu.memory_space<vmem>> -> memref<80xi32, #tpu.memory_space<vmem>>
    %dma_start3A_562 = arith.constant 0 : i32
    %dma_start3A_563 = arith.constant 0 : i32
    %dma_start3A_564 = tpu.memref_slice %arg12[%dma_start3A_562, %dma_start3A_563] : memref<10240x128xf32, #tpu.memory_space<vmem_shared>> -> memref<10240x128xf32, #tpu.memory_space<vmem_shared>>
    tpu.enqueue_indirect_dma source(%arg11 : memref<80x128xf32, #tpu.memory_space<vmem>>) target(%dma_start3A_564 : memref<10240x128xf32, #tpu.memory_space<vmem_shared>>) offsets(%dma_start3A_561 : memref<80xi32, #tpu.memory_space<vmem>>) semaphore(%arg20 : memref<!tpu.dma_semaphore, #tpu.memory_space<semaphore_mem>>) {add = true}
    %dma_wait3A_565 = arith.constant 28 : i32
    %dma_wait3A_566 = arith.constant 0 : i32
    %dma_wait3A_567 = tpu.memref_slice %arg7[%dma_wait3A_565, %dma_wait3A_566] : memref<32x80xi32, #tpu.memory_space<vmem>> -> memref<1x80xi32, #tpu.memory_space<vmem>>
    %dma_wait3A_568 = tpu.memref_squeeze %dma_wait3A_567 : memref<1x80xi32, #tpu.memory_space<vmem>> -> memref<80xi32, #tpu.memory_space<vmem>>
    %dma_wait3A_569 = arith.constant 0 : i32
    %dma_wait3A_570 = arith.constant 0 : i32
    %dma_wait3A_571 = tpu.memref_slice %arg12[%dma_wait3A_569, %dma_wait3A_570] : memref<10240x128xf32, #tpu.memory_space<vmem_shared>> -> memref<10240x128xf32, #tpu.memory_space<vmem_shared>>
    tpu.wait_indirect_dma semaphore(%arg17 : memref<!tpu.dma_semaphore, #tpu.memory_space<semaphore_mem>>) src(%arg8 : memref<80x128xf32, #tpu.memory_space<vmem>>) dst(%dma_wait3A_571 : memref<10240x128xf32, #tpu.memory_space<vmem_shared>>)
    %dma_wait3A_572 = arith.constant 29 : i32
    %dma_wait3A_573 = arith.constant 0 : i32
    %dma_wait3A_574 = tpu.memref_slice %arg7[%dma_wait3A_572, %dma_wait3A_573] : memref<32x80xi32, #tpu.memory_space<vmem>> -> memref<1x80xi32, #tpu.memory_space<vmem>>
    %dma_wait3A_575 = tpu.memref_squeeze %dma_wait3A_574 : memref<1x80xi32, #tpu.memory_space<vmem>> -> memref<80xi32, #tpu.memory_space<vmem>>
    %dma_wait3A_576 = arith.constant 0 : i32
    %dma_wait3A_577 = arith.constant 0 : i32
    %dma_wait3A_578 = tpu.memref_slice %arg12[%dma_wait3A_576, %dma_wait3A_577] : memref<10240x128xf32, #tpu.memory_space<vmem_shared>> -> memref<10240x128xf32, #tpu.memory_space<vmem_shared>>
    tpu.wait_indirect_dma semaphore(%arg18 : memref<!tpu.dma_semaphore, #tpu.memory_space<semaphore_mem>>) src(%arg9 : memref<80x128xf32, #tpu.memory_space<vmem>>) dst(%dma_wait3A_578 : memref<10240x128xf32, #tpu.memory_space<vmem_shared>>)
    %dma_wait3A_579 = arith.constant 30 : i32
    %dma_wait3A_580 = arith.constant 0 : i32
    %dma_wait3A_581 = tpu.memref_slice %arg7[%dma_wait3A_579, %dma_wait3A_580] : memref<32x80xi32, #tpu.memory_space<vmem>> -> memref<1x80xi32, #tpu.memory_space<vmem>>
    %dma_wait3A_582 = tpu.memref_squeeze %dma_wait3A_581 : memref<1x80xi32, #tpu.memory_space<vmem>> -> memref<80xi32, #tpu.memory_space<vmem>>
    %dma_wait3A_583 = arith.constant 0 : i32
    %dma_wait3A_584 = arith.constant 0 : i32
    %dma_wait3A_585 = tpu.memref_slice %arg12[%dma_wait3A_583, %dma_wait3A_584] : memref<10240x128xf32, #tpu.memory_space<vmem_shared>> -> memref<10240x128xf32, #tpu.memory_space<vmem_shared>>
    tpu.wait_indirect_dma semaphore(%arg19 : memref<!tpu.dma_semaphore, #tpu.memory_space<semaphore_mem>>) src(%arg10 : memref<80x128xf32, #tpu.memory_space<vmem>>) dst(%dma_wait3A_585 : memref<10240x128xf32, #tpu.memory_space<vmem_shared>>)
    %dma_wait3A_586 = arith.constant 31 : i32
    %dma_wait3A_587 = arith.constant 0 : i32
    %dma_wait3A_588 = tpu.memref_slice %arg7[%dma_wait3A_586, %dma_wait3A_587] : memref<32x80xi32, #tpu.memory_space<vmem>> -> memref<1x80xi32, #tpu.memory_space<vmem>>
    %dma_wait3A_589 = tpu.memref_squeeze %dma_wait3A_588 : memref<1x80xi32, #tpu.memory_space<vmem>> -> memref<80xi32, #tpu.memory_space<vmem>>
    %dma_wait3A_590 = arith.constant 0 : i32
    %dma_wait3A_591 = arith.constant 0 : i32
    %dma_wait3A_592 = tpu.memref_slice %arg12[%dma_wait3A_590, %dma_wait3A_591] : memref<10240x128xf32, #tpu.memory_space<vmem_shared>> -> memref<10240x128xf32, #tpu.memory_space<vmem_shared>>
    tpu.wait_indirect_dma semaphore(%arg20 : memref<!tpu.dma_semaphore, #tpu.memory_space<semaphore_mem>>) src(%arg11 : memref<80x128xf32, #tpu.memory_space<vmem>>) dst(%dma_wait3A_592 : memref<10240x128xf32, #tpu.memory_space<vmem_shared>>)
    %barrier3A_593 = arith.constant 0 : index
    tpu.barrier barrier_id(%barrier3A_593)
    %mul3A_594 = arith.constant 640 : i32
    %mul3A_595 = arith.muli %arg1, %mul3A_594 : i32
    %mul3A_596 = arith.constant 640 : i32
    %mul3A_597 = arith.muli %arg1, %mul3A_596 : i32
    "tpu.region"() ({
      %run_scoped3A = tpu.sem_alloc : memref<!tpu.dma_semaphore, #tpu.memory_space<semaphore_mem>>
      %dma_start3A_598 = arith.constant 0 : i32
      %dma_start3A_599 = tpu.memref_slice %arg5[%arg0, %mul3A_597, %dma_start3A_598] : memref<2x10240x128xf32, #tpu.memory_space<hbm>> -> memref<1x640x128xf32, #tpu.memory_space<hbm>>
      %dma_start3A_600 = tpu.memref_squeeze %dma_start3A_599 : memref<1x640x128xf32, #tpu.memory_space<hbm>> -> memref<640x128xf32, #tpu.memory_space<hbm>>
      %dma_start3A_601 = arith.constant 0 : i32
      %dma_start3A_602 = tpu.memref_slice %arg12[%mul3A_595, %dma_start3A_601] : memref<10240x128xf32, #tpu.memory_space<vmem_shared>> -> memref<640x128xf32, #tpu.memory_space<vmem_shared>>
      tpu.enqueue_dma source(%dma_start3A_602 : memref<640x128xf32, #tpu.memory_space<vmem_shared>>) target(%dma_start3A_600 : memref<640x128xf32, #tpu.memory_space<hbm>>) target_semaphore(%run_scoped3A : memref<!tpu.dma_semaphore, #tpu.memory_space<semaphore_mem>>)
      %dma_wait3A_603 = arith.constant 0 : i32
      %dma_wait3A_604 = tpu.memref_slice %arg5[%arg0, %mul3A_597, %dma_wait3A_603] : memref<2x10240x128xf32, #tpu.memory_space<hbm>> -> memref<1x640x128xf32, #tpu.memory_space<hbm>>
      %dma_wait3A_605 = tpu.memref_squeeze %dma_wait3A_604 : memref<1x640x128xf32, #tpu.memory_space<hbm>> -> memref<640x128xf32, #tpu.memory_space<hbm>>
      %dma_wait3A_606 = arith.constant 0 : i32
      %dma_wait3A_607 = tpu.memref_slice %arg12[%mul3A_595, %dma_wait3A_606] : memref<10240x128xf32, #tpu.memory_space<vmem_shared>> -> memref<640x128xf32, #tpu.memory_space<vmem_shared>>
      tpu.wait_dma2 semaphore(%run_scoped3A : memref<!tpu.dma_semaphore, #tpu.memory_space<semaphore_mem>>) src(%dma_wait3A_607 : memref<640x128xf32, #tpu.memory_space<vmem_shared>>) dst(%dma_wait3A_605 : memref<640x128xf32, #tpu.memory_space<hbm>>)
      tpu.yield
    }) : () -> ()
    return
  }
}

module attributes {stable_mosaic.version = 14 : i64} {
  func.func @_stage_a_body(%arg0: i32, %arg1: memref<2x10240xf32, #tpu.memory_space<vmem>>, %arg2: memref<2048x128xf32, #tpu.memory_space<vmem>>, %arg3: memref<128x128xf32, #tpu.memory_space<vmem>>, %arg4: memref<2048x128xf32, #tpu.memory_space<vmem>>) attributes {dimension_semantics = [#tpu.dimension_semantics<arbitrary>], iteration_bounds = array<i64: 5>, scalar_prefetch = 0 : i64, scratch_operands = 0 : i64, tpu.core_type = #tpu.core_type<tc>, window_params = [{pipeline_mode = #tpu.pipeline_mode<synchronous>, transform_indices = @transform_0, window_bounds = array<i64: 2, 10240>}, {transform_indices = @transform_1, window_bounds = array<i64: 2048, 128>}, {pipeline_mode = #tpu.pipeline_mode<synchronous>, transform_indices = @transform_2, window_bounds = array<i64: 128, 128>}, {transform_indices = @transform_3, window_bounds = array<i64: 2048, 128>}]} {
    %mul3A = arith.constant 2048 : i32
    %mul3A_0 = arith.muli %arg0, %mul3A : i32
    %multiple_of3A = tpu.assume_multiple %mul3A_0, 128 : i32
    %get3A = arith.constant 0 : index
    %get3A_1 = arith.index_cast %multiple_of3A : i32 to index
    %get3A_2 = vector.load %arg1[%get3A, %get3A_1] : memref<2x10240xf32, #tpu.memory_space<vmem>>, vector<1x2048xf32>
    %get3A_3 = vector.shape_cast %get3A_2 : vector<1x2048xf32> to vector<2048xf32>
    %get3A_4 = arith.constant 1 : index
    %get3A_5 = arith.index_cast %multiple_of3A : i32 to index
    %get3A_6 = vector.load %arg1[%get3A_4, %get3A_5] : memref<2x10240xf32, #tpu.memory_space<vmem>>, vector<1x2048xf32>
    %get3A_7 = vector.shape_cast %get3A_6 : vector<1x2048xf32> to vector<2048xf32>
    %add3A = arith.addf %get3A_3, %get3A_7 : vector<2048xf32>
    %add3A_8 = arith.constant 1.000000e+00 : f32
    %add3A_9 = vector.broadcast %add3A_8 : f32 to vector<2048xf32>
    %add3A_10 = arith.addf %add3A, %add3A_9 : vector<2048xf32>
    %rsqrt3A = math.rsqrt %add3A_10 : vector<2048xf32>
    %get3A_11 = arith.constant 0 : index
    %get3A_12 = arith.constant 0 : index
    %get3A_13 = vector.load %arg2[%get3A_11, %get3A_12] : memref<2048x128xf32, #tpu.memory_space<vmem>>, vector<2048x128xf32>
    %get3A_14 = arith.constant 0 : index
    %get3A_15 = arith.constant 0 : index
    %get3A_16 = vector.load %arg3[%get3A_14, %get3A_15] : memref<128x128xf32, #tpu.memory_space<vmem>>, vector<128x128xf32>
    %dot_general3A = arith.constant dense<0.000000e+00> : vector<2048x128xf32>
    %dot_general3A_17 = tpu.matmul %get3A_13, %get3A_16, %dot_general3A {dimension_numbers = #tpu.dot_dimension_numbers<[1], [0], [0], [1], [0, 0, 1, 1], [], []>, transpose_lhs_hint = false} : vector<2048x128xf32>, vector<128x128xf32>, vector<2048x128xf32> -> vector<2048x128xf32>
    %broadcast_in_dim3A = vector.shape_cast %rsqrt3A : vector<2048xf32> to vector<2048x1xf32>
    %mul3A_18 = vector.broadcast %broadcast_in_dim3A : vector<2048x1xf32> to vector<2048x128xf32>
    %mul3A_19 = arith.mulf %mul3A_18, %dot_general3A_17 : vector<2048x128xf32>
    %mul3A_20 = arith.constant 2048 : i32
    %mul3A_21 = arith.muli %arg0, %mul3A_20 : i32
    %iota3A = tpu.iota {dimensions = array<i32: 0>} : vector<2048x1xi32>
    %add3A_22 = vector.broadcast %mul3A_21 : i32 to vector<2048x1xi32>
    %add3A_23 = arith.addi %add3A_22, %iota3A : vector<2048x1xi32>
    %lt3A = arith.constant 10000 : i32
    %lt3A_24 = vector.broadcast %lt3A : i32 to vector<2048x1xi32>
    %lt3A_25 = arith.cmpi slt, %add3A_23, %lt3A_24 : vector<2048x1xi32>
    %jit3A = arith.constant 0.000000e+00 : f32
    %broadcast_in_dim3A_26 = vector.shape_cast %lt3A_25 : vector<2048x1xi1> to vector<2048x1xi1>
    %broadcast_in_dim3A_27 = vector.broadcast %broadcast_in_dim3A_26 : vector<2048x1xi1> to vector<2048x128xi1>
    %broadcast_in_dim3A_28 = vector.broadcast %jit3A : f32 to vector<2048x128xf32>
    %select_n3A = arith.select %broadcast_in_dim3A_27, %mul3A_19, %broadcast_in_dim3A_28 : vector<2048x128xi1>, vector<2048x128xf32>
    %swap3A = arith.constant 0 : index
    %swap3A_29 = arith.constant 0 : index
    %swap3A_30 = vector.load %arg4[%swap3A, %swap3A_29] : memref<2048x128xf32, #tpu.memory_space<vmem>>, vector<2048x128xf32>
    tpu.vector_store %arg4[%swap3A, %swap3A_29], %select_n3A {strides = array<i32>} : memref<2048x128xf32, #tpu.memory_space<vmem>>, vector<2048x128xf32>,
    return
  }
  func.func @transform_0(%arg0: i32) -> (i32, i32) {
    %c0_i32 = arith.constant 0 : i32
    %c0_i32_0 = arith.constant 0 : i32
    %c0_i32_1 = arith.constant 0 : i32
    return %c0_i32, %c0_i32_0 : i32, i32
  }
  func.func @transform_1(%arg0: i32) -> (i32, i32) {
    %c0_i32 = arith.constant 0 : i32
    %c0_i32_0 = arith.constant 0 : i32
    return %arg0, %c0_i32 : i32, i32
  }
  func.func @transform_2(%arg0: i32) -> (i32, i32) {
    %c0_i32 = arith.constant 0 : i32
    %c0_i32_0 = arith.constant 0 : i32
    %c0_i32_1 = arith.constant 0 : i32
    return %c0_i32, %c0_i32_0 : i32, i32
  }
  func.func @transform_3(%arg0: i32) -> (i32, i32) {
    %c0_i32 = arith.constant 0 : i32
    %c0_i32_0 = arith.constant 0 : i32
    return %arg0, %c0_i32 : i32, i32
  }
}

module attributes {stable_mosaic.version = 14 : i64} {
  func.func @_stage_b_body(%arg0: i32, %arg1: memref<2x10240xf32, #tpu.memory_space<vmem>>, %arg2: memref<2x2048x128xf32, #tpu.memory_space<vmem>>, %arg3: memref<2048x128xf32, #tpu.memory_space<vmem>>, %arg4: memref<1x128xf32, #tpu.memory_space<vmem>>, %arg5: memref<128x128xf32, #tpu.memory_space<vmem>>, %arg6: memref<2048x128xf32, #tpu.memory_space<vmem>>) attributes {dimension_semantics = [#tpu.dimension_semantics<arbitrary>], iteration_bounds = array<i64: 5>, scalar_prefetch = 0 : i64, scratch_operands = 0 : i64, tpu.core_type = #tpu.core_type<tc>, window_params = [{pipeline_mode = #tpu.pipeline_mode<synchronous>, transform_indices = @transform_0, window_bounds = array<i64: 2, 10240>}, {transform_indices = @transform_1, window_bounds = array<i64: 2, 2048, 128>}, {transform_indices = @transform_2, window_bounds = array<i64: 2048, 128>}, {pipeline_mode = #tpu.pipeline_mode<synchronous>, transform_indices = @transform_3, window_bounds = array<i64: 1, 128>}, {pipeline_mode = #tpu.pipeline_mode<synchronous>, transform_indices = @transform_4, window_bounds = array<i64: 128, 128>}, {transform_indices = @transform_5, window_bounds = array<i64: 2048, 128>}]} {
    %mul3A = arith.constant 2048 : i32
    %mul3A_0 = arith.muli %arg0, %mul3A : i32
    %multiple_of3A = tpu.assume_multiple %mul3A_0, 128 : i32
    %get3A = arith.constant 0 : index
    %get3A_1 = arith.index_cast %multiple_of3A : i32 to index
    %get3A_2 = vector.load %arg1[%get3A, %get3A_1] : memref<2x10240xf32, #tpu.memory_space<vmem>>, vector<1x2048xf32>
    %get3A_3 = vector.shape_cast %get3A_2 : vector<1x2048xf32> to vector<2048xf32>
    %get3A_4 = arith.constant 1 : index
    %get3A_5 = arith.index_cast %multiple_of3A : i32 to index
    %get3A_6 = vector.load %arg1[%get3A_4, %get3A_5] : memref<2x10240xf32, #tpu.memory_space<vmem>>, vector<1x2048xf32>
    %get3A_7 = vector.shape_cast %get3A_6 : vector<1x2048xf32> to vector<2048xf32>
    %add3A = arith.addf %get3A_3, %get3A_7 : vector<2048xf32>
    %add3A_8 = arith.constant 1.000000e+00 : f32
    %add3A_9 = vector.broadcast %add3A_8 : f32 to vector<2048xf32>
    %add3A_10 = arith.addf %add3A, %add3A_9 : vector<2048xf32>
    %rsqrt3A = math.rsqrt %add3A_10 : vector<2048xf32>
    %get3A_11 = arith.constant 0 : index
    %get3A_12 = arith.constant 0 : index
    %get3A_13 = arith.constant 0 : index
    %get3A_14 = vector.load %arg2[%get3A_11, %get3A_12, %get3A_13] : memref<2x2048x128xf32, #tpu.memory_space<vmem>>, vector<1x2048x128xf32>
    %get3A_15 = vector.shape_cast %get3A_14 : vector<1x2048x128xf32> to vector<2048x128xf32>
    %get3A_16 = arith.constant 1 : index
    %get3A_17 = arith.constant 0 : index
    %get3A_18 = arith.constant 0 : index
    %get3A_19 = vector.load %arg2[%get3A_16, %get3A_17, %get3A_18] : memref<2x2048x128xf32, #tpu.memory_space<vmem>>, vector<1x2048x128xf32>
    %get3A_20 = vector.shape_cast %get3A_19 : vector<1x2048x128xf32> to vector<2048x128xf32>
    %add3A_21 = arith.addf %get3A_15, %get3A_20 : vector<2048x128xf32>
    %get3A_22 = arith.constant 0 : index
    %get3A_23 = arith.constant 0 : index
    %get3A_24 = vector.load %arg3[%get3A_22, %get3A_23] : memref<2048x128xf32, #tpu.memory_space<vmem>>, vector<2048x128xf32>
    %add3A_25 = arith.addf %add3A_21, %get3A_24 : vector<2048x128xf32>
    %broadcast_in_dim3A = vector.shape_cast %rsqrt3A : vector<2048xf32> to vector<2048x1xf32>
    %mul3A_26 = vector.broadcast %broadcast_in_dim3A : vector<2048x1xf32> to vector<2048x128xf32>
    %mul3A_27 = arith.mulf %mul3A_26, %add3A_25 : vector<2048x128xf32>
    %get3A_28 = arith.constant 0 : index
    %get3A_29 = arith.constant 0 : index
    %get3A_30 = vector.load %arg4[%get3A_28, %get3A_29] : memref<1x128xf32, #tpu.memory_space<vmem>>, vector<1x128xf32>
    %add3A_31 = vector.broadcast %get3A_30 : vector<1x128xf32> to vector<2048x128xf32>
    %add3A_32 = arith.addf %mul3A_27, %add3A_31 : vector<2048x128xf32>
    %max3A = arith.constant 0.000000e+00 : f32
    %max3A_33 = vector.broadcast %max3A : f32 to vector<2048x128xf32>
    %max3A_34 = arith.maximumf %add3A_32, %max3A_33 : vector<2048x128xf32>
    %broadcast_in_dim3A_35 = vector.shape_cast %rsqrt3A : vector<2048xf32> to vector<2048x1xf32>
    %get3A_36 = arith.constant 0 : index
    %get3A_37 = arith.constant 0 : index
    %get3A_38 = vector.load %arg5[%get3A_36, %get3A_37] : memref<128x128xf32, #tpu.memory_space<vmem>>, vector<128x128xf32>
    %dot_general3A = arith.constant dense<0.000000e+00> : vector<2048x128xf32>
    %dot_general3A_39 = tpu.matmul %max3A_34, %get3A_38, %dot_general3A {dimension_numbers = #tpu.dot_dimension_numbers<[1], [0], [0], [1], [0, 0, 1, 1], [], []>, transpose_lhs_hint = false} : vector<2048x128xf32>, vector<128x128xf32>, vector<2048x128xf32> -> vector<2048x128xf32>
    %mul3A_40 = vector.broadcast %broadcast_in_dim3A_35 : vector<2048x1xf32> to vector<2048x128xf32>
    %mul3A_41 = arith.mulf %mul3A_40, %dot_general3A_39 : vector<2048x128xf32>
    %mul3A_42 = arith.constant 2048 : i32
    %mul3A_43 = arith.muli %arg0, %mul3A_42 : i32
    %iota3A = tpu.iota {dimensions = array<i32: 0>} : vector<2048x1xi32>
    %add3A_44 = vector.broadcast %mul3A_43 : i32 to vector<2048x1xi32>
    %add3A_45 = arith.addi %add3A_44, %iota3A : vector<2048x1xi32>
    %lt3A = arith.constant 10000 : i32
    %lt3A_46 = vector.broadcast %lt3A : i32 to vector<2048x1xi32>
    %lt3A_47 = arith.cmpi slt, %add3A_45, %lt3A_46 : vector<2048x1xi32>
    %jit3A = arith.constant 0.000000e+00 : f32
    %broadcast_in_dim3A_48 = vector.shape_cast %lt3A_47 : vector<2048x1xi1> to vector<2048x1xi1>
    %broadcast_in_dim3A_49 = vector.broadcast %broadcast_in_dim3A_48 : vector<2048x1xi1> to vector<2048x128xi1>
    %broadcast_in_dim3A_50 = vector.broadcast %jit3A : f32 to vector<2048x128xf32>
    %select_n3A = arith.select %broadcast_in_dim3A_49, %mul3A_41, %broadcast_in_dim3A_50 : vector<2048x128xi1>, vector<2048x128xf32>
    %swap3A = arith.constant 0 : index
    %swap3A_51 = arith.constant 0 : index
    %swap3A_52 = vector.load %arg6[%swap3A, %swap3A_51] : memref<2048x128xf32, #tpu.memory_space<vmem>>, vector<2048x128xf32>
    tpu.vector_store %arg6[%swap3A, %swap3A_51], %select_n3A {strides = array<i32>} : memref<2048x128xf32, #tpu.memory_space<vmem>>, vector<2048x128xf32>,
    return
  }
  func.func @transform_0(%arg0: i32) -> (i32, i32) {
    %c0_i32 = arith.constant 0 : i32
    %c0_i32_0 = arith.constant 0 : i32
    %c0_i32_1 = arith.constant 0 : i32
    return %c0_i32, %c0_i32_0 : i32, i32
  }
  func.func @transform_1(%arg0: i32) -> (i32, i32, i32) {
    %c0_i32 = arith.constant 0 : i32
    %c0_i32_0 = arith.constant 0 : i32
    %c0_i32_1 = arith.constant 0 : i32
    return %c0_i32, %arg0, %c0_i32_0 : i32, i32, i32
  }
  func.func @transform_2(%arg0: i32) -> (i32, i32) {
    %c0_i32 = arith.constant 0 : i32
    %c0_i32_0 = arith.constant 0 : i32
    return %arg0, %c0_i32 : i32, i32
  }
  func.func @transform_3(%arg0: i32) -> (i32, i32) {
    %c0_i32 = arith.constant 0 : i32
    %c0_i32_0 = arith.constant 0 : i32
    %c0_i32_1 = arith.constant 0 : i32
    return %c0_i32, %c0_i32_0 : i32, i32
  }
  func.func @transform_4(%arg0: i32) -> (i32, i32) {
    %c0_i32 = arith.constant 0 : i32
    %c0_i32_0 = arith.constant 0 : i32
    %c0_i32_1 = arith.constant 0 : i32
    return %c0_i32, %c0_i32_0 : i32, i32
  }
  func.func @transform_5(%arg0: i32) -> (i32, i32) {
    %c0_i32 = arith.constant 0 : i32
    %c0_i32_0 = arith.constant 0 : i32
    return %arg0, %c0_i32 : i32, i32
  }
}

module attributes {stable_mosaic.version = 14 : i64} {
  func.func @_stage_c_body(%arg0: i32, %arg1: memref<2x10240xf32, #tpu.memory_space<vmem>>, %arg2: memref<2x2048x128xf32, #tpu.memory_space<vmem>>, %arg3: memref<2048x128xf32, #tpu.memory_space<vmem>>, %arg4: memref<1x128xf32, #tpu.memory_space<vmem>>, %arg5: memref<2048x128xf32, #tpu.memory_space<vmem>>) attributes {dimension_semantics = [#tpu.dimension_semantics<arbitrary>], iteration_bounds = array<i64: 5>, scalar_prefetch = 0 : i64, scratch_operands = 0 : i64, tpu.core_type = #tpu.core_type<tc>, window_params = [{pipeline_mode = #tpu.pipeline_mode<synchronous>, transform_indices = @transform_0, window_bounds = array<i64: 2, 10240>}, {transform_indices = @transform_1, window_bounds = array<i64: 2, 2048, 128>}, {transform_indices = @transform_2, window_bounds = array<i64: 2048, 128>}, {pipeline_mode = #tpu.pipeline_mode<synchronous>, transform_indices = @transform_3, window_bounds = array<i64: 1, 128>}, {transform_indices = @transform_4, window_bounds = array<i64: 2048, 128>}]} {
    %mul3A = arith.constant 2048 : i32
    %mul3A_0 = arith.muli %arg0, %mul3A : i32
    %multiple_of3A = tpu.assume_multiple %mul3A_0, 128 : i32
    %get3A = arith.constant 0 : index
    %get3A_1 = arith.index_cast %multiple_of3A : i32 to index
    %get3A_2 = vector.load %arg1[%get3A, %get3A_1] : memref<2x10240xf32, #tpu.memory_space<vmem>>, vector<1x2048xf32>
    %get3A_3 = vector.shape_cast %get3A_2 : vector<1x2048xf32> to vector<2048xf32>
    %get3A_4 = arith.constant 1 : index
    %get3A_5 = arith.index_cast %multiple_of3A : i32 to index
    %get3A_6 = vector.load %arg1[%get3A_4, %get3A_5] : memref<2x10240xf32, #tpu.memory_space<vmem>>, vector<1x2048xf32>
    %get3A_7 = vector.shape_cast %get3A_6 : vector<1x2048xf32> to vector<2048xf32>
    %add3A = arith.addf %get3A_3, %get3A_7 : vector<2048xf32>
    %add3A_8 = arith.constant 1.000000e+00 : f32
    %add3A_9 = vector.broadcast %add3A_8 : f32 to vector<2048xf32>
    %add3A_10 = arith.addf %add3A, %add3A_9 : vector<2048xf32>
    %rsqrt3A = math.rsqrt %add3A_10 : vector<2048xf32>
    %get3A_11 = arith.constant 0 : index
    %get3A_12 = arith.constant 0 : index
    %get3A_13 = arith.constant 0 : index
    %get3A_14 = vector.load %arg2[%get3A_11, %get3A_12, %get3A_13] : memref<2x2048x128xf32, #tpu.memory_space<vmem>>, vector<1x2048x128xf32>
    %get3A_15 = vector.shape_cast %get3A_14 : vector<1x2048x128xf32> to vector<2048x128xf32>
    %get3A_16 = arith.constant 1 : index
    %get3A_17 = arith.constant 0 : index
    %get3A_18 = arith.constant 0 : index
    %get3A_19 = vector.load %arg2[%get3A_16, %get3A_17, %get3A_18] : memref<2x2048x128xf32, #tpu.memory_space<vmem>>, vector<1x2048x128xf32>
    %get3A_20 = vector.shape_cast %get3A_19 : vector<1x2048x128xf32> to vector<2048x128xf32>
    %add3A_21 = arith.addf %get3A_15, %get3A_20 : vector<2048x128xf32>
    %get3A_22 = arith.constant 0 : index
    %get3A_23 = arith.constant 0 : index
    %get3A_24 = vector.load %arg3[%get3A_22, %get3A_23] : memref<2048x128xf32, #tpu.memory_space<vmem>>, vector<2048x128xf32>
    %add3A_25 = arith.addf %add3A_21, %get3A_24 : vector<2048x128xf32>
    %broadcast_in_dim3A = vector.shape_cast %rsqrt3A : vector<2048xf32> to vector<2048x1xf32>
    %mul3A_26 = vector.broadcast %broadcast_in_dim3A : vector<2048x1xf32> to vector<2048x128xf32>
    %mul3A_27 = arith.mulf %mul3A_26, %add3A_25 : vector<2048x128xf32>
    %get3A_28 = arith.constant 0 : index
    %get3A_29 = arith.constant 0 : index
    %get3A_30 = vector.load %arg4[%get3A_28, %get3A_29] : memref<1x128xf32, #tpu.memory_space<vmem>>, vector<1x128xf32>
    %add3A_31 = vector.broadcast %get3A_30 : vector<1x128xf32> to vector<2048x128xf32>
    %add3A_32 = arith.addf %mul3A_27, %add3A_31 : vector<2048x128xf32>
    %swap3A = arith.constant 0 : index
    %swap3A_33 = arith.constant 0 : index
    %swap3A_34 = vector.load %arg5[%swap3A, %swap3A_33] : memref<2048x128xf32, #tpu.memory_space<vmem>>, vector<2048x128xf32>
    tpu.vector_store %arg5[%swap3A, %swap3A_33], %add3A_32 {strides = array<i32>} : memref<2048x128xf32, #tpu.memory_space<vmem>>, vector<2048x128xf32>,
    return
  }
  func.func @transform_0(%arg0: i32) -> (i32, i32) {
    %c0_i32 = arith.constant 0 : i32
    %c0_i32_0 = arith.constant 0 : i32
    %c0_i32_1 = arith.constant 0 : i32
    return %c0_i32, %c0_i32_0 : i32, i32
  }
  func.func @transform_1(%arg0: i32) -> (i32, i32, i32) {
    %c0_i32 = arith.constant 0 : i32
    %c0_i32_0 = arith.constant 0 : i32
    %c0_i32_1 = arith.constant 0 : i32
    return %c0_i32, %arg0, %c0_i32_0 : i32, i32, i32
  }
  func.func @transform_2(%arg0: i32) -> (i32, i32) {
    %c0_i32 = arith.constant 0 : i32
    %c0_i32_0 = arith.constant 0 : i32
    return %arg0, %c0_i32 : i32, i32
  }
  func.func @transform_3(%arg0: i32) -> (i32, i32) {
    %c0_i32 = arith.constant 0 : i32
    %c0_i32_0 = arith.constant 0 : i32
    %c0_i32_1 = arith.constant 0 : i32
    return %c0_i32, %c0_i32_0 : i32, i32
  }
  func.func @transform_4(%arg0: i32) -> (i32, i32) {
    %c0_i32 = arith.constant 0 : i32
    %c0_i32_0 = arith.constant 0 : i32
    return %arg0, %c0_i32 : i32, i32
  }
}

</mosaic_0001>

<sc_bundles>
// kernel: kernel.11.cloned.1.call-start
scs
__scs_entry_jumppad:
0x0: {  	(pc) =	sbr.rel $0x88, $3  }
0x1: {  	(tag) =	ssettag $0x0;
	lr =	simm.s32 $0x1  }
0x2: {  	[smem:$0x3F9B] =	sst lr;
	_ =	strace $0xD0000000  }
0x3: {  	_ = 	snop  }
0x4: {  	_ = 	snop  }
0x5: {  	_ = 	snop  }
0x6: {  	_ = 	snop  }
0x7: {  	_ = 	snop  }
__scs_overlays_trampoline_lowered:
0x8: {  	[smem:$0x3FAA] =	sst s0  }
0x9: {  	[smem:$0x3FAB] =	sst s1  }
0xa: {  	[smem:$0x3FAC] =	sst s2  }
0xb: {  	[smem:$0x3FAD] =	sst s3  }
0xc: {  	[smem:$0x3FAE] =	sst s4  }
0xd: {  	[smem:$0x3FAF] =	sst s5  }
0xe: {  	[smem:$0x3FB0] =	sst s6  }
0xf: {  	[smem:$0x3FB1] =	sst s7  }
0x10: {  	[smem:$0x3FB2] =	sst s8  }
0x11: {  	[smem:$0x3FB3] =	sst s9;
	s0 =	simm.s32 @!p0 $0x0  }
0x12: {  	s1 =	sld [smem:$0x3F99];
	s0 =	simm.s32 @p0 $0x1  }
0x13: {  	[smem:$0x3FB4] =	sst s0;
	s0 =	simm.s32 @!p1 $0x0  }
0x14: {  	s2 =	sld [smem:$0x3F98];
	s0 =	simm.s32 @p1 $0x1  }
0x15: {  	[smem:$0x3FB5] =	sst s0;
	s0 =	simm.s32 @!p2 $0x0  }
0x16: {  	s3 =	sld [smem:$0x3FDB];
	s0 =	simm.s32 @p2 $0x1  }
0x17: {  	s4 =	simm.s32 $0x1BF5;
	[smem:$0x3FB7] =	sst s0  }
0x18: {  	s0 =	sld [smem:$0x3F9A];
	_ =	swait.ge [sflag:s4], $0x0  }
0x19: {  	s7 =	sld [smem:$0x3F9B]  }
0x1a: {  	s8 =	sadd.s32 $0xFFFFE003, lr  }
0x1b: {  	s9 =	sadd.s32 $0xFFFFFEF7, lr;
	s5 =	simm.s32 $0xFFFFFFFF;
	p2 =	slt.u32 s8, $0xFFFFF086  }
0x1c: {  	p1 =	slt.u32 s9, $0xF7A;
	s5 =	simm.s32 @!p2 $0x0  }
0x1d: {  	s5 =	simm.s32 @p1 $0x1;
	p0 =	seq.s32 s7, s2  }
0x1e: {  	s7 =	smul.u32 @!p0 $0xF7A, s2;
	p2 =	seq.s32 @!p0 s5, $0x0  }
0x1f: {  	s9 =	smul.u32 $0xF7A, s1;
	s8 =	simm.s32 @!p0 $0x1BF5;
	p2 =	por !p2, p0  }
0x20: {  	[sflag:s8] =	ssyncset.s32 @!p0 $0xFFFFF086;
	s6 =	sadd.s32 @!p0 s3, s7;
	s7 =	simm.s32 @!p0 $0x108  }
0x21: {  	s3 =	sadd.s32 s3, s9;
	s6 =	sadd.s32 @!p0 $0x88, s6;
	s7 =	simm.s32 @p2 $0x1082  }
0x22: {  	[simem:s7], [sflag:s8] =	dma.local @!p0 [hbm:s6], $0xF7A  }
0x23: {  	s9 =	sor.u32 $0xD0000000, s2;
	s6 =	simm.s32 $0x108;
	_ =	swait.ge @!p0 [sflag:s8], $0x0  }
0x24: {  	s3 =	sadd.s32 $0x88, s3;
	s6 =	simm.s32 @!p1 $0x1082;
	[sflag:s4] =	ssyncset.s32 $0xFFFFF086  }
0x25: {  	[simem:s6], [sflag:s4] =	dma.local [hbm:s3], $0xF7A  }
0x26: {  	[smem:$0x3F9B] =	sst s1;
	(tag) =	ssettag s2;
	_ =	strace s9  }
0x27: {  	s1 =	sld [smem:$0x3FAB]  }
0x28: {  	s2 =	sld [smem:$0x3FAC]  }
0x29: {  	s4 =	sld [smem:$0x3FAE]  }
0x2a: {  	p0 =	seq.s32 s5, $0x0;
	s5 =	sld [smem:$0x3FAF]  }
0x2b: {  	s6 =	sld [smem:$0x3FB0]  }
0x2c: {  	s7 =	sld [smem:$0x3FB1]  }
0x2d: {  	s3 =	simm.s32 $0x108;
	s8 =	sld [smem:$0x3FB2]  }
0x2e: {  	s3 =	simm.s32 @!p0 $0x1082;
	s9 =	sld [smem:$0x3FB3]  }
0x2f: {  	lr =	sadd.s32 s0, s3;
	s0 =	sld [smem:$0x3FAA]  }
0x30: {  	s3 =	sld [smem:$0x3FAD]  }
0x31: {  	[smem:$0x3FB6] =	sst s10  }
0x32: {  	s10 =	sld [smem:$0x3FB4];
	_ =	sdelay $0x3  }
0x33: {  	p0 =	seq.s32 s10, $0x1;
	s10 =	sld [smem:$0x3FB6];
	_ =	sdelay $0x3  }
0x34: {  	[smem:$0x3FB6] =	sst s10  }
0x35: {  	s10 =	sld [smem:$0x3FB5];
	_ =	sdelay $0x3  }
0x36: {  	p1 =	seq.s32 s10, $0x1;
	s10 =	sld [smem:$0x3FB6];
	_ =	sdelay $0x3  }
0x37: {  	[smem:$0x3FB6] =	sst s10  }
0x38: {  	s10 =	sld [smem:$0x3FB7]  }
0x39: {  	_ = 	snop;
	(pc) =	sbr.ind lr, $3  }
0x3a: {  	_ = 	snop  }
0x3b: {  	_ = 	snop  }
0x3c: {  	p2 =	seq.s32 s10, $0x1;
	s10 =	sld [smem:$0x3FB6]  }
0x3d: {  	_ =	shalt  }
0x3e: {  	_ =	shalt  }
0x3f: {  	_ =	shalt  }
0x40: {  	_ =	shalt  }
0x41: {  	_ =	shalt  }
0x42: {  	_ =	shalt  }
0x43: {  	_ =	shalt  }
0x44: {  	_ =	shalt  }
0x45: {  	_ =	shalt  }
0x46: {  	_ =	shalt  }
0x47: {  	_ =	shalt  }
0x48: {  	_ =	shalt  }
0x49: {  	_ =	shalt  }
0x4a: {  	_ =	shalt  }
0x4b: {  	_ =	shalt  }
0x4c: {  	_ =	shalt  }
0x4d: {  	_ =	shalt  }
0x4e: {  	_ =	shalt  }
0x4f: {  	_ =	shalt  }
0x50: {  	_ =	shalt  }
0x51: {  	_ =	shalt  }
0x52: {  	_ =	shalt  }
0x53: {  	_ =	shalt  }
0x54: {  	_ =	shalt  }
0x55: {  	_ =	shalt  }
0x56: {  	_ =	shalt  }
0x57: {  	_ =	shalt  }
0x58: {  	_ =	shalt  }
0x59: {  	_ =	shalt  }
0x5a: {  	_ =	shalt  }
0x5b: {  	_ =	shalt  }
0x5c: {  	_ =	shalt  }
0x5d: {  	_ =	shalt  }
0x5e: {  	_ =	shalt  }
0x5f: {  	_ =	shalt  }
0x60: {  	_ =	shalt  }
0x61: {  	_ =	shalt  }
0x62: {  	_ =	shalt  }
0x63: {  	_ =	shalt  }
0x64: {  	_ =	shalt  }
0x65: {  	_ =	shalt  }
0x66: {  	_ =	shalt  }
0x67: {  	_ =	shalt  }
0x68: {  	_ =	shalt  }
0x69: {  	_ =	shalt  }
0x6a: {  	_ =	shalt  }
0x6b: {  	_ =	shalt  }
0x6c: {  	_ =	shalt  }
0x6d: {  	_ =	shalt  }
0x6e: {  	_ =	shalt  }
0x6f: {  	_ =	shalt  }
0x70: {  	_ =	shalt  }
0x71: {  	_ =	shalt  }
0x72: {  	_ =	shalt  }
0x73: {  	_ =	shalt  }
0x74: {  	_ =	shalt  }
0x75: {  	_ =	shalt  }
0x76: {  	_ =	shalt  }
0x77: {  	_ =	shalt  }
0x78: {  	_ =	shalt  }
0x79: {  	_ =	shalt  }
0x7a: {  	_ =	shalt  }
0x7b: {  	_ =	shalt  }
0x7c: {  	_ =	shalt  }
0x7d: {  	_ =	shalt  }
0x7e: {  	_ =	shalt  }
0x7f: {  	_ =	shalt  }
0x80: {  	_ =	shalt  }
0x81: {  	_ =	shalt  }
0x82: {  	_ =	shalt  }
0x83: {  	_ =	shalt  }
0x84: {  	_ =	shalt  }
0x85: {  	_ =	shalt  }
0x86: {  	_ =	shalt  }
0x87: {  	_ =	shalt  }
.Lfunc_end0:
.L_simem_size_0:
called_computation.1_lowered:
.L_overlay_start_0:
0x88: {  	s2 =	sld [smem:$0x3FD9]  }
0x89: {  	s3 =	sld [smem:$0x3FFE];
	_ =	sdelay $0x1  }
0x8a: {  	s1 =	srdreg.scid  }
0x8b: {  	s0 =	sand.u32 $0x1, s1  }
0x8c: {  	s16 =	sshll.u32 s0, $0xA;
	s2 =	sadd.s32 s3, s2  }
0x8d: {  	s2 =	sadd.s32 s2, s16  }
0x8e: {  	[smem:$0x3FC2] =	sst s2  }
0x8f: {  	_ = 	snop  }
0x90: {  	(tm) =	ssettm $0x1  }
0x91: {  	s17 =	sld [smem:$0x3FFB];
	_ =	sdelay $0x3  }
0x92: {  	_ =	strace s17  }
0x93: {  	s2 =	sld [smem:$0x3FFC];
	_ =	sdelay $0x3  }
0x94: {  	_ =	strace s2  }
0x95: {  	s2 =	sld [smem:$0x3FFD];
	_ =	sdelay $0x3  }
0x96: {  	_ =	strace s2  }
0x97: {  	_ =	strace $0x8FFFFFFF  }
0x98: {  	s18 =	sld [smem:$0x3FDB];
	_ =	sdelay $0x1  }
0x99: {  	s19 =	simm.s32 $_scs_section_size  }
0x9a: {  	s4 =	simm.s32 $_size__tile_overlayer_lowered;
	s5 =	simm.s32 $_tile_overlayer_lowered  }
0x9b: {  	s22 =	simm.s32 $0x1BFF;
	s21 =	sshll.u32 s5, $0x1;
	s2 =	sadd.s32 s19, s18  }
0x9c: {  	s6 =	simm.s32 $0x0;
	s20 =	sshll.u32 s4, $0x1;
	s4 =	sadd.s32 s21, s2  }
0x9d: {  	[timem:s6], [sflag:s22] =	dma.local [hbm:s4], s20  }
0x9e: {  	_ =	swait.ge [sflag:s22], s20  }
0x9f: {  	s3 =	ssub.s32 $0x0, s20;
	[sflag:s22] =	ssyncset.done $0x0  }
0xa0: {  	[sflag:s22] =	ssyncadd.s32 s3;
	_ =	sdelay $0x1  }
0xa1: {  	s23 =	simm.s32 $0x1B8B  }
0xa2: {  	_ =	swait.ge [sflag:s23], $0x1  }
0xa3: {  	[sflag:s23] =	ssyncset.done $0x0  }
0xa4: {  	s25 =	simm.s32 $0x1B8E;
	s24 =	sld [smem:$0x3FFE];
	[sflag:s23] =	ssyncadd.s32 $0xFFFFFFFF  }
0xa5: {  	s26 =	simm.s32 $execute0_lowered;
	[smem:$0x3FD2] =	sst s25  }
0xa6: {  	s4 =	sshll.u32 s26, $0x1;
	_ =	strace $0x80000049;
	[dreg:$0x1] =	wrdreg $0xFFFFFFFF  }
0xa7: {  	s28 =	simm.s32 $_size_execute0_lowered;
	s2 =	sadd.s32 s2, s4;
	[dreg:$0x0] =	wrdreg $0x0  }
0xa8: {  	s4 =	sshll.u32 s28, $0x1;
	[dreg:$0x2] =	wrdreg s2  }
0xa9: {  	[dreg:$0x3] =	wrdreg s4  }
0xaa: {  	[dreg:$0x4] =	wrdreg $0xC0  }
0xab: {  	_ =	task [dreg:s6], $0x5FFFF  }
0xac: {  	[dreg:$0x1] =	wrdreg $0xFFFFFFFF  }
0xad: {  	[dreg:$0x0] =	wrdreg $0x60  }
0xae: {  	[dreg:$0x2] =	wrdreg s24  }
0xaf: {  	[dreg:$0x3] =	wrdreg $0xC0000  }
0xb0: {  	[dreg:$0x4] =	wrdreg $0x9  }
0xb1: {  	_ =	task.clear_ibuf [dreg:s6], $0x5FFFF;
	_ =	strace $0x90000049  }
0xb2: {  	s29 =	simm.s32 $0x9;
	_ =	strace $0x8000004B  }
0xb3: {  	_ =	swait.ge [sflag:s29], $0x1  }
0xb4: {  	[sflag:s29] =	ssyncadd.s32 $0xFFFFFFFF  }
0xb5: {  	_ =	strace $0x9000004B  }
0xb6: {  	_ =	sfence  }
0xb7: {  	s30 =	sld [smem:$0x0];
	_ =	sdelay $0x2  }
0xb8: {  	s31 =	sshll.u32 s1, $0xD;
	s1 =	sshrl.u32 s1, $0x2  }
0xb9: {  	s3 =	sand.u32 $0x4000, s31;
	s1 =	sadd.s32 s1, s30  }
0xba: {  	s0 =	sor.u32 s3, s0;
	s1 =	sshll.u32 s1, $0x11  }
0xbb: {  	s0 =	sor.u32 s1, s0  }
0xbc: {  	s0 =	sadd.s32 $0x8F2B, s0  }
0xbd: {  	[sflag:s0] =	ssyncadd.remote.s32 $0x1  }
0xbe: {  	_ =	sfence.sel $0xFFFF  }
0xbf: {  	[dreg:$0x0] =	wrdreg $0xFFFFFFFF;
	(pc) =	sbr.abs _section_cstart, $3  }
0xc0: {  	[dreg:$0x1] =	wrdreg $0xFFFFFFFF  }
0xc1: {  	_ =	task.clear_ibuf [dreg:s6], $0x2FFFF;
	_ =	strace $0x9FFFFFFF  }
0xc2: {  	(tm) =	ssettm $0x7FFFFFFF  }
0xc3: {  	_ =	shalt  }
tec
execute0_lowered:
.L_overlay_start_1:
0x0: {  	(tag) =	ssettag $0x1  }
0x1: {  	s0 =	rddreg [dreg:$0x0]  }
0x2: {  	s1 =	rddreg [dreg:$0x1];
	s2 =	srdreg.scid  }
0x3: {  	s4 =	simm.s32 $0x0;
	s10 =	stileid.u32;
	s28 =	simm.s32 $0x50  }
0x4: {  	s29 =	simm.s32 $0x80;
	s30 =	simm.s32 $0x4800;
	s31 =	simm.s32 $0x100  }
0x5: {  	s2 =	sand.u32 $0x1, s2;
	[smem:$0x7FF] =	sst s4;
	s5 =	smul.u32 $0x14000, s10  }
0x6: {  	s6 =	smul.u32 $0x50000, s10;
	s4 =	sadd.s32 $0x22C00, s0;
	s7 =	sadd.s32 $0x2C00, s0  }
0x7: {  	s8 =	sadd.s32 $0x12C00, s0;
	s18 =	sshll.u32 s10, $0xB;
	s10 =	simm.s32 $0x6  }
0x8: {  	s3 =	smul.u32 $0x140000, s2;
	s9 =	ssub.s32 $0x2, s2;
	s2 =	sshll.u32 s2, $0xF  }
0x9: {  	_ =	strace $0x8000004A;
	s6 =	sshrl.u32 s6, $0x2;
	s2 =	sor.u32 s18, s2  }
0xa: {  	s3 =	sadd.s32 s5, s3;
	s5 =	sadd.s32 s6, s1;
	s6 =	sadd.s32 s7, s2  }
0xb: {  	s11 =	sshrl.u32 s9, $0x1;
	s21 =	sadd.s32 s8, s2;
	[dreg:$0xa] =	wrdreg s6  }
0xc: {  	s12 =	ssub.s32 s9, s11;
	s13 =	sadd.s32 $0x2800, s5;
	[dreg:$0xb] =	wrdreg s21  }
0xd: {  	s22 =	sor.u32 $0x200, s2;
	s14 =	sadd.s32 $0x5000, s5;
	[dreg:$0x3] =	wrdreg s13  }
0xe: {  	s24 =	sor.u32 $0x400, s2;
	s15 =	sadd.s32 $0x7800, s5;
	[dreg:$0x4] =	wrdreg s14  }
0xf: {  	s2 =	sor.u32 $0x600, s2;
	s16 =	sadd.s32 $0xA000, s5;
	[dreg:$0x5] =	wrdreg s15  }
0x10: {  	s9 =	simm.s32 $0x5;
	s17 =	sadd.s32 $0xC800, s5;
	[dreg:$0x6] =	wrdreg s16  }
0x11: {  	s11 =	simm.s32 $0x7;
	s19 =	sadd.s32 $0xF000, s5;
	[dreg:$0x7] =	wrdreg s17  }
0x12: {  	s3 =	sshrl.u32 s3, $0x3;
	s20 =	sadd.s32 $0x11800, s5;
	[dreg:$0x8] =	wrdreg s19  }
0x13: {  	s23 =	sadd.s32 s7, s22;
	s6 =	sadd.s32 s8, s22;
	[dreg:$0x9] =	wrdreg s20  }
0x14: {  	s25 =	sadd.s32 s7, s24;
	s26 =	sadd.s32 s7, s2;
	[dreg:$0xc] =	wrdreg s23  }
0x15: {  	s2 =	sadd.s32 s8, s2;
	s22 =	smax.u32 s12, $0x1;
	[dreg:$0xd] =	wrdreg s6  }
0x16: {  	s7 =	simm.s32 $0x3;
	s12 =	simm.s32 $0x8;
	[dreg:$0xe] =	wrdreg s25  }
0x17: {  	s0 =	sadd.s32 s3, s0;
	s6 =	sadd.s32 s8, s24;
	[dreg:$0x10] =	wrdreg s26  }
0x18: {  	[dreg:$0x11] =	wrdreg s2;
	s23 =	simm.s32 $0x2000;
	s24 =	simm.s32 $0x1  }
0x19: {  	s25 =	simm.s32 $0x9;
	s26 =	simm.s32 $0x1000;
	s2 =	simm.s32 $0x180  }
0x1a: {  	s3 =	simm.s32 $0x9800;
	s8 =	simm.s32 $0x4;
	s13 =	simm.s32 $0x1E00  }
0x1b: {  	s14 =	simm.s32 $0x1E80;
	s15 =	simm.s32 $0x1F00;
	s16 =	simm.s32 $0x1F80  }
0x1c: {  	s17 =	simm.s32 $0x0;
	[dreg:$0xf] =	wrdreg s6;
	s0 =	sadd.s32 $0x49E00, s0  }
0x1d: {  	v0 =	vimm.f32 $0.0e+00;
	s6 =	simm.s32 $0x2;
	[dreg:$0x12] =	wrdreg s0;
	s0 =	simm.s32 $0x7000  }
.LBB2_1:
0x1e: {  	s19 =	simm.s32 $0x0  }
0x1f: {  	s18 =	sand.u32 $0xFE00, s19  }
0x20: {  	s19 =	sand.u32 $0x70, s19;
	s20 =	sshrl.u32 s18, $0x2  }
0x21: {  	s18 =	simm.s32 $0x40;
	s20 =	sor.u32 s19, s20;
	s19 =	simm.s32 $0x0  }
.LBB2_2:
0x22: {  	p0 =	sne.s32 s18, $0x9FC0  }
0x23: {  	[tilespmem:s20+$0x2000] =	vst v0;
	s19 =	sadd.s32 $0x10, s19;
	s20 =	smov.u32 s18;
	s18 =	sadd.s32 $0x40, s18  }
.Ltmp0:
0x24: {  	(pc) =	sbr.rel @p0 .LBB2_2-.Ltmp0, $4  }
0x25: {  	_ = 	snop  }
0x26: {  	s20 =	sand.u32 $0xFE00, s20  }
0x27: {  	s21 =	sand.u32 $0x70, s19;
	s20 =	sshrl.u32 s20, $0x2  }
0x28: {  	s20 =	sor.u32 s21, s20  }
0x29: {  	[tilespmem:s20+$0x2000] =	vst v0  }
0x2a: {  	[spmem:s5] =	stream.linear.scatter [tilespmem:s23], [sflag:$0x1], $0x2800, $0x38;
	v63 =	vld [tilespmem:$0x0]  }
0x2b: {  	s18 =	rddreg [dreg:$0x3]  }
0x2c: {  	[spmem:s18] =	stream.linear.scatter [tilespmem:s23], [sflag:$0x1], $0x2800, $0x38;
	v63 =	vld [tilespmem:$0x0]  }
0x2d: {  	s21 =	rddreg [dreg:$0x4]  }
0x2e: {  	[spmem:s21] =	stream.linear.scatter [tilespmem:s23], [sflag:$0x1], $0x2800, $0x38;
	v63 =	vld [tilespmem:$0x0]  }
0x2f: {  	s19 =	rddreg [dreg:$0x5]  }
0x30: {  	[spmem:s19] =	stream.linear.scatter [tilespmem:s23], [sflag:$0x1], $0x2800, $0x38;
	v63 =	vld [tilespmem:$0x0]  }
0x31: {  	s20 =	rddreg [dreg:$0x6]  }
0x32: {  	[spmem:s20] =	stream.linear.scatter [tilespmem:s23], [sflag:$0x1], $0x2800, $0x38;
	v63 =	vld [tilespmem:$0x0]  }
0x33: {  	s21 =	rddreg [dreg:$0x7]  }
0x34: {  	[spmem:s21] =	stream.linear.scatter [tilespmem:s23], [sflag:$0x1], $0x2800, $0x38;
	v63 =	vld [tilespmem:$0x0]  }
0x35: {  	s19 =	rddreg [dreg:$0x8]  }
0x36: {  	[spmem:s19] =	stream.linear.scatter [tilespmem:s23], [sflag:$0x1], $0x2800, $0x38;
	v63 =	vld [tilespmem:$0x0]  }
0x37: {  	s20 =	rddreg [dreg:$0x9]  }
0x38: {  	[spmem:s20] =	stream.linear.scatter [tilespmem:s23], [sflag:$0x1], $0x2800, $0x38;
	v63 =	vld [tilespmem:$0x0]  }
0x39: {  	_ =	swait.ge [sflag:s24], $0x2800  }
0x3a: {  	[sflag:s24] =	ssyncset.done $0x0  }
0x3b: {  	[sflag:s24] =	ssyncadd.s32 $0xFFFFD800  }
0x3c: {  	_ =	swait.ge [sflag:s24], $0x2800  }
0x3d: {  	[sflag:s24] =	ssyncset.done $0x0  }
0x3e: {  	[sflag:s24] =	ssyncadd.s32 $0xFFFFD800  }
0x3f: {  	_ =	swait.ge [sflag:s24], $0x2800  }
0x40: {  	[sflag:s24] =	ssyncset.done $0x0  }
0x41: {  	[sflag:s24] =	ssyncadd.s32 $0xFFFFD800  }
0x42: {  	_ =	swait.ge [sflag:s24], $0x2800  }
0x43: {  	[sflag:s24] =	ssyncset.done $0x0  }
0x44: {  	[sflag:s24] =	ssyncadd.s32 $0xFFFFD800  }
0x45: {  	_ =	swait.ge [sflag:s24], $0x2800  }
0x46: {  	[sflag:s24] =	ssyncset.done $0x0  }
0x47: {  	[sflag:s24] =	ssyncadd.s32 $0xFFFFD800  }
0x48: {  	_ =	swait.ge [sflag:s24], $0x2800  }
0x49: {  	[sflag:s24] =	ssyncset.done $0x0  }
0x4a: {  	[sflag:s24] =	ssyncadd.s32 $0xFFFFD800  }
0x4b: {  	_ =	swait.ge [sflag:s24], $0x2800  }
0x4c: {  	[sflag:s24] =	ssyncset.done $0x0  }
0x4d: {  	[sflag:s24] =	ssyncadd.s32 $0xFFFFD800  }
0x4e: {  	_ =	swait.ge [sflag:s24], $0x2800  }
0x4f: {  	[sflag:s24] =	ssyncset.done $0x0  }
0x50: {  	[sflag:s24] =	ssyncadd.s32 $0xFFFFD800  }
0x51: {  	[bflag:$0x0] =	sbarrier.arrive $0xFFFF  }
0x52: {  	s21 =	simm.s32 $0x0;
	s19 =	rddreg [dreg:$0xa]  }
0x53: {  	[tilespmem:s21], [sflag:$0x9] =	stream.linear.gather [hbm4b:s19+s21], $0x1000, $0x38;
	v63 =	vld [tilespmem:$0x0]  }
0x54: {  	_ =	swait.ge [sflag:s25], $0x1000  }
0x55: {  	[sflag:s25] =	ssyncset.done $0x0  }
0x56: {  	s20 =	rddreg [dreg:$0xb];
	[sflag:s25] =	ssyncadd.s32 $0xFFFFF000  }
0x57: {  	[tilespmem:s26], [sflag:$0x9] =	stream.linear.gather [hbm4b:s20+s21], $0x1000, $0x38;
	v63 =	vld [tilespmem:$0x0]  }
0x58: {  	_ =	swait.ge [sflag:s25], $0x1000  }
0x59: {  	[sflag:s25] =	ssyncset.done $0x0  }
0x5a: {  	[sflag:s25] =	ssyncadd.s32 $0xFFFFF000  }
0x5b: {  	[tilespmem:s23], [sflag:$0x1] =	stream.indirect.gather [hbm4b:s4+s28], $0x80, s21, s28, $0xb8;
	v63 =	vld [tilespmem:$0x0]  }
0x5c: {  	_ = 	snop  }
0x5d: {  	[tilespmem:s30], [sflag:$0x2] =	stream.indirect.gather [hbm4b:s4+s28], $0x80, s29, s28, $0xb8;
	v63 =	vld [tilespmem:$0x0]  }
0x5e: {  	_ = 	snop  }
0x5f: {  	[tilespmem:s0], [sflag:$0x3] =	stream.indirect.gather [hbm4b:s4+s28], $0x80, s31, s28, $0xb8;
	v63 =	vld [tilespmem:$0x0]  }
0x60: {  	_ = 	snop  }
0x61: {  	[tilespmem:s3], [sflag:$0x4] =	stream.indirect.gather [hbm4b:s4+s28], $0x80, s2, s28, $0xb8;
	v63 =	vld [tilespmem:$0x0]  }
0x62: {  	_ =	swait.ge [sflag:s24], $0x2800  }
0x63: {  	[sflag:s24] =	ssyncset.done $0x0  }
0x64: {  	s21 =	simm.s32 $0x1000;
	[sflag:s24] =	ssyncadd.s32 $0xFFFFD800  }
0x65: {  	[spmem:s1] =	stream.indirect.scatter.add.f32 [tilespmem:s23], [sflag:$0x5], $0x80, s21, s28, $0xb8;
	v63 =	vld [tilespmem:$0x0]  }
0x66: {  	_ =	swait.ge [sflag:s6], $0x2800  }
0x67: {  	[sflag:s6] =	ssyncset.done $0x0  }
0x68: {  	s19 =	simm.s32 $0x1080;
	[sflag:s6] =	ssyncadd.s32 $0xFFFFD800  }
0x69: {  	[spmem:s1] =	stream.indirect.scatter.add.f32 [tilespmem:s30], [sflag:$0x6], $0x80, s19, s28, $0xb8;
	v63 =	vld [tilespmem:$0x0]  }
0x6a: {  	_ =	swait.ge [sflag:s7], $0x2800  }
0x6b: {  	[sflag:s7] =	ssyncset.done $0x0  }
0x6c: {  	s20 =	simm.s32 $0x1100;
	[sflag:s7] =	ssyncadd.s32 $0xFFFFD800  }
0x6d: {  	[spmem:s1] =	stream.indirect.scatter.add.f32 [tilespmem:s0], [sflag:$0x7], $0x80, s20, s28, $0xb8;
	v63 =	vld [tilespmem:$0x0]  }
0x6e: {  	_ =	swait.ge [sflag:s8], $0x2800  }
0x6f: {  	[sflag:s8] =	ssyncset.done $0x0  }
0x70: {  	s21 =	simm.s32 $0x1180;
	[sflag:s8] =	ssyncadd.s32 $0xFFFFD800  }
0x71: {  	[spmem:s1] =	stream.indirect.scatter.add.f32 [tilespmem:s3], [sflag:$0x8], $0x80, s21, s28, $0xb8;
	v63 =	vld [tilespmem:$0x0]  }
0x72: {  	_ =	swait.ge [sflag:s9], $0x2800  }
0x73: {  	[sflag:s9] =	ssyncset.done $0x0  }
0x74: {  	s19 =	simm.s32 $0x200;
	[sflag:s9] =	ssyncadd.s32 $0xFFFFD800  }
0x75: {  	[tilespmem:s23], [sflag:$0x1] =	stream.indirect.gather [hbm4b:s4+s28], $0x80, s19, s28, $0xb8;
	v63 =	vld [tilespmem:$0x0]  }
0x76: {  	_ =	swait.ge [sflag:s10], $0x2800  }
0x77: {  	[sflag:s10] =	ssyncset.done $0x0  }
0x78: {  	s20 =	simm.s32 $0x280;
	[sflag:s10] =	ssyncadd.s32 $0xFFFFD800  }
0x79: {  	[tilespmem:s30], [sflag:$0x2] =	stream.indirect.gather [hbm4b:s4+s28], $0x80, s20, s28, $0xb8;
	v63 =	vld [tilespmem:$0x0]  }
0x7a: {  	_ =	swait.ge [sflag:s11], $0x2800  }
0x7b: {  	[sflag:s11] =	ssyncset.done $0x0  }
0x7c: {  	s21 =	simm.s32 $0x300;
	[sflag:s11] =	ssyncadd.s32 $0xFFFFD800  }
0x7d: {  	[tilespmem:s0], [sflag:$0x3] =	stream.indirect.gather [hbm4b:s4+s28], $0x80, s21, s28, $0xb8;
	v63 =	vld [tilespmem:$0x0]  }
0x7e: {  	_ =	swait.ge [sflag:s12], $0x2800  }
0x7f: {  	[sflag:s12] =	ssyncset.done $0x0  }
0x80: {  	s18 =	simm.s32 $0x800;
	s19 =	simm.s32 $0x380;
	[sflag:s12] =	ssyncadd.s32 $0xFFFFD800  }
.LBB2_4:
0x81: {  	[tilespmem:s3], [sflag:$0x4] =	stream.indirect.gather [hbm4b:s4+s28], $0x80, s19, s28, $0xb8;
	v63 =	vld [tilespmem:$0x0]  }
0x82: {  	s19 =	smov.u32 s18  }
0x83: {  	p0 =	sne.s32 s18, $0x3000;
	s18 =	sadd.s32 $0x800, s18;
	_ =	swait.ge [sflag:s24], $0x2800  }
0x84: {  	s19 =	sshra.s32 s19, $0x2;
	[sflag:s24] =	ssyncset.done $0x0  }
0x85: {  	s20 =	sadd.s32 $0x1000, s19;
	[sflag:s24] =	ssyncadd.s32 $0xFFFFD800  }
0x86: {  	[spmem:s1] =	stream.indirect.scatter.add.f32 [tilespmem:s23], [sflag:$0x5], $0x80, s20, s28, $0xb8;
	v63 =	vld [tilespmem:$0x0]  }
0x87: {  	_ =	swait.ge [sflag:s6], $0x2800  }
0x88: {  	[sflag:s6] =	ssyncset.done $0x0  }
0x89: {  	s20 =	sadd.s32 $0x1080, s19;
	[sflag:s6] =	ssyncadd.s32 $0xFFFFD800  }
0x8a: {  	[spmem:s1] =	stream.indirect.scatter.add.f32 [tilespmem:s30], [sflag:$0x6], $0x80, s20, s28, $0xb8;
	v63 =	vld [tilespmem:$0x0]  }
0x8b: {  	_ =	swait.ge [sflag:s7], $0x2800  }
0x8c: {  	[sflag:s7] =	ssyncset.done $0x0  }
0x8d: {  	s20 =	sadd.s32 $0x1100, s19;
	[sflag:s7] =	ssyncadd.s32 $0xFFFFD800  }
0x8e: {  	[spmem:s1] =	stream.indirect.scatter.add.f32 [tilespmem:s0], [sflag:$0x7], $0x80, s20, s28, $0xb8;
	v63 =	vld [tilespmem:$0x0]  }
0x8f: {  	_ =	swait.ge [sflag:s8], $0x2800  }
0x90: {  	[sflag:s8] =	ssyncset.done $0x0  }
0x91: {  	s20 =	sadd.s32 $0x1180, s19;
	[sflag:s8] =	ssyncadd.s32 $0xFFFFD800  }
0x92: {  	[spmem:s1] =	stream.indirect.scatter.add.f32 [tilespmem:s3], [sflag:$0x8], $0x80, s20, s28, $0xb8;
	v63 =	vld [tilespmem:$0x0]  }
0x93: {  	_ =	swait.ge [sflag:s9], $0x2800  }
0x94: {  	[sflag:s9] =	ssyncset.done $0x0  }
0x95: {  	s20 =	sadd.s32 $0x200, s19;
	[sflag:s9] =	ssyncadd.s32 $0xFFFFD800  }
0x96: {  	[tilespmem:s23], [sflag:$0x1] =	stream.indirect.gather [hbm4b:s4+s28], $0x80, s20, s28, $0xb8;
	v63 =	vld [tilespmem:$0x0]  }
0x97: {  	_ =	swait.ge [sflag:s10], $0x2800  }
0x98: {  	[sflag:s10] =	ssyncset.done $0x0  }
0x99: {  	s20 =	sadd.s32 $0x280, s19;
	[sflag:s10] =	ssyncadd.s32 $0xFFFFD800  }
0x9a: {  	[tilespmem:s30], [sflag:$0x2] =	stream.indirect.gather [hbm4b:s4+s28], $0x80, s20, s28, $0xb8;
	v63 =	vld [tilespmem:$0x0]  }
0x9b: {  	_ =	swait.ge [sflag:s11], $0x2800  }
0x9c: {  	[sflag:s11] =	ssyncset.done $0x0  }
.Ltmp1:
0x9d: {  	s20 =	sadd.s32 $0x300, s19;
	[sflag:s11] =	ssyncadd.s32 $0xFFFFD800;
	(pc) =	sbr.rel @p0 .LBB2_4-.Ltmp1, $4  }
0x9e: {  	[tilespmem:s0], [sflag:$0x3] =	stream.indirect.gather [hbm4b:s4+s28], $0x80, s20, s28, $0xb8;
	v63 =	vld [tilespmem:$0x0]  }
0x9f: {  	_ =	swait.ge [sflag:s12], $0x2800  }
0xa0: {  	[sflag:s12] =	ssyncset.done $0x0  }
0xa1: {  	s19 =	sadd.s32 $0x380, s19;
	[sflag:s12] =	ssyncadd.s32 $0xFFFFD800  }
0xa2: {  	[tilespmem:s3], [sflag:$0x4] =	stream.indirect.gather [hbm4b:s4+s28], $0x80, s19, s28, $0xb8;
	v63 =	vld [tilespmem:$0x0]  }
0xa3: {  	_ =	swait.ge [sflag:s24], $0x2800  }
0xa4: {  	[sflag:s24] =	ssyncset.done $0x0  }
0xa5: {  	[sflag:s24] =	ssyncadd.s32 $0xFFFFD800  }
0xa6: {  	[spmem:s1] =	stream.indirect.scatter.add.f32 [tilespmem:s23], [sflag:$0x5], $0x80, s13, s28, $0xb8;
	v63 =	vld [tilespmem:$0x0]  }
0xa7: {  	_ =	swait.ge [sflag:s6], $0x2800  }
0xa8: {  	[sflag:s6] =	ssyncset.done $0x0  }
0xa9: {  	[sflag:s6] =	ssyncadd.s32 $0xFFFFD800  }
0xaa: {  	[spmem:s1] =	stream.indirect.scatter.add.f32 [tilespmem:s30], [sflag:$0x6], $0x80, s14, s28, $0xb8;
	v63 =	vld [tilespmem:$0x0]  }
0xab: {  	_ =	swait.ge [sflag:s7], $0x2800  }
0xac: {  	[sflag:s7] =	ssyncset.done $0x0  }
0xad: {  	[sflag:s7] =	ssyncadd.s32 $0xFFFFD800  }
0xae: {  	[spmem:s1] =	stream.indirect.scatter.add.f32 [tilespmem:s0], [sflag:$0x7], $0x80, s15, s28, $0xb8;
	v63 =	vld [tilespmem:$0x0]  }
0xaf: {  	_ =	swait.ge [sflag:s8], $0x2800  }
0xb0: {  	[sflag:s8] =	ssyncset.done $0x0  }
0xb1: {  	[sflag:s8] =	ssyncadd.s32 $0xFFFFD800  }
0xb2: {  	[spmem:s1] =	stream.indirect.scatter.add.f32 [tilespmem:s3], [sflag:$0x8], $0x80, s16, s28, $0xb8;
	v63 =	vld [tilespmem:$0x0]  }
0xb3: {  	_ =	swait.ge [sflag:s9], $0x2800  }
0xb4: {  	[sflag:s9] =	ssyncset.done $0x0  }
0xb5: {  	[sflag:s9] =	ssyncadd.s32 $0xFFFFD800  }
0xb6: {  	_ =	swait.ge [sflag:s10], $0x2800  }
0xb7: {  	[sflag:s10] =	ssyncset.done $0x0  }
0xb8: {  	[sflag:s10] =	ssyncadd.s32 $0xFFFFD800  }
0xb9: {  	_ =	swait.ge [sflag:s11], $0x2800  }
0xba: {  	[sflag:s11] =	ssyncset.done $0x0  }
0xbb: {  	[sflag:s11] =	ssyncadd.s32 $0xFFFFD800  }
0xbc: {  	_ =	swait.ge [sflag:s12], $0x2800  }
0xbd: {  	[sflag:s12] =	ssyncset.done $0x0  }
0xbe: {  	s18 =	simm.s32 $0x0;
	s21 =	rddreg [dreg:$0xc];
	[sflag:s12] =	ssyncadd.s32 $0xFFFFD800  }
0xbf: {  	[tilespmem:s18], [sflag:$0x9] =	stream.linear.gather [hbm4b:s21+s18], $0x1000, $0x38;
	v63 =	vld [tilespmem:$0x0]  }
0xc0: {  	_ =	swait.ge [sflag:s25], $0x1000  }
0xc1: {  	[sflag:s25] =	ssyncset.done $0x0  }
0xc2: {  	s20 =	rddreg [dreg:$0xd];
	[sflag:s25] =	ssyncadd.s32 $0xFFFFF000  }
0xc3: {  	[tilespmem:s26], [sflag:$0x9] =	stream.linear.gather [hbm4b:s20+s18], $0x1000, $0x38;
	v63 =	vld [tilespmem:$0x0]  }
0xc4: {  	_ =	swait.ge [sflag:s25], $0x1000  }
0xc5: {  	[sflag:s25] =	ssyncset.done $0x0  }
0xc6: {  	[sflag:s25] =	ssyncadd.s32 $0xFFFFF000  }
0xc7: {  	[tilespmem:s23], [sflag:$0x1] =	stream.indirect.gather [hbm4b:s4+s28], $0x80, s18, s28, $0xb8;
	v63 =	vld [tilespmem:$0x0]  }
0xc8: {  	_ = 	snop  }
0xc9: {  	[tilespmem:s30], [sflag:$0x2] =	stream.indirect.gather [hbm4b:s4+s28], $0x80, s29, s28, $0xb8;
	v63 =	vld [tilespmem:$0x0]  }
0xca: {  	_ = 	snop  }
0xcb: {  	[tilespmem:s0], [sflag:$0x3] =	stream.indirect.gather [hbm4b:s4+s28], $0x80, s31, s28, $0xb8;
	v63 =	vld [tilespmem:$0x0]  }
0xcc: {  	_ = 	snop  }
0xcd: {  	[tilespmem:s3], [sflag:$0x4] =	stream.indirect.gather [hbm4b:s4+s28], $0x80, s2, s28, $0xb8;
	v63 =	vld [tilespmem:$0x0]  }
0xce: {  	_ =	swait.ge [sflag:s24], $0x2800  }
0xcf: {  	[sflag:s24] =	ssyncset.done $0x0  }
0xd0: {  	s21 =	simm.s32 $0x1000;
	[sflag:s24] =	ssyncadd.s32 $0xFFFFD800  }
0xd1: {  	[spmem:s1] =	stream.indirect.scatter.add.f32 [tilespmem:s23], [sflag:$0x5], $0x80, s21, s28, $0xb8;
	v63 =	vld [tilespmem:$0x0]  }
0xd2: {  	_ =	swait.ge [sflag:s6], $0x2800  }
0xd3: {  	[sflag:s6] =	ssyncset.done $0x0  }
0xd4: {  	s19 =	simm.s32 $0x1080;
	[sflag:s6] =	ssyncadd.s32 $0xFFFFD800  }
0xd5: {  	[spmem:s1] =	stream.indirect.scatter.add.f32 [tilespmem:s30], [sflag:$0x6], $0x80, s19, s28, $0xb8;
	v63 =	vld [tilespmem:$0x0]  }
0xd6: {  	_ =	swait.ge [sflag:s7], $0x2800  }
0xd7: {  	[sflag:s7] =	ssyncset.done $0x0  }
0xd8: {  	s20 =	simm.s32 $0x1100;
	[sflag:s7] =	ssyncadd.s32 $0xFFFFD800  }
0xd9: {  	[spmem:s1] =	stream.indirect.scatter.add.f32 [tilespmem:s0], [sflag:$0x7], $0x80, s20, s28, $0xb8;
	v63 =	vld [tilespmem:$0x0]  }
0xda: {  	_ =	swait.ge [sflag:s8], $0x2800  }
0xdb: {  	[sflag:s8] =	ssyncset.done $0x0  }
0xdc: {  	s21 =	simm.s32 $0x1180;
	[sflag:s8] =	ssyncadd.s32 $0xFFFFD800  }
0xdd: {  	[spmem:s1] =	stream.indirect.scatter.add.f32 [tilespmem:s3], [sflag:$0x8], $0x80, s21, s28, $0xb8;
	v63 =	vld [tilespmem:$0x0]  }
0xde: {  	_ =	swait.ge [sflag:s9], $0x2800  }
0xdf: {  	[sflag:s9] =	ssyncset.done $0x0  }
0xe0: {  	s19 =	simm.s32 $0x200;
	[sflag:s9] =	ssyncadd.s32 $0xFFFFD800  }
0xe1: {  	[tilespmem:s23], [sflag:$0x1] =	stream.indirect.gather [hbm4b:s4+s28], $0x80, s19, s28, $0xb8;
	v63 =	vld [tilespmem:$0x0]  }
0xe2: {  	_ =	swait.ge [sflag:s10], $0x2800  }
0xe3: {  	[sflag:s10] =	ssyncset.done $0x0  }
0xe4: {  	s20 =	simm.s32 $0x280;
	[sflag:s10] =	ssyncadd.s32 $0xFFFFD800  }
0xe5: {  	[tilespmem:s30], [sflag:$0x2] =	stream.indirect.gather [hbm4b:s4+s28], $0x80, s20, s28, $0xb8;
	v63 =	vld [tilespmem:$0x0]  }
0xe6: {  	_ =	swait.ge [sflag:s11], $0x2800  }
0xe7: {  	[sflag:s11] =	ssyncset.done $0x0  }
0xe8: {  	s21 =	simm.s32 $0x300;
	[sflag:s11] =	ssyncadd.s32 $0xFFFFD800  }
0xe9: {  	[tilespmem:s0], [sflag:$0x3] =	stream.indirect.gather [hbm4b:s4+s28], $0x80, s21, s28, $0xb8;
	v63 =	vld [tilespmem:$0x0]  }
0xea: {  	_ =	swait.ge [sflag:s12], $0x2800  }
0xeb: {  	[sflag:s12] =	ssyncset.done $0x0  }
0xec: {  	s18 =	simm.s32 $0x800;
	s19 =	simm.s32 $0x380;
	[sflag:s12] =	ssyncadd.s32 $0xFFFFD800  }
.LBB2_6:
0xed: {  	[tilespmem:s3], [sflag:$0x4] =	stream.indirect.gather [hbm4b:s4+s28], $0x80, s19, s28, $0xb8;
	v63 =	vld [tilespmem:$0x0]  }
0xee: {  	s19 =	smov.u32 s18  }
0xef: {  	p0 =	sne.s32 s18, $0x3000;
	s18 =	sadd.s32 $0x800, s18;
	_ =	swait.ge [sflag:s24], $0x2800  }
0xf0: {  	s19 =	sshra.s32 s19, $0x2;
	[sflag:s24] =	ssyncset.done $0x0  }
0xf1: {  	s20 =	sadd.s32 $0x1000, s19;
	[sflag:s24] =	ssyncadd.s32 $0xFFFFD800  }
0xf2: {  	[spmem:s1] =	stream.indirect.scatter.add.f32 [tilespmem:s23], [sflag:$0x5], $0x80, s20, s28, $0xb8;
	v63 =	vld [tilespmem:$0x0]  }
0xf3: {  	_ =	swait.ge [sflag:s6], $0x2800  }
0xf4: {  	[sflag:s6] =	ssyncset.done $0x0  }
0xf5: {  	s20 =	sadd.s32 $0x1080, s19;
	[sflag:s6] =	ssyncadd.s32 $0xFFFFD800  }
0xf6: {  	[spmem:s1] =	stream.indirect.scatter.add.f32 [tilespmem:s30], [sflag:$0x6], $0x80, s20, s28, $0xb8;
	v63 =	vld [tilespmem:$0x0]  }
0xf7: {  	_ =	swait.ge [sflag:s7], $0x2800  }
0xf8: {  	[sflag:s7] =	ssyncset.done $0x0  }
0xf9: {  	s20 =	sadd.s32 $0x1100, s19;
	[sflag:s7] =	ssyncadd.s32 $0xFFFFD800  }
0xfa: {  	[spmem:s1] =	stream.indirect.scatter.add.f32 [tilespmem:s0], [sflag:$0x7], $0x80, s20, s28, $0xb8;
	v63 =	vld [tilespmem:$0x0]  }
0xfb: {  	_ =	swait.ge [sflag:s8], $0x2800  }
0xfc: {  	[sflag:s8] =	ssyncset.done $0x0  }
0xfd: {  	s20 =	sadd.s32 $0x1180, s19;
	[sflag:s8] =	ssyncadd.s32 $0xFFFFD800  }
0xfe: {  	[spmem:s1] =	stream.indirect.scatter.add.f32 [tilespmem:s3], [sflag:$0x8], $0x80, s20, s28, $0xb8;
	v63 =	vld [tilespmem:$0x0]  }
0xff: {  	_ =	swait.ge [sflag:s9], $0x2800  }
0x100: {  	[sflag:s9] =	ssyncset.done $0x0  }
0x101: {  	s20 =	sadd.s32 $0x200, s19;
	[sflag:s9] =	ssyncadd.s32 $0xFFFFD800  }
0x102: {  	[tilespmem:s23], [sflag:$0x1] =	stream.indirect.gather [hbm4b:s4+s28], $0x80, s20, s28, $0xb8;
	v63 =	vld [tilespmem:$0x0]  }
0x103: {  	_ =	swait.ge [sflag:s10], $0x2800  }
0x104: {  	[sflag:s10] =	ssyncset.done $0x0  }
0x105: {  	s20 =	sadd.s32 $0x280, s19;
	[sflag:s10] =	ssyncadd.s32 $0xFFFFD800  }
0x106: {  	[tilespmem:s30], [sflag:$0x2] =	stream.indirect.gather [hbm4b:s4+s28], $0x80, s20, s28, $0xb8;
	v63 =	vld [tilespmem:$0x0]  }
0x107: {  	_ =	swait.ge [sflag:s11], $0x2800  }
0x108: {  	[sflag:s11] =	ssyncset.done $0x0  }
.Ltmp2:
0x109: {  	s20 =	sadd.s32 $0x300, s19;
	[sflag:s11] =	ssyncadd.s32 $0xFFFFD800;
	(pc) =	sbr.rel @p0 .LBB2_6-.Ltmp2, $4  }
0x10a: {  	[tilespmem:s0], [sflag:$0x3] =	stream.indirect.gather [hbm4b:s4+s28], $0x80, s20, s28, $0xb8;
	v63 =	vld [tilespmem:$0x0]  }
0x10b: {  	_ =	swait.ge [sflag:s12], $0x2800  }
0x10c: {  	[sflag:s12] =	ssyncset.done $0x0  }
0x10d: {  	s19 =	sadd.s32 $0x380, s19;
	[sflag:s12] =	ssyncadd.s32 $0xFFFFD800  }
0x10e: {  	[tilespmem:s3], [sflag:$0x4] =	stream.indirect.gather [hbm4b:s4+s28], $0x80, s19, s28, $0xb8;
	v63 =	vld [tilespmem:$0x0]  }
0x10f: {  	_ =	swait.ge [sflag:s24], $0x2800  }
0x110: {  	[sflag:s24] =	ssyncset.done $0x0  }
0x111: {  	[sflag:s24] =	ssyncadd.s32 $0xFFFFD800  }
0x112: {  	[spmem:s1] =	stream.indirect.scatter.add.f32 [tilespmem:s23], [sflag:$0x5], $0x80, s13, s28, $0xb8;
	v63 =	vld [tilespmem:$0x0]  }
0x113: {  	_ =	swait.ge [sflag:s6], $0x2800  }
0x114: {  	[sflag:s6] =	ssyncset.done $0x0  }
0x115: {  	[sflag:s6] =	ssyncadd.s32 $0xFFFFD800  }
0x116: {  	[spmem:s1] =	stream.indirect.scatter.add.f32 [tilespmem:s30], [sflag:$0x6], $0x80, s14, s28, $0xb8;
	v63 =	vld [tilespmem:$0x0]  }
0x117: {  	_ =	swait.ge [sflag:s7], $0x2800  }
0x118: {  	[sflag:s7] =	ssyncset.done $0x0  }
0x119: {  	[sflag:s7] =	ssyncadd.s32 $0xFFFFD800  }
0x11a: {  	[spmem:s1] =	stream.indirect.scatter.add.f32 [tilespmem:s0], [sflag:$0x7], $0x80, s15, s28, $0xb8;
	v63 =	vld [tilespmem:$0x0]  }
0x11b: {  	_ =	swait.ge [sflag:s8], $0x2800  }
0x11c: {  	[sflag:s8] =	ssyncset.done $0x0  }
0x11d: {  	[sflag:s8] =	ssyncadd.s32 $0xFFFFD800  }
0x11e: {  	[spmem:s1] =	stream.indirect.scatter.add.f32 [tilespmem:s3], [sflag:$0x8], $0x80, s16, s28, $0xb8;
	v63 =	vld [tilespmem:$0x0]  }
0x11f: {  	_ =	swait.ge [sflag:s9], $0x2800  }
0x120: {  	[sflag:s9] =	ssyncset.done $0x0  }
0x121: {  	[sflag:s9] =	ssyncadd.s32 $0xFFFFD800  }
0x122: {  	_ =	swait.ge [sflag:s10], $0x2800  }
0x123: {  	[sflag:s10] =	ssyncset.done $0x0  }
0x124: {  	[sflag:s10] =	ssyncadd.s32 $0xFFFFD800  }
0x125: {  	_ =	swait.ge [sflag:s11], $0x2800  }
0x126: {  	[sflag:s11] =	ssyncset.done $0x0  }
0x127: {  	[sflag:s11] =	ssyncadd.s32 $0xFFFFD800  }
0x128: {  	_ =	swait.ge [sflag:s12], $0x2800  }
0x129: {  	[sflag:s12] =	ssyncset.done $0x0  }
0x12a: {  	s18 =	simm.s32 $0x0;
	s21 =	rddreg [dreg:$0xe];
	[sflag:s12] =	ssyncadd.s32 $0xFFFFD800  }
0x12b: {  	[tilespmem:s18], [sflag:$0x9] =	stream.linear.gather [hbm4b:s21+s18], $0x1000, $0x38;
	v63 =	vld [tilespmem:$0x0]  }
0x12c: {  	_ =	swait.ge [sflag:s25], $0x1000  }
0x12d: {  	[sflag:s25] =	ssyncset.done $0x0  }
0x12e: {  	s20 =	rddreg [dreg:$0xf];
	[sflag:s25] =	ssyncadd.s32 $0xFFFFF000  }
0x12f: {  	[tilespmem:s26], [sflag:$0x9] =	stream.linear.gather [hbm4b:s20+s18], $0x1000, $0x38;
	v63 =	vld [tilespmem:$0x0]  }
0x130: {  	_ =	swait.ge [sflag:s25], $0x1000  }
0x131: {  	[sflag:s25] =	ssyncset.done $0x0  }
0x132: {  	[sflag:s25] =	ssyncadd.s32 $0xFFFFF000  }
0x133: {  	[tilespmem:s23], [sflag:$0x1] =	stream.indirect.gather [hbm4b:s4+s28], $0x80, s18, s28, $0xb8;
	v63 =	vld [tilespmem:$0x0]  }
0x134: {  	_ = 	snop  }
0x135: {  	[tilespmem:s30], [sflag:$0x2] =	stream.indirect.gather [hbm4b:s4+s28], $0x80, s29, s28, $0xb8;
	v63 =	vld [tilespmem:$0x0]  }
0x136: {  	_ = 	snop  }
0x137: {  	[tilespmem:s0], [sflag:$0x3] =	stream.indirect.gather [hbm4b:s4+s28], $0x80, s31, s28, $0xb8;
	v63 =	vld [tilespmem:$0x0]  }
0x138: {  	_ = 	snop  }
0x139: {  	[tilespmem:s3], [sflag:$0x4] =	stream.indirect.gather [hbm4b:s4+s28], $0x80, s2, s28, $0xb8;
	v63 =	vld [tilespmem:$0x0]  }
0x13a: {  	_ =	swait.ge [sflag:s24], $0x2800  }
0x13b: {  	[sflag:s24] =	ssyncset.done $0x0  }
0x13c: {  	s21 =	simm.s32 $0x1000;
	[sflag:s24] =	ssyncadd.s32 $0xFFFFD800  }
0x13d: {  	[spmem:s1] =	stream.indirect.scatter.add.f32 [tilespmem:s23], [sflag:$0x5], $0x80, s21, s28, $0xb8;
	v63 =	vld [tilespmem:$0x0]  }
0x13e: {  	_ =	swait.ge [sflag:s6], $0x2800  }
0x13f: {  	[sflag:s6] =	ssyncset.done $0x0  }
0x140: {  	s19 =	simm.s32 $0x1080;
	[sflag:s6] =	ssyncadd.s32 $0xFFFFD800  }
0x141: {  	[spmem:s1] =	stream.indirect.scatter.add.f32 [tilespmem:s30], [sflag:$0x6], $0x80, s19, s28, $0xb8;
	v63 =	vld [tilespmem:$0x0]  }
0x142: {  	_ =	swait.ge [sflag:s7], $0x2800  }
0x143: {  	[sflag:s7] =	ssyncset.done $0x0  }
0x144: {  	s20 =	simm.s32 $0x1100;
	[sflag:s7] =	ssyncadd.s32 $0xFFFFD800  }
0x145: {  	[spmem:s1] =	stream.indirect.scatter.add.f32 [tilespmem:s0], [sflag:$0x7], $0x80, s20, s28, $0xb8;
	v63 =	vld [tilespmem:$0x0]  }
0x146: {  	_ =	swait.ge [sflag:s8], $0x2800  }
0x147: {  	[sflag:s8] =	ssyncset.done $0x0  }
0x148: {  	s21 =	simm.s32 $0x1180;
	[sflag:s8] =	ssyncadd.s32 $0xFFFFD800  }
0x149: {  	[spmem:s1] =	stream.indirect.scatter.add.f32 [tilespmem:s3], [sflag:$0x8], $0x80, s21, s28, $0xb8;
	v63 =	vld [tilespmem:$0x0]  }
0x14a: {  	_ =	swait.ge [sflag:s9], $0x2800  }
0x14b: {  	[sflag:s9] =	ssyncset.done $0x0  }
0x14c: {  	s19 =	simm.s32 $0x200;
	[sflag:s9] =	ssyncadd.s32 $0xFFFFD800  }
0x14d: {  	[tilespmem:s23], [sflag:$0x1] =	stream.indirect.gather [hbm4b:s4+s28], $0x80, s19, s28, $0xb8;
	v63 =	vld [tilespmem:$0x0]  }
0x14e: {  	_ =	swait.ge [sflag:s10], $0x2800  }
0x14f: {  	[sflag:s10] =	ssyncset.done $0x0  }
0x150: {  	s20 =	simm.s32 $0x280;
	[sflag:s10] =	ssyncadd.s32 $0xFFFFD800  }
0x151: {  	[tilespmem:s30], [sflag:$0x2] =	stream.indirect.gather [hbm4b:s4+s28], $0x80, s20, s28, $0xb8;
	v63 =	vld [tilespmem:$0x0]  }
0x152: {  	_ =	swait.ge [sflag:s11], $0x2800  }
0x153: {  	[sflag:s11] =	ssyncset.done $0x0  }
0x154: {  	s21 =	simm.s32 $0x300;
	[sflag:s11] =	ssyncadd.s32 $0xFFFFD800  }
0x155: {  	[tilespmem:s0], [sflag:$0x3] =	stream.indirect.gather [hbm4b:s4+s28], $0x80, s21, s28, $0xb8;
	v63 =	vld [tilespmem:$0x0]  }
0x156: {  	_ =	swait.ge [sflag:s12], $0x2800  }
0x157: {  	[sflag:s12] =	ssyncset.done $0x0  }
0x158: {  	s18 =	simm.s32 $0x800;
	s19 =	simm.s32 $0x380;
	[sflag:s12] =	ssyncadd.s32 $0xFFFFD800  }
.LBB2_8:
0x159: {  	[tilespmem:s3], [sflag:$0x4] =	stream.indirect.gather [hbm4b:s4+s28], $0x80, s19, s28, $0xb8;
	v63 =	vld [tilespmem:$0x0]  }
0x15a: {  	s19 =	smov.u32 s18  }
0x15b: {  	p0 =	sne.s32 s18, $0x3000;
	s18 =	sadd.s32 $0x800, s18;
	_ =	swait.ge [sflag:s24], $0x2800  }
0x15c: {  	s19 =	sshra.s32 s19, $0x2;
	[sflag:s24] =	ssyncset.done $0x0  }
0x15d: {  	s20 =	sadd.s32 $0x1000, s19;
	[sflag:s24] =	ssyncadd.s32 $0xFFFFD800  }
0x15e: {  	[spmem:s1] =	stream.indirect.scatter.add.f32 [tilespmem:s23], [sflag:$0x5], $0x80, s20, s28, $0xb8;
	v63 =	vld [tilespmem:$0x0]  }
0x15f: {  	_ =	swait.ge [sflag:s6], $0x2800  }
0x160: {  	[sflag:s6] =	ssyncset.done $0x0  }
0x161: {  	s20 =	sadd.s32 $0x1080, s19;
	[sflag:s6] =	ssyncadd.s32 $0xFFFFD800  }
0x162: {  	[spmem:s1] =	stream.indirect.scatter.add.f32 [tilespmem:s30], [sflag:$0x6], $0x80, s20, s28, $0xb8;
	v63 =	vld [tilespmem:$0x0]  }
0x163: {  	_ =	swait.ge [sflag:s7], $0x2800  }
0x164: {  	[sflag:s7] =	ssyncset.done $0x0  }
0x165: {  	s20 =	sadd.s32 $0x1100, s19;
	[sflag:s7] =	ssyncadd.s32 $0xFFFFD800  }
0x166: {  	[spmem:s1] =	stream.indirect.scatter.add.f32 [tilespmem:s0], [sflag:$0x7], $0x80, s20, s28, $0xb8;
	v63 =	vld [tilespmem:$0x0]  }
0x167: {  	_ =	swait.ge [sflag:s8], $0x2800  }
0x168: {  	[sflag:s8] =	ssyncset.done $0x0  }
0x169: {  	s20 =	sadd.s32 $0x1180, s19;
	[sflag:s8] =	ssyncadd.s32 $0xFFFFD800  }
0x16a: {  	[spmem:s1] =	stream.indirect.scatter.add.f32 [tilespmem:s3], [sflag:$0x8], $0x80, s20, s28, $0xb8;
	v63 =	vld [tilespmem:$0x0]  }
0x16b: {  	_ =	swait.ge [sflag:s9], $0x2800  }
0x16c: {  	[sflag:s9] =	ssyncset.done $0x0  }
0x16d: {  	s20 =	sadd.s32 $0x200, s19;
	[sflag:s9] =	ssyncadd.s32 $0xFFFFD800  }
0x16e: {  	[tilespmem:s23], [sflag:$0x1] =	stream.indirect.gather [hbm4b:s4+s28], $0x80, s20, s28, $0xb8;
	v63 =	vld [tilespmem:$0x0]  }
0x16f: {  	_ =	swait.ge [sflag:s10], $0x2800  }
0x170: {  	[sflag:s10] =	ssyncset.done $0x0  }
0x171: {  	s20 =	sadd.s32 $0x280, s19;
	[sflag:s10] =	ssyncadd.s32 $0xFFFFD800  }
0x172: {  	[tilespmem:s30], [sflag:$0x2] =	stream.indirect.gather [hbm4b:s4+s28], $0x80, s20, s28, $0xb8;
	v63 =	vld [tilespmem:$0x0]  }
0x173: {  	_ =	swait.ge [sflag:s11], $0x2800  }
0x174: {  	[sflag:s11] =	ssyncset.done $0x0  }
.Ltmp3:
0x175: {  	s20 =	sadd.s32 $0x300, s19;
	[sflag:s11] =	ssyncadd.s32 $0xFFFFD800;
	(pc) =	sbr.rel @p0 .LBB2_8-.Ltmp3, $4  }
0x176: {  	[tilespmem:s0], [sflag:$0x3] =	stream.indirect.gather [hbm4b:s4+s28], $0x80, s20, s28, $0xb8;
	v63 =	vld [tilespmem:$0x0]  }
0x177: {  	_ =	swait.ge [sflag:s12], $0x2800  }
0x178: {  	[sflag:s12] =	ssyncset.done $0x0  }
0x179: {  	s19 =	sadd.s32 $0x380, s19;
	[sflag:s12] =	ssyncadd.s32 $0xFFFFD800  }
0x17a: {  	[tilespmem:s3], [sflag:$0x4] =	stream.indirect.gather [hbm4b:s4+s28], $0x80, s19, s28, $0xb8;
	v63 =	vld [tilespmem:$0x0]  }
0x17b: {  	_ =	swait.ge [sflag:s24], $0x2800  }
0x17c: {  	[sflag:s24] =	ssyncset.done $0x0  }
0x17d: {  	[sflag:s24] =	ssyncadd.s32 $0xFFFFD800  }
0x17e: {  	[spmem:s1] =	stream.indirect.scatter.add.f32 [tilespmem:s23], [sflag:$0x5], $0x80, s13, s28, $0xb8;
	v63 =	vld [tilespmem:$0x0]  }
0x17f: {  	_ =	swait.ge [sflag:s6], $0x2800  }
0x180: {  	[sflag:s6] =	ssyncset.done $0x0  }
0x181: {  	[sflag:s6] =	ssyncadd.s32 $0xFFFFD800  }
0x182: {  	[spmem:s1] =	stream.indirect.scatter.add.f32 [tilespmem:s30], [sflag:$0x6], $0x80, s14, s28, $0xb8;
	v63 =	vld [tilespmem:$0x0]  }
0x183: {  	_ =	swait.ge [sflag:s7], $0x2800  }
0x184: {  	[sflag:s7] =	ssyncset.done $0x0  }
0x185: {  	[sflag:s7] =	ssyncadd.s32 $0xFFFFD800  }
0x186: {  	[spmem:s1] =	stream.indirect.scatter.add.f32 [tilespmem:s0], [sflag:$0x7], $0x80, s15, s28, $0xb8;
	v63 =	vld [tilespmem:$0x0]  }
0x187: {  	_ =	swait.ge [sflag:s8], $0x2800  }
0x188: {  	[sflag:s8] =	ssyncset.done $0x0  }
0x189: {  	[sflag:s8] =	ssyncadd.s32 $0xFFFFD800  }
0x18a: {  	[spmem:s1] =	stream.indirect.scatter.add.f32 [tilespmem:s3], [sflag:$0x8], $0x80, s16, s28, $0xb8;
	v63 =	vld [tilespmem:$0x0]  }
0x18b: {  	_ =	swait.ge [sflag:s9], $0x2800  }
0x18c: {  	[sflag:s9] =	ssyncset.done $0x0  }
0x18d: {  	[sflag:s9] =	ssyncadd.s32 $0xFFFFD800  }
0x18e: {  	_ =	swait.ge [sflag:s10], $0x2800  }
0x18f: {  	[sflag:s10] =	ssyncset.done $0x0  }
0x190: {  	[sflag:s10] =	ssyncadd.s32 $0xFFFFD800  }
0x191: {  	_ =	swait.ge [sflag:s11], $0x2800  }
0x192: {  	[sflag:s11] =	ssyncset.done $0x0  }
0x193: {  	[sflag:s11] =	ssyncadd.s32 $0xFFFFD800  }
0x194: {  	_ =	swait.ge [sflag:s12], $0x2800  }
0x195: {  	[sflag:s12] =	ssyncset.done $0x0  }
0x196: {  	s18 =	simm.s32 $0x0;
	s21 =	rddreg [dreg:$0x10];
	[sflag:s12] =	ssyncadd.s32 $0xFFFFD800  }
0x197: {  	[tilespmem:s18], [sflag:$0x9] =	stream.linear.gather [hbm4b:s21+s18], $0x1000, $0x38;
	v63 =	vld [tilespmem:$0x0]  }
0x198: {  	_ =	swait.ge [sflag:s25], $0x1000  }
0x199: {  	[sflag:s25] =	ssyncset.done $0x0  }
0x19a: {  	s20 =	rddreg [dreg:$0x11];
	[sflag:s25] =	ssyncadd.s32 $0xFFFFF000  }
0x19b: {  	[tilespmem:s26], [sflag:$0x9] =	stream.linear.gather [hbm4b:s20+s18], $0x1000, $0x38;
	v63 =	vld [tilespmem:$0x0]  }
0x19c: {  	_ =	swait.ge [sflag:s25], $0x1000  }
0x19d: {  	[sflag:s25] =	ssyncset.done $0x0  }
0x19e: {  	[sflag:s25] =	ssyncadd.s32 $0xFFFFF000  }
0x19f: {  	[tilespmem:s23], [sflag:$0x1] =	stream.indirect.gather [hbm4b:s4+s28], $0x80, s18, s28, $0xb8;
	v63 =	vld [tilespmem:$0x0]  }
0x1a0: {  	_ = 	snop  }
0x1a1: {  	[tilespmem:s30], [sflag:$0x2] =	stream.indirect.gather [hbm4b:s4+s28], $0x80, s29, s28, $0xb8;
	v63 =	vld [tilespmem:$0x0]  }
0x1a2: {  	_ = 	snop  }
0x1a3: {  	[tilespmem:s0], [sflag:$0x3] =	stream.indirect.gather [hbm4b:s4+s28], $0x80, s31, s28, $0xb8;
	v63 =	vld [tilespmem:$0x0]  }
0x1a4: {  	_ = 	snop  }
0x1a5: {  	[tilespmem:s3], [sflag:$0x4] =	stream.indirect.gather [hbm4b:s4+s28], $0x80, s2, s28, $0xb8;
	v63 =	vld [tilespmem:$0x0]  }
0x1a6: {  	_ =	swait.ge [sflag:s24], $0x2800  }
0x1a7: {  	[sflag:s24] =	ssyncset.done $0x0  }
0x1a8: {  	s21 =	simm.s32 $0x1000;
	[sflag:s24] =	ssyncadd.s32 $0xFFFFD800  }
0x1a9: {  	[spmem:s1] =	stream.indirect.scatter.add.f32 [tilespmem:s23], [sflag:$0x5], $0x80, s21, s28, $0xb8;
	v63 =	vld [tilespmem:$0x0]  }
0x1aa: {  	_ =	swait.ge [sflag:s6], $0x2800  }
0x1ab: {  	[sflag:s6] =	ssyncset.done $0x0  }
0x1ac: {  	s19 =	simm.s32 $0x1080;
	[sflag:s6] =	ssyncadd.s32 $0xFFFFD800  }
0x1ad: {  	[spmem:s1] =	stream.indirect.scatter.add.f32 [tilespmem:s30], [sflag:$0x6], $0x80, s19, s28, $0xb8;
	v63 =	vld [tilespmem:$0x0]  }
0x1ae: {  	_ =	swait.ge [sflag:s7], $0x2800  }
0x1af: {  	[sflag:s7] =	ssyncset.done $0x0  }
0x1b0: {  	s20 =	simm.s32 $0x1100;
	[sflag:s7] =	ssyncadd.s32 $0xFFFFD800  }
0x1b1: {  	[spmem:s1] =	stream.indirect.scatter.add.f32 [tilespmem:s0], [sflag:$0x7], $0x80, s20, s28, $0xb8;
	v63 =	vld [tilespmem:$0x0]  }
0x1b2: {  	_ =	swait.ge [sflag:s8], $0x2800  }
0x1b3: {  	[sflag:s8] =	ssyncset.done $0x0  }
0x1b4: {  	s21 =	simm.s32 $0x1180;
	[sflag:s8] =	ssyncadd.s32 $0xFFFFD800  }
0x1b5: {  	[spmem:s1] =	stream.indirect.scatter.add.f32 [tilespmem:s3], [sflag:$0x8], $0x80, s21, s28, $0xb8;
	v63 =	vld [tilespmem:$0x0]  }
0x1b6: {  	_ =	swait.ge [sflag:s9], $0x2800  }
0x1b7: {  	[sflag:s9] =	ssyncset.done $0x0  }
0x1b8: {  	s19 =	simm.s32 $0x200;
	[sflag:s9] =	ssyncadd.s32 $0xFFFFD800  }
0x1b9: {  	[tilespmem:s23], [sflag:$0x1] =	stream.indirect.gather [hbm4b:s4+s28], $0x80, s19, s28, $0xb8;
	v63 =	vld [tilespmem:$0x0]  }
0x1ba: {  	_ =	swait.ge [sflag:s10], $0x2800  }
0x1bb: {  	[sflag:s10] =	ssyncset.done $0x0  }
0x1bc: {  	s20 =	simm.s32 $0x280;
	[sflag:s10] =	ssyncadd.s32 $0xFFFFD800  }
0x1bd: {  	[tilespmem:s30], [sflag:$0x2] =	stream.indirect.gather [hbm4b:s4+s28], $0x80, s20, s28, $0xb8;
	v63 =	vld [tilespmem:$0x0]  }
0x1be: {  	_ =	swait.ge [sflag:s11], $0x2800  }
0x1bf: {  	[sflag:s11] =	ssyncset.done $0x0  }
0x1c0: {  	s21 =	simm.s32 $0x300;
	[sflag:s11] =	ssyncadd.s32 $0xFFFFD800  }
0x1c1: {  	[tilespmem:s0], [sflag:$0x3] =	stream.indirect.gather [hbm4b:s4+s28], $0x80, s21, s28, $0xb8;
	v63 =	vld [tilespmem:$0x0]  }
0x1c2: {  	_ =	swait.ge [sflag:s12], $0x2800  }
0x1c3: {  	[sflag:s12] =	ssyncset.done $0x0  }
0x1c4: {  	s18 =	simm.s32 $0x800;
	s19 =	simm.s32 $0x380;
	[sflag:s12] =	ssyncadd.s32 $0xFFFFD800  }
.LBB2_10:
0x1c5: {  	[tilespmem:s3], [sflag:$0x4] =	stream.indirect.gather [hbm4b:s4+s28], $0x80, s19, s28, $0xb8;
	v63 =	vld [tilespmem:$0x0]  }
0x1c6: {  	s19 =	smov.u32 s18  }
0x1c7: {  	p0 =	sne.s32 s18, $0x3000;
	s18 =	sadd.s32 $0x800, s18;
	_ =	swait.ge [sflag:s24], $0x2800  }
0x1c8: {  	s19 =	sshra.s32 s19, $0x2;
	[sflag:s24] =	ssyncset.done $0x0  }
0x1c9: {  	s20 =	sadd.s32 $0x1000, s19;
	[sflag:s24] =	ssyncadd.s32 $0xFFFFD800  }
0x1ca: {  	[spmem:s1] =	stream.indirect.scatter.add.f32 [tilespmem:s23], [sflag:$0x5], $0x80, s20, s28, $0xb8;
	v63 =	vld [tilespmem:$0x0]  }
0x1cb: {  	_ =	swait.ge [sflag:s6], $0x2800  }
0x1cc: {  	[sflag:s6] =	ssyncset.done $0x0  }
0x1cd: {  	s20 =	sadd.s32 $0x1080, s19;
	[sflag:s6] =	ssyncadd.s32 $0xFFFFD800  }
0x1ce: {  	[spmem:s1] =	stream.indirect.scatter.add.f32 [tilespmem:s30], [sflag:$0x6], $0x80, s20, s28, $0xb8;
	v63 =	vld [tilespmem:$0x0]  }
0x1cf: {  	_ =	swait.ge [sflag:s7], $0x2800  }
0x1d0: {  	[sflag:s7] =	ssyncset.done $0x0  }
0x1d1: {  	s20 =	sadd.s32 $0x1100, s19;
	[sflag:s7] =	ssyncadd.s32 $0xFFFFD800  }
0x1d2: {  	[spmem:s1] =	stream.indirect.scatter.add.f32 [tilespmem:s0], [sflag:$0x7], $0x80, s20, s28, $0xb8;
	v63 =	vld [tilespmem:$0x0]  }
0x1d3: {  	_ =	swait.ge [sflag:s8], $0x2800  }
0x1d4: {  	[sflag:s8] =	ssyncset.done $0x0  }
0x1d5: {  	s20 =	sadd.s32 $0x1180, s19;
	[sflag:s8] =	ssyncadd.s32 $0xFFFFD800  }
0x1d6: {  	[spmem:s1] =	stream.indirect.scatter.add.f32 [tilespmem:s3], [sflag:$0x8], $0x80, s20, s28, $0xb8;
	v63 =	vld [tilespmem:$0x0]  }
0x1d7: {  	_ =	swait.ge [sflag:s9], $0x2800  }
0x1d8: {  	[sflag:s9] =	ssyncset.done $0x0  }
0x1d9: {  	s20 =	sadd.s32 $0x200, s19;
	[sflag:s9] =	ssyncadd.s32 $0xFFFFD800  }
0x1da: {  	[tilespmem:s23], [sflag:$0x1] =	stream.indirect.gather [hbm4b:s4+s28], $0x80, s20, s28, $0xb8;
	v63 =	vld [tilespmem:$0x0]  }
0x1db: {  	_ =	swait.ge [sflag:s10], $0x2800  }
0x1dc: {  	[sflag:s10] =	ssyncset.done $0x0  }
0x1dd: {  	s20 =	sadd.s32 $0x280, s19;
	[sflag:s10] =	ssyncadd.s32 $0xFFFFD800  }
0x1de: {  	[tilespmem:s30], [sflag:$0x2] =	stream.indirect.gather [hbm4b:s4+s28], $0x80, s20, s28, $0xb8;
	v63 =	vld [tilespmem:$0x0]  }
0x1df: {  	_ =	swait.ge [sflag:s11], $0x2800  }
0x1e0: {  	[sflag:s11] =	ssyncset.done $0x0  }
.Ltmp4:
0x1e1: {  	s20 =	sadd.s32 $0x300, s19;
	[sflag:s11] =	ssyncadd.s32 $0xFFFFD800;
	(pc) =	sbr.rel @p0 .LBB2_10-.Ltmp4, $4  }
0x1e2: {  	[tilespmem:s0], [sflag:$0x3] =	stream.indirect.gather [hbm4b:s4+s28], $0x80, s20, s28, $0xb8;
	v63 =	vld [tilespmem:$0x0]  }
0x1e3: {  	_ =	swait.ge [sflag:s12], $0x2800  }
0x1e4: {  	[sflag:s12] =	ssyncset.done $0x0  }
0x1e5: {  	s19 =	sadd.s32 $0x380, s19;
	[sflag:s12] =	ssyncadd.s32 $0xFFFFD800  }
0x1e6: {  	[tilespmem:s3], [sflag:$0x4] =	stream.indirect.gather [hbm4b:s4+s28], $0x80, s19, s28, $0xb8;
	v63 =	vld [tilespmem:$0x0]  }
0x1e7: {  	_ =	swait.ge [sflag:s24], $0x2800  }
0x1e8: {  	[sflag:s24] =	ssyncset.done $0x0  }
0x1e9: {  	[sflag:s24] =	ssyncadd.s32 $0xFFFFD800  }
0x1ea: {  	[spmem:s1] =	stream.indirect.scatter.add.f32 [tilespmem:s23], [sflag:$0x5], $0x80, s13, s28, $0xb8;
	v63 =	vld [tilespmem:$0x0]  }
0x1eb: {  	_ =	swait.ge [sflag:s6], $0x2800  }
0x1ec: {  	[sflag:s6] =	ssyncset.done $0x0  }
0x1ed: {  	[sflag:s6] =	ssyncadd.s32 $0xFFFFD800  }
0x1ee: {  	[spmem:s1] =	stream.indirect.scatter.add.f32 [tilespmem:s30], [sflag:$0x6], $0x80, s14, s28, $0xb8;
	v63 =	vld [tilespmem:$0x0]  }
0x1ef: {  	_ =	swait.ge [sflag:s7], $0x2800  }
0x1f0: {  	[sflag:s7] =	ssyncset.done $0x0  }
0x1f1: {  	[sflag:s7] =	ssyncadd.s32 $0xFFFFD800  }
0x1f2: {  	[spmem:s1] =	stream.indirect.scatter.add.f32 [tilespmem:s0], [sflag:$0x7], $0x80, s15, s28, $0xb8;
	v63 =	vld [tilespmem:$0x0]  }
0x1f3: {  	_ =	swait.ge [sflag:s8], $0x2800  }
0x1f4: {  	[sflag:s8] =	ssyncset.done $0x0  }
0x1f5: {  	[sflag:s8] =	ssyncadd.s32 $0xFFFFD800  }
0x1f6: {  	[spmem:s1] =	stream.indirect.scatter.add.f32 [tilespmem:s3], [sflag:$0x8], $0x80, s16, s28, $0xb8;
	v63 =	vld [tilespmem:$0x0]  }
0x1f7: {  	_ =	swait.ge [sflag:s9], $0x2800  }
0x1f8: {  	[sflag:s9] =	ssyncset.done $0x0  }
0x1f9: {  	[sflag:s9] =	ssyncadd.s32 $0xFFFFD800  }
0x1fa: {  	_ =	swait.ge [sflag:s10], $0x2800  }
0x1fb: {  	[sflag:s10] =	ssyncset.done $0x0  }
0x1fc: {  	[sflag:s10] =	ssyncadd.s32 $0xFFFFD800  }
0x1fd: {  	_ =	swait.ge [sflag:s11], $0x2800  }
0x1fe: {  	[sflag:s11] =	ssyncset.done $0x0  }
0x1ff: {  	[sflag:s11] =	ssyncadd.s32 $0xFFFFD800  }
0x200: {  	_ =	swait.ge [sflag:s12], $0x2800  }
0x201: {  	s18 =	stileid.u32;
	[sflag:s12] =	ssyncset.done $0x0  }
0x202: {  	s21 =	sshrl.u32 s5, $0x3;
	s17 =	sadd.s32 $0x1, s17;
	[sflag:s12] =	ssyncadd.s32 $0xFFFFD800  }
0x203: {  	s18 =	sshll.u32 s18, $0x6;
	p0 =	sne.s32 s17, s22;
	[bflag:$0x0] =	sbarrier.arrive $0xFFFF  }
.Ltmp5:
0x204: {  	s18 =	sor.u32 $0x1C09, s18;
	s20 =	rddreg [dreg:$0x12];
	(pc) =	sbr.rel @p0 .LBB2_1-.Ltmp5, $4  }
0x205: {  	[hbm:s20], [sflag:s18] =	dma.local [spmem:s21], $0x2800  }
0x206: {  	_ =	swait.ge [sflag:s25], $0x2800  }
0x207: {  	[sflag:s25] =	ssyncset.done $0x0  }
0x208: {  	[sflag:s25] =	ssyncadd.s32 $0xFFFFD800  }
0x209: {  	_ =	sfence.sel $0x180000  }
0x20a: {  	[bflag:$0x0] =	sbarrier.arrive $0xFFFF  }
0x20b: {  	_ =	strace $0x9000004A  }
0x20c: {  	s0 =	stileid.u32;
	[bflag:$0x2] =	sbarrier.arrive $0xFFFF  }
0x20d: {  	p0 =	sne.s32 s0, $0x0;
	s0 =	rddreg [dreg:$0x2]  }
0x20e: {  	s0 =	sadd.s32 @!p0 $0x100000, s0  }
0x20f: {  	[sflag:s0] =	ssyncadd.tile.s32 @!p0 $0x1;
	_ =	shalt  }
.Lfunc_end2:
_tile_overlayer_lowered:
.L_overlay_start_2:
0x210: {  	(tag) =	ssettag $0x2  }
0x211: {  	s0 =	rddreg [dreg:$0x0];
	s2 =	stileid.u32  }
0x212: {  	s1 =	rddreg [dreg:$0x1];
	p0 =	sne.s32 s2, $0x0  }
0x213: {  	s3 =	rddreg [dreg:$0x2];
	[bflag:$0x3] =	sbarrier.arrive $0xFFFF;
	s2 =	simm.s32 @!p0 $0x1C09  }
0x214: {  	[timem:s3], [sflag:s2] =	dma.local @!p0 [hbm:s0], s1  }
0x215: {  	s0 =	simm.s32 @!p0 $0x9  }
0x216: {  	_ =	swait.ge @!p0 [sflag:s0], s1  }
0x217: {  	s1 =	ssub.s32 @!p0 $0x0, s1;
	[sflag:s0] =	ssyncset.done @!p0 $0x0  }
0x218: {  	[sflag:s0] =	ssyncadd.s32 @!p0 s1  }
0x219: {  	[bflag:$0x3] =	sbarrier.arrive $0xFFFF  }
0x21a: {  	_ =	shalt  }

// kernel: kernel.14.cloned.1.call-start
scs
__scs_entry_jumppad:
0x0: {  	(pc) =	sbr.rel $0x88, $3  }
0x1: {  	(tag) =	ssettag $0x0;
	lr =	simm.s32 $0x1  }
0x2: {  	[smem:$0x3F9B] =	sst lr;
	_ =	strace $0xD0000000  }
0x3: {  	_ = 	snop  }
0x4: {  	_ = 	snop  }
0x5: {  	_ = 	snop  }
0x6: {  	_ = 	snop  }
0x7: {  	_ = 	snop  }
__scs_overlays_trampoline_lowered:
0x8: {  	[smem:$0x3FAA] =	sst s0  }
0x9: {  	[smem:$0x3FAB] =	sst s1  }
0xa: {  	[smem:$0x3FAC] =	sst s2  }
0xb: {  	[smem:$0x3FAD] =	sst s3  }
0xc: {  	[smem:$0x3FAE] =	sst s4  }
0xd: {  	[smem:$0x3FAF] =	sst s5  }
0xe: {  	[smem:$0x3FB0] =	sst s6  }
0xf: {  	[smem:$0x3FB1] =	sst s7  }
0x10: {  	[smem:$0x3FB2] =	sst s8  }
0x11: {  	[smem:$0x3FB3] =	sst s9;
	s0 =	simm.s32 @!p0 $0x0  }
0x12: {  	s1 =	sld [smem:$0x3F99];
	s0 =	simm.s32 @p0 $0x1  }
0x13: {  	[smem:$0x3FB4] =	sst s0;
	s0 =	simm.s32 @!p1 $0x0  }
0x14: {  	s2 =	sld [smem:$0x3F98];
	s0 =	simm.s32 @p1 $0x1  }
0x15: {  	[smem:$0x3FB5] =	sst s0;
	s0 =	simm.s32 @!p2 $0x0  }
0x16: {  	s3 =	sld [smem:$0x3FDB];
	s0 =	simm.s32 @p2 $0x1  }
0x17: {  	s4 =	simm.s32 $0x1BF5;
	[smem:$0x3FB7] =	sst s0  }
0x18: {  	s0 =	sld [smem:$0x3F9A];
	_ =	swait.ge [sflag:s4], $0x0  }
0x19: {  	s7 =	sld [smem:$0x3F9B]  }
0x1a: {  	s8 =	sadd.s32 $0xFFFFE003, lr  }
0x1b: {  	s9 =	sadd.s32 $0xFFFFFEF7, lr;
	s5 =	simm.s32 $0xFFFFFFFF;
	p2 =	slt.u32 s8, $0xFFFFF086  }
0x1c: {  	p1 =	slt.u32 s9, $0xF7A;
	s5 =	simm.s32 @!p2 $0x0  }
0x1d: {  	s5 =	simm.s32 @p1 $0x1;
	p0 =	seq.s32 s7, s2  }
0x1e: {  	s7 =	smul.u32 @!p0 $0xF7A, s2;
	p2 =	seq.s32 @!p0 s5, $0x0  }
0x1f: {  	s9 =	smul.u32 $0xF7A, s1;
	s8 =	simm.s32 @!p0 $0x1BF5;
	p2 =	por !p2, p0  }
0x20: {  	[sflag:s8] =	ssyncset.s32 @!p0 $0xFFFFF086;
	s6 =	sadd.s32 @!p0 s3, s7;
	s7 =	simm.s32 @!p0 $0x108  }
0x21: {  	s3 =	sadd.s32 s3, s9;
	s6 =	sadd.s32 @!p0 $0x88, s6;
	s7 =	simm.s32 @p2 $0x1082  }
0x22: {  	[simem:s7], [sflag:s8] =	dma.local @!p0 [hbm:s6], $0xF7A  }
0x23: {  	s9 =	sor.u32 $0xD0000000, s2;
	s6 =	simm.s32 $0x108;
	_ =	swait.ge @!p0 [sflag:s8], $0x0  }
0x24: {  	s3 =	sadd.s32 $0x88, s3;
	s6 =	simm.s32 @!p1 $0x1082;
	[sflag:s4] =	ssyncset.s32 $0xFFFFF086  }
0x25: {  	[simem:s6], [sflag:s4] =	dma.local [hbm:s3], $0xF7A  }
0x26: {  	[smem:$0x3F9B] =	sst s1;
	(tag) =	ssettag s2;
	_ =	strace s9  }
0x27: {  	s1 =	sld [smem:$0x3FAB]  }
0x28: {  	s2 =	sld [smem:$0x3FAC]  }
0x29: {  	s4 =	sld [smem:$0x3FAE]  }
0x2a: {  	p0 =	seq.s32 s5, $0x0;
	s5 =	sld [smem:$0x3FAF]  }
0x2b: {  	s6 =	sld [smem:$0x3FB0]  }
0x2c: {  	s7 =	sld [smem:$0x3FB1]  }
0x2d: {  	s3 =	simm.s32 $0x108;
	s8 =	sld [smem:$0x3FB2]  }
0x2e: {  	s3 =	simm.s32 @!p0 $0x1082;
	s9 =	sld [smem:$0x3FB3]  }
0x2f: {  	lr =	sadd.s32 s0, s3;
	s0 =	sld [smem:$0x3FAA]  }
0x30: {  	s3 =	sld [smem:$0x3FAD]  }
0x31: {  	[smem:$0x3FB6] =	sst s10  }
0x32: {  	s10 =	sld [smem:$0x3FB4];
	_ =	sdelay $0x3  }
0x33: {  	p0 =	seq.s32 s10, $0x1;
	s10 =	sld [smem:$0x3FB6];
	_ =	sdelay $0x3  }
0x34: {  	[smem:$0x3FB6] =	sst s10  }
0x35: {  	s10 =	sld [smem:$0x3FB5];
	_ =	sdelay $0x3  }
0x36: {  	p1 =	seq.s32 s10, $0x1;
	s10 =	sld [smem:$0x3FB6];
	_ =	sdelay $0x3  }
0x37: {  	[smem:$0x3FB6] =	sst s10  }
0x38: {  	s10 =	sld [smem:$0x3FB7]  }
0x39: {  	_ = 	snop;
	(pc) =	sbr.ind lr, $3  }
0x3a: {  	_ = 	snop  }
0x3b: {  	_ = 	snop  }
0x3c: {  	p2 =	seq.s32 s10, $0x1;
	s10 =	sld [smem:$0x3FB6]  }
0x3d: {  	_ =	shalt  }
0x3e: {  	_ =	shalt  }
0x3f: {  	_ =	shalt  }
0x40: {  	_ =	shalt  }
0x41: {  	_ =	shalt  }
0x42: {  	_ =	shalt  }
0x43: {  	_ =	shalt  }
0x44: {  	_ =	shalt  }
0x45: {  	_ =	shalt  }
0x46: {  	_ =	shalt  }
0x47: {  	_ =	shalt  }
0x48: {  	_ =	shalt  }
0x49: {  	_ =	shalt  }
0x4a: {  	_ =	shalt  }
0x4b: {  	_ =	shalt  }
0x4c: {  	_ =	shalt  }
0x4d: {  	_ =	shalt  }
0x4e: {  	_ =	shalt  }
0x4f: {  	_ =	shalt  }
0x50: {  	_ =	shalt  }
0x51: {  	_ =	shalt  }
0x52: {  	_ =	shalt  }
0x53: {  	_ =	shalt  }
0x54: {  	_ =	shalt  }
0x55: {  	_ =	shalt  }
0x56: {  	_ =	shalt  }
0x57: {  	_ =	shalt  }
0x58: {  	_ =	shalt  }
0x59: {  	_ =	shalt  }
0x5a: {  	_ =	shalt  }
0x5b: {  	_ =	shalt  }
0x5c: {  	_ =	shalt  }
0x5d: {  	_ =	shalt  }
0x5e: {  	_ =	shalt  }
0x5f: {  	_ =	shalt  }
0x60: {  	_ =	shalt  }
0x61: {  	_ =	shalt  }
0x62: {  	_ =	shalt  }
0x63: {  	_ =	shalt  }
0x64: {  	_ =	shalt  }
0x65: {  	_ =	shalt  }
0x66: {  	_ =	shalt  }
0x67: {  	_ =	shalt  }
0x68: {  	_ =	shalt  }
0x69: {  	_ =	shalt  }
0x6a: {  	_ =	shalt  }
0x6b: {  	_ =	shalt  }
0x6c: {  	_ =	shalt  }
0x6d: {  	_ =	shalt  }
0x6e: {  	_ =	shalt  }
0x6f: {  	_ =	shalt  }
0x70: {  	_ =	shalt  }
0x71: {  	_ =	shalt  }
0x72: {  	_ =	shalt  }
0x73: {  	_ =	shalt  }
0x74: {  	_ =	shalt  }
0x75: {  	_ =	shalt  }
0x76: {  	_ =	shalt  }
0x77: {  	_ =	shalt  }
0x78: {  	_ =	shalt  }
0x79: {  	_ =	shalt  }
0x7a: {  	_ =	shalt  }
0x7b: {  	_ =	shalt  }
0x7c: {  	_ =	shalt  }
0x7d: {  	_ =	shalt  }
0x7e: {  	_ =	shalt  }
0x7f: {  	_ =	shalt  }
0x80: {  	_ =	shalt  }
0x81: {  	_ =	shalt  }
0x82: {  	_ =	shalt  }
0x83: {  	_ =	shalt  }
0x84: {  	_ =	shalt  }
0x85: {  	_ =	shalt  }
0x86: {  	_ =	shalt  }
0x87: {  	_ =	shalt  }
.Lfunc_end0:
.L_simem_size_0:
called_computation.2_lowered:
.L_overlay_start_0:
0x88: {  	s2 =	sld [smem:$0x3FD9]  }
0x89: {  	s3 =	sld [smem:$0x3FFE];
	_ =	sdelay $0x1  }
0x8a: {  	s1 =	srdreg.scid  }
0x8b: {  	s0 =	sand.u32 $0x1, s1  }
0x8c: {  	s16 =	sshll.u32 s0, $0xA;
	s2 =	sadd.s32 s3, s2  }
0x8d: {  	s2 =	sadd.s32 s2, s16  }
0x8e: {  	[smem:$0x3FC2] =	sst s2  }
0x8f: {  	_ = 	snop  }
0x90: {  	(tm) =	ssettm $0x1  }
0x91: {  	s17 =	sld [smem:$0x3FFB];
	_ =	sdelay $0x3  }
0x92: {  	_ =	strace s17  }
0x93: {  	s2 =	sld [smem:$0x3FFC];
	_ =	sdelay $0x3  }
0x94: {  	_ =	strace s2  }
0x95: {  	s2 =	sld [smem:$0x3FFD];
	_ =	sdelay $0x3  }
0x96: {  	_ =	strace s2  }
0x97: {  	_ =	strace $0x8FFFFFFF  }
0x98: {  	s18 =	sld [smem:$0x3FDB];
	_ =	sdelay $0x1  }
0x99: {  	s19 =	simm.s32 $_scs_section_size  }
0x9a: {  	s4 =	simm.s32 $_size__tile_overlayer_lowered;
	s5 =	simm.s32 $_tile_overlayer_lowered  }
0x9b: {  	s22 =	simm.s32 $0x1BFF;
	s21 =	sshll.u32 s5, $0x1;
	s2 =	sadd.s32 s19, s18  }
0x9c: {  	s6 =	simm.s32 $0x0;
	s20 =	sshll.u32 s4, $0x1;
	s4 =	sadd.s32 s21, s2  }
0x9d: {  	[timem:s6], [sflag:s22] =	dma.local [hbm:s4], s20  }
0x9e: {  	_ =	swait.ge [sflag:s22], s20  }
0x9f: {  	s3 =	ssub.s32 $0x0, s20;
	[sflag:s22] =	ssyncset.done $0x0  }
0xa0: {  	[sflag:s22] =	ssyncadd.s32 s3;
	_ =	sdelay $0x1  }
0xa1: {  	s23 =	simm.s32 $0x1B8B  }
0xa2: {  	_ =	swait.ge [sflag:s23], $0x1  }
0xa3: {  	[sflag:s23] =	ssyncset.done $0x0  }
0xa4: {  	s25 =	simm.s32 $0x1B8E;
	s24 =	sld [smem:$0x3FFE];
	[sflag:s23] =	ssyncadd.s32 $0xFFFFFFFF  }
0xa5: {  	s26 =	simm.s32 $execute0_lowered;
	[smem:$0x3FD2] =	sst s25  }
0xa6: {  	s4 =	sshll.u32 s26, $0x1;
	_ =	strace $0x8000004C;
	[dreg:$0x1] =	wrdreg $0xFFFFFFFF  }
0xa7: {  	s28 =	simm.s32 $_size_execute0_lowered;
	s2 =	sadd.s32 s2, s4;
	[dreg:$0x0] =	wrdreg $0x0  }
0xa8: {  	s4 =	sshll.u32 s28, $0x1;
	[dreg:$0x2] =	wrdreg s2  }
0xa9: {  	[dreg:$0x3] =	wrdreg s4  }
0xaa: {  	[dreg:$0x4] =	wrdreg $0xC0  }
0xab: {  	_ =	task [dreg:s6], $0x5FFFF  }
0xac: {  	[dreg:$0x1] =	wrdreg $0xFFFFFFFF  }
0xad: {  	[dreg:$0x0] =	wrdreg $0x60  }
0xae: {  	[dreg:$0x2] =	wrdreg s24  }
0xaf: {  	[dreg:$0x3] =	wrdreg $0xC0000  }
0xb0: {  	[dreg:$0x4] =	wrdreg $0x9  }
0xb1: {  	_ =	task.clear_ibuf [dreg:s6], $0x5FFFF;
	_ =	strace $0x9000004C  }
0xb2: {  	s29 =	simm.s32 $0x9;
	_ =	strace $0x8000004E  }
0xb3: {  	_ =	swait.ge [sflag:s29], $0x1  }
0xb4: {  	[sflag:s29] =	ssyncadd.s32 $0xFFFFFFFF  }
0xb5: {  	_ =	strace $0x9000004E  }
0xb6: {  	_ =	sfence  }
0xb7: {  	s30 =	sld [smem:$0x0];
	_ =	sdelay $0x2  }
0xb8: {  	s31 =	sshll.u32 s1, $0xD;
	s1 =	sshrl.u32 s1, $0x2  }
0xb9: {  	s3 =	sand.u32 $0x4000, s31;
	s1 =	sadd.s32 s1, s30  }
0xba: {  	s0 =	sor.u32 s3, s0;
	s1 =	sshll.u32 s1, $0x11  }
0xbb: {  	s0 =	sor.u32 s1, s0  }
0xbc: {  	s0 =	sadd.s32 $0x8F2B, s0  }
0xbd: {  	[sflag:s0] =	ssyncadd.remote.s32 $0x1  }
0xbe: {  	_ =	sfence.sel $0xFFFF  }
0xbf: {  	[dreg:$0x0] =	wrdreg $0xFFFFFFFF;
	(pc) =	sbr.abs _section_cstart, $3  }
0xc0: {  	[dreg:$0x1] =	wrdreg $0xFFFFFFFF  }
0xc1: {  	_ =	task.clear_ibuf [dreg:s6], $0x2FFFF;
	_ =	strace $0x9FFFFFFF  }
0xc2: {  	(tm) =	ssettm $0x7FFFFFFF  }
0xc3: {  	_ =	shalt  }
tec
execute0_lowered:
.L_overlay_start_1:
0x0: {  	(tag) =	ssettag $0x1  }
0x1: {  	s0 =	rddreg [dreg:$0x0]  }
0x2: {  	s1 =	rddreg [dreg:$0x1];
	s2 =	srdreg.scid  }
0x3: {  	s4 =	simm.s32 $0x0;
	s10 =	stileid.u32;
	s28 =	simm.s32 $0x50  }
0x4: {  	s29 =	simm.s32 $0x80;
	s30 =	simm.s32 $0x4800;
	s31 =	simm.s32 $0x100  }
0x5: {  	s2 =	sand.u32 $0x1, s2;
	[smem:$0x7FF] =	sst s4;
	s5 =	smul.u32 $0x14000, s10  }
0x6: {  	s6 =	smul.u32 $0x50000, s10;
	s4 =	sadd.s32 $0x22C00, s0;
	s7 =	sadd.s32 $0x2C00, s0  }
0x7: {  	s8 =	sadd.s32 $0x12C00, s0;
	s18 =	sshll.u32 s10, $0xB;
	s10 =	simm.s32 $0x6  }
0x8: {  	s3 =	smul.u32 $0x140000, s2;
	s9 =	ssub.s32 $0x2, s2;
	s2 =	sshll.u32 s2, $0xF  }
0x9: {  	_ =	strace $0x8000004D;
	s6 =	sshrl.u32 s6, $0x2;
	s2 =	sor.u32 s18, s2  }
0xa: {  	s3 =	sadd.s32 s5, s3;
	s5 =	sadd.s32 s6, s1;
	s6 =	sadd.s32 s7, s2  }
0xb: {  	s11 =	sshrl.u32 s9, $0x1;
	s21 =	sadd.s32 s8, s2;
	[dreg:$0xa] =	wrdreg s6  }
0xc: {  	s12 =	ssub.s32 s9, s11;
	s13 =	sadd.s32 $0x2800, s5;
	[dreg:$0xb] =	wrdreg s21  }
0xd: {  	s22 =	sor.u32 $0x200, s2;
	s14 =	sadd.s32 $0x5000, s5;
	[dreg:$0x3] =	wrdreg s13  }
0xe: {  	s24 =	sor.u32 $0x400, s2;
	s15 =	sadd.s32 $0x7800, s5;
	[dreg:$0x4] =	wrdreg s14  }
0xf: {  	s2 =	sor.u32 $0x600, s2;
	s16 =	sadd.s32 $0xA000, s5;
	[dreg:$0x5] =	wrdreg s15  }
0x10: {  	s9 =	simm.s32 $0x5;
	s17 =	sadd.s32 $0xC800, s5;
	[dreg:$0x6] =	wrdreg s16  }
0x11: {  	s11 =	simm.s32 $0x7;
	s19 =	sadd.s32 $0xF000, s5;
	[dreg:$0x7] =	wrdreg s17  }
0x12: {  	s3 =	sshrl.u32 s3, $0x3;
	s20 =	sadd.s32 $0x11800, s5;
	[dreg:$0x8] =	wrdreg s19  }
0x13: {  	s23 =	sadd.s32 s7, s22;
	s6 =	sadd.s32 s8, s22;
	[dreg:$0x9] =	wrdreg s20  }
0x14: {  	s25 =	sadd.s32 s7, s24;
	s26 =	sadd.s32 s7, s2;
	[dreg:$0xc] =	wrdreg s23  }
0x15: {  	s2 =	sadd.s32 s8, s2;
	s22 =	smax.u32 s12, $0x1;
	[dreg:$0xd] =	wrdreg s6  }
0x16: {  	s7 =	simm.s32 $0x3;
	s12 =	simm.s32 $0x8;
	[dreg:$0xe] =	wrdreg s25  }
0x17: {  	s0 =	sadd.s32 s3, s0;
	s6 =	sadd.s32 s8, s24;
	[dreg:$0x10] =	wrdreg s26  }
0x18: {  	[dreg:$0x11] =	wrdreg s2;
	s23 =	simm.s32 $0x2000;
	s24 =	simm.s32 $0x1  }
0x19: {  	s25 =	simm.s32 $0x9;
	s26 =	simm.s32 $0x1000;
	s2 =	simm.s32 $0x180  }
0x1a: {  	s3 =	simm.s32 $0x9800;
	s8 =	simm.s32 $0x4;
	s13 =	simm.s32 $0x1E00  }
0x1b: {  	s14 =	simm.s32 $0x1E80;
	s15 =	simm.s32 $0x1F00;
	s16 =	simm.s32 $0x1F80  }
0x1c: {  	s17 =	simm.s32 $0x0;
	[dreg:$0xf] =	wrdreg s6;
	s0 =	sadd.s32 $0x49E00, s0  }
0x1d: {  	v0 =	vimm.f32 $0.0e+00;
	s6 =	simm.s32 $0x2;
	[dreg:$0x12] =	wrdreg s0;
	s0 =	simm.s32 $0x7000  }
.LBB2_1:
0x1e: {  	s19 =	simm.s32 $0x0  }
0x1f: {  	s18 =	sand.u32 $0xFE00, s19  }
0x20: {  	s19 =	sand.u32 $0x70, s19;
	s20 =	sshrl.u32 s18, $0x2  }
0x21: {  	s18 =	simm.s32 $0x40;
	s20 =	sor.u32 s19, s20;
	s19 =	simm.s32 $0x0  }
.LBB2_2:
0x22: {  	p0 =	sne.s32 s18, $0x9FC0  }
0x23: {  	[tilespmem:s20+$0x2000] =	vst v0;
	s19 =	sadd.s32 $0x10, s19;
	s20 =	smov.u32 s18;
	s18 =	sadd.s32 $0x40, s18  }
.Ltmp0:
0x24: {  	(pc) =	sbr.rel @p0 .LBB2_2-.Ltmp0, $4  }
0x25: {  	_ = 	snop  }
0x26: {  	s20 =	sand.u32 $0xFE00, s20  }
0x27: {  	s21 =	sand.u32 $0x70, s19;
	s20 =	sshrl.u32 s20, $0x2  }
0x28: {  	s20 =	sor.u32 s21, s20  }
0x29: {  	[tilespmem:s20+$0x2000] =	vst v0  }
0x2a: {  	[spmem:s5] =	stream.linear.scatter [tilespmem:s23], [sflag:$0x1], $0x2800, $0x38;
	v63 =	vld [tilespmem:$0x0]  }
0x2b: {  	s18 =	rddreg [dreg:$0x3]  }
0x2c: {  	[spmem:s18] =	stream.linear.scatter [tilespmem:s23], [sflag:$0x1], $0x2800, $0x38;
	v63 =	vld [tilespmem:$0x0]  }
0x2d: {  	s21 =	rddreg [dreg:$0x4]  }
0x2e: {  	[spmem:s21] =	stream.linear.scatter [tilespmem:s23], [sflag:$0x1], $0x2800, $0x38;
	v63 =	vld [tilespmem:$0x0]  }
0x2f: {  	s19 =	rddreg [dreg:$0x5]  }
0x30: {  	[spmem:s19] =	stream.linear.scatter [tilespmem:s23], [sflag:$0x1], $0x2800, $0x38;
	v63 =	vld [tilespmem:$0x0]  }
0x31: {  	s20 =	rddreg [dreg:$0x6]  }
0x32: {  	[spmem:s20] =	stream.linear.scatter [tilespmem:s23], [sflag:$0x1], $0x2800, $0x38;
	v63 =	vld [tilespmem:$0x0]  }
0x33: {  	s21 =	rddreg [dreg:$0x7]  }
0x34: {  	[spmem:s21] =	stream.linear.scatter [tilespmem:s23], [sflag:$0x1], $0x2800, $0x38;
	v63 =	vld [tilespmem:$0x0]  }
0x35: {  	s19 =	rddreg [dreg:$0x8]  }
0x36: {  	[spmem:s19] =	stream.linear.scatter [tilespmem:s23], [sflag:$0x1], $0x2800, $0x38;
	v63 =	vld [tilespmem:$0x0]  }
0x37: {  	s20 =	rddreg [dreg:$0x9]  }
0x38: {  	[spmem:s20] =	stream.linear.scatter [tilespmem:s23], [sflag:$0x1], $0x2800, $0x38;
	v63 =	vld [tilespmem:$0x0]  }
0x39: {  	_ =	swait.ge [sflag:s24], $0x2800  }
0x3a: {  	[sflag:s24] =	ssyncset.done $0x0  }
0x3b: {  	[sflag:s24] =	ssyncadd.s32 $0xFFFFD800  }
0x3c: {  	_ =	swait.ge [sflag:s24], $0x2800  }
0x3d: {  	[sflag:s24] =	ssyncset.done $0x0  }
0x3e: {  	[sflag:s24] =	ssyncadd.s32 $0xFFFFD800  }
0x3f: {  	_ =	swait.ge [sflag:s24], $0x2800  }
0x40: {  	[sflag:s24] =	ssyncset.done $0x0  }
0x41: {  	[sflag:s24] =	ssyncadd.s32 $0xFFFFD800  }
0x42: {  	_ =	swait.ge [sflag:s24], $0x2800  }
0x43: {  	[sflag:s24] =	ssyncset.done $0x0  }
0x44: {  	[sflag:s24] =	ssyncadd.s32 $0xFFFFD800  }
0x45: {  	_ =	swait.ge [sflag:s24], $0x2800  }
0x46: {  	[sflag:s24] =	ssyncset.done $0x0  }
0x47: {  	[sflag:s24] =	ssyncadd.s32 $0xFFFFD800  }
0x48: {  	_ =	swait.ge [sflag:s24], $0x2800  }
0x49: {  	[sflag:s24] =	ssyncset.done $0x0  }
0x4a: {  	[sflag:s24] =	ssyncadd.s32 $0xFFFFD800  }
0x4b: {  	_ =	swait.ge [sflag:s24], $0x2800  }
0x4c: {  	[sflag:s24] =	ssyncset.done $0x0  }
0x4d: {  	[sflag:s24] =	ssyncadd.s32 $0xFFFFD800  }
0x4e: {  	_ =	swait.ge [sflag:s24], $0x2800  }
0x4f: {  	[sflag:s24] =	ssyncset.done $0x0  }
0x50: {  	[sflag:s24] =	ssyncadd.s32 $0xFFFFD800  }
0x51: {  	[bflag:$0x0] =	sbarrier.arrive $0xFFFF  }
0x52: {  	s21 =	simm.s32 $0x0;
	s19 =	rddreg [dreg:$0xa]  }
0x53: {  	[tilespmem:s21], [sflag:$0x9] =	stream.linear.gather [hbm4b:s19+s21], $0x1000, $0x38;
	v63 =	vld [tilespmem:$0x0]  }
0x54: {  	_ =	swait.ge [sflag:s25], $0x1000  }
0x55: {  	[sflag:s25] =	ssyncset.done $0x0  }
0x56: {  	s20 =	rddreg [dreg:$0xb];
	[sflag:s25] =	ssyncadd.s32 $0xFFFFF000  }
0x57: {  	[tilespmem:s26], [sflag:$0x9] =	stream.linear.gather [hbm4b:s20+s21], $0x1000, $0x38;
	v63 =	vld [tilespmem:$0x0]  }
0x58: {  	_ =	swait.ge [sflag:s25], $0x1000  }
0x59: {  	[sflag:s25] =	ssyncset.done $0x0  }
0x5a: {  	[sflag:s25] =	ssyncadd.s32 $0xFFFFF000  }
0x5b: {  	[tilespmem:s23], [sflag:$0x1] =	stream.indirect.gather [hbm4b:s4+s28], $0x80, s21, s28, $0xb8;
	v63 =	vld [tilespmem:$0x0]  }
0x5c: {  	_ = 	snop  }
0x5d: {  	[tilespmem:s30], [sflag:$0x2] =	stream.indirect.gather [hbm4b:s4+s28], $0x80, s29, s28, $0xb8;
	v63 =	vld [tilespmem:$0x0]  }
0x5e: {  	_ = 	snop  }
0x5f: {  	[tilespmem:s0], [sflag:$0x3] =	stream.indirect.gather [hbm4b:s4+s28], $0x80, s31, s28, $0xb8;
	v63 =	vld [tilespmem:$0x0]  }
0x60: {  	_ = 	snop  }
0x61: {  	[tilespmem:s3], [sflag:$0x4] =	stream.indirect.gather [hbm4b:s4+s28], $0x80, s2, s28, $0xb8;
	v63 =	vld [tilespmem:$0x0]  }
0x62: {  	_ =	swait.ge [sflag:s24], $0x2800  }
0x63: {  	[sflag:s24] =	ssyncset.done $0x0  }
0x64: {  	s21 =	simm.s32 $0x1000;
	[sflag:s24] =	ssyncadd.s32 $0xFFFFD800  }
0x65: {  	[spmem:s1] =	stream.indirect.scatter.add.f32 [tilespmem:s23], [sflag:$0x5], $0x80, s21, s28, $0xb8;
	v63 =	vld [tilespmem:$0x0]  }
0x66: {  	_ =	swait.ge [sflag:s6], $0x2800  }
0x67: {  	[sflag:s6] =	ssyncset.done $0x0  }
0x68: {  	s19 =	simm.s32 $0x1080;
	[sflag:s6] =	ssyncadd.s32 $0xFFFFD800  }
0x69: {  	[spmem:s1] =	stream.indirect.scatter.add.f32 [tilespmem:s30], [sflag:$0x6], $0x80, s19, s28, $0xb8;
	v63 =	vld [tilespmem:$0x0]  }
0x6a: {  	_ =	swait.ge [sflag:s7], $0x2800  }
0x6b: {  	[sflag:s7] =	ssyncset.done $0x0  }
0x6c: {  	s20 =	simm.s32 $0x1100;
	[sflag:s7] =	ssyncadd.s32 $0xFFFFD800  }
0x6d: {  	[spmem:s1] =	stream.indirect.scatter.add.f32 [tilespmem:s0], [sflag:$0x7], $0x80, s20, s28, $0xb8;
	v63 =	vld [tilespmem:$0x0]  }
0x6e: {  	_ =	swait.ge [sflag:s8], $0x2800  }
0x6f: {  	[sflag:s8] =	ssyncset.done $0x0  }
0x70: {  	s21 =	simm.s32 $0x1180;
	[sflag:s8] =	ssyncadd.s32 $0xFFFFD800  }
0x71: {  	[spmem:s1] =	stream.indirect.scatter.add.f32 [tilespmem:s3], [sflag:$0x8], $0x80, s21, s28, $0xb8;
	v63 =	vld [tilespmem:$0x0]  }
0x72: {  	_ =	swait.ge [sflag:s9], $0x2800  }
0x73: {  	[sflag:s9] =	ssyncset.done $0x0  }
0x74: {  	s19 =	simm.s32 $0x200;
	[sflag:s9] =	ssyncadd.s32 $0xFFFFD800  }
0x75: {  	[tilespmem:s23], [sflag:$0x1] =	stream.indirect.gather [hbm4b:s4+s28], $0x80, s19, s28, $0xb8;
	v63 =	vld [tilespmem:$0x0]  }
0x76: {  	_ =	swait.ge [sflag:s10], $0x2800  }
0x77: {  	[sflag:s10] =	ssyncset.done $0x0  }
0x78: {  	s20 =	simm.s32 $0x280;
	[sflag:s10] =	ssyncadd.s32 $0xFFFFD800  }
0x79: {  	[tilespmem:s30], [sflag:$0x2] =	stream.indirect.gather [hbm4b:s4+s28], $0x80, s20, s28, $0xb8;
	v63 =	vld [tilespmem:$0x0]  }
0x7a: {  	_ =	swait.ge [sflag:s11], $0x2800  }
0x7b: {  	[sflag:s11] =	ssyncset.done $0x0  }
0x7c: {  	s21 =	simm.s32 $0x300;
	[sflag:s11] =	ssyncadd.s32 $0xFFFFD800  }
0x7d: {  	[tilespmem:s0], [sflag:$0x3] =	stream.indirect.gather [hbm4b:s4+s28], $0x80, s21, s28, $0xb8;
	v63 =	vld [tilespmem:$0x0]  }
0x7e: {  	_ =	swait.ge [sflag:s12], $0x2800  }
0x7f: {  	[sflag:s12] =	ssyncset.done $0x0  }
0x80: {  	s18 =	simm.s32 $0x800;
	s19 =	simm.s32 $0x380;
	[sflag:s12] =	ssyncadd.s32 $0xFFFFD800  }
.LBB2_4:
0x81: {  	[tilespmem:s3], [sflag:$0x4] =	stream.indirect.gather [hbm4b:s4+s28], $0x80, s19, s28, $0xb8;
	v63 =	vld [tilespmem:$0x0]  }
0x82: {  	s19 =	smov.u32 s18  }
0x83: {  	p0 =	sne.s32 s18, $0x3000;
	s18 =	sadd.s32 $0x800, s18;
	_ =	swait.ge [sflag:s24], $0x2800  }
0x84: {  	s19 =	sshra.s32 s19, $0x2;
	[sflag:s24] =	ssyncset.done $0x0  }
0x85: {  	s20 =	sadd.s32 $0x1000, s19;
	[sflag:s24] =	ssyncadd.s32 $0xFFFFD800  }
0x86: {  	[spmem:s1] =	stream.indirect.scatter.add.f32 [tilespmem:s23], [sflag:$0x5], $0x80, s20, s28, $0xb8;
	v63 =	vld [tilespmem:$0x0]  }
0x87: {  	_ =	swait.ge [sflag:s6], $0x2800  }
0x88: {  	[sflag:s6] =	ssyncset.done $0x0  }
0x89: {  	s20 =	sadd.s32 $0x1080, s19;
	[sflag:s6] =	ssyncadd.s32 $0xFFFFD800  }
0x8a: {  	[spmem:s1] =	stream.indirect.scatter.add.f32 [tilespmem:s30], [sflag:$0x6], $0x80, s20, s28, $0xb8;
	v63 =	vld [tilespmem:$0x0]  }
0x8b: {  	_ =	swait.ge [sflag:s7], $0x2800  }
0x8c: {  	[sflag:s7] =	ssyncset.done $0x0  }
0x8d: {  	s20 =	sadd.s32 $0x1100, s19;
	[sflag:s7] =	ssyncadd.s32 $0xFFFFD800  }
0x8e: {  	[spmem:s1] =	stream.indirect.scatter.add.f32 [tilespmem:s0], [sflag:$0x7], $0x80, s20, s28, $0xb8;
	v63 =	vld [tilespmem:$0x0]  }
0x8f: {  	_ =	swait.ge [sflag:s8], $0x2800  }
0x90: {  	[sflag:s8] =	ssyncset.done $0x0  }
0x91: {  	s20 =	sadd.s32 $0x1180, s19;
	[sflag:s8] =	ssyncadd.s32 $0xFFFFD800  }
0x92: {  	[spmem:s1] =	stream.indirect.scatter.add.f32 [tilespmem:s3], [sflag:$0x8], $0x80, s20, s28, $0xb8;
	v63 =	vld [tilespmem:$0x0]  }
0x93: {  	_ =	swait.ge [sflag:s9], $0x2800  }
0x94: {  	[sflag:s9] =	ssyncset.done $0x0  }
0x95: {  	s20 =	sadd.s32 $0x200, s19;
	[sflag:s9] =	ssyncadd.s32 $0xFFFFD800  }
0x96: {  	[tilespmem:s23], [sflag:$0x1] =	stream.indirect.gather [hbm4b:s4+s28], $0x80, s20, s28, $0xb8;
	v63 =	vld [tilespmem:$0x0]  }
0x97: {  	_ =	swait.ge [sflag:s10], $0x2800  }
0x98: {  	[sflag:s10] =	ssyncset.done $0x0  }
0x99: {  	s20 =	sadd.s32 $0x280, s19;
	[sflag:s10] =	ssyncadd.s32 $0xFFFFD800  }
0x9a: {  	[tilespmem:s30], [sflag:$0x2] =	stream.indirect.gather [hbm4b:s4+s28], $0x80, s20, s28, $0xb8;
	v63 =	vld [tilespmem:$0x0]  }
0x9b: {  	_ =	swait.ge [sflag:s11], $0x2800  }
0x9c: {  	[sflag:s11] =	ssyncset.done $0x0  }
.Ltmp1:
0x9d: {  	s20 =	sadd.s32 $0x300, s19;
	[sflag:s11] =	ssyncadd.s32 $0xFFFFD800;
	(pc) =	sbr.rel @p0 .LBB2_4-.Ltmp1, $4  }
0x9e: {  	[tilespmem:s0], [sflag:$0x3] =	stream.indirect.gather [hbm4b:s4+s28], $0x80, s20, s28, $0xb8;
	v63 =	vld [tilespmem:$0x0]  }
0x9f: {  	_ =	swait.ge [sflag:s12], $0x2800  }
0xa0: {  	[sflag:s12] =	ssyncset.done $0x0  }
0xa1: {  	s19 =	sadd.s32 $0x380, s19;
	[sflag:s12] =	ssyncadd.s32 $0xFFFFD800  }
0xa2: {  	[tilespmem:s3], [sflag:$0x4] =	stream.indirect.gather [hbm4b:s4+s28], $0x80, s19, s28, $0xb8;
	v63 =	vld [tilespmem:$0x0]  }
0xa3: {  	_ =	swait.ge [sflag:s24], $0x2800  }
0xa4: {  	[sflag:s24] =	ssyncset.done $0x0  }
0xa5: {  	[sflag:s24] =	ssyncadd.s32 $0xFFFFD800  }
0xa6: {  	[spmem:s1] =	stream.indirect.scatter.add.f32 [tilespmem:s23], [sflag:$0x5], $0x80, s13, s28, $0xb8;
	v63 =	vld [tilespmem:$0x0]  }
0xa7: {  	_ =	swait.ge [sflag:s6], $0x2800  }
0xa8: {  	[sflag:s6] =	ssyncset.done $0x0  }
0xa9: {  	[sflag:s6] =	ssyncadd.s32 $0xFFFFD800  }
0xaa: {  	[spmem:s1] =	stream.indirect.scatter.add.f32 [tilespmem:s30], [sflag:$0x6], $0x80, s14, s28, $0xb8;
	v63 =	vld [tilespmem:$0x0]  }
0xab: {  	_ =	swait.ge [sflag:s7], $0x2800  }
0xac: {  	[sflag:s7] =	ssyncset.done $0x0  }
0xad: {  	[sflag:s7] =	ssyncadd.s32 $0xFFFFD800  }
0xae: {  	[spmem:s1] =	stream.indirect.scatter.add.f32 [tilespmem:s0], [sflag:$0x7], $0x80, s15, s28, $0xb8;
	v63 =	vld [tilespmem:$0x0]  }
0xaf: {  	_ =	swait.ge [sflag:s8], $0x2800  }
0xb0: {  	[sflag:s8] =	ssyncset.done $0x0  }
0xb1: {  	[sflag:s8] =	ssyncadd.s32 $0xFFFFD800  }
0xb2: {  	[spmem:s1] =	stream.indirect.scatter.add.f32 [tilespmem:s3], [sflag:$0x8], $0x80, s16, s28, $0xb8;
	v63 =	vld [tilespmem:$0x0]  }
0xb3: {  	_ =	swait.ge [sflag:s9], $0x2800  }
0xb4: {  	[sflag:s9] =	ssyncset.done $0x0  }
0xb5: {  	[sflag:s9] =	ssyncadd.s32 $0xFFFFD800  }
0xb6: {  	_ =	swait.ge [sflag:s10], $0x2800  }
0xb7: {  	[sflag:s10] =	ssyncset.done $0x0  }
0xb8: {  	[sflag:s10] =	ssyncadd.s32 $0xFFFFD800  }
0xb9: {  	_ =	swait.ge [sflag:s11], $0x2800  }
0xba: {  	[sflag:s11] =	ssyncset.done $0x0  }
0xbb: {  	[sflag:s11] =	ssyncadd.s32 $0xFFFFD800  }
0xbc: {  	_ =	swait.ge [sflag:s12], $0x2800  }
0xbd: {  	[sflag:s12] =	ssyncset.done $0x0  }
0xbe: {  	s18 =	simm.s32 $0x0;
	s21 =	rddreg [dreg:$0xc];
	[sflag:s12] =	ssyncadd.s32 $0xFFFFD800  }
0xbf: {  	[tilespmem:s18], [sflag:$0x9] =	stream.linear.gather [hbm4b:s21+s18], $0x1000, $0x38;
	v63 =	vld [tilespmem:$0x0]  }
0xc0: {  	_ =	swait.ge [sflag:s25], $0x1000  }
0xc1: {  	[sflag:s25] =	ssyncset.done $0x0  }
0xc2: {  	s20 =	rddreg [dreg:$0xd];
	[sflag:s25] =	ssyncadd.s32 $0xFFFFF000  }
0xc3: {  	[tilespmem:s26], [sflag:$0x9] =	stream.linear.gather [hbm4b:s20+s18], $0x1000, $0x38;
	v63 =	vld [tilespmem:$0x0]  }
0xc4: {  	_ =	swait.ge [sflag:s25], $0x1000  }
0xc5: {  	[sflag:s25] =	ssyncset.done $0x0  }
0xc6: {  	[sflag:s25] =	ssyncadd.s32 $0xFFFFF000  }
0xc7: {  	[tilespmem:s23], [sflag:$0x1] =	stream.indirect.gather [hbm4b:s4+s28], $0x80, s18, s28, $0xb8;
	v63 =	vld [tilespmem:$0x0]  }
0xc8: {  	_ = 	snop  }
0xc9: {  	[tilespmem:s30], [sflag:$0x2] =	stream.indirect.gather [hbm4b:s4+s28], $0x80, s29, s28, $0xb8;
	v63 =	vld [tilespmem:$0x0]  }
0xca: {  	_ = 	snop  }
0xcb: {  	[tilespmem:s0], [sflag:$0x3] =	stream.indirect.gather [hbm4b:s4+s28], $0x80, s31, s28, $0xb8;
	v63 =	vld [tilespmem:$0x0]  }
0xcc: {  	_ = 	snop  }
0xcd: {  	[tilespmem:s3], [sflag:$0x4] =	stream.indirect.gather [hbm4b:s4+s28], $0x80, s2, s28, $0xb8;
	v63 =	vld [tilespmem:$0x0]  }
0xce: {  	_ =	swait.ge [sflag:s24], $0x2800  }
0xcf: {  	[sflag:s24] =	ssyncset.done $0x0  }
0xd0: {  	s21 =	simm.s32 $0x1000;
	[sflag:s24] =	ssyncadd.s32 $0xFFFFD800  }
0xd1: {  	[spmem:s1] =	stream.indirect.scatter.add.f32 [tilespmem:s23], [sflag:$0x5], $0x80, s21, s28, $0xb8;
	v63 =	vld [tilespmem:$0x0]  }
0xd2: {  	_ =	swait.ge [sflag:s6], $0x2800  }
0xd3: {  	[sflag:s6] =	ssyncset.done $0x0  }
0xd4: {  	s19 =	simm.s32 $0x1080;
	[sflag:s6] =	ssyncadd.s32 $0xFFFFD800  }
0xd5: {  	[spmem:s1] =	stream.indirect.scatter.add.f32 [tilespmem:s30], [sflag:$0x6], $0x80, s19, s28, $0xb8;
	v63 =	vld [tilespmem:$0x0]  }
0xd6: {  	_ =	swait.ge [sflag:s7], $0x2800  }
0xd7: {  	[sflag:s7] =	ssyncset.done $0x0  }
0xd8: {  	s20 =	simm.s32 $0x1100;
	[sflag:s7] =	ssyncadd.s32 $0xFFFFD800  }
0xd9: {  	[spmem:s1] =	stream.indirect.scatter.add.f32 [tilespmem:s0], [sflag:$0x7], $0x80, s20, s28, $0xb8;
	v63 =	vld [tilespmem:$0x0]  }
0xda: {  	_ =	swait.ge [sflag:s8], $0x2800  }
0xdb: {  	[sflag:s8] =	ssyncset.done $0x0  }
0xdc: {  	s21 =	simm.s32 $0x1180;
	[sflag:s8] =	ssyncadd.s32 $0xFFFFD800  }
0xdd: {  	[spmem:s1] =	stream.indirect.scatter.add.f32 [tilespmem:s3], [sflag:$0x8], $0x80, s21, s28, $0xb8;
	v63 =	vld [tilespmem:$0x0]  }
0xde: {  	_ =	swait.ge [sflag:s9], $0x2800  }
0xdf: {  	[sflag:s9] =	ssyncset.done $0x0  }
0xe0: {  	s19 =	simm.s32 $0x200;
	[sflag:s9] =	ssyncadd.s32 $0xFFFFD800  }
0xe1: {  	[tilespmem:s23], [sflag:$0x1] =	stream.indirect.gather [hbm4b:s4+s28], $0x80, s19, s28, $0xb8;
	v63 =	vld [tilespmem:$0x0]  }
0xe2: {  	_ =	swait.ge [sflag:s10], $0x2800  }
0xe3: {  	[sflag:s10] =	ssyncset.done $0x0  }
0xe4: {  	s20 =	simm.s32 $0x280;
	[sflag:s10] =	ssyncadd.s32 $0xFFFFD800  }
0xe5: {  	[tilespmem:s30], [sflag:$0x2] =	stream.indirect.gather [hbm4b:s4+s28], $0x80, s20, s28, $0xb8;
	v63 =	vld [tilespmem:$0x0]  }
0xe6: {  	_ =	swait.ge [sflag:s11], $0x2800  }
0xe7: {  	[sflag:s11] =	ssyncset.done $0x0  }
0xe8: {  	s21 =	simm.s32 $0x300;
	[sflag:s11] =	ssyncadd.s32 $0xFFFFD800  }
0xe9: {  	[tilespmem:s0], [sflag:$0x3] =	stream.indirect.gather [hbm4b:s4+s28], $0x80, s21, s28, $0xb8;
	v63 =	vld [tilespmem:$0x0]  }
0xea: {  	_ =	swait.ge [sflag:s12], $0x2800  }
0xeb: {  	[sflag:s12] =	ssyncset.done $0x0  }
0xec: {  	s18 =	simm.s32 $0x800;
	s19 =	simm.s32 $0x380;
	[sflag:s12] =	ssyncadd.s32 $0xFFFFD800  }
.LBB2_6:
0xed: {  	[tilespmem:s3], [sflag:$0x4] =	stream.indirect.gather [hbm4b:s4+s28], $0x80, s19, s28, $0xb8;
	v63 =	vld [tilespmem:$0x0]  }
0xee: {  	s19 =	smov.u32 s18  }
0xef: {  	p0 =	sne.s32 s18, $0x3000;
	s18 =	sadd.s32 $0x800, s18;
	_ =	swait.ge [sflag:s24], $0x2800  }
0xf0: {  	s19 =	sshra.s32 s19, $0x2;
	[sflag:s24] =	ssyncset.done $0x0  }
0xf1: {  	s20 =	sadd.s32 $0x1000, s19;
	[sflag:s24] =	ssyncadd.s32 $0xFFFFD800  }
0xf2: {  	[spmem:s1] =	stream.indirect.scatter.add.f32 [tilespmem:s23], [sflag:$0x5], $0x80, s20, s28, $0xb8;
	v63 =	vld [tilespmem:$0x0]  }
0xf3: {  	_ =	swait.ge [sflag:s6], $0x2800  }
0xf4: {  	[sflag:s6] =	ssyncset.done $0x0  }
0xf5: {  	s20 =	sadd.s32 $0x1080, s19;
	[sflag:s6] =	ssyncadd.s32 $0xFFFFD800  }
0xf6: {  	[spmem:s1] =	stream.indirect.scatter.add.f32 [tilespmem:s30], [sflag:$0x6], $0x80, s20, s28, $0xb8;
	v63 =	vld [tilespmem:$0x0]  }
0xf7: {  	_ =	swait.ge [sflag:s7], $0x2800  }
0xf8: {  	[sflag:s7] =	ssyncset.done $0x0  }
0xf9: {  	s20 =	sadd.s32 $0x1100, s19;
	[sflag:s7] =	ssyncadd.s32 $0xFFFFD800  }
0xfa: {  	[spmem:s1] =	stream.indirect.scatter.add.f32 [tilespmem:s0], [sflag:$0x7], $0x80, s20, s28, $0xb8;
	v63 =	vld [tilespmem:$0x0]  }
0xfb: {  	_ =	swait.ge [sflag:s8], $0x2800  }
0xfc: {  	[sflag:s8] =	ssyncset.done $0x0  }
0xfd: {  	s20 =	sadd.s32 $0x1180, s19;
	[sflag:s8] =	ssyncadd.s32 $0xFFFFD800  }
0xfe: {  	[spmem:s1] =	stream.indirect.scatter.add.f32 [tilespmem:s3], [sflag:$0x8], $0x80, s20, s28, $0xb8;
	v63 =	vld [tilespmem:$0x0]  }
0xff: {  	_ =	swait.ge [sflag:s9], $0x2800  }
0x100: {  	[sflag:s9] =	ssyncset.done $0x0  }
0x101: {  	s20 =	sadd.s32 $0x200, s19;
	[sflag:s9] =	ssyncadd.s32 $0xFFFFD800  }
0x102: {  	[tilespmem:s23], [sflag:$0x1] =	stream.indirect.gather [hbm4b:s4+s28], $0x80, s20, s28, $0xb8;
	v63 =	vld [tilespmem:$0x0]  }
0x103: {  	_ =	swait.ge [sflag:s10], $0x2800  }
0x104: {  	[sflag:s10] =	ssyncset.done $0x0  }
0x105: {  	s20 =	sadd.s32 $0x280, s19;
	[sflag:s10] =	ssyncadd.s32 $0xFFFFD800  }
0x106: {  	[tilespmem:s30], [sflag:$0x2] =	stream.indirect.gather [hbm4b:s4+s28], $0x80, s20, s28, $0xb8;
	v63 =	vld [tilespmem:$0x0]  }
0x107: {  	_ =	swait.ge [sflag:s11], $0x2800  }
0x108: {  	[sflag:s11] =	ssyncset.done $0x0  }
.Ltmp2:
0x109: {  	s20 =	sadd.s32 $0x300, s19;
	[sflag:s11] =	ssyncadd.s32 $0xFFFFD800;
	(pc) =	sbr.rel @p0 .LBB2_6-.Ltmp2, $4  }
0x10a: {  	[tilespmem:s0], [sflag:$0x3] =	stream.indirect.gather [hbm4b:s4+s28], $0x80, s20, s28, $0xb8;
	v63 =	vld [tilespmem:$0x0]  }
0x10b: {  	_ =	swait.ge [sflag:s12], $0x2800  }
0x10c: {  	[sflag:s12] =	ssyncset.done $0x0  }
0x10d: {  	s19 =	sadd.s32 $0x380, s19;
	[sflag:s12] =	ssyncadd.s32 $0xFFFFD800  }
0x10e: {  	[tilespmem:s3], [sflag:$0x4] =	stream.indirect.gather [hbm4b:s4+s28], $0x80, s19, s28, $0xb8;
	v63 =	vld [tilespmem:$0x0]  }
0x10f: {  	_ =	swait.ge [sflag:s24], $0x2800  }
0x110: {  	[sflag:s24] =	ssyncset.done $0x0  }
0x111: {  	[sflag:s24] =	ssyncadd.s32 $0xFFFFD800  }
0x112: {  	[spmem:s1] =	stream.indirect.scatter.add.f32 [tilespmem:s23], [sflag:$0x5], $0x80, s13, s28, $0xb8;
	v63 =	vld [tilespmem:$0x0]  }
0x113: {  	_ =	swait.ge [sflag:s6], $0x2800  }
0x114: {  	[sflag:s6] =	ssyncset.done $0x0  }
0x115: {  	[sflag:s6] =	ssyncadd.s32 $0xFFFFD800  }
0x116: {  	[spmem:s1] =	stream.indirect.scatter.add.f32 [tilespmem:s30], [sflag:$0x6], $0x80, s14, s28, $0xb8;
	v63 =	vld [tilespmem:$0x0]  }
0x117: {  	_ =	swait.ge [sflag:s7], $0x2800  }
0x118: {  	[sflag:s7] =	ssyncset.done $0x0  }
0x119: {  	[sflag:s7] =	ssyncadd.s32 $0xFFFFD800  }
0x11a: {  	[spmem:s1] =	stream.indirect.scatter.add.f32 [tilespmem:s0], [sflag:$0x7], $0x80, s15, s28, $0xb8;
	v63 =	vld [tilespmem:$0x0]  }
0x11b: {  	_ =	swait.ge [sflag:s8], $0x2800  }
0x11c: {  	[sflag:s8] =	ssyncset.done $0x0  }
0x11d: {  	[sflag:s8] =	ssyncadd.s32 $0xFFFFD800  }
0x11e: {  	[spmem:s1] =	stream.indirect.scatter.add.f32 [tilespmem:s3], [sflag:$0x8], $0x80, s16, s28, $0xb8;
	v63 =	vld [tilespmem:$0x0]  }
0x11f: {  	_ =	swait.ge [sflag:s9], $0x2800  }
0x120: {  	[sflag:s9] =	ssyncset.done $0x0  }
0x121: {  	[sflag:s9] =	ssyncadd.s32 $0xFFFFD800  }
0x122: {  	_ =	swait.ge [sflag:s10], $0x2800  }
0x123: {  	[sflag:s10] =	ssyncset.done $0x0  }
0x124: {  	[sflag:s10] =	ssyncadd.s32 $0xFFFFD800  }
0x125: {  	_ =	swait.ge [sflag:s11], $0x2800  }
0x126: {  	[sflag:s11] =	ssyncset.done $0x0  }
0x127: {  	[sflag:s11] =	ssyncadd.s32 $0xFFFFD800  }
0x128: {  	_ =	swait.ge [sflag:s12], $0x2800  }
0x129: {  	[sflag:s12] =	ssyncset.done $0x0  }
0x12a: {  	s18 =	simm.s32 $0x0;
	s21 =	rddreg [dreg:$0xe];
	[sflag:s12] =	ssyncadd.s32 $0xFFFFD800  }
0x12b: {  	[tilespmem:s18], [sflag:$0x9] =	stream.linear.gather [hbm4b:s21+s18], $0x1000, $0x38;
	v63 =	vld [tilespmem:$0x0]  }
0x12c: {  	_ =	swait.ge [sflag:s25], $0x1000  }
0x12d: {  	[sflag:s25] =	ssyncset.done $0x0  }
0x12e: {  	s20 =	rddreg [dreg:$0xf];
	[sflag:s25] =	ssyncadd.s32 $0xFFFFF000  }
0x12f: {  	[tilespmem:s26], [sflag:$0x9] =	stream.linear.gather [hbm4b:s20+s18], $0x1000, $0x38;
	v63 =	vld [tilespmem:$0x0]  }
0x130: {  	_ =	swait.ge [sflag:s25], $0x1000  }
0x131: {  	[sflag:s25] =	ssyncset.done $0x0  }
0x132: {  	[sflag:s25] =	ssyncadd.s32 $0xFFFFF000  }
0x133: {  	[tilespmem:s23], [sflag:$0x1] =	stream.indirect.gather [hbm4b:s4+s28], $0x80, s18, s28, $0xb8;
	v63 =	vld [tilespmem:$0x0]  }
0x134: {  	_ = 	snop  }
0x135: {  	[tilespmem:s30], [sflag:$0x2] =	stream.indirect.gather [hbm4b:s4+s28], $0x80, s29, s28, $0xb8;
	v63 =	vld [tilespmem:$0x0]  }
0x136: {  	_ = 	snop  }
0x137: {  	[tilespmem:s0], [sflag:$0x3] =	stream.indirect.gather [hbm4b:s4+s28], $0x80, s31, s28, $0xb8;
	v63 =	vld [tilespmem:$0x0]  }
0x138: {  	_ = 	snop  }
0x139: {  	[tilespmem:s3], [sflag:$0x4] =	stream.indirect.gather [hbm4b:s4+s28], $0x80, s2, s28, $0xb8;
	v63 =	vld [tilespmem:$0x0]  }
0x13a: {  	_ =	swait.ge [sflag:s24], $0x2800  }
0x13b: {  	[sflag:s24] =	ssyncset.done $0x0  }
0x13c: {  	s21 =	simm.s32 $0x1000;
	[sflag:s24] =	ssyncadd.s32 $0xFFFFD800  }
0x13d: {  	[spmem:s1] =	stream.indirect.scatter.add.f32 [tilespmem:s23], [sflag:$0x5], $0x80, s21, s28, $0xb8;
	v63 =	vld [tilespmem:$0x0]  }
0x13e: {  	_ =	swait.ge [sflag:s6], $0x2800  }
0x13f: {  	[sflag:s6] =	ssyncset.done $0x0  }
0x140: {  	s19 =	simm.s32 $0x1080;
	[sflag:s6] =	ssyncadd.s32 $0xFFFFD800  }
0x141: {  	[spmem:s1] =	stream.indirect.scatter.add.f32 [tilespmem:s30], [sflag:$0x6], $0x80, s19, s28, $0xb8;
	v63 =	vld [tilespmem:$0x0]  }
0x142: {  	_ =	swait.ge [sflag:s7], $0x2800  }
0x143: {  	[sflag:s7] =	ssyncset.done $0x0  }
0x144: {  	s20 =	simm.s32 $0x1100;
	[sflag:s7] =	ssyncadd.s32 $0xFFFFD800  }
0x145: {  	[spmem:s1] =	stream.indirect.scatter.add.f32 [tilespmem:s0], [sflag:$0x7], $0x80, s20, s28, $0xb8;
	v63 =	vld [tilespmem:$0x0]  }
0x146: {  	_ =	swait.ge [sflag:s8], $0x2800  }
0x147: {  	[sflag:s8] =	ssyncset.done $0x0  }
0x148: {  	s21 =	simm.s32 $0x1180;
	[sflag:s8] =	ssyncadd.s32 $0xFFFFD800  }
0x149: {  	[spmem:s1] =	stream.indirect.scatter.add.f32 [tilespmem:s3], [sflag:$0x8], $0x80, s21, s28, $0xb8;
	v63 =	vld [tilespmem:$0x0]  }
0x14a: {  	_ =	swait.ge [sflag:s9], $0x2800  }
0x14b: {  	[sflag:s9] =	ssyncset.done $0x0  }
0x14c: {  	s19 =	simm.s32 $0x200;
	[sflag:s9] =	ssyncadd.s32 $0xFFFFD800  }
0x14d: {  	[tilespmem:s23], [sflag:$0x1] =	stream.indirect.gather [hbm4b:s4+s28], $0x80, s19, s28, $0xb8;
	v63 =	vld [tilespmem:$0x0]  }
0x14e: {  	_ =	swait.ge [sflag:s10], $0x2800  }
0x14f: {  	[sflag:s10] =	ssyncset.done $0x0  }
0x150: {  	s20 =	simm.s32 $0x280;
	[sflag:s10] =	ssyncadd.s32 $0xFFFFD800  }
0x151: {  	[tilespmem:s30], [sflag:$0x2] =	stream.indirect.gather [hbm4b:s4+s28], $0x80, s20, s28, $0xb8;
	v63 =	vld [tilespmem:$0x0]  }
0x152: {  	_ =	swait.ge [sflag:s11], $0x2800  }
0x153: {  	[sflag:s11] =	ssyncset.done $0x0  }
0x154: {  	s21 =	simm.s32 $0x300;
	[sflag:s11] =	ssyncadd.s32 $0xFFFFD800  }
0x155: {  	[tilespmem:s0], [sflag:$0x3] =	stream.indirect.gather [hbm4b:s4+s28], $0x80, s21, s28, $0xb8;
	v63 =	vld [tilespmem:$0x0]  }
0x156: {  	_ =	swait.ge [sflag:s12], $0x2800  }
0x157: {  	[sflag:s12] =	ssyncset.done $0x0  }
0x158: {  	s18 =	simm.s32 $0x800;
	s19 =	simm.s32 $0x380;
	[sflag:s12] =	ssyncadd.s32 $0xFFFFD800  }
.LBB2_8:
0x159: {  	[tilespmem:s3], [sflag:$0x4] =	stream.indirect.gather [hbm4b:s4+s28], $0x80, s19, s28, $0xb8;
	v63 =	vld [tilespmem:$0x0]  }
0x15a: {  	s19 =	smov.u32 s18  }
0x15b: {  	p0 =	sne.s32 s18, $0x3000;
	s18 =	sadd.s32 $0x800, s18;
	_ =	swait.ge [sflag:s24], $0x2800  }
0x15c: {  	s19 =	sshra.s32 s19, $0x2;
	[sflag:s24] =	ssyncset.done $0x0  }
0x15d: {  	s20 =	sadd.s32 $0x1000, s19;
	[sflag:s24] =	ssyncadd.s32 $0xFFFFD800  }
0x15e: {  	[spmem:s1] =	stream.indirect.scatter.add.f32 [tilespmem:s23], [sflag:$0x5], $0x80, s20, s28, $0xb8;
	v63 =	vld [tilespmem:$0x0]  }
0x15f: {  	_ =	swait.ge [sflag:s6], $0x2800  }
0x160: {  	[sflag:s6] =	ssyncset.done $0x0  }
0x161: {  	s20 =	sadd.s32 $0x1080, s19;
	[sflag:s6] =	ssyncadd.s32 $0xFFFFD800  }
0x162: {  	[spmem:s1] =	stream.indirect.scatter.add.f32 [tilespmem:s30], [sflag:$0x6], $0x80, s20, s28, $0xb8;
	v63 =	vld [tilespmem:$0x0]  }
0x163: {  	_ =	swait.ge [sflag:s7], $0x2800  }
0x164: {  	[sflag:s7] =	ssyncset.done $0x0  }
0x165: {  	s20 =	sadd.s32 $0x1100, s19;
	[sflag:s7] =	ssyncadd.s32 $0xFFFFD800  }
0x166: {  	[spmem:s1] =	stream.indirect.scatter.add.f32 [tilespmem:s0], [sflag:$0x7], $0x80, s20, s28, $0xb8;
	v63 =	vld [tilespmem:$0x0]  }
0x167: {  	_ =	swait.ge [sflag:s8], $0x2800  }
0x168: {  	[sflag:s8] =	ssyncset.done $0x0  }
0x169: {  	s20 =	sadd.s32 $0x1180, s19;
	[sflag:s8] =	ssyncadd.s32 $0xFFFFD800  }
0x16a: {  	[spmem:s1] =	stream.indirect.scatter.add.f32 [tilespmem:s3], [sflag:$0x8], $0x80, s20, s28, $0xb8;
	v63 =	vld [tilespmem:$0x0]  }
0x16b: {  	_ =	swait.ge [sflag:s9], $0x2800  }
0x16c: {  	[sflag:s9] =	ssyncset.done $0x0  }
0x16d: {  	s20 =	sadd.s32 $0x200, s19;
	[sflag:s9] =	ssyncadd.s32 $0xFFFFD800  }
0x16e: {  	[tilespmem:s23], [sflag:$0x1] =	stream.indirect.gather [hbm4b:s4+s28], $0x80, s20, s28, $0xb8;
	v63 =	vld [tilespmem:$0x0]  }
0x16f: {  	_ =	swait.ge [sflag:s10], $0x2800  }
0x170: {  	[sflag:s10] =	ssyncset.done $0x0  }
0x171: {  	s20 =	sadd.s32 $0x280, s19;
	[sflag:s10] =	ssyncadd.s32 $0xFFFFD800  }
0x172: {  	[tilespmem:s30], [sflag:$0x2] =	stream.indirect.gather [hbm4b:s4+s28], $0x80, s20, s28, $0xb8;
	v63 =	vld [tilespmem:$0x0]  }
0x173: {  	_ =	swait.ge [sflag:s11], $0x2800  }
0x174: {  	[sflag:s11] =	ssyncset.done $0x0  }
.Ltmp3:
0x175: {  	s20 =	sadd.s32 $0x300, s19;
	[sflag:s11] =	ssyncadd.s32 $0xFFFFD800;
	(pc) =	sbr.rel @p0 .LBB2_8-.Ltmp3, $4  }
0x176: {  	[tilespmem:s0], [sflag:$0x3] =	stream.indirect.gather [hbm4b:s4+s28], $0x80, s20, s28, $0xb8;
	v63 =	vld [tilespmem:$0x0]  }
0x177: {  	_ =	swait.ge [sflag:s12], $0x2800  }
0x178: {  	[sflag:s12] =	ssyncset.done $0x0  }
0x179: {  	s19 =	sadd.s32 $0x380, s19;
	[sflag:s12] =	ssyncadd.s32 $0xFFFFD800  }
0x17a: {  	[tilespmem:s3], [sflag:$0x4] =	stream.indirect.gather [hbm4b:s4+s28], $0x80, s19, s28, $0xb8;
	v63 =	vld [tilespmem:$0x0]  }
0x17b: {  	_ =	swait.ge [sflag:s24], $0x2800  }
0x17c: {  	[sflag:s24] =	ssyncset.done $0x0  }
0x17d: {  	[sflag:s24] =	ssyncadd.s32 $0xFFFFD800  }
0x17e: {  	[spmem:s1] =	stream.indirect.scatter.add.f32 [tilespmem:s23], [sflag:$0x5], $0x80, s13, s28, $0xb8;
	v63 =	vld [tilespmem:$0x0]  }
0x17f: {  	_ =	swait.ge [sflag:s6], $0x2800  }
0x180: {  	[sflag:s6] =	ssyncset.done $0x0  }
0x181: {  	[sflag:s6] =	ssyncadd.s32 $0xFFFFD800  }
0x182: {  	[spmem:s1] =	stream.indirect.scatter.add.f32 [tilespmem:s30], [sflag:$0x6], $0x80, s14, s28, $0xb8;
	v63 =	vld [tilespmem:$0x0]  }
0x183: {  	_ =	swait.ge [sflag:s7], $0x2800  }
0x184: {  	[sflag:s7] =	ssyncset.done $0x0  }
0x185: {  	[sflag:s7] =	ssyncadd.s32 $0xFFFFD800  }
0x186: {  	[spmem:s1] =	stream.indirect.scatter.add.f32 [tilespmem:s0], [sflag:$0x7], $0x80, s15, s28, $0xb8;
	v63 =	vld [tilespmem:$0x0]  }
0x187: {  	_ =	swait.ge [sflag:s8], $0x2800  }
0x188: {  	[sflag:s8] =	ssyncset.done $0x0  }
0x189: {  	[sflag:s8] =	ssyncadd.s32 $0xFFFFD800  }
0x18a: {  	[spmem:s1] =	stream.indirect.scatter.add.f32 [tilespmem:s3], [sflag:$0x8], $0x80, s16, s28, $0xb8;
	v63 =	vld [tilespmem:$0x0]  }
0x18b: {  	_ =	swait.ge [sflag:s9], $0x2800  }
0x18c: {  	[sflag:s9] =	ssyncset.done $0x0  }
0x18d: {  	[sflag:s9] =	ssyncadd.s32 $0xFFFFD800  }
0x18e: {  	_ =	swait.ge [sflag:s10], $0x2800  }
0x18f: {  	[sflag:s10] =	ssyncset.done $0x0  }
0x190: {  	[sflag:s10] =	ssyncadd.s32 $0xFFFFD800  }
0x191: {  	_ =	swait.ge [sflag:s11], $0x2800  }
0x192: {  	[sflag:s11] =	ssyncset.done $0x0  }
0x193: {  	[sflag:s11] =	ssyncadd.s32 $0xFFFFD800  }
0x194: {  	_ =	swait.ge [sflag:s12], $0x2800  }
0x195: {  	[sflag:s12] =	ssyncset.done $0x0  }
0x196: {  	s18 =	simm.s32 $0x0;
	s21 =	rddreg [dreg:$0x10];
	[sflag:s12] =	ssyncadd.s32 $0xFFFFD800  }
0x197: {  	[tilespmem:s18], [sflag:$0x9] =	stream.linear.gather [hbm4b:s21+s18], $0x1000, $0x38;
	v63 =	vld [tilespmem:$0x0]  }
0x198: {  	_ =	swait.ge [sflag:s25], $0x1000  }
0x199: {  	[sflag:s25] =	ssyncset.done $0x0  }
0x19a: {  	s20 =	rddreg [dreg:$0x11];
	[sflag:s25] =	ssyncadd.s32 $0xFFFFF000  }
0x19b: {  	[tilespmem:s26], [sflag:$0x9] =	stream.linear.gather [hbm4b:s20+s18], $0x1000, $0x38;
	v63 =	vld [tilespmem:$0x0]  }
0x19c: {  	_ =	swait.ge [sflag:s25], $0x1000  }
0x19d: {  	[sflag:s25] =	ssyncset.done $0x0  }
0x19e: {  	[sflag:s25] =	ssyncadd.s32 $0xFFFFF000  }
0x19f: {  	[tilespmem:s23], [sflag:$0x1] =	stream.indirect.gather [hbm4b:s4+s28], $0x80, s18, s28, $0xb8;
	v63 =	vld [tilespmem:$0x0]  }
0x1a0: {  	_ = 	snop  }
0x1a1: {  	[tilespmem:s30], [sflag:$0x2] =	stream.indirect.gather [hbm4b:s4+s28], $0x80, s29, s28, $0xb8;
	v63 =	vld [tilespmem:$0x0]  }
0x1a2: {  	_ = 	snop  }
0x1a3: {  	[tilespmem:s0], [sflag:$0x3] =	stream.indirect.gather [hbm4b:s4+s28], $0x80, s31, s28, $0xb8;
	v63 =	vld [tilespmem:$0x0]  }
0x1a4: {  	_ = 	snop  }
0x1a5: {  	[tilespmem:s3], [sflag:$0x4] =	stream.indirect.gather [hbm4b:s4+s28], $0x80, s2, s28, $0xb8;
	v63 =	vld [tilespmem:$0x0]  }
0x1a6: {  	_ =	swait.ge [sflag:s24], $0x2800  }
0x1a7: {  	[sflag:s24] =	ssyncset.done $0x0  }
0x1a8: {  	s21 =	simm.s32 $0x1000;
	[sflag:s24] =	ssyncadd.s32 $0xFFFFD800  }
0x1a9: {  	[spmem:s1] =	stream.indirect.scatter.add.f32 [tilespmem:s23], [sflag:$0x5], $0x80, s21, s28, $0xb8;
	v63 =	vld [tilespmem:$0x0]  }
0x1aa: {  	_ =	swait.ge [sflag:s6], $0x2800  }
0x1ab: {  	[sflag:s6] =	ssyncset.done $0x0  }
0x1ac: {  	s19 =	simm.s32 $0x1080;
	[sflag:s6] =	ssyncadd.s32 $0xFFFFD800  }
0x1ad: {  	[spmem:s1] =	stream.indirect.scatter.add.f32 [tilespmem:s30], [sflag:$0x6], $0x80, s19, s28, $0xb8;
	v63 =	vld [tilespmem:$0x0]  }
0x1ae: {  	_ =	swait.ge [sflag:s7], $0x2800  }
0x1af: {  	[sflag:s7] =	ssyncset.done $0x0  }
0x1b0: {  	s20 =	simm.s32 $0x1100;
	[sflag:s7] =	ssyncadd.s32 $0xFFFFD800  }
0x1b1: {  	[spmem:s1] =	stream.indirect.scatter.add.f32 [tilespmem:s0], [sflag:$0x7], $0x80, s20, s28, $0xb8;
	v63 =	vld [tilespmem:$0x0]  }
0x1b2: {  	_ =	swait.ge [sflag:s8], $0x2800  }
0x1b3: {  	[sflag:s8] =	ssyncset.done $0x0  }
0x1b4: {  	s21 =	simm.s32 $0x1180;
	[sflag:s8] =	ssyncadd.s32 $0xFFFFD800  }
0x1b5: {  	[spmem:s1] =	stream.indirect.scatter.add.f32 [tilespmem:s3], [sflag:$0x8], $0x80, s21, s28, $0xb8;
	v63 =	vld [tilespmem:$0x0]  }
0x1b6: {  	_ =	swait.ge [sflag:s9], $0x2800  }
0x1b7: {  	[sflag:s9] =	ssyncset.done $0x0  }
0x1b8: {  	s19 =	simm.s32 $0x200;
	[sflag:s9] =	ssyncadd.s32 $0xFFFFD800  }
0x1b9: {  	[tilespmem:s23], [sflag:$0x1] =	stream.indirect.gather [hbm4b:s4+s28], $0x80, s19, s28, $0xb8;
	v63 =	vld [tilespmem:$0x0]  }
0x1ba: {  	_ =	swait.ge [sflag:s10], $0x2800  }
0x1bb: {  	[sflag:s10] =	ssyncset.done $0x0  }
0x1bc: {  	s20 =	simm.s32 $0x280;
	[sflag:s10] =	ssyncadd.s32 $0xFFFFD800  }
0x1bd: {  	[tilespmem:s30], [sflag:$0x2] =	stream.indirect.gather [hbm4b:s4+s28], $0x80, s20, s28, $0xb8;
	v63 =	vld [tilespmem:$0x0]  }
0x1be: {  	_ =	swait.ge [sflag:s11], $0x2800  }
0x1bf: {  	[sflag:s11] =	ssyncset.done $0x0  }
0x1c0: {  	s21 =	simm.s32 $0x300;
	[sflag:s11] =	ssyncadd.s32 $0xFFFFD800  }
0x1c1: {  	[tilespmem:s0], [sflag:$0x3] =	stream.indirect.gather [hbm4b:s4+s28], $0x80, s21, s28, $0xb8;
	v63 =	vld [tilespmem:$0x0]  }
0x1c2: {  	_ =	swait.ge [sflag:s12], $0x2800  }
0x1c3: {  	[sflag:s12] =	ssyncset.done $0x0  }
0x1c4: {  	s18 =	simm.s32 $0x800;
	s19 =	simm.s32 $0x380;
	[sflag:s12] =	ssyncadd.s32 $0xFFFFD800  }
.LBB2_10:
0x1c5: {  	[tilespmem:s3], [sflag:$0x4] =	stream.indirect.gather [hbm4b:s4+s28], $0x80, s19, s28, $0xb8;
	v63 =	vld [tilespmem:$0x0]  }
0x1c6: {  	s19 =	smov.u32 s18  }
0x1c7: {  	p0 =	sne.s32 s18, $0x3000;
	s18 =	sadd.s32 $0x800, s18;
	_ =	swait.ge [sflag:s24], $0x2800  }
0x1c8: {  	s19 =	sshra.s32 s19, $0x2;
	[sflag:s24] =	ssyncset.done $0x0  }
0x1c9: {  	s20 =	sadd.s32 $0x1000, s19;
	[sflag:s24] =	ssyncadd.s32 $0xFFFFD800  }
0x1ca: {  	[spmem:s1] =	stream.indirect.scatter.add.f32 [tilespmem:s23], [sflag:$0x5], $0x80, s20, s28, $0xb8;
	v63 =	vld [tilespmem:$0x0]  }
0x1cb: {  	_ =	swait.ge [sflag:s6], $0x2800  }
0x1cc: {  	[sflag:s6] =	ssyncset.done $0x0  }
0x1cd: {  	s20 =	sadd.s32 $0x1080, s19;
	[sflag:s6] =	ssyncadd.s32 $0xFFFFD800  }
0x1ce: {  	[spmem:s1] =	stream.indirect.scatter.add.f32 [tilespmem:s30], [sflag:$0x6], $0x80, s20, s28, $0xb8;
	v63 =	vld [tilespmem:$0x0]  }
0x1cf: {  	_ =	swait.ge [sflag:s7], $0x2800  }
0x1d0: {  	[sflag:s7] =	ssyncset.done $0x0  }
0x1d1: {  	s20 =	sadd.s32 $0x1100, s19;
	[sflag:s7] =	ssyncadd.s32 $0xFFFFD800  }
0x1d2: {  	[spmem:s1] =	stream.indirect.scatter.add.f32 [tilespmem:s0], [sflag:$0x7], $0x80, s20, s28, $0xb8;
	v63 =	vld [tilespmem:$0x0]  }
0x1d3: {  	_ =	swait.ge [sflag:s8], $0x2800  }
0x1d4: {  	[sflag:s8] =	ssyncset.done $0x0  }
0x1d5: {  	s20 =	sadd.s32 $0x1180, s19;
	[sflag:s8] =	ssyncadd.s32 $0xFFFFD800  }
0x1d6: {  	[spmem:s1] =	stream.indirect.scatter.add.f32 [tilespmem:s3], [sflag:$0x8], $0x80, s20, s28, $0xb8;
	v63 =	vld [tilespmem:$0x0]  }
0x1d7: {  	_ =	swait.ge [sflag:s9], $0x2800  }
0x1d8: {  	[sflag:s9] =	ssyncset.done $0x0  }
0x1d9: {  	s20 =	sadd.s32 $0x200, s19;
	[sflag:s9] =	ssyncadd.s32 $0xFFFFD800  }
0x1da: {  	[tilespmem:s23], [sflag:$0x1] =	stream.indirect.gather [hbm4b:s4+s28], $0x80, s20, s28, $0xb8;
	v63 =	vld [tilespmem:$0x0]  }
0x1db: {  	_ =	swait.ge [sflag:s10], $0x2800  }
0x1dc: {  	[sflag:s10] =	ssyncset.done $0x0  }
0x1dd: {  	s20 =	sadd.s32 $0x280, s19;
	[sflag:s10] =	ssyncadd.s32 $0xFFFFD800  }
0x1de: {  	[tilespmem:s30], [sflag:$0x2] =	stream.indirect.gather [hbm4b:s4+s28], $0x80, s20, s28, $0xb8;
	v63 =	vld [tilespmem:$0x0]  }
0x1df: {  	_ =	swait.ge [sflag:s11], $0x2800  }
0x1e0: {  	[sflag:s11] =	ssyncset.done $0x0  }
.Ltmp4:
0x1e1: {  	s20 =	sadd.s32 $0x300, s19;
	[sflag:s11] =	ssyncadd.s32 $0xFFFFD800;
	(pc) =	sbr.rel @p0 .LBB2_10-.Ltmp4, $4  }
0x1e2: {  	[tilespmem:s0], [sflag:$0x3] =	stream.indirect.gather [hbm4b:s4+s28], $0x80, s20, s28, $0xb8;
	v63 =	vld [tilespmem:$0x0]  }
0x1e3: {  	_ =	swait.ge [sflag:s12], $0x2800  }
0x1e4: {  	[sflag:s12] =	ssyncset.done $0x0  }
0x1e5: {  	s19 =	sadd.s32 $0x380, s19;
	[sflag:s12] =	ssyncadd.s32 $0xFFFFD800  }
0x1e6: {  	[tilespmem:s3], [sflag:$0x4] =	stream.indirect.gather [hbm4b:s4+s28], $0x80, s19, s28, $0xb8;
	v63 =	vld [tilespmem:$0x0]  }
0x1e7: {  	_ =	swait.ge [sflag:s24], $0x2800  }
0x1e8: {  	[sflag:s24] =	ssyncset.done $0x0  }
0x1e9: {  	[sflag:s24] =	ssyncadd.s32 $0xFFFFD800  }
0x1ea: {  	[spmem:s1] =	stream.indirect.scatter.add.f32 [tilespmem:s23], [sflag:$0x5], $0x80, s13, s28, $0xb8;
	v63 =	vld [tilespmem:$0x0]  }
0x1eb: {  	_ =	swait.ge [sflag:s6], $0x2800  }
0x1ec: {  	[sflag:s6] =	ssyncset.done $0x0  }
0x1ed: {  	[sflag:s6] =	ssyncadd.s32 $0xFFFFD800  }
0x1ee: {  	[spmem:s1] =	stream.indirect.scatter.add.f32 [tilespmem:s30], [sflag:$0x6], $0x80, s14, s28, $0xb8;
	v63 =	vld [tilespmem:$0x0]  }
0x1ef: {  	_ =	swait.ge [sflag:s7], $0x2800  }
0x1f0: {  	[sflag:s7] =	ssyncset.done $0x0  }
0x1f1: {  	[sflag:s7] =	ssyncadd.s32 $0xFFFFD800  }
0x1f2: {  	[spmem:s1] =	stream.indirect.scatter.add.f32 [tilespmem:s0], [sflag:$0x7], $0x80, s15, s28, $0xb8;
	v63 =	vld [tilespmem:$0x0]  }
0x1f3: {  	_ =	swait.ge [sflag:s8], $0x2800  }
0x1f4: {  	[sflag:s8] =	ssyncset.done $0x0  }
0x1f5: {  	[sflag:s8] =	ssyncadd.s32 $0xFFFFD800  }
0x1f6: {  	[spmem:s1] =	stream.indirect.scatter.add.f32 [tilespmem:s3], [sflag:$0x8], $0x80, s16, s28, $0xb8;
	v63 =	vld [tilespmem:$0x0]  }
0x1f7: {  	_ =	swait.ge [sflag:s9], $0x2800  }
0x1f8: {  	[sflag:s9] =	ssyncset.done $0x0  }
0x1f9: {  	[sflag:s9] =	ssyncadd.s32 $0xFFFFD800  }
0x1fa: {  	_ =	swait.ge [sflag:s10], $0x2800  }
0x1fb: {  	[sflag:s10] =	ssyncset.done $0x0  }
0x1fc: {  	[sflag:s10] =	ssyncadd.s32 $0xFFFFD800  }
0x1fd: {  	_ =	swait.ge [sflag:s11], $0x2800  }
0x1fe: {  	[sflag:s11] =	ssyncset.done $0x0  }
0x1ff: {  	[sflag:s11] =	ssyncadd.s32 $0xFFFFD800  }
0x200: {  	_ =	swait.ge [sflag:s12], $0x2800  }
0x201: {  	s18 =	stileid.u32;
	[sflag:s12] =	ssyncset.done $0x0  }
0x202: {  	s21 =	sshrl.u32 s5, $0x3;
	s17 =	sadd.s32 $0x1, s17;
	[sflag:s12] =	ssyncadd.s32 $0xFFFFD800  }
0x203: {  	s18 =	sshll.u32 s18, $0x6;
	p0 =	sne.s32 s17, s22;
	[bflag:$0x0] =	sbarrier.arrive $0xFFFF  }
.Ltmp5:
0x204: {  	s18 =	sor.u32 $0x1C09, s18;
	s20 =	rddreg [dreg:$0x12];
	(pc) =	sbr.rel @p0 .LBB2_1-.Ltmp5, $4  }
0x205: {  	[hbm:s20], [sflag:s18] =	dma.local [spmem:s21], $0x2800  }
0x206: {  	_ =	swait.ge [sflag:s25], $0x2800  }
0x207: {  	[sflag:s25] =	ssyncset.done $0x0  }
0x208: {  	[sflag:s25] =	ssyncadd.s32 $0xFFFFD800  }
0x209: {  	_ =	sfence.sel $0x180000  }
0x20a: {  	[bflag:$0x0] =	sbarrier.arrive $0xFFFF  }
0x20b: {  	_ =	strace $0x9000004D  }
0x20c: {  	s0 =	stileid.u32;
	[bflag:$0x2] =	sbarrier.arrive $0xFFFF  }
0x20d: {  	p0 =	sne.s32 s0, $0x0;
	s0 =	rddreg [dreg:$0x2]  }
0x20e: {  	s0 =	sadd.s32 @!p0 $0x100000, s0  }
0x20f: {  	[sflag:s0] =	ssyncadd.tile.s32 @!p0 $0x1;
	_ =	shalt  }
.Lfunc_end2:
_tile_overlayer_lowered:
.L_overlay_start_2:
0x210: {  	(tag) =	ssettag $0x2  }
0x211: {  	s0 =	rddreg [dreg:$0x0];
	s2 =	stileid.u32  }
0x212: {  	s1 =	rddreg [dreg:$0x1];
	p0 =	sne.s32 s2, $0x0  }
0x213: {  	s3 =	rddreg [dreg:$0x2];
	[bflag:$0x3] =	sbarrier.arrive $0xFFFF;
	s2 =	simm.s32 @!p0 $0x1C09  }
0x214: {  	[timem:s3], [sflag:s2] =	dma.local @!p0 [hbm:s0], s1  }
0x215: {  	s0 =	simm.s32 @!p0 $0x9  }
0x216: {  	_ =	swait.ge @!p0 [sflag:s0], s1  }
0x217: {  	s1 =	ssub.s32 @!p0 $0x0, s1;
	[sflag:s0] =	ssyncset.done @!p0 $0x0  }
0x218: {  	[sflag:s0] =	ssyncadd.s32 @!p0 s1  }
0x219: {  	[bflag:$0x3] =	sbarrier.arrive $0xFFFF  }
0x21a: {  	_ =	shalt  }

// kernel: kernel.8.cloned.1.call-start
scs
__scs_entry_jumppad:
0x0: {  	(pc) =	sbr.rel $0x88, $3  }
0x1: {  	(tag) =	ssettag $0x0;
	lr =	simm.s32 $0x1  }
0x2: {  	[smem:$0x3F9B] =	sst lr;
	_ =	strace $0xD0000000  }
0x3: {  	_ = 	snop  }
0x4: {  	_ = 	snop  }
0x5: {  	_ = 	snop  }
0x6: {  	_ = 	snop  }
0x7: {  	_ = 	snop  }
__scs_overlays_trampoline_lowered:
0x8: {  	[smem:$0x3FAA] =	sst s0  }
0x9: {  	[smem:$0x3FAB] =	sst s1  }
0xa: {  	[smem:$0x3FAC] =	sst s2  }
0xb: {  	[smem:$0x3FAD] =	sst s3  }
0xc: {  	[smem:$0x3FAE] =	sst s4  }
0xd: {  	[smem:$0x3FAF] =	sst s5  }
0xe: {  	[smem:$0x3FB0] =	sst s6  }
0xf: {  	[smem:$0x3FB1] =	sst s7  }
0x10: {  	[smem:$0x3FB2] =	sst s8  }
0x11: {  	[smem:$0x3FB3] =	sst s9;
	s0 =	simm.s32 @!p0 $0x0  }
0x12: {  	s1 =	sld [smem:$0x3F99];
	s0 =	simm.s32 @p0 $0x1  }
0x13: {  	[smem:$0x3FB4] =	sst s0;
	s0 =	simm.s32 @!p1 $0x0  }
0x14: {  	s2 =	sld [smem:$0x3F98];
	s0 =	simm.s32 @p1 $0x1  }
0x15: {  	[smem:$0x3FB5] =	sst s0;
	s0 =	simm.s32 @!p2 $0x0  }
0x16: {  	s3 =	sld [smem:$0x3FDB];
	s0 =	simm.s32 @p2 $0x1  }
0x17: {  	s4 =	simm.s32 $0x1BF5;
	[smem:$0x3FB7] =	sst s0  }
0x18: {  	s0 =	sld [smem:$0x3F9A];
	_ =	swait.ge [sflag:s4], $0x0  }
0x19: {  	s7 =	sld [smem:$0x3F9B]  }
0x1a: {  	s8 =	sadd.s32 $0xFFFFE003, lr  }
0x1b: {  	s9 =	sadd.s32 $0xFFFFFEF7, lr;
	s5 =	simm.s32 $0xFFFFFFFF;
	p2 =	slt.u32 s8, $0xFFFFF086  }
0x1c: {  	p1 =	slt.u32 s9, $0xF7A;
	s5 =	simm.s32 @!p2 $0x0  }
0x1d: {  	s5 =	simm.s32 @p1 $0x1;
	p0 =	seq.s32 s7, s2  }
0x1e: {  	s7 =	smul.u32 @!p0 $0xF7A, s2;
	p2 =	seq.s32 @!p0 s5, $0x0  }
0x1f: {  	s9 =	smul.u32 $0xF7A, s1;
	s8 =	simm.s32 @!p0 $0x1BF5;
	p2 =	por !p2, p0  }
0x20: {  	[sflag:s8] =	ssyncset.s32 @!p0 $0xFFFFF086;
	s6 =	sadd.s32 @!p0 s3, s7;
	s7 =	simm.s32 @!p0 $0x108  }
0x21: {  	s3 =	sadd.s32 s3, s9;
	s6 =	sadd.s32 @!p0 $0x88, s6;
	s7 =	simm.s32 @p2 $0x1082  }
0x22: {  	[simem:s7], [sflag:s8] =	dma.local @!p0 [hbm:s6], $0xF7A  }
0x23: {  	s9 =	sor.u32 $0xD0000000, s2;
	s6 =	simm.s32 $0x108;
	_ =	swait.ge @!p0 [sflag:s8], $0x0  }
0x24: {  	s3 =	sadd.s32 $0x88, s3;
	s6 =	simm.s32 @!p1 $0x1082;
	[sflag:s4] =	ssyncset.s32 $0xFFFFF086  }
0x25: {  	[simem:s6], [sflag:s4] =	dma.local [hbm:s3], $0xF7A  }
0x26: {  	[smem:$0x3F9B] =	sst s1;
	(tag) =	ssettag s2;
	_ =	strace s9  }
0x27: {  	s1 =	sld [smem:$0x3FAB]  }
0x28: {  	s2 =	sld [smem:$0x3FAC]  }
0x29: {  	s4 =	sld [smem:$0x3FAE]  }
0x2a: {  	p0 =	seq.s32 s5, $0x0;
	s5 =	sld [smem:$0x3FAF]  }
0x2b: {  	s6 =	sld [smem:$0x3FB0]  }
0x2c: {  	s7 =	sld [smem:$0x3FB1]  }
0x2d: {  	s3 =	simm.s32 $0x108;
	s8 =	sld [smem:$0x3FB2]  }
0x2e: {  	s3 =	simm.s32 @!p0 $0x1082;
	s9 =	sld [smem:$0x3FB3]  }
0x2f: {  	lr =	sadd.s32 s0, s3;
	s0 =	sld [smem:$0x3FAA]  }
0x30: {  	s3 =	sld [smem:$0x3FAD]  }
0x31: {  	[smem:$0x3FB6] =	sst s10  }
0x32: {  	s10 =	sld [smem:$0x3FB4];
	_ =	sdelay $0x3  }
0x33: {  	p0 =	seq.s32 s10, $0x1;
	s10 =	sld [smem:$0x3FB6];
	_ =	sdelay $0x3  }
0x34: {  	[smem:$0x3FB6] =	sst s10  }
0x35: {  	s10 =	sld [smem:$0x3FB5];
	_ =	sdelay $0x3  }
0x36: {  	p1 =	seq.s32 s10, $0x1;
	s10 =	sld [smem:$0x3FB6];
	_ =	sdelay $0x3  }
0x37: {  	[smem:$0x3FB6] =	sst s10  }
0x38: {  	s10 =	sld [smem:$0x3FB7]  }
0x39: {  	_ = 	snop;
	(pc) =	sbr.ind lr, $3  }
0x3a: {  	_ = 	snop  }
0x3b: {  	_ = 	snop  }
0x3c: {  	p2 =	seq.s32 s10, $0x1;
	s10 =	sld [smem:$0x3FB6]  }
0x3d: {  	_ =	shalt  }
0x3e: {  	_ =	shalt  }
0x3f: {  	_ =	shalt  }
0x40: {  	_ =	shalt  }
0x41: {  	_ =	shalt  }
0x42: {  	_ =	shalt  }
0x43: {  	_ =	shalt  }
0x44: {  	_ =	shalt  }
0x45: {  	_ =	shalt  }
0x46: {  	_ =	shalt  }
0x47: {  	_ =	shalt  }
0x48: {  	_ =	shalt  }
0x49: {  	_ =	shalt  }
0x4a: {  	_ =	shalt  }
0x4b: {  	_ =	shalt  }
0x4c: {  	_ =	shalt  }
0x4d: {  	_ =	shalt  }
0x4e: {  	_ =	shalt  }
0x4f: {  	_ =	shalt  }
0x50: {  	_ =	shalt  }
0x51: {  	_ =	shalt  }
0x52: {  	_ =	shalt  }
0x53: {  	_ =	shalt  }
0x54: {  	_ =	shalt  }
0x55: {  	_ =	shalt  }
0x56: {  	_ =	shalt  }
0x57: {  	_ =	shalt  }
0x58: {  	_ =	shalt  }
0x59: {  	_ =	shalt  }
0x5a: {  	_ =	shalt  }
0x5b: {  	_ =	shalt  }
0x5c: {  	_ =	shalt  }
0x5d: {  	_ =	shalt  }
0x5e: {  	_ =	shalt  }
0x5f: {  	_ =	shalt  }
0x60: {  	_ =	shalt  }
0x61: {  	_ =	shalt  }
0x62: {  	_ =	shalt  }
0x63: {  	_ =	shalt  }
0x64: {  	_ =	shalt  }
0x65: {  	_ =	shalt  }
0x66: {  	_ =	shalt  }
0x67: {  	_ =	shalt  }
0x68: {  	_ =	shalt  }
0x69: {  	_ =	shalt  }
0x6a: {  	_ =	shalt  }
0x6b: {  	_ =	shalt  }
0x6c: {  	_ =	shalt  }
0x6d: {  	_ =	shalt  }
0x6e: {  	_ =	shalt  }
0x6f: {  	_ =	shalt  }
0x70: {  	_ =	shalt  }
0x71: {  	_ =	shalt  }
0x72: {  	_ =	shalt  }
0x73: {  	_ =	shalt  }
0x74: {  	_ =	shalt  }
0x75: {  	_ =	shalt  }
0x76: {  	_ =	shalt  }
0x77: {  	_ =	shalt  }
0x78: {  	_ =	shalt  }
0x79: {  	_ =	shalt  }
0x7a: {  	_ =	shalt  }
0x7b: {  	_ =	shalt  }
0x7c: {  	_ =	shalt  }
0x7d: {  	_ =	shalt  }
0x7e: {  	_ =	shalt  }
0x7f: {  	_ =	shalt  }
0x80: {  	_ =	shalt  }
0x81: {  	_ =	shalt  }
0x82: {  	_ =	shalt  }
0x83: {  	_ =	shalt  }
0x84: {  	_ =	shalt  }
0x85: {  	_ =	shalt  }
0x86: {  	_ =	shalt  }
0x87: {  	_ =	shalt  }
.Lfunc_end0:
.L_simem_size_0:
called_computation_lowered:
.L_overlay_start_0:
0x88: {  	s2 =	sld [smem:$0x3FD9]  }
0x89: {  	s3 =	sld [smem:$0x3FFE];
	_ =	sdelay $0x1  }
0x8a: {  	s1 =	srdreg.scid  }
0x8b: {  	s0 =	sand.u32 $0x1, s1  }
0x8c: {  	s17 =	sshll.u32 s0, $0xA;
	s2 =	sadd.s32 s3, s2  }
0x8d: {  	s2 =	sadd.s32 s2, s17  }
0x8e: {  	[smem:$0x3FC2] =	sst s2  }
0x8f: {  	_ = 	snop  }
0x90: {  	s2 =	sld [smem:$0x3FD0];
	(tm) =	ssettm $0x1  }
0x91: {  	s18 =	sld [smem:$0x3FFB];
	_ =	sdelay $0x3  }
0x92: {  	_ =	strace s18  }
0x93: {  	s3 =	sld [smem:$0x3FFC];
	_ =	sdelay $0x3  }
0x94: {  	_ =	strace s3  }
0x95: {  	s3 =	sld [smem:$0x3FFD];
	_ =	sdelay $0x3  }
0x96: {  	_ =	strace s3  }
0x97: {  	_ =	strace $0x8FFFFFFF  }
0x98: {  	s19 =	sld [smem:$0x3FDB];
	_ =	sdelay $0x1  }
0x99: {  	s4 =	simm.s32 $_scs_section_size  }
0x9a: {  	s5 =	simm.s32 $_size__tile_overlayer_lowered;
	s6 =	simm.s32 $_tile_overlayer_lowered  }
0x9b: {  	s22 =	simm.s32 $0x1BFF;
	s21 =	sshll.u32 s6, $0x1;
	s3 =	sadd.s32 s4, s19  }
0x9c: {  	s7 =	simm.s32 $0x0;
	s20 =	sshll.u32 s5, $0x1;
	s5 =	sadd.s32 s21, s3  }
0x9d: {  	[timem:s7], [sflag:s22] =	dma.local [hbm:s5], s20  }
0x9e: {  	_ =	swait.ge [sflag:s22], s20  }
0x9f: {  	s4 =	ssub.s32 $0x0, s20;
	[sflag:s22] =	ssyncset.done $0x0  }
0xa0: {  	[sflag:s22] =	ssyncadd.s32 s4;
	_ =	sdelay $0x1  }
0xa1: {  	s23 =	simm.s32 $0x1B8B  }
0xa2: {  	_ =	swait.ge [sflag:s23], $0x1  }
0xa3: {  	[sflag:s23] =	ssyncset.done $0x0  }
0xa4: {  	s25 =	simm.s32 $0x1B8E;
	s24 =	sld [smem:$0x3FFE];
	[sflag:s23] =	ssyncadd.s32 $0xFFFFFFFF  }
0xa5: {  	s26 =	simm.s32 $execute0_lowered;
	[smem:$0x3FD2] =	sst s25  }
0xa6: {  	s5 =	sshll.u32 s26, $0x1;
	_ =	strace $0x80000046;
	[dreg:$0x1] =	wrdreg $0xFFFFFFFF  }
0xa7: {  	s28 =	simm.s32 $_size_execute0_lowered;
	s3 =	sadd.s32 s3, s5;
	[dreg:$0x0] =	wrdreg $0x0  }
0xa8: {  	s5 =	sshll.u32 s28, $0x1;
	[dreg:$0x2] =	wrdreg s3  }
0xa9: {  	[dreg:$0x3] =	wrdreg s5  }
0xaa: {  	[dreg:$0x4] =	wrdreg $0xC0  }
0xab: {  	_ =	task [dreg:s7], $0x5FFFF  }
0xac: {  	[dreg:$0x1] =	wrdreg $0xFFFFFFFF  }
0xad: {  	[dreg:$0x0] =	wrdreg $0x60  }
0xae: {  	[dreg:$0x2] =	wrdreg s2  }
0xaf: {  	[dreg:$0x3] =	wrdreg s24  }
0xb0: {  	[dreg:$0x4] =	wrdreg $0x43000  }
0xb1: {  	[dreg:$0x5] =	wrdreg $0x9  }
0xb2: {  	_ =	task.clear_ibuf [dreg:s7], $0x6FFFF;
	_ =	strace $0x90000046  }
0xb3: {  	s29 =	simm.s32 $0x9;
	_ =	strace $0x80000048  }
0xb4: {  	_ =	swait.ge [sflag:s29], $0x1  }
0xb5: {  	[sflag:s29] =	ssyncadd.s32 $0xFFFFFFFF  }
0xb6: {  	_ =	strace $0x90000048  }
0xb7: {  	_ =	sfence  }
0xb8: {  	s30 =	sld [smem:$0x0];
	_ =	sdelay $0x2  }
0xb9: {  	s31 =	sshll.u32 s1, $0xD;
	s1 =	sshrl.u32 s1, $0x2  }
0xba: {  	s3 =	sand.u32 $0x4000, s31;
	s1 =	sadd.s32 s1, s30  }
0xbb: {  	s0 =	sor.u32 s3, s0;
	s1 =	sshll.u32 s1, $0x11  }
0xbc: {  	s0 =	sor.u32 s1, s0  }
0xbd: {  	s0 =	sadd.s32 $0x8F2B, s0  }
0xbe: {  	[sflag:s0] =	ssyncadd.remote.s32 $0x1  }
0xbf: {  	_ =	sfence.sel $0xFFFF  }
0xc0: {  	[dreg:$0x0] =	wrdreg $0xFFFFFFFF;
	(pc) =	sbr.abs _section_cstart, $3  }
0xc1: {  	[dreg:$0x1] =	wrdreg $0xFFFFFFFF  }
0xc2: {  	_ =	task.clear_ibuf [dreg:s7], $0x2FFFF;
	_ =	strace $0x9FFFFFFF  }
0xc3: {  	(tm) =	ssettm $0x7FFFFFFF  }
tec
execute0_lowered:
.L_overlay_start_1:
0x0: {  	(tag) =	ssettag $0x1  }
0x1: {  	s5 =	rddreg [dreg:$0x0];
	s1 =	srdreg.scid  }
0x2: {  	s0 =	stileid.u32;
	s4 =	rddreg [dreg:$0x1]  }
0x3: {  	s2 =	rddreg [dreg:$0x2];
	s3 =	simm.s32 $0x0;
	s11 =	simm.s32 $0x4000  }
0x4: {  	s12 =	simm.s32 $0x1;
	s6 =	sand.u32 $0x1, s1;
	s1 =	rddreg [dreg:$0x3]  }
0x5: {  	s15 =	simm.s32 $0x0;
	s7 =	smul.u32 $0x280, s0;
	[smem:$0x7FF] =	sst s3  }
0x6: {  	s31 =	sshll.u32 s0, $0xB;
	s13 =	sshll.u32 s0, $0x6;
	s8 =	smul.u32 $0x2800, s6  }
0x7: {  	s9 =	ssub.s32 $0x2, s6;
	_ =	strace $0x80000047;
	s6 =	sshll.u32 s6, $0xF  }
0x8: {  	s5 =	sadd.s32 s5, s31;
	s13 =	sor.u32 $0x1C02, s13;
	s8 =	sadd.s32 s7, s8  }
0x9: {  	s10 =	sshrl.u32 s9, $0x1;
	s5 =	sadd.s32 s6, s5;
	s8 =	sshrl.u32 s8, $0x3  }
0xa: {  	s9 =	ssub.s32 s9, s10;
	s10 =	simm.s32 $0x50;
	s8 =	sadd.s32 s8, s4  }
0xb: {  	s4 =	sadd.s32 s7, s2;
	s7 =	smax.u32 s9, $0x1;
	s9 =	simm.s32 $0x2  }
0xc: {  	v0 =	vimm.f32 $1.000000000e+00;
	v1 =	vimm.f32 $0.0e+00;
	s6 =	sadd.s32 $0x2200, s8;
	s8 =	simm.s32 $0x4080;
	s14 =	sshrl.u32 s4, $0x3  }
.LBB2_1:
0xd: {  	[tilespmem:$0x4000] =	vst v0  }
0xe: {  	[tilespmem:$0x4010] =	vst v0  }
0xf: {  	[tilespmem:$0x4020] =	vst v0  }
0x10: {  	[tilespmem:$0x4030] =	vst v0  }
0x11: {  	[tilespmem:$0x4040] =	vst v0  }
0x12: {  	[tilespmem:$0x4080] =	vst v1  }
0x13: {  	[tilespmem:$0x4090] =	vst v1  }
0x14: {  	[tilespmem:$0x40A0] =	vst v1  }
0x15: {  	[tilespmem:$0x40B0] =	vst v1  }
0x16: {  	[tilespmem:$0x40C0] =	vst v1  }
0x17: {  	[tilespmem:$0x40D0] =	vst v1  }
0x18: {  	[tilespmem:$0x40E0] =	vst v1  }
0x19: {  	[tilespmem:$0x40F0] =	vst v1  }
0x1a: {  	[tilespmem:$0x4100] =	vst v1  }
0x1b: {  	[tilespmem:$0x4110] =	vst v1  }
0x1c: {  	[tilespmem:$0x4120] =	vst v1  }
0x1d: {  	[tilespmem:$0x4130] =	vst v1  }
0x1e: {  	[tilespmem:$0x4140] =	vst v1  }
0x1f: {  	[tilespmem:$0x4150] =	vst v1  }
0x20: {  	[tilespmem:$0x4160] =	vst v1  }
0x21: {  	[tilespmem:$0x4170] =	vst v1  }
0x22: {  	[tilespmem:$0x4180] =	vst v1  }
0x23: {  	[tilespmem:$0x4190] =	vst v1  }
0x24: {  	[tilespmem:$0x41A0] =	vst v1  }
0x25: {  	[tilespmem:$0x41B0] =	vst v1  }
0x26: {  	[tilespmem:$0x41C0] =	vst v1  }
0x27: {  	[tilespmem:$0x41D0] =	vst v1  }
0x28: {  	[tilespmem:$0x41E0] =	vst v1  }
0x29: {  	[tilespmem:$0x41F0] =	vst v1  }
0x2a: {  	[tilespmem:$0x4200] =	vst v1  }
0x2b: {  	[tilespmem:$0x4210] =	vst v1  }
0x2c: {  	[tilespmem:$0x4220] =	vst v1  }
0x2d: {  	[tilespmem:$0x4230] =	vst v1  }
0x2e: {  	[tilespmem:$0x4240] =	vst v1  }
0x2f: {  	[tilespmem:$0x4250] =	vst v1  }
0x30: {  	[tilespmem:$0x4260] =	vst v1  }
0x31: {  	[tilespmem:$0x4270] =	vst v1  }
0x32: {  	[tilespmem:$0x4280] =	vst v1  }
0x33: {  	[tilespmem:$0x4290] =	vst v1  }
0x34: {  	[tilespmem:$0x42A0] =	vst v1  }
0x35: {  	[tilespmem:$0x42B0] =	vst v1  }
0x36: {  	[tilespmem:$0x42C0] =	vst v1  }
0x37: {  	[tilespmem:$0x42D0] =	vst v1  }
0x38: {  	[tilespmem:$0x42E0] =	vst v1  }
0x39: {  	[tilespmem:$0x42F0] =	vst v1  }
0x3a: {  	[spmem:s4] =	stream.linear.scatter [tilespmem:s8], [sflag:$0x2], $0x280, $0x38;
	[tilespmem:$0x4580] =	vst v63  }
0x3b: {  	_ =	swait.ge [sflag:s9], $0x280  }
0x3c: {  	[sflag:s9] =	ssyncset.done $0x0  }
0x3d: {  	[sflag:s9] =	ssyncadd.s32 $0xFFFFFD80  }
0x3e: {  	[tilespmem:s3], [sflag:$0x2] =	stream.linear.gather [hbm4b:s5+s3], $0x4000, $0x38;
	[tilespmem:$0x4580] =	vst v63  }
0x3f: {  	_ =	swait.ge [sflag:s9], $0x4000  }
0x40: {  	[sflag:s9] =	ssyncset.done $0x0  }
0x41: {  	[sflag:s9] =	ssyncadd.s32 $0xFFFFC000  }
0x42: {  	s16 =	simm.s32 $0x0;
	[bflag:$0x0] =	sbarrier.arrive $0xFFFF  }
0x43: {  	[spmem:s2] =	stream.indirect.scatter.add.f32 [tilespmem:s11], [sflag:$0x1], $0x1, s16, s10, $0xb8;
	[tilespmem:$0x4580] =	vst v63  }
0x44: {  	s24 =	simm.s32 $0x80  }
0x45: {  	[spmem:s2] =	stream.indirect.scatter.add.f32 [tilespmem:s11], [sflag:$0x1], $0x1, s24, s10, $0xb8;
	[tilespmem:$0x4580] =	vst v63  }
0x46: {  	s25 =	simm.s32 $0x100  }
0x47: {  	[spmem:s2] =	stream.indirect.scatter.add.f32 [tilespmem:s11], [sflag:$0x1], $0x1, s25, s10, $0xb8;
	[tilespmem:$0x4580] =	vst v63  }
0x48: {  	s26 =	simm.s32 $0x180  }
0x49: {  	[spmem:s2] =	stream.indirect.scatter.add.f32 [tilespmem:s11], [sflag:$0x1], $0x1, s26, s10, $0xb8;
	[tilespmem:$0x4580] =	vst v63  }
0x4a: {  	s28 =	simm.s32 $0x200  }
0x4b: {  	[spmem:s2] =	stream.indirect.scatter.add.f32 [tilespmem:s11], [sflag:$0x1], $0x1, s28, s10, $0xb8;
	[tilespmem:$0x4580] =	vst v63  }
0x4c: {  	s29 =	simm.s32 $0x280  }
0x4d: {  	[spmem:s2] =	stream.indirect.scatter.add.f32 [tilespmem:s11], [sflag:$0x1], $0x1, s29, s10, $0xb8;
	[tilespmem:$0x4580] =	vst v63  }
0x4e: {  	s30 =	simm.s32 $0x300  }
0x4f: {  	[spmem:s2] =	stream.indirect.scatter.add.f32 [tilespmem:s11], [sflag:$0x1], $0x1, s30, s10, $0xb8;
	[tilespmem:$0x4580] =	vst v63  }
0x50: {  	s31 =	simm.s32 $0x380  }
0x51: {  	[spmem:s2] =	stream.indirect.scatter.add.f32 [tilespmem:s11], [sflag:$0x1], $0x1, s31, s10, $0xb8;
	[tilespmem:$0x4580] =	vst v63  }
0x52: {  	_ =	swait.ge [sflag:s12], $0x50  }
0x53: {  	[sflag:s12] =	ssyncset.done $0x0  }
0x54: {  	[sflag:s12] =	ssyncadd.s32 $0xFFFFFFB0  }
0x55: {  	_ =	swait.ge [sflag:s12], $0x50  }
0x56: {  	[sflag:s12] =	ssyncset.done $0x0  }
0x57: {  	[sflag:s12] =	ssyncadd.s32 $0xFFFFFFB0  }
0x58: {  	_ =	swait.ge [sflag:s12], $0x50  }
0x59: {  	[sflag:s12] =	ssyncset.done $0x0  }
0x5a: {  	[sflag:s12] =	ssyncadd.s32 $0xFFFFFFB0  }
0x5b: {  	_ =	swait.ge [sflag:s12], $0x50  }
0x5c: {  	[sflag:s12] =	ssyncset.done $0x0  }
0x5d: {  	[sflag:s12] =	ssyncadd.s32 $0xFFFFFFB0  }
0x5e: {  	_ =	swait.ge [sflag:s12], $0x50  }
0x5f: {  	[sflag:s12] =	ssyncset.done $0x0  }
0x60: {  	[sflag:s12] =	ssyncadd.s32 $0xFFFFFFB0  }
0x61: {  	_ =	swait.ge [sflag:s12], $0x50  }
0x62: {  	[sflag:s12] =	ssyncset.done $0x0  }
0x63: {  	[sflag:s12] =	ssyncadd.s32 $0xFFFFFFB0  }
0x64: {  	_ =	swait.ge [sflag:s12], $0x50  }
0x65: {  	[sflag:s12] =	ssyncset.done $0x0  }
0x66: {  	[sflag:s12] =	ssyncadd.s32 $0xFFFFFFB0  }
0x67: {  	_ =	swait.ge [sflag:s12], $0x50  }
0x68: {  	s18 =	simm.s32 $0x2000;
	s16 =	simm.s32 $0x1000;
	[sflag:s12] =	ssyncset.done $0x0  }
.LBB2_2:
0x69: {  	s19 =	sshra.s32 s16, $0x2  }
0x6a: {  	[sflag:s12] =	ssyncadd.s32 $0xFFFFFFB0;
	s16 =	smov.u32 s18;
	s17 =	sadd.s32 $0x1000, s18  }
0x6b: {  	[spmem:s2] =	stream.indirect.scatter.add.f32 [tilespmem:s11], [sflag:$0x1], $0x1, s19, s10, $0xb8;
	[tilespmem:$0x4580] =	vst v63  }
0x6c: {  	p0 =	sne.s32 s18, $0xF000;
	s18 =	sadd.s32 $0x80, s19  }
0x6d: {  	[spmem:s2] =	stream.indirect.scatter.add.f32 [tilespmem:s11], [sflag:$0x1], $0x1, s18, s10, $0xb8;
	[tilespmem:$0x4580] =	vst v63  }
0x6e: {  	s18 =	sadd.s32 $0x100, s19  }
0x6f: {  	[spmem:s2] =	stream.indirect.scatter.add.f32 [tilespmem:s11], [sflag:$0x1], $0x1, s18, s10, $0xb8;
	[tilespmem:$0x4580] =	vst v63  }
0x70: {  	s18 =	sadd.s32 $0x180, s19  }
0x71: {  	[spmem:s2] =	stream.indirect.scatter.add.f32 [tilespmem:s11], [sflag:$0x1], $0x1, s18, s10, $0xb8;
	[tilespmem:$0x4580] =	vst v63  }
0x72: {  	s18 =	sadd.s32 $0x200, s19  }
0x73: {  	[spmem:s2] =	stream.indirect.scatter.add.f32 [tilespmem:s11], [sflag:$0x1], $0x1, s18, s10, $0xb8;
	[tilespmem:$0x4580] =	vst v63  }
0x74: {  	s18 =	sadd.s32 $0x280, s19  }
0x75: {  	[spmem:s2] =	stream.indirect.scatter.add.f32 [tilespmem:s11], [sflag:$0x1], $0x1, s18, s10, $0xb8;
	[tilespmem:$0x4580] =	vst v63  }
0x76: {  	s18 =	sadd.s32 $0x300, s19  }
0x77: {  	[spmem:s2] =	stream.indirect.scatter.add.f32 [tilespmem:s11], [sflag:$0x1], $0x1, s18, s10, $0xb8;
	[tilespmem:$0x4580] =	vst v63  }
0x78: {  	s18 =	sadd.s32 $0x380, s19  }
0x79: {  	[spmem:s2] =	stream.indirect.scatter.add.f32 [tilespmem:s11], [sflag:$0x1], $0x1, s18, s10, $0xb8;
	[tilespmem:$0x4580] =	vst v63  }
0x7a: {  	_ =	swait.ge [sflag:s12], $0x50  }
0x7b: {  	[sflag:s12] =	ssyncset.done $0x0  }
0x7c: {  	[sflag:s12] =	ssyncadd.s32 $0xFFFFFFB0  }
0x7d: {  	_ =	swait.ge [sflag:s12], $0x50  }
0x7e: {  	[sflag:s12] =	ssyncset.done $0x0  }
0x7f: {  	[sflag:s12] =	ssyncadd.s32 $0xFFFFFFB0  }
0x80: {  	_ =	swait.ge [sflag:s12], $0x50  }
0x81: {  	[sflag:s12] =	ssyncset.done $0x0  }
0x82: {  	[sflag:s12] =	ssyncadd.s32 $0xFFFFFFB0  }
0x83: {  	_ =	swait.ge [sflag:s12], $0x50  }
0x84: {  	[sflag:s12] =	ssyncset.done $0x0  }
0x85: {  	[sflag:s12] =	ssyncadd.s32 $0xFFFFFFB0  }
0x86: {  	_ =	swait.ge [sflag:s12], $0x50  }
0x87: {  	[sflag:s12] =	ssyncset.done $0x0  }
0x88: {  	[sflag:s12] =	ssyncadd.s32 $0xFFFFFFB0  }
0x89: {  	_ =	swait.ge [sflag:s12], $0x50  }
0x8a: {  	[sflag:s12] =	ssyncset.done $0x0  }
0x8b: {  	[sflag:s12] =	ssyncadd.s32 $0xFFFFFFB0  }
.Ltmp0:
0x8c: {  	_ =	swait.ge [sflag:s12], $0x50;
	(pc) =	sbr.rel @p0 .LBB2_2-.Ltmp0, $4  }
0x8d: {  	[sflag:s12] =	ssyncset.done $0x0  }
0x8e: {  	[sflag:s12] =	ssyncadd.s32 $0xFFFFFFB0  }
0x8f: {  	_ =	swait.ge [sflag:s12], $0x50  }
0x90: {  	s18 =	smov.u32 s17;
	[sflag:s12] =	ssyncset.done $0x0  }
0x91: {  	s16 =	sshra.s32 s16, $0x2;
	[sflag:s12] =	ssyncadd.s32 $0xFFFFFFB0  }
0x92: {  	[spmem:s2] =	stream.indirect.scatter.add.f32 [tilespmem:s11], [sflag:$0x1], $0x1, s16, s10, $0xb8;
	[tilespmem:$0x4580] =	vst v63  }
0x93: {  	s17 =	sadd.s32 $0x80, s16  }
0x94: {  	[spmem:s2] =	stream.indirect.scatter.add.f32 [tilespmem:s11], [sflag:$0x1], $0x1, s17, s10, $0xb8;
	[tilespmem:$0x4580] =	vst v63  }
0x95: {  	s26 =	sadd.s32 $0x100, s16  }
0x96: {  	[spmem:s2] =	stream.indirect.scatter.add.f32 [tilespmem:s11], [sflag:$0x1], $0x1, s26, s10, $0xb8;
	[tilespmem:$0x4580] =	vst v63  }
0x97: {  	s28 =	sadd.s32 $0x180, s16  }
0x98: {  	[spmem:s2] =	stream.indirect.scatter.add.f32 [tilespmem:s11], [sflag:$0x1], $0x1, s28, s10, $0xb8;
	[tilespmem:$0x4580] =	vst v63  }
0x99: {  	s29 =	sadd.s32 $0x200, s16  }
0x9a: {  	[spmem:s2] =	stream.indirect.scatter.add.f32 [tilespmem:s11], [sflag:$0x1], $0x1, s29, s10, $0xb8;
	[tilespmem:$0x4580] =	vst v63  }
0x9b: {  	s30 =	sadd.s32 $0x280, s16  }
0x9c: {  	[spmem:s2] =	stream.indirect.scatter.add.f32 [tilespmem:s11], [sflag:$0x1], $0x1, s30, s10, $0xb8;
	[tilespmem:$0x4580] =	vst v63  }
0x9d: {  	s31 =	sadd.s32 $0x300, s16  }
0x9e: {  	[spmem:s2] =	stream.indirect.scatter.add.f32 [tilespmem:s11], [sflag:$0x1], $0x1, s31, s10, $0xb8;
	[tilespmem:$0x4580] =	vst v63  }
0x9f: {  	s16 =	sadd.s32 $0x380, s16  }
0xa0: {  	[spmem:s2] =	stream.indirect.scatter.add.f32 [tilespmem:s11], [sflag:$0x1], $0x1, s16, s10, $0xb8;
	[tilespmem:$0x4580] =	vst v63  }
0xa1: {  	_ =	swait.ge [sflag:s12], $0x50  }
0xa2: {  	[sflag:s12] =	ssyncset.done $0x0  }
0xa3: {  	[sflag:s12] =	ssyncadd.s32 $0xFFFFFFB0  }
0xa4: {  	_ =	swait.ge [sflag:s12], $0x50  }
0xa5: {  	[sflag:s12] =	ssyncset.done $0x0  }
0xa6: {  	[sflag:s12] =	ssyncadd.s32 $0xFFFFFFB0  }
0xa7: {  	_ =	swait.ge [sflag:s12], $0x50  }
0xa8: {  	[sflag:s12] =	ssyncset.done $0x0  }
0xa9: {  	[sflag:s12] =	ssyncadd.s32 $0xFFFFFFB0  }
0xaa: {  	_ =	swait.ge [sflag:s12], $0x50  }
0xab: {  	[sflag:s12] =	ssyncset.done $0x0  }
0xac: {  	[sflag:s12] =	ssyncadd.s32 $0xFFFFFFB0  }
0xad: {  	_ =	swait.ge [sflag:s12], $0x50  }
0xae: {  	[sflag:s12] =	ssyncset.done $0x0  }
0xaf: {  	[sflag:s12] =	ssyncadd.s32 $0xFFFFFFB0  }
0xb0: {  	_ =	swait.ge [sflag:s12], $0x50  }
0xb1: {  	[sflag:s12] =	ssyncset.done $0x0  }
0xb2: {  	[sflag:s12] =	ssyncadd.s32 $0xFFFFFFB0  }
0xb3: {  	_ =	swait.ge [sflag:s12], $0x50  }
0xb4: {  	[sflag:s12] =	ssyncset.done $0x0  }
0xb5: {  	[sflag:s12] =	ssyncadd.s32 $0xFFFFFFB0  }
0xb6: {  	_ =	swait.ge [sflag:s12], $0x50  }
0xb7: {  	s15 =	sadd.s32 $0x1, s15;
	[sflag:s12] =	ssyncset.done $0x0  }
0xb8: {  	p0 =	sne.s32 s15, s7;
	[sflag:s12] =	ssyncadd.s32 $0xFFFFFFB0  }
.Ltmp1:
0xb9: {  	[bflag:$0x0] =	sbarrier.arrive $0xFFFF;
	(pc) =	sbr.rel @p0 .LBB2_1-.Ltmp1, $4  }
0xba: {  	[hbm:s6], [sflag:s13] =	dma.local [spmem:s14], $0x50  }
0xbb: {  	_ =	swait.ge [sflag:s9], $0x50  }
0xbc: {  	[sflag:s9] =	ssyncset.done $0x0  }
0xbd: {  	[sflag:s9] =	ssyncadd.s32 $0xFFFFFFB0  }
0xbe: {  	_ =	sfence.sel $0x180000  }
0xbf: {  	[bflag:$0x0] =	sbarrier.arrive $0xFFFF  }
0xc0: {  	p0 =	sne.s32 s0, $0x0;
	_ =	strace $0x90000047  }
0xc1: {  	s0 =	sadd.s32 @!p0 $0x100000, s1;
	[bflag:$0x2] =	sbarrier.arrive $0xFFFF  }
0xc2: {  	[sflag:s0] =	ssyncadd.tile.s32 @!p0 $0x1;
	_ =	shalt  }
.Lfunc_end2:
_tile_overlayer_lowered:
.L_overlay_start_2:
0xc3: {  	(tag) =	ssettag $0x2  }
0xc4: {  	s0 =	rddreg [dreg:$0x0];
	s2 =	stileid.u32  }
0xc5: {  	s1 =	rddreg [dreg:$0x1];
	p0 =	sne.s32 s2, $0x0  }
0xc6: {  	s3 =	rddreg [dreg:$0x2];
	[bflag:$0x3] =	sbarrier.arrive $0xFFFF;
	s2 =	simm.s32 @!p0 $0x1C02  }
0xc7: {  	[timem:s3], [sflag:s2] =	dma.local @!p0 [hbm:s0], s1  }
0xc8: {  	s0 =	simm.s32 @!p0 $0x2  }
0xc9: {  	_ =	swait.ge @!p0 [sflag:s0], s1  }
0xca: {  	s1 =	ssub.s32 @!p0 $0x0, s1;
	[sflag:s0] =	ssyncset.done @!p0 $0x0  }
0xcb: {  	[sflag:s0] =	ssyncadd.s32 @!p0 s1  }
0xcc: {  	[bflag:$0x3] =	sbarrier.arrive $0xFFFF  }
0xcd: {  	_ =	shalt  }

</sc_bundles>
